<compile_context>
chip_gen: v7x
topology: tpu7x:2x2x1
jax: 0.10.2.dev20260603
libtpu: 0.0.44.dev20260713+nightly
codegen_flags: <defaults>
</compile_context>

<pallas_src>
import functools

import jax
import jax.numpy as jnp
from jax import lax
from jax.experimental import pallas as pl
from jax.experimental.pallas import tpu as pltpu
from jax.experimental.pallas import tpu_sc as plsc

N = 512
D = 256
NW = 32
JW = N // NW
KI = 2
NB = 4
NCH = N // KI
LANES = 16


def _sc_body(x_hbm, pe_hbm, out_hbm, pe_v, bin_, bout, lsem, ssem):
    wid = lax.axis_index("s") * 2 + lax.axis_index("c")
    jb = wid * JW
    def x_slc(c):
        return x_hbm.at[pl.ds(c * KI, KI), pl.ds(jb, JW), :]

    def o_slc(c):
        return out_hbm.at[pl.ds(c * KI, KI), pl.ds(jb, JW), :]

    for b in range(NB):
        pltpu.async_copy(x_slc(b), bin_.at[b], lsem.at[b])

    pltpu.sync_copy(pe_hbm.at[pl.ds(jb, JW), :], pe_v)

    @pl.loop(0, NCH, step=NB)
    def _chunk_loop(c0):
        for b in range(NB):
            c = c0 + b
            pltpu.make_async_copy(x_slc(c), bin_.at[b], lsem.at[b]).wait()

            @pl.when(c >= NB)
            def _drain_out():
                pltpu.make_async_copy(
                    bout.at[b], o_slc(c - NB), ssem.at[b]
                ).wait()

            @plsc.parallel_loop(0, JW, unroll=2)
            def _j_loop(j):
                for dv in range(D // LANES):
                    dslc = pl.ds(dv * LANES, LANES)
                    pe_reg = pe_v[j, dslc]
                    for k in range(KI):
                        bout[b, k, j, dslc] = bin_[b, k, j, dslc] + pe_reg

            pltpu.async_copy(bout.at[b], o_slc(c), ssem.at[b])

            @pl.when(c + NB < NCH)
            def _refill():
                pltpu.async_copy(x_slc(c + NB), bin_.at[b], lsem.at[b])

    for b in range(NB):
        pltpu.make_async_copy(
            bout.at[b], o_slc(NCH - NB + b), ssem.at[b]
        ).wait()


@jax.jit
def kernel(x, pe_weight):
    mesh = plsc.VectorSubcoreMesh(core_axis_name="c", subcore_axis_name="s")
    run = functools.partial(
        pl.kernel,
        mesh=mesh,
        out_type=jax.ShapeDtypeStruct((N, N, D), jnp.float32),
        scratch_types=[
            pltpu.VMEM((JW, D), jnp.float32),
            pltpu.VMEM((NB, KI, JW, D), jnp.float32),
            pltpu.VMEM((NB, KI, JW, D), jnp.float32),
            pltpu.SemaphoreType.DMA((NB,)),
            pltpu.SemaphoreType.DMA((NB,)),
        ],
    )(_sc_body)
    return run(x, pe_weight)

# --- scband reference (transcript-rebuilt; emitter-appended) ---
"""Pipeline reference for scband-learnable-positional-encoding-14628658610915 (READ-ONLY COPY).

The authoritative reference and input builder live on the scoring server;
editing this copy changes nothing except your own understanding.
"""

import jax, jax.numpy as jnp
import numpy as np

D_MODEL = 256
MAX_LEN = 5000
N = 512

def setup_inputs(seed: int = 0) -> dict:
    key = jax.random.key(seed)
    k_x, k_pe = jax.random.split(key)
    x = jax.random.normal(k_x, (N, N, D_MODEL), dtype=jnp.float32)
    # nn.Embedding(max_len, d_model) weight, init uniform(-0.1, 0.1)
    pe_weight = jax.random.uniform(k_pe, (MAX_LEN, D_MODEL), dtype=jnp.float32, minval=-0.1, maxval=0.1)
    return {"x": x, "pe_weight": pe_weight}

def reference(x, pe_weight):
    n = x.shape[0]
    positions = jnp.arange(n)[:, None]                 # [N, 1]
    pos_encoding = jnp.take(pe_weight, positions, axis=0)  # [N, 1, D]
    pos_encoding = jnp.swapaxes(pos_encoding, 0, 1)    # [1, N, D]
    return x + pos_encoding

if __name__ == "__main__":
    import jax
    _d = setup_inputs()
    print(jax.jit(kernel)(*tuple(_d.values())))

</pallas_src>

<mosaic_0001>
#map = affine_map<(d0, d1) -> (0, 0, 0)>
#map1 = affine_map<(d0, d1) -> (0, 0)>
module attributes {stable_mosaic.version = 14 : i64} {
  func.func @_sc_body(%arg0: i32, %arg1: i32, %arg2: memref<512x512x256xf32, #tpu.memory_space<hbm>>, %arg3: memref<5000x256xf32, #tpu.memory_space<hbm>>, %arg4: memref<512x512x256xf32, #tpu.memory_space<hbm>>, %arg5: memref<16x256xf32, #tpu.memory_space<vmem>>, %arg6: memref<4x2x16x256xf32, #tpu.memory_space<vmem>>, %arg7: memref<4x2x16x256xf32, #tpu.memory_space<vmem>>, %arg8: memref<4x!tpu.dma_semaphore, #tpu.memory_space<semaphore_mem>>, %arg9: memref<4x!tpu.dma_semaphore, #tpu.memory_space<semaphore_mem>>) attributes {dimension_semantics = [#tpu.dimension_semantics<core_parallel>, #tpu.dimension_semantics<subcore_parallel>], iteration_bounds = array<i64: 2, 16>, scalar_prefetch = 0 : i64, scratch_operands = 5 : i64, tpu.core_type = #tpu.core_type<sc_vector_subcore>, window_params = [{transform_indices = #map}, {transform_indices = #map1}, {transform_indices = #map}]} {
    %mul3A = arith.constant 2 : i32
    %mul3A_0 = arith.muli %arg1, %mul3A : i32
    %add3A = arith.addi %mul3A_0, %arg0 : i32
    %mul3A_1 = arith.constant 16 : i32
    %mul3A_2 = arith.muli %add3A, %mul3A_1 : i32
    %dma_start3A = arith.constant 0 : i32
    %dma_start3A_3 = arith.constant 0 : i32
    %dma_start3A_4 = arith.constant 0 : i32
    %dma_start3A_5 = arith.constant 0 : i32
    %dma_start3A_6 = arith.constant 0 : i32
    %dma_start3A_7 = tpu.memref_slice %arg6[%dma_start3A, %dma_start3A_4, %dma_start3A_5, %dma_start3A_6] : memref<4x2x16x256xf32, #tpu.memory_space<vmem>> -> memref<1x2x16x256xf32, #tpu.memory_space<vmem>>
    %dma_start3A_8 = tpu.memref_squeeze %dma_start3A_7 : memref<1x2x16x256xf32, #tpu.memory_space<vmem>> -> memref<2x16x256xf32, #tpu.memory_space<vmem>>
    %dma_start3A_9 = arith.constant 0 : i32
    %dma_start3A_10 = arith.constant 0 : i32
    %dma_start3A_11 = tpu.memref_slice %arg2[%dma_start3A_9, %mul3A_2, %dma_start3A_10] : memref<512x512x256xf32, #tpu.memory_space<hbm>> -> memref<2x16x256xf32, #tpu.memory_space<hbm>>
    %dma_start3A_12 = tpu.memref_slice %arg8[%dma_start3A_3] : memref<4x!tpu.dma_semaphore, #tpu.memory_space<semaphore_mem>> -> memref<1x!tpu.dma_semaphore, #tpu.memory_space<semaphore_mem>>
    %dma_start3A_13 = tpu.memref_squeeze %dma_start3A_12 : memref<1x!tpu.dma_semaphore, #tpu.memory_space<semaphore_mem>> -> memref<!tpu.dma_semaphore, #tpu.memory_space<semaphore_mem>>
    %dma_start3A_14 = arith.constant 0 : i32
    %dma_start3A_15 = arith.constant 0 : i32
    %dma_start3A_16 = arith.constant 0 : i32
    %dma_start3A_17 = tpu.memref_slice %arg6[%dma_start3A, %dma_start3A_14, %dma_start3A_15, %dma_start3A_16] : memref<4x2x16x256xf32, #tpu.memory_space<vmem>> -> memref<1x2x16x256xf32, #tpu.memory_space<vmem>>
    %dma_start3A_18 = tpu.memref_squeeze %dma_start3A_17 : memref<1x2x16x256xf32, #tpu.memory_space<vmem>> -> memref<2x16x256xf32, #tpu.memory_space<vmem>>
    %dma_start3A_19 = arith.constant 0 : i32
    %dma_start3A_20 = arith.constant 0 : i32
    %dma_start3A_21 = tpu.memref_slice %arg2[%dma_start3A_19, %mul3A_2, %dma_start3A_20] : memref<512x512x256xf32, #tpu.memory_space<hbm>> -> memref<2x16x256xf32, #tpu.memory_space<hbm>>
    tpu.enqueue_dma source(%dma_start3A_21 : memref<2x16x256xf32, #tpu.memory_space<hbm>>) target(%dma_start3A_18 : memref<2x16x256xf32, #tpu.memory_space<vmem>>) target_semaphore(%dma_start3A_13 : memref<!tpu.dma_semaphore, #tpu.memory_space<semaphore_mem>>)
    %dma_start3A_22 = arith.constant 1 : i32
    %dma_start3A_23 = arith.constant 1 : i32
    %dma_start3A_24 = arith.constant 0 : i32
    %dma_start3A_25 = arith.constant 0 : i32
    %dma_start3A_26 = arith.constant 0 : i32
    %dma_start3A_27 = tpu.memref_slice %arg6[%dma_start3A_22, %dma_start3A_24, %dma_start3A_25, %dma_start3A_26] : memref<4x2x16x256xf32, #tpu.memory_space<vmem>> -> memref<1x2x16x256xf32, #tpu.memory_space<vmem>>
    %dma_start3A_28 = tpu.memref_squeeze %dma_start3A_27 : memref<1x2x16x256xf32, #tpu.memory_space<vmem>> -> memref<2x16x256xf32, #tpu.memory_space<vmem>>
    %dma_start3A_29 = arith.constant 2 : i32
    %dma_start3A_30 = arith.constant 0 : i32
    %dma_start3A_31 = tpu.memref_slice %arg2[%dma_start3A_29, %mul3A_2, %dma_start3A_30] : memref<512x512x256xf32, #tpu.memory_space<hbm>> -> memref<2x16x256xf32, #tpu.memory_space<hbm>>
    %dma_start3A_32 = tpu.memref_slice %arg8[%dma_start3A_23] : memref<4x!tpu.dma_semaphore, #tpu.memory_space<semaphore_mem>> -> memref<1x!tpu.dma_semaphore, #tpu.memory_space<semaphore_mem>>
    %dma_start3A_33 = tpu.memref_squeeze %dma_start3A_32 : memref<1x!tpu.dma_semaphore, #tpu.memory_space<semaphore_mem>> -> memref<!tpu.dma_semaphore, #tpu.memory_space<semaphore_mem>>
    %dma_start3A_34 = arith.constant 0 : i32
    %dma_start3A_35 = arith.constant 0 : i32
    %dma_start3A_36 = arith.constant 0 : i32
    %dma_start3A_37 = tpu.memref_slice %arg6[%dma_start3A_22, %dma_start3A_34, %dma_start3A_35, %dma_start3A_36] : memref<4x2x16x256xf32, #tpu.memory_space<vmem>> -> memref<1x2x16x256xf32, #tpu.memory_space<vmem>>
    %dma_start3A_38 = tpu.memref_squeeze %dma_start3A_37 : memref<1x2x16x256xf32, #tpu.memory_space<vmem>> -> memref<2x16x256xf32, #tpu.memory_space<vmem>>
    %dma_start3A_39 = arith.constant 2 : i32
    %dma_start3A_40 = arith.constant 0 : i32
    %dma_start3A_41 = tpu.memref_slice %arg2[%dma_start3A_39, %mul3A_2, %dma_start3A_40] : memref<512x512x256xf32, #tpu.memory_space<hbm>> -> memref<2x16x256xf32, #tpu.memory_space<hbm>>
    tpu.enqueue_dma source(%dma_start3A_41 : memref<2x16x256xf32, #tpu.memory_space<hbm>>) target(%dma_start3A_38 : memref<2x16x256xf32, #tpu.memory_space<vmem>>) target_semaphore(%dma_start3A_33 : memref<!tpu.dma_semaphore, #tpu.memory_space<semaphore_mem>>)
    %dma_start3A_42 = arith.constant 2 : i32
    %dma_start3A_43 = arith.constant 2 : i32
    %dma_start3A_44 = arith.constant 0 : i32
    %dma_start3A_45 = arith.constant 0 : i32
    %dma_start3A_46 = arith.constant 0 : i32
    %dma_start3A_47 = tpu.memref_slice %arg6[%dma_start3A_42, %dma_start3A_44, %dma_start3A_45, %dma_start3A_46] : memref<4x2x16x256xf32, #tpu.memory_space<vmem>> -> memref<1x2x16x256xf32, #tpu.memory_space<vmem>>
    %dma_start3A_48 = tpu.memref_squeeze %dma_start3A_47 : memref<1x2x16x256xf32, #tpu.memory_space<vmem>> -> memref<2x16x256xf32, #tpu.memory_space<vmem>>
    %dma_start3A_49 = arith.constant 4 : i32
    %dma_start3A_50 = arith.constant 0 : i32
    %dma_start3A_51 = tpu.memref_slice %arg2[%dma_start3A_49, %mul3A_2, %dma_start3A_50] : memref<512x512x256xf32, #tpu.memory_space<hbm>> -> memref<2x16x256xf32, #tpu.memory_space<hbm>>
    %dma_start3A_52 = tpu.memref_slice %arg8[%dma_start3A_43] : memref<4x!tpu.dma_semaphore, #tpu.memory_space<semaphore_mem>> -> memref<1x!tpu.dma_semaphore, #tpu.memory_space<semaphore_mem>>
    %dma_start3A_53 = tpu.memref_squeeze %dma_start3A_52 : memref<1x!tpu.dma_semaphore, #tpu.memory_space<semaphore_mem>> -> memref<!tpu.dma_semaphore, #tpu.memory_space<semaphore_mem>>
    %dma_start3A_54 = arith.constant 0 : i32
    %dma_start3A_55 = arith.constant 0 : i32
    %dma_start3A_56 = arith.constant 0 : i32
    %dma_start3A_57 = tpu.memref_slice %arg6[%dma_start3A_42, %dma_start3A_54, %dma_start3A_55, %dma_start3A_56] : memref<4x2x16x256xf32, #tpu.memory_space<vmem>> -> memref<1x2x16x256xf32, #tpu.memory_space<vmem>>
    %dma_start3A_58 = tpu.memref_squeeze %dma_start3A_57 : memref<1x2x16x256xf32, #tpu.memory_space<vmem>> -> memref<2x16x256xf32, #tpu.memory_space<vmem>>
    %dma_start3A_59 = arith.constant 4 : i32
    %dma_start3A_60 = arith.constant 0 : i32
    %dma_start3A_61 = tpu.memref_slice %arg2[%dma_start3A_59, %mul3A_2, %dma_start3A_60] : memref<512x512x256xf32, #tpu.memory_space<hbm>> -> memref<2x16x256xf32, #tpu.memory_space<hbm>>
    tpu.enqueue_dma source(%dma_start3A_61 : memref<2x16x256xf32, #tpu.memory_space<hbm>>) target(%dma_start3A_58 : memref<2x16x256xf32, #tpu.memory_space<vmem>>) target_semaphore(%dma_start3A_53 : memref<!tpu.dma_semaphore, #tpu.memory_space<semaphore_mem>>)
    %dma_start3A_62 = arith.constant 3 : i32
    %dma_start3A_63 = arith.constant 3 : i32
    %dma_start3A_64 = arith.constant 0 : i32
    %dma_start3A_65 = arith.constant 0 : i32
    %dma_start3A_66 = arith.constant 0 : i32
    %dma_start3A_67 = tpu.memref_slice %arg6[%dma_start3A_62, %dma_start3A_64, %dma_start3A_65, %dma_start3A_66] : memref<4x2x16x256xf32, #tpu.memory_space<vmem>> -> memref<1x2x16x256xf32, #tpu.memory_space<vmem>>
    %dma_start3A_68 = tpu.memref_squeeze %dma_start3A_67 : memref<1x2x16x256xf32, #tpu.memory_space<vmem>> -> memref<2x16x256xf32, #tpu.memory_space<vmem>>
    %dma_start3A_69 = arith.constant 6 : i32
    %dma_start3A_70 = arith.constant 0 : i32
    %dma_start3A_71 = tpu.memref_slice %arg2[%dma_start3A_69, %mul3A_2, %dma_start3A_70] : memref<512x512x256xf32, #tpu.memory_space<hbm>> -> memref<2x16x256xf32, #tpu.memory_space<hbm>>
    %dma_start3A_72 = tpu.memref_slice %arg8[%dma_start3A_63] : memref<4x!tpu.dma_semaphore, #tpu.memory_space<semaphore_mem>> -> memref<1x!tpu.dma_semaphore, #tpu.memory_space<semaphore_mem>>
    %dma_start3A_73 = tpu.memref_squeeze %dma_start3A_72 : memref<1x!tpu.dma_semaphore, #tpu.memory_space<semaphore_mem>> -> memref<!tpu.dma_semaphore, #tpu.memory_space<semaphore_mem>>
    %dma_start3A_74 = arith.constant 0 : i32
    %dma_start3A_75 = arith.constant 0 : i32
    %dma_start3A_76 = arith.constant 0 : i32
    %dma_start3A_77 = tpu.memref_slice %arg6[%dma_start3A_62, %dma_start3A_74, %dma_start3A_75, %dma_start3A_76] : memref<4x2x16x256xf32, #tpu.memory_space<vmem>> -> memref<1x2x16x256xf32, #tpu.memory_space<vmem>>
    %dma_start3A_78 = tpu.memref_squeeze %dma_start3A_77 : memref<1x2x16x256xf32, #tpu.memory_space<vmem>> -> memref<2x16x256xf32, #tpu.memory_space<vmem>>
    %dma_start3A_79 = arith.constant 6 : i32
    %dma_start3A_80 = arith.constant 0 : i32
    %dma_start3A_81 = tpu.memref_slice %arg2[%dma_start3A_79, %mul3A_2, %dma_start3A_80] : memref<512x512x256xf32, #tpu.memory_space<hbm>> -> memref<2x16x256xf32, #tpu.memory_space<hbm>>
    tpu.enqueue_dma source(%dma_start3A_81 : memref<2x16x256xf32, #tpu.memory_space<hbm>>) target(%dma_start3A_78 : memref<2x16x256xf32, #tpu.memory_space<vmem>>) target_semaphore(%dma_start3A_73 : memref<!tpu.dma_semaphore, #tpu.memory_space<semaphore_mem>>)
    "tpu.region"() ({
      %run_scoped3A = tpu.sem_alloc : memref<!tpu.dma_semaphore, #tpu.memory_space<semaphore_mem>>
      %dma_start3A_165 = arith.constant 0 : i32
      %dma_start3A_166 = tpu.memref_slice %arg3[%mul3A_2, %dma_start3A_165] : memref<5000x256xf32, #tpu.memory_space<hbm>> -> memref<16x256xf32, #tpu.memory_space<hbm>>
      %dma_start3A_167 = arith.constant 0 : i32
      %dma_start3A_168 = tpu.memref_slice %arg3[%mul3A_2, %dma_start3A_167] : memref<5000x256xf32, #tpu.memory_space<hbm>> -> memref<16x256xf32, #tpu.memory_space<hbm>>
      tpu.enqueue_dma source(%dma_start3A_168 : memref<16x256xf32, #tpu.memory_space<hbm>>) target(%arg5 : memref<16x256xf32, #tpu.memory_space<vmem>>) target_semaphore(%run_scoped3A : memref<!tpu.dma_semaphore, #tpu.memory_space<semaphore_mem>>)
      %dma_wait3A_169 = arith.constant 0 : i32
      %dma_wait3A_170 = tpu.memref_slice %arg3[%mul3A_2, %dma_wait3A_169] : memref<5000x256xf32, #tpu.memory_space<hbm>> -> memref<16x256xf32, #tpu.memory_space<hbm>>
      %dma_wait3A_171 = arith.constant 0 : i32
      %dma_wait3A_172 = tpu.memref_slice %arg3[%mul3A_2, %dma_wait3A_171] : memref<5000x256xf32, #tpu.memory_space<hbm>> -> memref<16x256xf32, #tpu.memory_space<hbm>>
      tpu.wait_dma2 semaphore(%run_scoped3A : memref<!tpu.dma_semaphore, #tpu.memory_space<semaphore_mem>>) src(%dma_wait3A_172 : memref<16x256xf32, #tpu.memory_space<hbm>>) dst(%arg5 : memref<16x256xf32, #tpu.memory_space<vmem>>)
      tpu.yield
    }) : () -> ()
    %scan3A = arith.constant 0 : i32
    %scan3A_82 = arith.constant 64 : i32
    %scan3A_83 = arith.addi %scan3A, %scan3A_82 : i32
    %scan3A_84 = arith.constant 1 : i32
    scf.for %scan3A_165 = %scan3A to %scan3A_83 step %scan3A_84  : i32 {
      %mul3A_166 = arith.constant 4 : i32
      %mul3A_167 = arith.muli %scan3A_165, %mul3A_166 : i32
      %add3A_168 = arith.constant 0 : i32
      %add3A_169 = arith.addi %add3A_168, %mul3A_167 : i32
      %add3A_170 = arith.constant 0 : i32
      %add3A_171 = arith.addi %add3A_169, %add3A_170 : i32
      %mul3A_172 = arith.constant 2 : i32
      %mul3A_173 = arith.muli %add3A_171, %mul3A_172 : i32
      %dma_wait3A_174 = arith.constant 0 : i32
      %dma_wait3A_175 = arith.constant 0 : i32
      %dma_wait3A_176 = arith.constant 0 : i32
      %dma_wait3A_177 = arith.constant 0 : i32
      %dma_wait3A_178 = arith.constant 0 : i32
      %dma_wait3A_179 = tpu.memref_slice %arg6[%dma_wait3A_174, %dma_wait3A_176, %dma_wait3A_177, %dma_wait3A_178] : memref<4x2x16x256xf32, #tpu.memory_space<vmem>> -> memref<1x2x16x256xf32, #tpu.memory_space<vmem>>
      %dma_wait3A_180 = tpu.memref_squeeze %dma_wait3A_179 : memref<1x2x16x256xf32, #tpu.memory_space<vmem>> -> memref<2x16x256xf32, #tpu.memory_space<vmem>>
      %dma_wait3A_181 = arith.constant 0 : i32
      %dma_wait3A_182 = tpu.memref_slice %arg2[%mul3A_173, %mul3A_2, %dma_wait3A_181] : memref<512x512x256xf32, #tpu.memory_space<hbm>> -> memref<2x16x256xf32, #tpu.memory_space<hbm>>
      %dma_wait3A_183 = tpu.memref_slice %arg8[%dma_wait3A_175] : memref<4x!tpu.dma_semaphore, #tpu.memory_space<semaphore_mem>> -> memref<1x!tpu.dma_semaphore, #tpu.memory_space<semaphore_mem>>
      %dma_wait3A_184 = tpu.memref_squeeze %dma_wait3A_183 : memref<1x!tpu.dma_semaphore, #tpu.memory_space<semaphore_mem>> -> memref<!tpu.dma_semaphore, #tpu.memory_space<semaphore_mem>>
      %dma_wait3A_185 = arith.constant 0 : i32
      %dma_wait3A_186 = arith.constant 0 : i32
      %dma_wait3A_187 = arith.constant 0 : i32
      %dma_wait3A_188 = tpu.memref_slice %arg6[%dma_wait3A_174, %dma_wait3A_185, %dma_wait3A_186, %dma_wait3A_187] : memref<4x2x16x256xf32, #tpu.memory_space<vmem>> -> memref<1x2x16x256xf32, #tpu.memory_space<vmem>>
      %dma_wait3A_189 = tpu.memref_squeeze %dma_wait3A_188 : memref<1x2x16x256xf32, #tpu.memory_space<vmem>> -> memref<2x16x256xf32, #tpu.memory_space<vmem>>
      %dma_wait3A_190 = arith.constant 0 : i32
      %dma_wait3A_191 = tpu.memref_slice %arg2[%mul3A_173, %mul3A_2, %dma_wait3A_190] : memref<512x512x256xf32, #tpu.memory_space<hbm>> -> memref<2x16x256xf32, #tpu.memory_space<hbm>>
      tpu.wait_dma2 semaphore(%dma_wait3A_184 : memref<!tpu.dma_semaphore, #tpu.memory_space<semaphore_mem>>) src(%dma_wait3A_191 : memref<2x16x256xf32, #tpu.memory_space<hbm>>) dst(%dma_wait3A_189 : memref<2x16x256xf32, #tpu.memory_space<vmem>>)
      %ge3A = arith.constant 4 : i32
      %ge3A_192 = arith.cmpi sge, %add3A_171, %ge3A : i32
      %convert_element_type3A = arith.extui %ge3A_192 : i1 to i32
      %cond3A = arith.constant 0 : i32
      %cond3A_193 = arith.cmpi ne, %convert_element_type3A, %cond3A : i32
      scf.if %cond3A_193 {
        %sub3A = arith.constant 4 : i32
        %sub3A_393 = arith.subi %add3A_171, %sub3A : i32
        %mul3A_394 = arith.constant 2 : i32
        %mul3A_395 = arith.muli %sub3A_393, %mul3A_394 : i32
        %dma_wait3A_396 = arith.constant 0 : i32
        %dma_wait3A_397 = arith.constant 0 : i32
        %dma_wait3A_398 = arith.constant 0 : i32
        %dma_wait3A_399 = arith.constant 0 : i32
        %dma_wait3A_400 = arith.constant 0 : i32
        %dma_wait3A_401 = tpu.memref_slice %arg7[%dma_wait3A_396, %dma_wait3A_398, %dma_wait3A_399, %dma_wait3A_400] : memref<4x2x16x256xf32, #tpu.memory_space<vmem>> -> memref<1x2x16x256xf32, #tpu.memory_space<vmem>>
        %dma_wait3A_402 = tpu.memref_squeeze %dma_wait3A_401 : memref<1x2x16x256xf32, #tpu.memory_space<vmem>> -> memref<2x16x256xf32, #tpu.memory_space<vmem>>
        %dma_wait3A_403 = arith.constant 0 : i32
        %dma_wait3A_404 = tpu.memref_slice %arg4[%mul3A_395, %mul3A_2, %dma_wait3A_403] : memref<512x512x256xf32, #tpu.memory_space<hbm>> -> memref<2x16x256xf32, #tpu.memory_space<hbm>>
        %dma_wait3A_405 = tpu.memref_slice %arg9[%dma_wait3A_397] : memref<4x!tpu.dma_semaphore, #tpu.memory_space<semaphore_mem>> -> memref<1x!tpu.dma_semaphore, #tpu.memory_space<semaphore_mem>>
        %dma_wait3A_406 = tpu.memref_squeeze %dma_wait3A_405 : memref<1x!tpu.dma_semaphore, #tpu.memory_space<semaphore_mem>> -> memref<!tpu.dma_semaphore, #tpu.memory_space<semaphore_mem>>
        %dma_wait3A_407 = arith.constant 0 : i32
        %dma_wait3A_408 = tpu.memref_slice %arg4[%mul3A_395, %mul3A_2, %dma_wait3A_407] : memref<512x512x256xf32, #tpu.memory_space<hbm>> -> memref<2x16x256xf32, #tpu.memory_space<hbm>>
        %dma_wait3A_409 = arith.constant 0 : i32
        %dma_wait3A_410 = arith.constant 0 : i32
        %dma_wait3A_411 = arith.constant 0 : i32
        %dma_wait3A_412 = tpu.memref_slice %arg7[%dma_wait3A_396, %dma_wait3A_409, %dma_wait3A_410, %dma_wait3A_411] : memref<4x2x16x256xf32, #tpu.memory_space<vmem>> -> memref<1x2x16x256xf32, #tpu.memory_space<vmem>>
        %dma_wait3A_413 = tpu.memref_squeeze %dma_wait3A_412 : memref<1x2x16x256xf32, #tpu.memory_space<vmem>> -> memref<2x16x256xf32, #tpu.memory_space<vmem>>
        tpu.wait_dma2 semaphore(%dma_wait3A_406 : memref<!tpu.dma_semaphore, #tpu.memory_space<semaphore_mem>>) src(%dma_wait3A_413 : memref<2x16x256xf32, #tpu.memory_space<vmem>>) dst(%dma_wait3A_408 : memref<2x16x256xf32, #tpu.memory_space<hbm>>)
      } else {
      }
      %parallel_loop3A = arith.constant 0 : i32
      %parallel_loop3A_194 = arith.constant 16 : i32
      %parallel_loop3A_195 = arith.constant 1 : i32
      scf.for %parallel_loop3A_393 = %parallel_loop3A to %parallel_loop3A_194 step %parallel_loop3A_195  : i32 {
        %parallel_loop3A_394 = arith.index_cast %parallel_loop3A_393 : i32 to index
        %parallel_loop3A_395 = arith.constant 0 : index
        %parallel_loop3A_396 = tpu.vector_load %arg5[%parallel_loop3A_394, %parallel_loop3A_395] {strides = array<i32>} : memref<16x256xf32, #tpu.memory_space<vmem>>, vector<1x16xf32>,
        %parallel_loop3A_397 = vector.shape_cast %parallel_loop3A_396 : vector<1x16xf32> to vector<16xf32>
        %parallel_loop3A_398 = arith.constant 0 : i32
        %parallel_loop3A_399 = arith.constant 0 : i32
        %parallel_loop3A_400 = arith.index_cast %parallel_loop3A_398 : i32 to index
        %parallel_loop3A_401 = arith.index_cast %parallel_loop3A_399 : i32 to index
        %parallel_loop3A_402 = arith.index_cast %parallel_loop3A_393 : i32 to index
        %parallel_loop3A_403 = arith.constant 0 : index
        %parallel_loop3A_404 = tpu.vector_load %arg6[%parallel_loop3A_400, %parallel_loop3A_401, %parallel_loop3A_402, %parallel_loop3A_403] {strides = array<i32>} : memref<4x2x16x256xf32, #tpu.memory_space<vmem>>, vector<1x1x1x16xf32>,
        %parallel_loop3A_405 = vector.shape_cast %parallel_loop3A_404 : vector<1x1x1x16xf32> to vector<16xf32>
        %parallel_loop3A_406 = arith.addf %parallel_loop3A_405, %parallel_loop3A_397 : vector<16xf32>
        %parallel_loop3A_407 = arith.constant 0 : i32
        %parallel_loop3A_408 = arith.constant 0 : i32
        %parallel_loop3A_409 = arith.index_cast %parallel_loop3A_407 : i32 to index
        %parallel_loop3A_410 = arith.index_cast %parallel_loop3A_408 : i32 to index
        %parallel_loop3A_411 = arith.index_cast %parallel_loop3A_393 : i32 to index
        %parallel_loop3A_412 = arith.constant 0 : index
        %parallel_loop3A_413 = tpu.vector_load %arg7[%parallel_loop3A_409, %parallel_loop3A_410, %parallel_loop3A_411, %parallel_loop3A_412] {strides = array<i32>} : memref<4x2x16x256xf32, #tpu.memory_space<vmem>>, vector<1x1x1x16xf32>,
        %parallel_loop3A_414 = vector.shape_cast %parallel_loop3A_413 : vector<1x1x1x16xf32> to vector<16xf32>
        %parallel_loop3A_415 = vector.shape_cast %parallel_loop3A_406 : vector<16xf32> to vector<1x1x1x16xf32>
        tpu.vector_store %arg7[%parallel_loop3A_409, %parallel_loop3A_410, %parallel_loop3A_411, %parallel_loop3A_412], %parallel_loop3A_415 {strides = array<i32>} : memref<4x2x16x256xf32, #tpu.memory_space<vmem>>, vector<1x1x1x16xf32>,
        %parallel_loop3A_416 = arith.constant 0 : i32
        %parallel_loop3A_417 = arith.constant 1 : i32
        %parallel_loop3A_418 = arith.index_cast %parallel_loop3A_416 : i32 to index
        %parallel_loop3A_419 = arith.index_cast %parallel_loop3A_417 : i32 to index
        %parallel_loop3A_420 = arith.index_cast %parallel_loop3A_393 : i32 to index
        %parallel_loop3A_421 = arith.constant 0 : index
        %parallel_loop3A_422 = tpu.vector_load %arg6[%parallel_loop3A_418, %parallel_loop3A_419, %parallel_loop3A_420, %parallel_loop3A_421] {strides = array<i32>} : memref<4x2x16x256xf32, #tpu.memory_space<vmem>>, vector<1x1x1x16xf32>,
        %parallel_loop3A_423 = vector.shape_cast %parallel_loop3A_422 : vector<1x1x1x16xf32> to vector<16xf32>
        %parallel_loop3A_424 = arith.addf %parallel_loop3A_423, %parallel_loop3A_397 : vector<16xf32>
        %parallel_loop3A_425 = arith.constant 0 : i32
        %parallel_loop3A_426 = arith.constant 1 : i32
        %parallel_loop3A_427 = arith.index_cast %parallel_loop3A_425 : i32 to index
        %parallel_loop3A_428 = arith.index_cast %parallel_loop3A_426 : i32 to index
        %parallel_loop3A_429 = arith.index_cast %parallel_loop3A_393 : i32 to index
        %parallel_loop3A_430 = arith.constant 0 : index
        %parallel_loop3A_431 = tpu.vector_load %arg7[%parallel_loop3A_427, %parallel_loop3A_428, %parallel_loop3A_429, %parallel_loop3A_430] {strides = array<i32>} : memref<4x2x16x256xf32, #tpu.memory_space<vmem>>, vector<1x1x1x16xf32>,
        %parallel_loop3A_432 = vector.shape_cast %parallel_loop3A_431 : vector<1x1x1x16xf32> to vector<16xf32>
        %parallel_loop3A_433 = vector.shape_cast %parallel_loop3A_424 : vector<16xf32> to vector<1x1x1x16xf32>
        tpu.vector_store %arg7[%parallel_loop3A_427, %parallel_loop3A_428, %parallel_loop3A_429, %parallel_loop3A_430], %parallel_loop3A_433 {strides = array<i32>} : memref<4x2x16x256xf32, #tpu.memory_space<vmem>>, vector<1x1x1x16xf32>,
        %parallel_loop3A_434 = arith.index_cast %parallel_loop3A_393 : i32 to index
        %parallel_loop3A_435 = arith.constant 16 : index
        %parallel_loop3A_436 = tpu.vector_load %arg5[%parallel_loop3A_434, %parallel_loop3A_435] {strides = array<i32>} : memref<16x256xf32, #tpu.memory_space<vmem>>, vector<1x16xf32>,
        %parallel_loop3A_437 = vector.shape_cast %parallel_loop3A_436 : vector<1x16xf32> to vector<16xf32>
        %parallel_loop3A_438 = arith.constant 0 : i32
        %parallel_loop3A_439 = arith.constant 0 : i32
        %parallel_loop3A_440 = arith.index_cast %parallel_loop3A_438 : i32 to index
        %parallel_loop3A_441 = arith.index_cast %parallel_loop3A_439 : i32 to index
        %parallel_loop3A_442 = arith.index_cast %parallel_loop3A_393 : i32 to index
        %parallel_loop3A_443 = arith.constant 16 : index
        %parallel_loop3A_444 = tpu.vector_load %arg6[%parallel_loop3A_440, %parallel_loop3A_441, %parallel_loop3A_442, %parallel_loop3A_443] {strides = array<i32>} : memref<4x2x16x256xf32, #tpu.memory_space<vmem>>, vector<1x1x1x16xf32>,
        %parallel_loop3A_445 = vector.shape_cast %parallel_loop3A_444 : vector<1x1x1x16xf32> to vector<16xf32>
        %parallel_loop3A_446 = arith.addf %parallel_loop3A_445, %parallel_loop3A_437 : vector<16xf32>
        %parallel_loop3A_447 = arith.constant 0 : i32
        %parallel_loop3A_448 = arith.constant 0 : i32
        %parallel_loop3A_449 = arith.index_cast %parallel_loop3A_447 : i32 to index
        %parallel_loop3A_450 = arith.index_cast %parallel_loop3A_448 : i32 to index
        %parallel_loop3A_451 = arith.index_cast %parallel_loop3A_393 : i32 to index
        %parallel_loop3A_452 = arith.constant 16 : index
        %parallel_loop3A_453 = tpu.vector_load %arg7[%parallel_loop3A_449, %parallel_loop3A_450, %parallel_loop3A_451, %parallel_loop3A_452] {strides = array<i32>} : memref<4x2x16x256xf32, #tpu.memory_space<vmem>>, vector<1x1x1x16xf32>,
        %parallel_loop3A_454 = vector.shape_cast %parallel_loop3A_453 : vector<1x1x1x16xf32> to vector<16xf32>
        %parallel_loop3A_455 = vector.shape_cast %parallel_loop3A_446 : vector<16xf32> to vector<1x1x1x16xf32>
        tpu.vector_store %arg7[%parallel_loop3A_449, %parallel_loop3A_450, %parallel_loop3A_451, %parallel_loop3A_452], %parallel_loop3A_455 {strides = array<i32>} : memref<4x2x16x256xf32, #tpu.memory_space<vmem>>, vector<1x1x1x16xf32>,
        %parallel_loop3A_456 = arith.constant 0 : i32
        %parallel_loop3A_457 = arith.constant 1 : i32
        %parallel_loop3A_458 = arith.index_cast %parallel_loop3A_456 : i32 to index
        %parallel_loop3A_459 = arith.index_cast %parallel_loop3A_457 : i32 to index
        %parallel_loop3A_460 = arith.index_cast %parallel_loop3A_393 : i32 to index
        %parallel_loop3A_461 = arith.constant 16 : index
        %parallel_loop3A_462 = tpu.vector_load %arg6[%parallel_loop3A_458, %parallel_loop3A_459, %parallel_loop3A_460, %parallel_loop3A_461] {strides = array<i32>} : memref<4x2x16x256xf32, #tpu.memory_space<vmem>>, vector<1x1x1x16xf32>,
        %parallel_loop3A_463 = vector.shape_cast %parallel_loop3A_462 : vector<1x1x1x16xf32> to vector<16xf32>
        %parallel_loop3A_464 = arith.addf %parallel_loop3A_463, %parallel_loop3A_437 : vector<16xf32>
        %parallel_loop3A_465 = arith.constant 0 : i32
        %parallel_loop3A_466 = arith.constant 1 : i32
        %parallel_loop3A_467 = arith.index_cast %parallel_loop3A_465 : i32 to index
        %parallel_loop3A_468 = arith.index_cast %parallel_loop3A_466 : i32 to index
        %parallel_loop3A_469 = arith.index_cast %parallel_loop3A_393 : i32 to index
        %parallel_loop3A_470 = arith.constant 16 : index
        %parallel_loop3A_471 = tpu.vector_load %arg7[%parallel_loop3A_467, %parallel_loop3A_468, %parallel_loop3A_469, %parallel_loop3A_470] {strides = array<i32>} : memref<4x2x16x256xf32, #tpu.memory_space<vmem>>, vector<1x1x1x16xf32>,
        %parallel_loop3A_472 = vector.shape_cast %parallel_loop3A_471 : vector<1x1x1x16xf32> to vector<16xf32>
        %parallel_loop3A_473 = vector.shape_cast %parallel_loop3A_464 : vector<16xf32> to vector<1x1x1x16xf32>
        tpu.vector_store %arg7[%parallel_loop3A_467, %parallel_loop3A_468, %parallel_loop3A_469, %parallel_loop3A_470], %parallel_loop3A_473 {strides = array<i32>} : memref<4x2x16x256xf32, #tpu.memory_space<vmem>>, vector<1x1x1x16xf32>,
        %parallel_loop3A_474 = arith.index_cast %parallel_loop3A_393 : i32 to index
        %parallel_loop3A_475 = arith.constant 32 : index
        %parallel_loop3A_476 = tpu.vector_load %arg5[%parallel_loop3A_474, %parallel_loop3A_475] {strides = array<i32>} : memref<16x256xf32, #tpu.memory_space<vmem>>, vector<1x16xf32>,
        %parallel_loop3A_477 = vector.shape_cast %parallel_loop3A_476 : vector<1x16xf32> to vector<16xf32>
        %parallel_loop3A_478 = arith.constant 0 : i32
        %parallel_loop3A_479 = arith.constant 0 : i32
        %parallel_loop3A_480 = arith.index_cast %parallel_loop3A_478 : i32 to index
        %parallel_loop3A_481 = arith.index_cast %parallel_loop3A_479 : i32 to index
        %parallel_loop3A_482 = arith.index_cast %parallel_loop3A_393 : i32 to index
        %parallel_loop3A_483 = arith.constant 32 : index
        %parallel_loop3A_484 = tpu.vector_load %arg6[%parallel_loop3A_480, %parallel_loop3A_481, %parallel_loop3A_482, %parallel_loop3A_483] {strides = array<i32>} : memref<4x2x16x256xf32, #tpu.memory_space<vmem>>, vector<1x1x1x16xf32>,
        %parallel_loop3A_485 = vector.shape_cast %parallel_loop3A_484 : vector<1x1x1x16xf32> to vector<16xf32>
        %parallel_loop3A_486 = arith.addf %parallel_loop3A_485, %parallel_loop3A_477 : vector<16xf32>
        %parallel_loop3A_487 = arith.constant 0 : i32
        %parallel_loop3A_488 = arith.constant 0 : i32
        %parallel_loop3A_489 = arith.index_cast %parallel_loop3A_487 : i32 to index
        %parallel_loop3A_490 = arith.index_cast %parallel_loop3A_488 : i32 to index
        %parallel_loop3A_491 = arith.index_cast %parallel_loop3A_393 : i32 to index
        %parallel_loop3A_492 = arith.constant 32 : index
        %parallel_loop3A_493 = tpu.vector_load %arg7[%parallel_loop3A_489, %parallel_loop3A_490, %parallel_loop3A_491, %parallel_loop3A_492] {strides = array<i32>} : memref<4x2x16x256xf32, #tpu.memory_space<vmem>>, vector<1x1x1x16xf32>,
        %parallel_loop3A_494 = vector.shape_cast %parallel_loop3A_493 : vector<1x1x1x16xf32> to vector<16xf32>
        %parallel_loop3A_495 = vector.shape_cast %parallel_loop3A_486 : vector<16xf32> to vector<1x1x1x16xf32>
        tpu.vector_store %arg7[%parallel_loop3A_489, %parallel_loop3A_490, %parallel_loop3A_491, %parallel_loop3A_492], %parallel_loop3A_495 {strides = array<i32>} : memref<4x2x16x256xf32, #tpu.memory_space<vmem>>, vector<1x1x1x16xf32>,
        %parallel_loop3A_496 = arith.constant 0 : i32
        %parallel_loop3A_497 = arith.constant 1 : i32
        %parallel_loop3A_498 = arith.index_cast %parallel_loop3A_496 : i32 to index
        %parallel_loop3A_499 = arith.index_cast %parallel_loop3A_497 : i32 to index
        %parallel_loop3A_500 = arith.index_cast %parallel_loop3A_393 : i32 to index
        %parallel_loop3A_501 = arith.constant 32 : index
        %parallel_loop3A_502 = tpu.vector_load %arg6[%parallel_loop3A_498, %parallel_loop3A_499, %parallel_loop3A_500, %parallel_loop3A_501] {strides = array<i32>} : memref<4x2x16x256xf32, #tpu.memory_space<vmem>>, vector<1x1x1x16xf32>,
        %parallel_loop3A_503 = vector.shape_cast %parallel_loop3A_502 : vector<1x1x1x16xf32> to vector<16xf32>
        %parallel_loop3A_504 = arith.addf %parallel_loop3A_503, %parallel_loop3A_477 : vector<16xf32>
        %parallel_loop3A_505 = arith.constant 0 : i32
        %parallel_loop3A_506 = arith.constant 1 : i32
        %parallel_loop3A_507 = arith.index_cast %parallel_loop3A_505 : i32 to index
        %parallel_loop3A_508 = arith.index_cast %parallel_loop3A_506 : i32 to index
        %parallel_loop3A_509 = arith.index_cast %parallel_loop3A_393 : i32 to index
        %parallel_loop3A_510 = arith.constant 32 : index
        %parallel_loop3A_511 = tpu.vector_load %arg7[%parallel_loop3A_507, %parallel_loop3A_508, %parallel_loop3A_509, %parallel_loop3A_510] {strides = array<i32>} : memref<4x2x16x256xf32, #tpu.memory_space<vmem>>, vector<1x1x1x16xf32>,
        %parallel_loop3A_512 = vector.shape_cast %parallel_loop3A_511 : vector<1x1x1x16xf32> to vector<16xf32>
        %parallel_loop3A_513 = vector.shape_cast %parallel_loop3A_504 : vector<16xf32> to vector<1x1x1x16xf32>
        tpu.vector_store %arg7[%parallel_loop3A_507, %parallel_loop3A_508, %parallel_loop3A_509, %parallel_loop3A_510], %parallel_loop3A_513 {strides = array<i32>} : memref<4x2x16x256xf32, #tpu.memory_space<vmem>>, vector<1x1x1x16xf32>,
        %parallel_loop3A_514 = arith.index_cast %parallel_loop3A_393 : i32 to index
        %parallel_loop3A_515 = arith.constant 48 : index
        %parallel_loop3A_516 = tpu.vector_load %arg5[%parallel_loop3A_514, %parallel_loop3A_515] {strides = array<i32>} : memref<16x256xf32, #tpu.memory_space<vmem>>, vector<1x16xf32>,
        %parallel_loop3A_517 = vector.shape_cast %parallel_loop3A_516 : vector<1x16xf32> to vector<16xf32>
        %parallel_loop3A_518 = arith.constant 0 : i32
        %parallel_loop3A_519 = arith.constant 0 : i32
        %parallel_loop3A_520 = arith.index_cast %parallel_loop3A_518 : i32 to index
        %parallel_loop3A_521 = arith.index_cast %parallel_loop3A_519 : i32 to index
        %parallel_loop3A_522 = arith.index_cast %parallel_loop3A_393 : i32 to index
        %parallel_loop3A_523 = arith.constant 48 : index
        %parallel_loop3A_524 = tpu.vector_load %arg6[%parallel_loop3A_520, %parallel_loop3A_521, %parallel_loop3A_522, %parallel_loop3A_523] {strides = array<i32>} : memref<4x2x16x256xf32, #tpu.memory_space<vmem>>, vector<1x1x1x16xf32>,
        %parallel_loop3A_525 = vector.shape_cast %parallel_loop3A_524 : vector<1x1x1x16xf32> to vector<16xf32>
        %parallel_loop3A_526 = arith.addf %parallel_loop3A_525, %parallel_loop3A_517 : vector<16xf32>
        %parallel_loop3A_527 = arith.constant 0 : i32
        %parallel_loop3A_528 = arith.constant 0 : i32
        %parallel_loop3A_529 = arith.index_cast %parallel_loop3A_527 : i32 to index
        %parallel_loop3A_530 = arith.index_cast %parallel_loop3A_528 : i32 to index
        %parallel_loop3A_531 = arith.index_cast %parallel_loop3A_393 : i32 to index
        %parallel_loop3A_532 = arith.constant 48 : index
        %parallel_loop3A_533 = tpu.vector_load %arg7[%parallel_loop3A_529, %parallel_loop3A_530, %parallel_loop3A_531, %parallel_loop3A_532] {strides = array<i32>} : memref<4x2x16x256xf32, #tpu.memory_space<vmem>>, vector<1x1x1x16xf32>,
        %parallel_loop3A_534 = vector.shape_cast %parallel_loop3A_533 : vector<1x1x1x16xf32> to vector<16xf32>
        %parallel_loop3A_535 = vector.shape_cast %parallel_loop3A_526 : vector<16xf32> to vector<1x1x1x16xf32>
        tpu.vector_store %arg7[%parallel_loop3A_529, %parallel_loop3A_530, %parallel_loop3A_531, %parallel_loop3A_532], %parallel_loop3A_535 {strides = array<i32>} : memref<4x2x16x256xf32, #tpu.memory_space<vmem>>, vector<1x1x1x16xf32>,
        %parallel_loop3A_536 = arith.constant 0 : i32
        %parallel_loop3A_537 = arith.constant 1 : i32
        %parallel_loop3A_538 = arith.index_cast %parallel_loop3A_536 : i32 to index
        %parallel_loop3A_539 = arith.index_cast %parallel_loop3A_537 : i32 to index
        %parallel_loop3A_540 = arith.index_cast %parallel_loop3A_393 : i32 to index
        %parallel_loop3A_541 = arith.constant 48 : index
        %parallel_loop3A_542 = tpu.vector_load %arg6[%parallel_loop3A_538, %parallel_loop3A_539, %parallel_loop3A_540, %parallel_loop3A_541] {strides = array<i32>} : memref<4x2x16x256xf32, #tpu.memory_space<vmem>>, vector<1x1x1x16xf32>,
        %parallel_loop3A_543 = vector.shape_cast %parallel_loop3A_542 : vector<1x1x1x16xf32> to vector<16xf32>
        %parallel_loop3A_544 = arith.addf %parallel_loop3A_543, %parallel_loop3A_517 : vector<16xf32>
        %parallel_loop3A_545 = arith.constant 0 : i32
        %parallel_loop3A_546 = arith.constant 1 : i32
        %parallel_loop3A_547 = arith.index_cast %parallel_loop3A_545 : i32 to index
        %parallel_loop3A_548 = arith.index_cast %parallel_loop3A_546 : i32 to index
        %parallel_loop3A_549 = arith.index_cast %parallel_loop3A_393 : i32 to index
        %parallel_loop3A_550 = arith.constant 48 : index
        %parallel_loop3A_551 = tpu.vector_load %arg7[%parallel_loop3A_547, %parallel_loop3A_548, %parallel_loop3A_549, %parallel_loop3A_550] {strides = array<i32>} : memref<4x2x16x256xf32, #tpu.memory_space<vmem>>, vector<1x1x1x16xf32>,
        %parallel_loop3A_552 = vector.shape_cast %parallel_loop3A_551 : vector<1x1x1x16xf32> to vector<16xf32>
        %parallel_loop3A_553 = vector.shape_cast %parallel_loop3A_544 : vector<16xf32> to vector<1x1x1x16xf32>
        tpu.vector_store %arg7[%parallel_loop3A_547, %parallel_loop3A_548, %parallel_loop3A_549, %parallel_loop3A_550], %parallel_loop3A_553 {strides = array<i32>} : memref<4x2x16x256xf32, #tpu.memory_space<vmem>>, vector<1x1x1x16xf32>,
        %parallel_loop3A_554 = arith.index_cast %parallel_loop3A_393 : i32 to index
        %parallel_loop3A_555 = arith.constant 64 : index
        %parallel_loop3A_556 = tpu.vector_load %arg5[%parallel_loop3A_554, %parallel_loop3A_555] {strides = array<i32>} : memref<16x256xf32, #tpu.memory_space<vmem>>, vector<1x16xf32>,
        %parallel_loop3A_557 = vector.shape_cast %parallel_loop3A_556 : vector<1x16xf32> to vector<16xf32>
        %parallel_loop3A_558 = arith.constant 0 : i32
        %parallel_loop3A_559 = arith.constant 0 : i32
        %parallel_loop3A_560 = arith.index_cast %parallel_loop3A_558 : i32 to index
        %parallel_loop3A_561 = arith.index_cast %parallel_loop3A_559 : i32 to index
        %parallel_loop3A_562 = arith.index_cast %parallel_loop3A_393 : i32 to index
        %parallel_loop3A_563 = arith.constant 64 : index
        %parallel_loop3A_564 = tpu.vector_load %arg6[%parallel_loop3A_560, %parallel_loop3A_561, %parallel_loop3A_562, %parallel_loop3A_563] {strides = array<i32>} : memref<4x2x16x256xf32, #tpu.memory_space<vmem>>, vector<1x1x1x16xf32>,
        %parallel_loop3A_565 = vector.shape_cast %parallel_loop3A_564 : vector<1x1x1x16xf32> to vector<16xf32>
        %parallel_loop3A_566 = arith.addf %parallel_loop3A_565, %parallel_loop3A_557 : vector<16xf32>
        %parallel_loop3A_567 = arith.constant 0 : i32
        %parallel_loop3A_568 = arith.constant 0 : i32
        %parallel_loop3A_569 = arith.index_cast %parallel_loop3A_567 : i32 to index
        %parallel_loop3A_570 = arith.index_cast %parallel_loop3A_568 : i32 to index
        %parallel_loop3A_571 = arith.index_cast %parallel_loop3A_393 : i32 to index
        %parallel_loop3A_572 = arith.constant 64 : index
        %parallel_loop3A_573 = tpu.vector_load %arg7[%parallel_loop3A_569, %parallel_loop3A_570, %parallel_loop3A_571, %parallel_loop3A_572] {strides = array<i32>} : memref<4x2x16x256xf32, #tpu.memory_space<vmem>>, vector<1x1x1x16xf32>,
        %parallel_loop3A_574 = vector.shape_cast %parallel_loop3A_573 : vector<1x1x1x16xf32> to vector<16xf32>
        %parallel_loop3A_575 = vector.shape_cast %parallel_loop3A_566 : vector<16xf32> to vector<1x1x1x16xf32>
        tpu.vector_store %arg7[%parallel_loop3A_569, %parallel_loop3A_570, %parallel_loop3A_571, %parallel_loop3A_572], %parallel_loop3A_575 {strides = array<i32>} : memref<4x2x16x256xf32, #tpu.memory_space<vmem>>, vector<1x1x1x16xf32>,
        %parallel_loop3A_576 = arith.constant 0 : i32
        %parallel_loop3A_577 = arith.constant 1 : i32
        %parallel_loop3A_578 = arith.index_cast %parallel_loop3A_576 : i32 to index
        %parallel_loop3A_579 = arith.index_cast %parallel_loop3A_577 : i32 to index
        %parallel_loop3A_580 = arith.index_cast %parallel_loop3A_393 : i32 to index
        %parallel_loop3A_581 = arith.constant 64 : index
        %parallel_loop3A_582 = tpu.vector_load %arg6[%parallel_loop3A_578, %parallel_loop3A_579, %parallel_loop3A_580, %parallel_loop3A_581] {strides = array<i32>} : memref<4x2x16x256xf32, #tpu.memory_space<vmem>>, vector<1x1x1x16xf32>,
        %parallel_loop3A_583 = vector.shape_cast %parallel_loop3A_582 : vector<1x1x1x16xf32> to vector<16xf32>
        %parallel_loop3A_584 = arith.addf %parallel_loop3A_583, %parallel_loop3A_557 : vector<16xf32>
        %parallel_loop3A_585 = arith.constant 0 : i32
        %parallel_loop3A_586 = arith.constant 1 : i32
        %parallel_loop3A_587 = arith.index_cast %parallel_loop3A_585 : i32 to index
        %parallel_loop3A_588 = arith.index_cast %parallel_loop3A_586 : i32 to index
        %parallel_loop3A_589 = arith.index_cast %parallel_loop3A_393 : i32 to index
        %parallel_loop3A_590 = arith.constant 64 : index
        %parallel_loop3A_591 = tpu.vector_load %arg7[%parallel_loop3A_587, %parallel_loop3A_588, %parallel_loop3A_589, %parallel_loop3A_590] {strides = array<i32>} : memref<4x2x16x256xf32, #tpu.memory_space<vmem>>, vector<1x1x1x16xf32>,
        %parallel_loop3A_592 = vector.shape_cast %parallel_loop3A_591 : vector<1x1x1x16xf32> to vector<16xf32>
        %parallel_loop3A_593 = vector.shape_cast %parallel_loop3A_584 : vector<16xf32> to vector<1x1x1x16xf32>
        tpu.vector_store %arg7[%parallel_loop3A_587, %parallel_loop3A_588, %parallel_loop3A_589, %parallel_loop3A_590], %parallel_loop3A_593 {strides = array<i32>} : memref<4x2x16x256xf32, #tpu.memory_space<vmem>>, vector<1x1x1x16xf32>,
        %parallel_loop3A_594 = arith.index_cast %parallel_loop3A_393 : i32 to index
        %parallel_loop3A_595 = arith.constant 80 : index
        %parallel_loop3A_596 = tpu.vector_load %arg5[%parallel_loop3A_594, %parallel_loop3A_595] {strides = array<i32>} : memref<16x256xf32, #tpu.memory_space<vmem>>, vector<1x16xf32>,
        %parallel_loop3A_597 = vector.shape_cast %parallel_loop3A_596 : vector<1x16xf32> to vector<16xf32>
        %parallel_loop3A_598 = arith.constant 0 : i32
        %parallel_loop3A_599 = arith.constant 0 : i32
        %parallel_loop3A_600 = arith.index_cast %parallel_loop3A_598 : i32 to index
        %parallel_loop3A_601 = arith.index_cast %parallel_loop3A_599 : i32 to index
        %parallel_loop3A_602 = arith.index_cast %parallel_loop3A_393 : i32 to index
        %parallel_loop3A_603 = arith.constant 80 : index
        %parallel_loop3A_604 = tpu.vector_load %arg6[%parallel_loop3A_600, %parallel_loop3A_601, %parallel_loop3A_602, %parallel_loop3A_603] {strides = array<i32>} : memref<4x2x16x256xf32, #tpu.memory_space<vmem>>, vector<1x1x1x16xf32>,
        %parallel_loop3A_605 = vector.shape_cast %parallel_loop3A_604 : vector<1x1x1x16xf32> to vector<16xf32>
        %parallel_loop3A_606 = arith.addf %parallel_loop3A_605, %parallel_loop3A_597 : vector<16xf32>
        %parallel_loop3A_607 = arith.constant 0 : i32
        %parallel_loop3A_608 = arith.constant 0 : i32
        %parallel_loop3A_609 = arith.index_cast %parallel_loop3A_607 : i32 to index
        %parallel_loop3A_610 = arith.index_cast %parallel_loop3A_608 : i32 to index
        %parallel_loop3A_611 = arith.index_cast %parallel_loop3A_393 : i32 to index
        %parallel_loop3A_612 = arith.constant 80 : index
        %parallel_loop3A_613 = tpu.vector_load %arg7[%parallel_loop3A_609, %parallel_loop3A_610, %parallel_loop3A_611, %parallel_loop3A_612] {strides = array<i32>} : memref<4x2x16x256xf32, #tpu.memory_space<vmem>>, vector<1x1x1x16xf32>,
        %parallel_loop3A_614 = vector.shape_cast %parallel_loop3A_613 : vector<1x1x1x16xf32> to vector<16xf32>
        %parallel_loop3A_615 = vector.shape_cast %parallel_loop3A_606 : vector<16xf32> to vector<1x1x1x16xf32>
        tpu.vector_store %arg7[%parallel_loop3A_609, %parallel_loop3A_610, %parallel_loop3A_611, %parallel_loop3A_612], %parallel_loop3A_615 {strides = array<i32>} : memref<4x2x16x256xf32, #tpu.memory_space<vmem>>, vector<1x1x1x16xf32>,
        %parallel_loop3A_616 = arith.constant 0 : i32
        %parallel_loop3A_617 = arith.constant 1 : i32
        %parallel_loop3A_618 = arith.index_cast %parallel_loop3A_616 : i32 to index
        %parallel_loop3A_619 = arith.index_cast %parallel_loop3A_617 : i32 to index
        %parallel_loop3A_620 = arith.index_cast %parallel_loop3A_393 : i32 to index
        %parallel_loop3A_621 = arith.constant 80 : index
        %parallel_loop3A_622 = tpu.vector_load %arg6[%parallel_loop3A_618, %parallel_loop3A_619, %parallel_loop3A_620, %parallel_loop3A_621] {strides = array<i32>} : memref<4x2x16x256xf32, #tpu.memory_space<vmem>>, vector<1x1x1x16xf32>,
        %parallel_loop3A_623 = vector.shape_cast %parallel_loop3A_622 : vector<1x1x1x16xf32> to vector<16xf32>
        %parallel_loop3A_624 = arith.addf %parallel_loop3A_623, %parallel_loop3A_597 : vector<16xf32>
        %parallel_loop3A_625 = arith.constant 0 : i32
        %parallel_loop3A_626 = arith.constant 1 : i32
        %parallel_loop3A_627 = arith.index_cast %parallel_loop3A_625 : i32 to index
        %parallel_loop3A_628 = arith.index_cast %parallel_loop3A_626 : i32 to index
        %parallel_loop3A_629 = arith.index_cast %parallel_loop3A_393 : i32 to index
        %parallel_loop3A_630 = arith.constant 80 : index
        %parallel_loop3A_631 = tpu.vector_load %arg7[%parallel_loop3A_627, %parallel_loop3A_628, %parallel_loop3A_629, %parallel_loop3A_630] {strides = array<i32>} : memref<4x2x16x256xf32, #tpu.memory_space<vmem>>, vector<1x1x1x16xf32>,
        %parallel_loop3A_632 = vector.shape_cast %parallel_loop3A_631 : vector<1x1x1x16xf32> to vector<16xf32>
        %parallel_loop3A_633 = vector.shape_cast %parallel_loop3A_624 : vector<16xf32> to vector<1x1x1x16xf32>
        tpu.vector_store %arg7[%parallel_loop3A_627, %parallel_loop3A_628, %parallel_loop3A_629, %parallel_loop3A_630], %parallel_loop3A_633 {strides = array<i32>} : memref<4x2x16x256xf32, #tpu.memory_space<vmem>>, vector<1x1x1x16xf32>,
        %parallel_loop3A_634 = arith.index_cast %parallel_loop3A_393 : i32 to index
        %parallel_loop3A_635 = arith.constant 96 : index
        %parallel_loop3A_636 = tpu.vector_load %arg5[%parallel_loop3A_634, %parallel_loop3A_635] {strides = array<i32>} : memref<16x256xf32, #tpu.memory_space<vmem>>, vector<1x16xf32>,
        %parallel_loop3A_637 = vector.shape_cast %parallel_loop3A_636 : vector<1x16xf32> to vector<16xf32>
        %parallel_loop3A_638 = arith.constant 0 : i32
        %parallel_loop3A_639 = arith.constant 0 : i32
        %parallel_loop3A_640 = arith.index_cast %parallel_loop3A_638 : i32 to index
        %parallel_loop3A_641 = arith.index_cast %parallel_loop3A_639 : i32 to index
        %parallel_loop3A_642 = arith.index_cast %parallel_loop3A_393 : i32 to index
        %parallel_loop3A_643 = arith.constant 96 : index
        %parallel_loop3A_644 = tpu.vector_load %arg6[%parallel_loop3A_640, %parallel_loop3A_641, %parallel_loop3A_642, %parallel_loop3A_643] {strides = array<i32>} : memref<4x2x16x256xf32, #tpu.memory_space<vmem>>, vector<1x1x1x16xf32>,
        %parallel_loop3A_645 = vector.shape_cast %parallel_loop3A_644 : vector<1x1x1x16xf32> to vector<16xf32>
        %parallel_loop3A_646 = arith.addf %parallel_loop3A_645, %parallel_loop3A_637 : vector<16xf32>
        %parallel_loop3A_647 = arith.constant 0 : i32
        %parallel_loop3A_648 = arith.constant 0 : i32
        %parallel_loop3A_649 = arith.index_cast %parallel_loop3A_647 : i32 to index
        %parallel_loop3A_650 = arith.index_cast %parallel_loop3A_648 : i32 to index
        %parallel_loop3A_651 = arith.index_cast %parallel_loop3A_393 : i32 to index
        %parallel_loop3A_652 = arith.constant 96 : index
        %parallel_loop3A_653 = tpu.vector_load %arg7[%parallel_loop3A_649, %parallel_loop3A_650, %parallel_loop3A_651, %parallel_loop3A_652] {strides = array<i32>} : memref<4x2x16x256xf32, #tpu.memory_space<vmem>>, vector<1x1x1x16xf32>,
        %parallel_loop3A_654 = vector.shape_cast %parallel_loop3A_653 : vector<1x1x1x16xf32> to vector<16xf32>
        %parallel_loop3A_655 = vector.shape_cast %parallel_loop3A_646 : vector<16xf32> to vector<1x1x1x16xf32>
        tpu.vector_store %arg7[%parallel_loop3A_649, %parallel_loop3A_650, %parallel_loop3A_651, %parallel_loop3A_652], %parallel_loop3A_655 {strides = array<i32>} : memref<4x2x16x256xf32, #tpu.memory_space<vmem>>, vector<1x1x1x16xf32>,
        %parallel_loop3A_656 = arith.constant 0 : i32
        %parallel_loop3A_657 = arith.constant 1 : i32
        %parallel_loop3A_658 = arith.index_cast %parallel_loop3A_656 : i32 to index
        %parallel_loop3A_659 = arith.index_cast %parallel_loop3A_657 : i32 to index
        %parallel_loop3A_660 = arith.index_cast %parallel_loop3A_393 : i32 to index
        %parallel_loop3A_661 = arith.constant 96 : index
        %parallel_loop3A_662 = tpu.vector_load %arg6[%parallel_loop3A_658, %parallel_loop3A_659, %parallel_loop3A_660, %parallel_loop3A_661] {strides = array<i32>} : memref<4x2x16x256xf32, #tpu.memory_space<vmem>>, vector<1x1x1x16xf32>,
        %parallel_loop3A_663 = vector.shape_cast %parallel_loop3A_662 : vector<1x1x1x16xf32> to vector<16xf32>
        %parallel_loop3A_664 = arith.addf %parallel_loop3A_663, %parallel_loop3A_637 : vector<16xf32>
        %parallel_loop3A_665 = arith.constant 0 : i32
        %parallel_loop3A_666 = arith.constant 1 : i32
        %parallel_loop3A_667 = arith.index_cast %parallel_loop3A_665 : i32 to index
        %parallel_loop3A_668 = arith.index_cast %parallel_loop3A_666 : i32 to index
        %parallel_loop3A_669 = arith.index_cast %parallel_loop3A_393 : i32 to index
        %parallel_loop3A_670 = arith.constant 96 : index
        %parallel_loop3A_671 = tpu.vector_load %arg7[%parallel_loop3A_667, %parallel_loop3A_668, %parallel_loop3A_669, %parallel_loop3A_670] {strides = array<i32>} : memref<4x2x16x256xf32, #tpu.memory_space<vmem>>, vector<1x1x1x16xf32>,
        %parallel_loop3A_672 = vector.shape_cast %parallel_loop3A_671 : vector<1x1x1x16xf32> to vector<16xf32>
        %parallel_loop3A_673 = vector.shape_cast %parallel_loop3A_664 : vector<16xf32> to vector<1x1x1x16xf32>
        tpu.vector_store %arg7[%parallel_loop3A_667, %parallel_loop3A_668, %parallel_loop3A_669, %parallel_loop3A_670], %parallel_loop3A_673 {strides = array<i32>} : memref<4x2x16x256xf32, #tpu.memory_space<vmem>>, vector<1x1x1x16xf32>,
        %parallel_loop3A_674 = arith.index_cast %parallel_loop3A_393 : i32 to index
        %parallel_loop3A_675 = arith.constant 112 : index
        %parallel_loop3A_676 = tpu.vector_load %arg5[%parallel_loop3A_674, %parallel_loop3A_675] {strides = array<i32>} : memref<16x256xf32, #tpu.memory_space<vmem>>, vector<1x16xf32>,
        %parallel_loop3A_677 = vector.shape_cast %parallel_loop3A_676 : vector<1x16xf32> to vector<16xf32>
        %parallel_loop3A_678 = arith.constant 0 : i32
        %parallel_loop3A_679 = arith.constant 0 : i32
        %parallel_loop3A_680 = arith.index_cast %parallel_loop3A_678 : i32 to index
        %parallel_loop3A_681 = arith.index_cast %parallel_loop3A_679 : i32 to index
        %parallel_loop3A_682 = arith.index_cast %parallel_loop3A_393 : i32 to index
        %parallel_loop3A_683 = arith.constant 112 : index
        %parallel_loop3A_684 = tpu.vector_load %arg6[%parallel_loop3A_680, %parallel_loop3A_681, %parallel_loop3A_682, %parallel_loop3A_683] {strides = array<i32>} : memref<4x2x16x256xf32, #tpu.memory_space<vmem>>, vector<1x1x1x16xf32>,
        %parallel_loop3A_685 = vector.shape_cast %parallel_loop3A_684 : vector<1x1x1x16xf32> to vector<16xf32>
        %parallel_loop3A_686 = arith.addf %parallel_loop3A_685, %parallel_loop3A_677 : vector<16xf32>
        %parallel_loop3A_687 = arith.constant 0 : i32
        %parallel_loop3A_688 = arith.constant 0 : i32
        %parallel_loop3A_689 = arith.index_cast %parallel_loop3A_687 : i32 to index
        %parallel_loop3A_690 = arith.index_cast %parallel_loop3A_688 : i32 to index
        %parallel_loop3A_691 = arith.index_cast %parallel_loop3A_393 : i32 to index
        %parallel_loop3A_692 = arith.constant 112 : index
        %parallel_loop3A_693 = tpu.vector_load %arg7[%parallel_loop3A_689, %parallel_loop3A_690, %parallel_loop3A_691, %parallel_loop3A_692] {strides = array<i32>} : memref<4x2x16x256xf32, #tpu.memory_space<vmem>>, vector<1x1x1x16xf32>,
        %parallel_loop3A_694 = vector.shape_cast %parallel_loop3A_693 : vector<1x1x1x16xf32> to vector<16xf32>
        %parallel_loop3A_695 = vector.shape_cast %parallel_loop3A_686 : vector<16xf32> to vector<1x1x1x16xf32>
        tpu.vector_store %arg7[%parallel_loop3A_689, %parallel_loop3A_690, %parallel_loop3A_691, %parallel_loop3A_692], %parallel_loop3A_695 {strides = array<i32>} : memref<4x2x16x256xf32, #tpu.memory_space<vmem>>, vector<1x1x1x16xf32>,
        %parallel_loop3A_696 = arith.constant 0 : i32
        %parallel_loop3A_697 = arith.constant 1 : i32
        %parallel_loop3A_698 = arith.index_cast %parallel_loop3A_696 : i32 to index
        %parallel_loop3A_699 = arith.index_cast %parallel_loop3A_697 : i32 to index
        %parallel_loop3A_700 = arith.index_cast %parallel_loop3A_393 : i32 to index
        %parallel_loop3A_701 = arith.constant 112 : index
        %parallel_loop3A_702 = tpu.vector_load %arg6[%parallel_loop3A_698, %parallel_loop3A_699, %parallel_loop3A_700, %parallel_loop3A_701] {strides = array<i32>} : memref<4x2x16x256xf32, #tpu.memory_space<vmem>>, vector<1x1x1x16xf32>,
        %parallel_loop3A_703 = vector.shape_cast %parallel_loop3A_702 : vector<1x1x1x16xf32> to vector<16xf32>
        %parallel_loop3A_704 = arith.addf %parallel_loop3A_703, %parallel_loop3A_677 : vector<16xf32>
        %parallel_loop3A_705 = arith.constant 0 : i32
        %parallel_loop3A_706 = arith.constant 1 : i32
        %parallel_loop3A_707 = arith.index_cast %parallel_loop3A_705 : i32 to index
        %parallel_loop3A_708 = arith.index_cast %parallel_loop3A_706 : i32 to index
        %parallel_loop3A_709 = arith.index_cast %parallel_loop3A_393 : i32 to index
        %parallel_loop3A_710 = arith.constant 112 : index
        %parallel_loop3A_711 = tpu.vector_load %arg7[%parallel_loop3A_707, %parallel_loop3A_708, %parallel_loop3A_709, %parallel_loop3A_710] {strides = array<i32>} : memref<4x2x16x256xf32, #tpu.memory_space<vmem>>, vector<1x1x1x16xf32>,
        %parallel_loop3A_712 = vector.shape_cast %parallel_loop3A_711 : vector<1x1x1x16xf32> to vector<16xf32>
        %parallel_loop3A_713 = vector.shape_cast %parallel_loop3A_704 : vector<16xf32> to vector<1x1x1x16xf32>
        tpu.vector_store %arg7[%parallel_loop3A_707, %parallel_loop3A_708, %parallel_loop3A_709, %parallel_loop3A_710], %parallel_loop3A_713 {strides = array<i32>} : memref<4x2x16x256xf32, #tpu.memory_space<vmem>>, vector<1x1x1x16xf32>,
        %parallel_loop3A_714 = arith.index_cast %parallel_loop3A_393 : i32 to index
        %parallel_loop3A_715 = arith.constant 128 : index
        %parallel_loop3A_716 = tpu.vector_load %arg5[%parallel_loop3A_714, %parallel_loop3A_715] {strides = array<i32>} : memref<16x256xf32, #tpu.memory_space<vmem>>, vector<1x16xf32>,
        %parallel_loop3A_717 = vector.shape_cast %parallel_loop3A_716 : vector<1x16xf32> to vector<16xf32>
        %parallel_loop3A_718 = arith.constant 0 : i32
        %parallel_loop3A_719 = arith.constant 0 : i32
        %parallel_loop3A_720 = arith.index_cast %parallel_loop3A_718 : i32 to index
        %parallel_loop3A_721 = arith.index_cast %parallel_loop3A_719 : i32 to index
        %parallel_loop3A_722 = arith.index_cast %parallel_loop3A_393 : i32 to index
        %parallel_loop3A_723 = arith.constant 128 : index
        %parallel_loop3A_724 = tpu.vector_load %arg6[%parallel_loop3A_720, %parallel_loop3A_721, %parallel_loop3A_722, %parallel_loop3A_723] {strides = array<i32>} : memref<4x2x16x256xf32, #tpu.memory_space<vmem>>, vector<1x1x1x16xf32>,
        %parallel_loop3A_725 = vector.shape_cast %parallel_loop3A_724 : vector<1x1x1x16xf32> to vector<16xf32>
        %parallel_loop3A_726 = arith.addf %parallel_loop3A_725, %parallel_loop3A_717 : vector<16xf32>
        %parallel_loop3A_727 = arith.constant 0 : i32
        %parallel_loop3A_728 = arith.constant 0 : i32
        %parallel_loop3A_729 = arith.index_cast %parallel_loop3A_727 : i32 to index
        %parallel_loop3A_730 = arith.index_cast %parallel_loop3A_728 : i32 to index
        %parallel_loop3A_731 = arith.index_cast %parallel_loop3A_393 : i32 to index
        %parallel_loop3A_732 = arith.constant 128 : index
        %parallel_loop3A_733 = tpu.vector_load %arg7[%parallel_loop3A_729, %parallel_loop3A_730, %parallel_loop3A_731, %parallel_loop3A_732] {strides = array<i32>} : memref<4x2x16x256xf32, #tpu.memory_space<vmem>>, vector<1x1x1x16xf32>,
        %parallel_loop3A_734 = vector.shape_cast %parallel_loop3A_733 : vector<1x1x1x16xf32> to vector<16xf32>
        %parallel_loop3A_735 = vector.shape_cast %parallel_loop3A_726 : vector<16xf32> to vector<1x1x1x16xf32>
        tpu.vector_store %arg7[%parallel_loop3A_729, %parallel_loop3A_730, %parallel_loop3A_731, %parallel_loop3A_732], %parallel_loop3A_735 {strides = array<i32>} : memref<4x2x16x256xf32, #tpu.memory_space<vmem>>, vector<1x1x1x16xf32>,
        %parallel_loop3A_736 = arith.constant 0 : i32
        %parallel_loop3A_737 = arith.constant 1 : i32
        %parallel_loop3A_738 = arith.index_cast %parallel_loop3A_736 : i32 to index
        %parallel_loop3A_739 = arith.index_cast %parallel_loop3A_737 : i32 to index
        %parallel_loop3A_740 = arith.index_cast %parallel_loop3A_393 : i32 to index
        %parallel_loop3A_741 = arith.constant 128 : index
        %parallel_loop3A_742 = tpu.vector_load %arg6[%parallel_loop3A_738, %parallel_loop3A_739, %parallel_loop3A_740, %parallel_loop3A_741] {strides = array<i32>} : memref<4x2x16x256xf32, #tpu.memory_space<vmem>>, vector<1x1x1x16xf32>,
        %parallel_loop3A_743 = vector.shape_cast %parallel_loop3A_742 : vector<1x1x1x16xf32> to vector<16xf32>
        %parallel_loop3A_744 = arith.addf %parallel_loop3A_743, %parallel_loop3A_717 : vector<16xf32>
        %parallel_loop3A_745 = arith.constant 0 : i32
        %parallel_loop3A_746 = arith.constant 1 : i32
        %parallel_loop3A_747 = arith.index_cast %parallel_loop3A_745 : i32 to index
        %parallel_loop3A_748 = arith.index_cast %parallel_loop3A_746 : i32 to index
        %parallel_loop3A_749 = arith.index_cast %parallel_loop3A_393 : i32 to index
        %parallel_loop3A_750 = arith.constant 128 : index
        %parallel_loop3A_751 = tpu.vector_load %arg7[%parallel_loop3A_747, %parallel_loop3A_748, %parallel_loop3A_749, %parallel_loop3A_750] {strides = array<i32>} : memref<4x2x16x256xf32, #tpu.memory_space<vmem>>, vector<1x1x1x16xf32>,
        %parallel_loop3A_752 = vector.shape_cast %parallel_loop3A_751 : vector<1x1x1x16xf32> to vector<16xf32>
        %parallel_loop3A_753 = vector.shape_cast %parallel_loop3A_744 : vector<16xf32> to vector<1x1x1x16xf32>
        tpu.vector_store %arg7[%parallel_loop3A_747, %parallel_loop3A_748, %parallel_loop3A_749, %parallel_loop3A_750], %parallel_loop3A_753 {strides = array<i32>} : memref<4x2x16x256xf32, #tpu.memory_space<vmem>>, vector<1x1x1x16xf32>,
        %parallel_loop3A_754 = arith.index_cast %parallel_loop3A_393 : i32 to index
        %parallel_loop3A_755 = arith.constant 144 : index
        %parallel_loop3A_756 = tpu.vector_load %arg5[%parallel_loop3A_754, %parallel_loop3A_755] {strides = array<i32>} : memref<16x256xf32, #tpu.memory_space<vmem>>, vector<1x16xf32>,
        %parallel_loop3A_757 = vector.shape_cast %parallel_loop3A_756 : vector<1x16xf32> to vector<16xf32>
        %parallel_loop3A_758 = arith.constant 0 : i32
        %parallel_loop3A_759 = arith.constant 0 : i32
        %parallel_loop3A_760 = arith.index_cast %parallel_loop3A_758 : i32 to index
        %parallel_loop3A_761 = arith.index_cast %parallel_loop3A_759 : i32 to index
        %parallel_loop3A_762 = arith.index_cast %parallel_loop3A_393 : i32 to index
        %parallel_loop3A_763 = arith.constant 144 : index
        %parallel_loop3A_764 = tpu.vector_load %arg6[%parallel_loop3A_760, %parallel_loop3A_761, %parallel_loop3A_762, %parallel_loop3A_763] {strides = array<i32>} : memref<4x2x16x256xf32, #tpu.memory_space<vmem>>, vector<1x1x1x16xf32>,
        %parallel_loop3A_765 = vector.shape_cast %parallel_loop3A_764 : vector<1x1x1x16xf32> to vector<16xf32>
        %parallel_loop3A_766 = arith.addf %parallel_loop3A_765, %parallel_loop3A_757 : vector<16xf32>
        %parallel_loop3A_767 = arith.constant 0 : i32
        %parallel_loop3A_768 = arith.constant 0 : i32
        %parallel_loop3A_769 = arith.index_cast %parallel_loop3A_767 : i32 to index
        %parallel_loop3A_770 = arith.index_cast %parallel_loop3A_768 : i32 to index
        %parallel_loop3A_771 = arith.index_cast %parallel_loop3A_393 : i32 to index
        %parallel_loop3A_772 = arith.constant 144 : index
        %parallel_loop3A_773 = tpu.vector_load %arg7[%parallel_loop3A_769, %parallel_loop3A_770, %parallel_loop3A_771, %parallel_loop3A_772] {strides = array<i32>} : memref<4x2x16x256xf32, #tpu.memory_space<vmem>>, vector<1x1x1x16xf32>,
        %parallel_loop3A_774 = vector.shape_cast %parallel_loop3A_773 : vector<1x1x1x16xf32> to vector<16xf32>
        %parallel_loop3A_775 = vector.shape_cast %parallel_loop3A_766 : vector<16xf32> to vector<1x1x1x16xf32>
        tpu.vector_store %arg7[%parallel_loop3A_769, %parallel_loop3A_770, %parallel_loop3A_771, %parallel_loop3A_772], %parallel_loop3A_775 {strides = array<i32>} : memref<4x2x16x256xf32, #tpu.memory_space<vmem>>, vector<1x1x1x16xf32>,
        %parallel_loop3A_776 = arith.constant 0 : i32
        %parallel_loop3A_777 = arith.constant 1 : i32
        %parallel_loop3A_778 = arith.index_cast %parallel_loop3A_776 : i32 to index
        %parallel_loop3A_779 = arith.index_cast %parallel_loop3A_777 : i32 to index
        %parallel_loop3A_780 = arith.index_cast %parallel_loop3A_393 : i32 to index
        %parallel_loop3A_781 = arith.constant 144 : index
        %parallel_loop3A_782 = tpu.vector_load %arg6[%parallel_loop3A_778, %parallel_loop3A_779, %parallel_loop3A_780, %parallel_loop3A_781] {strides = array<i32>} : memref<4x2x16x256xf32, #tpu.memory_space<vmem>>, vector<1x1x1x16xf32>,
        %parallel_loop3A_783 = vector.shape_cast %parallel_loop3A_782 : vector<1x1x1x16xf32> to vector<16xf32>
        %parallel_loop3A_784 = arith.addf %parallel_loop3A_783, %parallel_loop3A_757 : vector<16xf32>
        %parallel_loop3A_785 = arith.constant 0 : i32
        %parallel_loop3A_786 = arith.constant 1 : i32
        %parallel_loop3A_787 = arith.index_cast %parallel_loop3A_785 : i32 to index
        %parallel_loop3A_788 = arith.index_cast %parallel_loop3A_786 : i32 to index
        %parallel_loop3A_789 = arith.index_cast %parallel_loop3A_393 : i32 to index
        %parallel_loop3A_790 = arith.constant 144 : index
        %parallel_loop3A_791 = tpu.vector_load %arg7[%parallel_loop3A_787, %parallel_loop3A_788, %parallel_loop3A_789, %parallel_loop3A_790] {strides = array<i32>} : memref<4x2x16x256xf32, #tpu.memory_space<vmem>>, vector<1x1x1x16xf32>,
        %parallel_loop3A_792 = vector.shape_cast %parallel_loop3A_791 : vector<1x1x1x16xf32> to vector<16xf32>
        %parallel_loop3A_793 = vector.shape_cast %parallel_loop3A_784 : vector<16xf32> to vector<1x1x1x16xf32>
        tpu.vector_store %arg7[%parallel_loop3A_787, %parallel_loop3A_788, %parallel_loop3A_789, %parallel_loop3A_790], %parallel_loop3A_793 {strides = array<i32>} : memref<4x2x16x256xf32, #tpu.memory_space<vmem>>, vector<1x1x1x16xf32>,
        %parallel_loop3A_794 = arith.index_cast %parallel_loop3A_393 : i32 to index
        %parallel_loop3A_795 = arith.constant 160 : index
        %parallel_loop3A_796 = tpu.vector_load %arg5[%parallel_loop3A_794, %parallel_loop3A_795] {strides = array<i32>} : memref<16x256xf32, #tpu.memory_space<vmem>>, vector<1x16xf32>,
        %parallel_loop3A_797 = vector.shape_cast %parallel_loop3A_796 : vector<1x16xf32> to vector<16xf32>
        %parallel_loop3A_798 = arith.constant 0 : i32
        %parallel_loop3A_799 = arith.constant 0 : i32
        %parallel_loop3A_800 = arith.index_cast %parallel_loop3A_798 : i32 to index
        %parallel_loop3A_801 = arith.index_cast %parallel_loop3A_799 : i32 to index
        %parallel_loop3A_802 = arith.index_cast %parallel_loop3A_393 : i32 to index
        %parallel_loop3A_803 = arith.constant 160 : index
        %parallel_loop3A_804 = tpu.vector_load %arg6[%parallel_loop3A_800, %parallel_loop3A_801, %parallel_loop3A_802, %parallel_loop3A_803] {strides = array<i32>} : memref<4x2x16x256xf32, #tpu.memory_space<vmem>>, vector<1x1x1x16xf32>,
        %parallel_loop3A_805 = vector.shape_cast %parallel_loop3A_804 : vector<1x1x1x16xf32> to vector<16xf32>
        %parallel_loop3A_806 = arith.addf %parallel_loop3A_805, %parallel_loop3A_797 : vector<16xf32>
        %parallel_loop3A_807 = arith.constant 0 : i32
        %parallel_loop3A_808 = arith.constant 0 : i32
        %parallel_loop3A_809 = arith.index_cast %parallel_loop3A_807 : i32 to index
        %parallel_loop3A_810 = arith.index_cast %parallel_loop3A_808 : i32 to index
        %parallel_loop3A_811 = arith.index_cast %parallel_loop3A_393 : i32 to index
        %parallel_loop3A_812 = arith.constant 160 : index
        %parallel_loop3A_813 = tpu.vector_load %arg7[%parallel_loop3A_809, %parallel_loop3A_810, %parallel_loop3A_811, %parallel_loop3A_812] {strides = array<i32>} : memref<4x2x16x256xf32, #tpu.memory_space<vmem>>, vector<1x1x1x16xf32>,
        %parallel_loop3A_814 = vector.shape_cast %parallel_loop3A_813 : vector<1x1x1x16xf32> to vector<16xf32>
        %parallel_loop3A_815 = vector.shape_cast %parallel_loop3A_806 : vector<16xf32> to vector<1x1x1x16xf32>
        tpu.vector_store %arg7[%parallel_loop3A_809, %parallel_loop3A_810, %parallel_loop3A_811, %parallel_loop3A_812], %parallel_loop3A_815 {strides = array<i32>} : memref<4x2x16x256xf32, #tpu.memory_space<vmem>>, vector<1x1x1x16xf32>,
        %parallel_loop3A_816 = arith.constant 0 : i32
        %parallel_loop3A_817 = arith.constant 1 : i32
        %parallel_loop3A_818 = arith.index_cast %parallel_loop3A_816 : i32 to index
        %parallel_loop3A_819 = arith.index_cast %parallel_loop3A_817 : i32 to index
        %parallel_loop3A_820 = arith.index_cast %parallel_loop3A_393 : i32 to index
        %parallel_loop3A_821 = arith.constant 160 : index
        %parallel_loop3A_822 = tpu.vector_load %arg6[%parallel_loop3A_818, %parallel_loop3A_819, %parallel_loop3A_820, %parallel_loop3A_821] {strides = array<i32>} : memref<4x2x16x256xf32, #tpu.memory_space<vmem>>, vector<1x1x1x16xf32>,
        %parallel_loop3A_823 = vector.shape_cast %parallel_loop3A_822 : vector<1x1x1x16xf32> to vector<16xf32>
        %parallel_loop3A_824 = arith.addf %parallel_loop3A_823, %parallel_loop3A_797 : vector<16xf32>
        %parallel_loop3A_825 = arith.constant 0 : i32
        %parallel_loop3A_826 = arith.constant 1 : i32
        %parallel_loop3A_827 = arith.index_cast %parallel_loop3A_825 : i32 to index
        %parallel_loop3A_828 = arith.index_cast %parallel_loop3A_826 : i32 to index
        %parallel_loop3A_829 = arith.index_cast %parallel_loop3A_393 : i32 to index
        %parallel_loop3A_830 = arith.constant 160 : index
        %parallel_loop3A_831 = tpu.vector_load %arg7[%parallel_loop3A_827, %parallel_loop3A_828, %parallel_loop3A_829, %parallel_loop3A_830] {strides = array<i32>} : memref<4x2x16x256xf32, #tpu.memory_space<vmem>>, vector<1x1x1x16xf32>,
        %parallel_loop3A_832 = vector.shape_cast %parallel_loop3A_831 : vector<1x1x1x16xf32> to vector<16xf32>
        %parallel_loop3A_833 = vector.shape_cast %parallel_loop3A_824 : vector<16xf32> to vector<1x1x1x16xf32>
        tpu.vector_store %arg7[%parallel_loop3A_827, %parallel_loop3A_828, %parallel_loop3A_829, %parallel_loop3A_830], %parallel_loop3A_833 {strides = array<i32>} : memref<4x2x16x256xf32, #tpu.memory_space<vmem>>, vector<1x1x1x16xf32>,
        %parallel_loop3A_834 = arith.index_cast %parallel_loop3A_393 : i32 to index
        %parallel_loop3A_835 = arith.constant 176 : index
        %parallel_loop3A_836 = tpu.vector_load %arg5[%parallel_loop3A_834, %parallel_loop3A_835] {strides = array<i32>} : memref<16x256xf32, #tpu.memory_space<vmem>>, vector<1x16xf32>,
        %parallel_loop3A_837 = vector.shape_cast %parallel_loop3A_836 : vector<1x16xf32> to vector<16xf32>
        %parallel_loop3A_838 = arith.constant 0 : i32
        %parallel_loop3A_839 = arith.constant 0 : i32
        %parallel_loop3A_840 = arith.index_cast %parallel_loop3A_838 : i32 to index
        %parallel_loop3A_841 = arith.index_cast %parallel_loop3A_839 : i32 to index
        %parallel_loop3A_842 = arith.index_cast %parallel_loop3A_393 : i32 to index
        %parallel_loop3A_843 = arith.constant 176 : index
        %parallel_loop3A_844 = tpu.vector_load %arg6[%parallel_loop3A_840, %parallel_loop3A_841, %parallel_loop3A_842, %parallel_loop3A_843] {strides = array<i32>} : memref<4x2x16x256xf32, #tpu.memory_space<vmem>>, vector<1x1x1x16xf32>,
        %parallel_loop3A_845 = vector.shape_cast %parallel_loop3A_844 : vector<1x1x1x16xf32> to vector<16xf32>
        %parallel_loop3A_846 = arith.addf %parallel_loop3A_845, %parallel_loop3A_837 : vector<16xf32>
        %parallel_loop3A_847 = arith.constant 0 : i32
        %parallel_loop3A_848 = arith.constant 0 : i32
        %parallel_loop3A_849 = arith.index_cast %parallel_loop3A_847 : i32 to index
        %parallel_loop3A_850 = arith.index_cast %parallel_loop3A_848 : i32 to index
        %parallel_loop3A_851 = arith.index_cast %parallel_loop3A_393 : i32 to index
        %parallel_loop3A_852 = arith.constant 176 : index
        %parallel_loop3A_853 = tpu.vector_load %arg7[%parallel_loop3A_849, %parallel_loop3A_850, %parallel_loop3A_851, %parallel_loop3A_852] {strides = array<i32>} : memref<4x2x16x256xf32, #tpu.memory_space<vmem>>, vector<1x1x1x16xf32>,
        %parallel_loop3A_854 = vector.shape_cast %parallel_loop3A_853 : vector<1x1x1x16xf32> to vector<16xf32>
        %parallel_loop3A_855 = vector.shape_cast %parallel_loop3A_846 : vector<16xf32> to vector<1x1x1x16xf32>
        tpu.vector_store %arg7[%parallel_loop3A_849, %parallel_loop3A_850, %parallel_loop3A_851, %parallel_loop3A_852], %parallel_loop3A_855 {strides = array<i32>} : memref<4x2x16x256xf32, #tpu.memory_space<vmem>>, vector<1x1x1x16xf32>,
        %parallel_loop3A_856 = arith.constant 0 : i32
        %parallel_loop3A_857 = arith.constant 1 : i32
        %parallel_loop3A_858 = arith.index_cast %parallel_loop3A_856 : i32 to index
        %parallel_loop3A_859 = arith.index_cast %parallel_loop3A_857 : i32 to index
        %parallel_loop3A_860 = arith.index_cast %parallel_loop3A_393 : i32 to index
        %parallel_loop3A_861 = arith.constant 176 : index
        %parallel_loop3A_862 = tpu.vector_load %arg6[%parallel_loop3A_858, %parallel_loop3A_859, %parallel_loop3A_860, %parallel_loop3A_861] {strides = array<i32>} : memref<4x2x16x256xf32, #tpu.memory_space<vmem>>, vector<1x1x1x16xf32>,
        %parallel_loop3A_863 = vector.shape_cast %parallel_loop3A_862 : vector<1x1x1x16xf32> to vector<16xf32>
        %parallel_loop3A_864 = arith.addf %parallel_loop3A_863, %parallel_loop3A_837 : vector<16xf32>
        %parallel_loop3A_865 = arith.constant 0 : i32
        %parallel_loop3A_866 = arith.constant 1 : i32
        %parallel_loop3A_867 = arith.index_cast %parallel_loop3A_865 : i32 to index
        %parallel_loop3A_868 = arith.index_cast %parallel_loop3A_866 : i32 to index
        %parallel_loop3A_869 = arith.index_cast %parallel_loop3A_393 : i32 to index
        %parallel_loop3A_870 = arith.constant 176 : index
        %parallel_loop3A_871 = tpu.vector_load %arg7[%parallel_loop3A_867, %parallel_loop3A_868, %parallel_loop3A_869, %parallel_loop3A_870] {strides = array<i32>} : memref<4x2x16x256xf32, #tpu.memory_space<vmem>>, vector<1x1x1x16xf32>,
        %parallel_loop3A_872 = vector.shape_cast %parallel_loop3A_871 : vector<1x1x1x16xf32> to vector<16xf32>
        %parallel_loop3A_873 = vector.shape_cast %parallel_loop3A_864 : vector<16xf32> to vector<1x1x1x16xf32>
        tpu.vector_store %arg7[%parallel_loop3A_867, %parallel_loop3A_868, %parallel_loop3A_869, %parallel_loop3A_870], %parallel_loop3A_873 {strides = array<i32>} : memref<4x2x16x256xf32, #tpu.memory_space<vmem>>, vector<1x1x1x16xf32>,
        %parallel_loop3A_874 = arith.index_cast %parallel_loop3A_393 : i32 to index
        %parallel_loop3A_875 = arith.constant 192 : index
        %parallel_loop3A_876 = tpu.vector_load %arg5[%parallel_loop3A_874, %parallel_loop3A_875] {strides = array<i32>} : memref<16x256xf32, #tpu.memory_space<vmem>>, vector<1x16xf32>,
        %parallel_loop3A_877 = vector.shape_cast %parallel_loop3A_876 : vector<1x16xf32> to vector<16xf32>
        %parallel_loop3A_878 = arith.constant 0 : i32
        %parallel_loop3A_879 = arith.constant 0 : i32
        %parallel_loop3A_880 = arith.index_cast %parallel_loop3A_878 : i32 to index
        %parallel_loop3A_881 = arith.index_cast %parallel_loop3A_879 : i32 to index
        %parallel_loop3A_882 = arith.index_cast %parallel_loop3A_393 : i32 to index
        %parallel_loop3A_883 = arith.constant 192 : index
        %parallel_loop3A_884 = tpu.vector_load %arg6[%parallel_loop3A_880, %parallel_loop3A_881, %parallel_loop3A_882, %parallel_loop3A_883] {strides = array<i32>} : memref<4x2x16x256xf32, #tpu.memory_space<vmem>>, vector<1x1x1x16xf32>,
        %parallel_loop3A_885 = vector.shape_cast %parallel_loop3A_884 : vector<1x1x1x16xf32> to vector<16xf32>
        %parallel_loop3A_886 = arith.addf %parallel_loop3A_885, %parallel_loop3A_877 : vector<16xf32>
        %parallel_loop3A_887 = arith.constant 0 : i32
        %parallel_loop3A_888 = arith.constant 0 : i32
        %parallel_loop3A_889 = arith.index_cast %parallel_loop3A_887 : i32 to index
        %parallel_loop3A_890 = arith.index_cast %parallel_loop3A_888 : i32 to index
        %parallel_loop3A_891 = arith.index_cast %parallel_loop3A_393 : i32 to index
        %parallel_loop3A_892 = arith.constant 192 : index
        %parallel_loop3A_893 = tpu.vector_load %arg7[%parallel_loop3A_889, %parallel_loop3A_890, %parallel_loop3A_891, %parallel_loop3A_892] {strides = array<i32>} : memref<4x2x16x256xf32, #tpu.memory_space<vmem>>, vector<1x1x1x16xf32>,
        %parallel_loop3A_894 = vector.shape_cast %parallel_loop3A_893 : vector<1x1x1x16xf32> to vector<16xf32>
        %parallel_loop3A_895 = vector.shape_cast %parallel_loop3A_886 : vector<16xf32> to vector<1x1x1x16xf32>
        tpu.vector_store %arg7[%parallel_loop3A_889, %parallel_loop3A_890, %parallel_loop3A_891, %parallel_loop3A_892], %parallel_loop3A_895 {strides = array<i32>} : memref<4x2x16x256xf32, #tpu.memory_space<vmem>>, vector<1x1x1x16xf32>,
        %parallel_loop3A_896 = arith.constant 0 : i32
        %parallel_loop3A_897 = arith.constant 1 : i32
        %parallel_loop3A_898 = arith.index_cast %parallel_loop3A_896 : i32 to index
        %parallel_loop3A_899 = arith.index_cast %parallel_loop3A_897 : i32 to index
        %parallel_loop3A_900 = arith.index_cast %parallel_loop3A_393 : i32 to index
        %parallel_loop3A_901 = arith.constant 192 : index
        %parallel_loop3A_902 = tpu.vector_load %arg6[%parallel_loop3A_898, %parallel_loop3A_899, %parallel_loop3A_900, %parallel_loop3A_901] {strides = array<i32>} : memref<4x2x16x256xf32, #tpu.memory_space<vmem>>, vector<1x1x1x16xf32>,
        %parallel_loop3A_903 = vector.shape_cast %parallel_loop3A_902 : vector<1x1x1x16xf32> to vector<16xf32>
        %parallel_loop3A_904 = arith.addf %parallel_loop3A_903, %parallel_loop3A_877 : vector<16xf32>
        %parallel_loop3A_905 = arith.constant 0 : i32
        %parallel_loop3A_906 = arith.constant 1 : i32
        %parallel_loop3A_907 = arith.index_cast %parallel_loop3A_905 : i32 to index
        %parallel_loop3A_908 = arith.index_cast %parallel_loop3A_906 : i32 to index
        %parallel_loop3A_909 = arith.index_cast %parallel_loop3A_393 : i32 to index
        %parallel_loop3A_910 = arith.constant 192 : index
        %parallel_loop3A_911 = tpu.vector_load %arg7[%parallel_loop3A_907, %parallel_loop3A_908, %parallel_loop3A_909, %parallel_loop3A_910] {strides = array<i32>} : memref<4x2x16x256xf32, #tpu.memory_space<vmem>>, vector<1x1x1x16xf32>,
        %parallel_loop3A_912 = vector.shape_cast %parallel_loop3A_911 : vector<1x1x1x16xf32> to vector<16xf32>
        %parallel_loop3A_913 = vector.shape_cast %parallel_loop3A_904 : vector<16xf32> to vector<1x1x1x16xf32>
        tpu.vector_store %arg7[%parallel_loop3A_907, %parallel_loop3A_908, %parallel_loop3A_909, %parallel_loop3A_910], %parallel_loop3A_913 {strides = array<i32>} : memref<4x2x16x256xf32, #tpu.memory_space<vmem>>, vector<1x1x1x16xf32>,
        %parallel_loop3A_914 = arith.index_cast %parallel_loop3A_393 : i32 to index
        %parallel_loop3A_915 = arith.constant 208 : index
        %parallel_loop3A_916 = tpu.vector_load %arg5[%parallel_loop3A_914, %parallel_loop3A_915] {strides = array<i32>} : memref<16x256xf32, #tpu.memory_space<vmem>>, vector<1x16xf32>,
        %parallel_loop3A_917 = vector.shape_cast %parallel_loop3A_916 : vector<1x16xf32> to vector<16xf32>
        %parallel_loop3A_918 = arith.constant 0 : i32
        %parallel_loop3A_919 = arith.constant 0 : i32
        %parallel_loop3A_920 = arith.index_cast %parallel_loop3A_918 : i32 to index
        %parallel_loop3A_921 = arith.index_cast %parallel_loop3A_919 : i32 to index
        %parallel_loop3A_922 = arith.index_cast %parallel_loop3A_393 : i32 to index
        %parallel_loop3A_923 = arith.constant 208 : index
        %parallel_loop3A_924 = tpu.vector_load %arg6[%parallel_loop3A_920, %parallel_loop3A_921, %parallel_loop3A_922, %parallel_loop3A_923] {strides = array<i32>} : memref<4x2x16x256xf32, #tpu.memory_space<vmem>>, vector<1x1x1x16xf32>,
        %parallel_loop3A_925 = vector.shape_cast %parallel_loop3A_924 : vector<1x1x1x16xf32> to vector<16xf32>
        %parallel_loop3A_926 = arith.addf %parallel_loop3A_925, %parallel_loop3A_917 : vector<16xf32>
        %parallel_loop3A_927 = arith.constant 0 : i32
        %parallel_loop3A_928 = arith.constant 0 : i32
        %parallel_loop3A_929 = arith.index_cast %parallel_loop3A_927 : i32 to index
        %parallel_loop3A_930 = arith.index_cast %parallel_loop3A_928 : i32 to index
        %parallel_loop3A_931 = arith.index_cast %parallel_loop3A_393 : i32 to index
        %parallel_loop3A_932 = arith.constant 208 : index
        %parallel_loop3A_933 = tpu.vector_load %arg7[%parallel_loop3A_929, %parallel_loop3A_930, %parallel_loop3A_931, %parallel_loop3A_932] {strides = array<i32>} : memref<4x2x16x256xf32, #tpu.memory_space<vmem>>, vector<1x1x1x16xf32>,
        %parallel_loop3A_934 = vector.shape_cast %parallel_loop3A_933 : vector<1x1x1x16xf32> to vector<16xf32>
        %parallel_loop3A_935 = vector.shape_cast %parallel_loop3A_926 : vector<16xf32> to vector<1x1x1x16xf32>
        tpu.vector_store %arg7[%parallel_loop3A_929, %parallel_loop3A_930, %parallel_loop3A_931, %parallel_loop3A_932], %parallel_loop3A_935 {strides = array<i32>} : memref<4x2x16x256xf32, #tpu.memory_space<vmem>>, vector<1x1x1x16xf32>,
        %parallel_loop3A_936 = arith.constant 0 : i32
        %parallel_loop3A_937 = arith.constant 1 : i32
        %parallel_loop3A_938 = arith.index_cast %parallel_loop3A_936 : i32 to index
        %parallel_loop3A_939 = arith.index_cast %parallel_loop3A_937 : i32 to index
        %parallel_loop3A_940 = arith.index_cast %parallel_loop3A_393 : i32 to index
        %parallel_loop3A_941 = arith.constant 208 : index
        %parallel_loop3A_942 = tpu.vector_load %arg6[%parallel_loop3A_938, %parallel_loop3A_939, %parallel_loop3A_940, %parallel_loop3A_941] {strides = array<i32>} : memref<4x2x16x256xf32, #tpu.memory_space<vmem>>, vector<1x1x1x16xf32>,
        %parallel_loop3A_943 = vector.shape_cast %parallel_loop3A_942 : vector<1x1x1x16xf32> to vector<16xf32>
        %parallel_loop3A_944 = arith.addf %parallel_loop3A_943, %parallel_loop3A_917 : vector<16xf32>
        %parallel_loop3A_945 = arith.constant 0 : i32
        %parallel_loop3A_946 = arith.constant 1 : i32
        %parallel_loop3A_947 = arith.index_cast %parallel_loop3A_945 : i32 to index
        %parallel_loop3A_948 = arith.index_cast %parallel_loop3A_946 : i32 to index
        %parallel_loop3A_949 = arith.index_cast %parallel_loop3A_393 : i32 to index
        %parallel_loop3A_950 = arith.constant 208 : index
        %parallel_loop3A_951 = tpu.vector_load %arg7[%parallel_loop3A_947, %parallel_loop3A_948, %parallel_loop3A_949, %parallel_loop3A_950] {strides = array<i32>} : memref<4x2x16x256xf32, #tpu.memory_space<vmem>>, vector<1x1x1x16xf32>,
        %parallel_loop3A_952 = vector.shape_cast %parallel_loop3A_951 : vector<1x1x1x16xf32> to vector<16xf32>
        %parallel_loop3A_953 = vector.shape_cast %parallel_loop3A_944 : vector<16xf32> to vector<1x1x1x16xf32>
        tpu.vector_store %arg7[%parallel_loop3A_947, %parallel_loop3A_948, %parallel_loop3A_949, %parallel_loop3A_950], %parallel_loop3A_953 {strides = array<i32>} : memref<4x2x16x256xf32, #tpu.memory_space<vmem>>, vector<1x1x1x16xf32>,
        %parallel_loop3A_954 = arith.index_cast %parallel_loop3A_393 : i32 to index
        %parallel_loop3A_955 = arith.constant 224 : index
        %parallel_loop3A_956 = tpu.vector_load %arg5[%parallel_loop3A_954, %parallel_loop3A_955] {strides = array<i32>} : memref<16x256xf32, #tpu.memory_space<vmem>>, vector<1x16xf32>,
        %parallel_loop3A_957 = vector.shape_cast %parallel_loop3A_956 : vector<1x16xf32> to vector<16xf32>
        %parallel_loop3A_958 = arith.constant 0 : i32
        %parallel_loop3A_959 = arith.constant 0 : i32
        %parallel_loop3A_960 = arith.index_cast %parallel_loop3A_958 : i32 to index
        %parallel_loop3A_961 = arith.index_cast %parallel_loop3A_959 : i32 to index
        %parallel_loop3A_962 = arith.index_cast %parallel_loop3A_393 : i32 to index
        %parallel_loop3A_963 = arith.constant 224 : index
        %parallel_loop3A_964 = tpu.vector_load %arg6[%parallel_loop3A_960, %parallel_loop3A_961, %parallel_loop3A_962, %parallel_loop3A_963] {strides = array<i32>} : memref<4x2x16x256xf32, #tpu.memory_space<vmem>>, vector<1x1x1x16xf32>,
        %parallel_loop3A_965 = vector.shape_cast %parallel_loop3A_964 : vector<1x1x1x16xf32> to vector<16xf32>
        %parallel_loop3A_966 = arith.addf %parallel_loop3A_965, %parallel_loop3A_957 : vector<16xf32>
        %parallel_loop3A_967 = arith.constant 0 : i32
        %parallel_loop3A_968 = arith.constant 0 : i32
        %parallel_loop3A_969 = arith.index_cast %parallel_loop3A_967 : i32 to index
        %parallel_loop3A_970 = arith.index_cast %parallel_loop3A_968 : i32 to index
        %parallel_loop3A_971 = arith.index_cast %parallel_loop3A_393 : i32 to index
        %parallel_loop3A_972 = arith.constant 224 : index
        %parallel_loop3A_973 = tpu.vector_load %arg7[%parallel_loop3A_969, %parallel_loop3A_970, %parallel_loop3A_971, %parallel_loop3A_972] {strides = array<i32>} : memref<4x2x16x256xf32, #tpu.memory_space<vmem>>, vector<1x1x1x16xf32>,
        %parallel_loop3A_974 = vector.shape_cast %parallel_loop3A_973 : vector<1x1x1x16xf32> to vector<16xf32>
        %parallel_loop3A_975 = vector.shape_cast %parallel_loop3A_966 : vector<16xf32> to vector<1x1x1x16xf32>
        tpu.vector_store %arg7[%parallel_loop3A_969, %parallel_loop3A_970, %parallel_loop3A_971, %parallel_loop3A_972], %parallel_loop3A_975 {strides = array<i32>} : memref<4x2x16x256xf32, #tpu.memory_space<vmem>>, vector<1x1x1x16xf32>,
        %parallel_loop3A_976 = arith.constant 0 : i32
        %parallel_loop3A_977 = arith.constant 1 : i32
        %parallel_loop3A_978 = arith.index_cast %parallel_loop3A_976 : i32 to index
        %parallel_loop3A_979 = arith.index_cast %parallel_loop3A_977 : i32 to index
        %parallel_loop3A_980 = arith.index_cast %parallel_loop3A_393 : i32 to index
        %parallel_loop3A_981 = arith.constant 224 : index
        %parallel_loop3A_982 = tpu.vector_load %arg6[%parallel_loop3A_978, %parallel_loop3A_979, %parallel_loop3A_980, %parallel_loop3A_981] {strides = array<i32>} : memref<4x2x16x256xf32, #tpu.memory_space<vmem>>, vector<1x1x1x16xf32>,
        %parallel_loop3A_983 = vector.shape_cast %parallel_loop3A_982 : vector<1x1x1x16xf32> to vector<16xf32>
        %parallel_loop3A_984 = arith.addf %parallel_loop3A_983, %parallel_loop3A_957 : vector<16xf32>
        %parallel_loop3A_985 = arith.constant 0 : i32
        %parallel_loop3A_986 = arith.constant 1 : i32
        %parallel_loop3A_987 = arith.index_cast %parallel_loop3A_985 : i32 to index
        %parallel_loop3A_988 = arith.index_cast %parallel_loop3A_986 : i32 to index
        %parallel_loop3A_989 = arith.index_cast %parallel_loop3A_393 : i32 to index
        %parallel_loop3A_990 = arith.constant 224 : index
        %parallel_loop3A_991 = tpu.vector_load %arg7[%parallel_loop3A_987, %parallel_loop3A_988, %parallel_loop3A_989, %parallel_loop3A_990] {strides = array<i32>} : memref<4x2x16x256xf32, #tpu.memory_space<vmem>>, vector<1x1x1x16xf32>,
        %parallel_loop3A_992 = vector.shape_cast %parallel_loop3A_991 : vector<1x1x1x16xf32> to vector<16xf32>
        %parallel_loop3A_993 = vector.shape_cast %parallel_loop3A_984 : vector<16xf32> to vector<1x1x1x16xf32>
        tpu.vector_store %arg7[%parallel_loop3A_987, %parallel_loop3A_988, %parallel_loop3A_989, %parallel_loop3A_990], %parallel_loop3A_993 {strides = array<i32>} : memref<4x2x16x256xf32, #tpu.memory_space<vmem>>, vector<1x1x1x16xf32>,
        %parallel_loop3A_994 = arith.index_cast %parallel_loop3A_393 : i32 to index
        %parallel_loop3A_995 = arith.constant 240 : index
        %parallel_loop3A_996 = tpu.vector_load %arg5[%parallel_loop3A_994, %parallel_loop3A_995] {strides = array<i32>} : memref<16x256xf32, #tpu.memory_space<vmem>>, vector<1x16xf32>,
        %parallel_loop3A_997 = vector.shape_cast %parallel_loop3A_996 : vector<1x16xf32> to vector<16xf32>
        %parallel_loop3A_998 = arith.constant 0 : i32
        %parallel_loop3A_999 = arith.constant 0 : i32
        %parallel_loop3A_1000 = arith.index_cast %parallel_loop3A_998 : i32 to index
        %parallel_loop3A_1001 = arith.index_cast %parallel_loop3A_999 : i32 to index
        %parallel_loop3A_1002 = arith.index_cast %parallel_loop3A_393 : i32 to index
        %parallel_loop3A_1003 = arith.constant 240 : index
        %parallel_loop3A_1004 = tpu.vector_load %arg6[%parallel_loop3A_1000, %parallel_loop3A_1001, %parallel_loop3A_1002, %parallel_loop3A_1003] {strides = array<i32>} : memref<4x2x16x256xf32, #tpu.memory_space<vmem>>, vector<1x1x1x16xf32>,
        %parallel_loop3A_1005 = vector.shape_cast %parallel_loop3A_1004 : vector<1x1x1x16xf32> to vector<16xf32>
        %parallel_loop3A_1006 = arith.addf %parallel_loop3A_1005, %parallel_loop3A_997 : vector<16xf32>
        %parallel_loop3A_1007 = arith.constant 0 : i32
        %parallel_loop3A_1008 = arith.constant 0 : i32
        %parallel_loop3A_1009 = arith.index_cast %parallel_loop3A_1007 : i32 to index
        %parallel_loop3A_1010 = arith.index_cast %parallel_loop3A_1008 : i32 to index
        %parallel_loop3A_1011 = arith.index_cast %parallel_loop3A_393 : i32 to index
        %parallel_loop3A_1012 = arith.constant 240 : index
        %parallel_loop3A_1013 = tpu.vector_load %arg7[%parallel_loop3A_1009, %parallel_loop3A_1010, %parallel_loop3A_1011, %parallel_loop3A_1012] {strides = array<i32>} : memref<4x2x16x256xf32, #tpu.memory_space<vmem>>, vector<1x1x1x16xf32>,
        %parallel_loop3A_1014 = vector.shape_cast %parallel_loop3A_1013 : vector<1x1x1x16xf32> to vector<16xf32>
        %parallel_loop3A_1015 = vector.shape_cast %parallel_loop3A_1006 : vector<16xf32> to vector<1x1x1x16xf32>
        tpu.vector_store %arg7[%parallel_loop3A_1009, %parallel_loop3A_1010, %parallel_loop3A_1011, %parallel_loop3A_1012], %parallel_loop3A_1015 {strides = array<i32>} : memref<4x2x16x256xf32, #tpu.memory_space<vmem>>, vector<1x1x1x16xf32>,
        %parallel_loop3A_1016 = arith.constant 0 : i32
        %parallel_loop3A_1017 = arith.constant 1 : i32
        %parallel_loop3A_1018 = arith.index_cast %parallel_loop3A_1016 : i32 to index
        %parallel_loop3A_1019 = arith.index_cast %parallel_loop3A_1017 : i32 to index
        %parallel_loop3A_1020 = arith.index_cast %parallel_loop3A_393 : i32 to index
        %parallel_loop3A_1021 = arith.constant 240 : index
        %parallel_loop3A_1022 = tpu.vector_load %arg6[%parallel_loop3A_1018, %parallel_loop3A_1019, %parallel_loop3A_1020, %parallel_loop3A_1021] {strides = array<i32>} : memref<4x2x16x256xf32, #tpu.memory_space<vmem>>, vector<1x1x1x16xf32>,
        %parallel_loop3A_1023 = vector.shape_cast %parallel_loop3A_1022 : vector<1x1x1x16xf32> to vector<16xf32>
        %parallel_loop3A_1024 = arith.addf %parallel_loop3A_1023, %parallel_loop3A_997 : vector<16xf32>
        %parallel_loop3A_1025 = arith.constant 0 : i32
        %parallel_loop3A_1026 = arith.constant 1 : i32
        %parallel_loop3A_1027 = arith.index_cast %parallel_loop3A_1025 : i32 to index
        %parallel_loop3A_1028 = arith.index_cast %parallel_loop3A_1026 : i32 to index
        %parallel_loop3A_1029 = arith.index_cast %parallel_loop3A_393 : i32 to index
        %parallel_loop3A_1030 = arith.constant 240 : index
        %parallel_loop3A_1031 = tpu.vector_load %arg7[%parallel_loop3A_1027, %parallel_loop3A_1028, %parallel_loop3A_1029, %parallel_loop3A_1030] {strides = array<i32>} : memref<4x2x16x256xf32, #tpu.memory_space<vmem>>, vector<1x1x1x16xf32>,
        %parallel_loop3A_1032 = vector.shape_cast %parallel_loop3A_1031 : vector<1x1x1x16xf32> to vector<16xf32>
        %parallel_loop3A_1033 = vector.shape_cast %parallel_loop3A_1024 : vector<16xf32> to vector<1x1x1x16xf32>
        tpu.vector_store %arg7[%parallel_loop3A_1027, %parallel_loop3A_1028, %parallel_loop3A_1029, %parallel_loop3A_1030], %parallel_loop3A_1033 {strides = array<i32>} : memref<4x2x16x256xf32, #tpu.memory_space<vmem>>, vector<1x1x1x16xf32>,
      } {sc.loop_unroll_factor = 2 : i64, sc.parallel_access}
      %mul3A_196 = arith.constant 2 : i32
      %mul3A_197 = arith.muli %add3A_171, %mul3A_196 : i32
      %dma_start3A_198 = arith.constant 0 : i32
      %dma_start3A_199 = arith.constant 0 : i32
      %dma_start3A_200 = arith.constant 0 : i32
      %dma_start3A_201 = arith.constant 0 : i32
      %dma_start3A_202 = arith.constant 0 : i32
      %dma_start3A_203 = tpu.memref_slice %arg7[%dma_start3A_198, %dma_start3A_200, %dma_start3A_201, %dma_start3A_202] : memref<4x2x16x256xf32, #tpu.memory_space<vmem>> -> memref<1x2x16x256xf32, #tpu.memory_space<vmem>>
      %dma_start3A_204 = tpu.memref_squeeze %dma_start3A_203 : memref<1x2x16x256xf32, #tpu.memory_space<vmem>> -> memref<2x16x256xf32, #tpu.memory_space<vmem>>
      %dma_start3A_205 = arith.constant 0 : i32
      %dma_start3A_206 = tpu.memref_slice %arg4[%mul3A_197, %mul3A_2, %dma_start3A_205] : memref<512x512x256xf32, #tpu.memory_space<hbm>> -> memref<2x16x256xf32, #tpu.memory_space<hbm>>
      %dma_start3A_207 = tpu.memref_slice %arg9[%dma_start3A_199] : memref<4x!tpu.dma_semaphore, #tpu.memory_space<semaphore_mem>> -> memref<1x!tpu.dma_semaphore, #tpu.memory_space<semaphore_mem>>
      %dma_start3A_208 = tpu.memref_squeeze %dma_start3A_207 : memref<1x!tpu.dma_semaphore, #tpu.memory_space<semaphore_mem>> -> memref<!tpu.dma_semaphore, #tpu.memory_space<semaphore_mem>>
      %dma_start3A_209 = arith.constant 0 : i32
      %dma_start3A_210 = tpu.memref_slice %arg4[%mul3A_197, %mul3A_2, %dma_start3A_209] : memref<512x512x256xf32, #tpu.memory_space<hbm>> -> memref<2x16x256xf32, #tpu.memory_space<hbm>>
      %dma_start3A_211 = arith.constant 0 : i32
      %dma_start3A_212 = arith.constant 0 : i32
      %dma_start3A_213 = arith.constant 0 : i32
      %dma_start3A_214 = tpu.memref_slice %arg7[%dma_start3A_198, %dma_start3A_211, %dma_start3A_212, %dma_start3A_213] : memref<4x2x16x256xf32, #tpu.memory_space<vmem>> -> memref<1x2x16x256xf32, #tpu.memory_space<vmem>>
      %dma_start3A_215 = tpu.memref_squeeze %dma_start3A_214 : memref<1x2x16x256xf32, #tpu.memory_space<vmem>> -> memref<2x16x256xf32, #tpu.memory_space<vmem>>
      tpu.enqueue_dma source(%dma_start3A_215 : memref<2x16x256xf32, #tpu.memory_space<vmem>>) target(%dma_start3A_210 : memref<2x16x256xf32, #tpu.memory_space<hbm>>) target_semaphore(%dma_start3A_208 : memref<!tpu.dma_semaphore, #tpu.memory_space<semaphore_mem>>)
      %add3A_216 = arith.constant 4 : i32
      %add3A_217 = arith.addi %add3A_171, %add3A_216 : i32
      %lt3A = arith.constant 256 : i32
      %lt3A_218 = arith.cmpi slt, %add3A_217, %lt3A : i32
      %convert_element_type3A_219 = arith.extui %lt3A_218 : i1 to i32
      %cond3A_220 = arith.constant 0 : i32
      %cond3A_221 = arith.cmpi ne, %convert_element_type3A_219, %cond3A_220 : i32
      scf.if %cond3A_221 {
        %add3A_393 = arith.constant 4 : i32
        %add3A_394 = arith.addi %add3A_171, %add3A_393 : i32
        %mul3A_395 = arith.constant 2 : i32
        %mul3A_396 = arith.muli %add3A_394, %mul3A_395 : i32
        %dma_start3A_397 = arith.constant 0 : i32
        %dma_start3A_398 = arith.constant 0 : i32
        %dma_start3A_399 = arith.constant 0 : i32
        %dma_start3A_400 = arith.constant 0 : i32
        %dma_start3A_401 = arith.constant 0 : i32
        %dma_start3A_402 = tpu.memref_slice %arg6[%dma_start3A_397, %dma_start3A_399, %dma_start3A_400, %dma_start3A_401] : memref<4x2x16x256xf32, #tpu.memory_space<vmem>> -> memref<1x2x16x256xf32, #tpu.memory_space<vmem>>
        %dma_start3A_403 = tpu.memref_squeeze %dma_start3A_402 : memref<1x2x16x256xf32, #tpu.memory_space<vmem>> -> memref<2x16x256xf32, #tpu.memory_space<vmem>>
        %dma_start3A_404 = arith.constant 0 : i32
        %dma_start3A_405 = tpu.memref_slice %arg2[%mul3A_396, %mul3A_2, %dma_start3A_404] : memref<512x512x256xf32, #tpu.memory_space<hbm>> -> memref<2x16x256xf32, #tpu.memory_space<hbm>>
        %dma_start3A_406 = tpu.memref_slice %arg8[%dma_start3A_398] : memref<4x!tpu.dma_semaphore, #tpu.memory_space<semaphore_mem>> -> memref<1x!tpu.dma_semaphore, #tpu.memory_space<semaphore_mem>>
        %dma_start3A_407 = tpu.memref_squeeze %dma_start3A_406 : memref<1x!tpu.dma_semaphore, #tpu.memory_space<semaphore_mem>> -> memref<!tpu.dma_semaphore, #tpu.memory_space<semaphore_mem>>
        %dma_start3A_408 = arith.constant 0 : i32
        %dma_start3A_409 = arith.constant 0 : i32
        %dma_start3A_410 = arith.constant 0 : i32
        %dma_start3A_411 = tpu.memref_slice %arg6[%dma_start3A_397, %dma_start3A_408, %dma_start3A_409, %dma_start3A_410] : memref<4x2x16x256xf32, #tpu.memory_space<vmem>> -> memref<1x2x16x256xf32, #tpu.memory_space<vmem>>
        %dma_start3A_412 = tpu.memref_squeeze %dma_start3A_411 : memref<1x2x16x256xf32, #tpu.memory_space<vmem>> -> memref<2x16x256xf32, #tpu.memory_space<vmem>>
        %dma_start3A_413 = arith.constant 0 : i32
        %dma_start3A_414 = tpu.memref_slice %arg2[%mul3A_396, %mul3A_2, %dma_start3A_413] : memref<512x512x256xf32, #tpu.memory_space<hbm>> -> memref<2x16x256xf32, #tpu.memory_space<hbm>>
        tpu.enqueue_dma source(%dma_start3A_414 : memref<2x16x256xf32, #tpu.memory_space<hbm>>) target(%dma_start3A_412 : memref<2x16x256xf32, #tpu.memory_space<vmem>>) target_semaphore(%dma_start3A_407 : memref<!tpu.dma_semaphore, #tpu.memory_space<semaphore_mem>>)
      } else {
      }
      %add3A_222 = arith.constant 1 : i32
      %add3A_223 = arith.addi %add3A_169, %add3A_222 : i32
      %mul3A_224 = arith.constant 2 : i32
      %mul3A_225 = arith.muli %add3A_223, %mul3A_224 : i32
      %dma_wait3A_226 = arith.constant 1 : i32
      %dma_wait3A_227 = arith.constant 1 : i32
      %dma_wait3A_228 = arith.constant 0 : i32
      %dma_wait3A_229 = arith.constant 0 : i32
      %dma_wait3A_230 = arith.constant 0 : i32
      %dma_wait3A_231 = tpu.memref_slice %arg6[%dma_wait3A_226, %dma_wait3A_228, %dma_wait3A_229, %dma_wait3A_230] : memref<4x2x16x256xf32, #tpu.memory_space<vmem>> -> memref<1x2x16x256xf32, #tpu.memory_space<vmem>>
      %dma_wait3A_232 = tpu.memref_squeeze %dma_wait3A_231 : memref<1x2x16x256xf32, #tpu.memory_space<vmem>> -> memref<2x16x256xf32, #tpu.memory_space<vmem>>
      %dma_wait3A_233 = arith.constant 0 : i32
      %dma_wait3A_234 = tpu.memref_slice %arg2[%mul3A_225, %mul3A_2, %dma_wait3A_233] : memref<512x512x256xf32, #tpu.memory_space<hbm>> -> memref<2x16x256xf32, #tpu.memory_space<hbm>>
      %dma_wait3A_235 = tpu.memref_slice %arg8[%dma_wait3A_227] : memref<4x!tpu.dma_semaphore, #tpu.memory_space<semaphore_mem>> -> memref<1x!tpu.dma_semaphore, #tpu.memory_space<semaphore_mem>>
      %dma_wait3A_236 = tpu.memref_squeeze %dma_wait3A_235 : memref<1x!tpu.dma_semaphore, #tpu.memory_space<semaphore_mem>> -> memref<!tpu.dma_semaphore, #tpu.memory_space<semaphore_mem>>
      %dma_wait3A_237 = arith.constant 0 : i32
      %dma_wait3A_238 = arith.constant 0 : i32
      %dma_wait3A_239 = arith.constant 0 : i32
      %dma_wait3A_240 = tpu.memref_slice %arg6[%dma_wait3A_226, %dma_wait3A_237, %dma_wait3A_238, %dma_wait3A_239] : memref<4x2x16x256xf32, #tpu.memory_space<vmem>> -> memref<1x2x16x256xf32, #tpu.memory_space<vmem>>
      %dma_wait3A_241 = tpu.memref_squeeze %dma_wait3A_240 : memref<1x2x16x256xf32, #tpu.memory_space<vmem>> -> memref<2x16x256xf32, #tpu.memory_space<vmem>>
      %dma_wait3A_242 = arith.constant 0 : i32
      %dma_wait3A_243 = tpu.memref_slice %arg2[%mul3A_225, %mul3A_2, %dma_wait3A_242] : memref<512x512x256xf32, #tpu.memory_space<hbm>> -> memref<2x16x256xf32, #tpu.memory_space<hbm>>
      tpu.wait_dma2 semaphore(%dma_wait3A_236 : memref<!tpu.dma_semaphore, #tpu.memory_space<semaphore_mem>>) src(%dma_wait3A_243 : memref<2x16x256xf32, #tpu.memory_space<hbm>>) dst(%dma_wait3A_241 : memref<2x16x256xf32, #tpu.memory_space<vmem>>)
      %ge3A_244 = arith.constant 4 : i32
      %ge3A_245 = arith.cmpi sge, %add3A_223, %ge3A_244 : i32
      %convert_element_type3A_246 = arith.extui %ge3A_245 : i1 to i32
      %cond3A_247 = arith.constant 0 : i32
      %cond3A_248 = arith.cmpi ne, %convert_element_type3A_246, %cond3A_247 : i32
      scf.if %cond3A_248 {
        %sub3A = arith.constant 4 : i32
        %sub3A_393 = arith.subi %add3A_223, %sub3A : i32
        %mul3A_394 = arith.constant 2 : i32
        %mul3A_395 = arith.muli %sub3A_393, %mul3A_394 : i32
        %dma_wait3A_396 = arith.constant 1 : i32
        %dma_wait3A_397 = arith.constant 1 : i32
        %dma_wait3A_398 = arith.constant 0 : i32
        %dma_wait3A_399 = arith.constant 0 : i32
        %dma_wait3A_400 = arith.constant 0 : i32
        %dma_wait3A_401 = tpu.memref_slice %arg7[%dma_wait3A_396, %dma_wait3A_398, %dma_wait3A_399, %dma_wait3A_400] : memref<4x2x16x256xf32, #tpu.memory_space<vmem>> -> memref<1x2x16x256xf32, #tpu.memory_space<vmem>>
        %dma_wait3A_402 = tpu.memref_squeeze %dma_wait3A_401 : memref<1x2x16x256xf32, #tpu.memory_space<vmem>> -> memref<2x16x256xf32, #tpu.memory_space<vmem>>
        %dma_wait3A_403 = arith.constant 0 : i32
        %dma_wait3A_404 = tpu.memref_slice %arg4[%mul3A_395, %mul3A_2, %dma_wait3A_403] : memref<512x512x256xf32, #tpu.memory_space<hbm>> -> memref<2x16x256xf32, #tpu.memory_space<hbm>>
        %dma_wait3A_405 = tpu.memref_slice %arg9[%dma_wait3A_397] : memref<4x!tpu.dma_semaphore, #tpu.memory_space<semaphore_mem>> -> memref<1x!tpu.dma_semaphore, #tpu.memory_space<semaphore_mem>>
        %dma_wait3A_406 = tpu.memref_squeeze %dma_wait3A_405 : memref<1x!tpu.dma_semaphore, #tpu.memory_space<semaphore_mem>> -> memref<!tpu.dma_semaphore, #tpu.memory_space<semaphore_mem>>
        %dma_wait3A_407 = arith.constant 0 : i32
        %dma_wait3A_408 = tpu.memref_slice %arg4[%mul3A_395, %mul3A_2, %dma_wait3A_407] : memref<512x512x256xf32, #tpu.memory_space<hbm>> -> memref<2x16x256xf32, #tpu.memory_space<hbm>>
        %dma_wait3A_409 = arith.constant 0 : i32
        %dma_wait3A_410 = arith.constant 0 : i32
        %dma_wait3A_411 = arith.constant 0 : i32
        %dma_wait3A_412 = tpu.memref_slice %arg7[%dma_wait3A_396, %dma_wait3A_409, %dma_wait3A_410, %dma_wait3A_411] : memref<4x2x16x256xf32, #tpu.memory_space<vmem>> -> memref<1x2x16x256xf32, #tpu.memory_space<vmem>>
        %dma_wait3A_413 = tpu.memref_squeeze %dma_wait3A_412 : memref<1x2x16x256xf32, #tpu.memory_space<vmem>> -> memref<2x16x256xf32, #tpu.memory_space<vmem>>
        tpu.wait_dma2 semaphore(%dma_wait3A_406 : memref<!tpu.dma_semaphore, #tpu.memory_space<semaphore_mem>>) src(%dma_wait3A_413 : memref<2x16x256xf32, #tpu.memory_space<vmem>>) dst(%dma_wait3A_408 : memref<2x16x256xf32, #tpu.memory_space<hbm>>)
      } else {
      }
      %parallel_loop3A_249 = arith.constant 0 : i32
      %parallel_loop3A_250 = arith.constant 16 : i32
      %parallel_loop3A_251 = arith.constant 1 : i32
      scf.for %parallel_loop3A_393 = %parallel_loop3A_249 to %parallel_loop3A_250 step %parallel_loop3A_251  : i32 {
        %parallel_loop3A_394 = arith.index_cast %parallel_loop3A_393 : i32 to index
        %parallel_loop3A_395 = arith.constant 0 : index
        %parallel_loop3A_396 = tpu.vector_load %arg5[%parallel_loop3A_394, %parallel_loop3A_395] {strides = array<i32>} : memref<16x256xf32, #tpu.memory_space<vmem>>, vector<1x16xf32>,
        %parallel_loop3A_397 = vector.shape_cast %parallel_loop3A_396 : vector<1x16xf32> to vector<16xf32>
        %parallel_loop3A_398 = arith.constant 1 : i32
        %parallel_loop3A_399 = arith.constant 0 : i32
        %parallel_loop3A_400 = arith.index_cast %parallel_loop3A_398 : i32 to index
        %parallel_loop3A_401 = arith.index_cast %parallel_loop3A_399 : i32 to index
        %parallel_loop3A_402 = arith.index_cast %parallel_loop3A_393 : i32 to index
        %parallel_loop3A_403 = arith.constant 0 : index
        %parallel_loop3A_404 = tpu.vector_load %arg6[%parallel_loop3A_400, %parallel_loop3A_401, %parallel_loop3A_402, %parallel_loop3A_403] {strides = array<i32>} : memref<4x2x16x256xf32, #tpu.memory_space<vmem>>, vector<1x1x1x16xf32>,
        %parallel_loop3A_405 = vector.shape_cast %parallel_loop3A_404 : vector<1x1x1x16xf32> to vector<16xf32>
        %parallel_loop3A_406 = arith.addf %parallel_loop3A_405, %parallel_loop3A_397 : vector<16xf32>
        %parallel_loop3A_407 = arith.constant 1 : i32
        %parallel_loop3A_408 = arith.constant 0 : i32
        %parallel_loop3A_409 = arith.index_cast %parallel_loop3A_407 : i32 to index
        %parallel_loop3A_410 = arith.index_cast %parallel_loop3A_408 : i32 to index
        %parallel_loop3A_411 = arith.index_cast %parallel_loop3A_393 : i32 to index
        %parallel_loop3A_412 = arith.constant 0 : index
        %parallel_loop3A_413 = tpu.vector_load %arg7[%parallel_loop3A_409, %parallel_loop3A_410, %parallel_loop3A_411, %parallel_loop3A_412] {strides = array<i32>} : memref<4x2x16x256xf32, #tpu.memory_space<vmem>>, vector<1x1x1x16xf32>,
        %parallel_loop3A_414 = vector.shape_cast %parallel_loop3A_413 : vector<1x1x1x16xf32> to vector<16xf32>
        %parallel_loop3A_415 = vector.shape_cast %parallel_loop3A_406 : vector<16xf32> to vector<1x1x1x16xf32>
        tpu.vector_store %arg7[%parallel_loop3A_409, %parallel_loop3A_410, %parallel_loop3A_411, %parallel_loop3A_412], %parallel_loop3A_415 {strides = array<i32>} : memref<4x2x16x256xf32, #tpu.memory_space<vmem>>, vector<1x1x1x16xf32>,
        %parallel_loop3A_416 = arith.constant 1 : i32
        %parallel_loop3A_417 = arith.constant 1 : i32
        %parallel_loop3A_418 = arith.index_cast %parallel_loop3A_416 : i32 to index
        %parallel_loop3A_419 = arith.index_cast %parallel_loop3A_417 : i32 to index
        %parallel_loop3A_420 = arith.index_cast %parallel_loop3A_393 : i32 to index
        %parallel_loop3A_421 = arith.constant 0 : index
        %parallel_loop3A_422 = tpu.vector_load %arg6[%parallel_loop3A_418, %parallel_loop3A_419, %parallel_loop3A_420, %parallel_loop3A_421] {strides = array<i32>} : memref<4x2x16x256xf32, #tpu.memory_space<vmem>>, vector<1x1x1x16xf32>,
        %parallel_loop3A_423 = vector.shape_cast %parallel_loop3A_422 : vector<1x1x1x16xf32> to vector<16xf32>
        %parallel_loop3A_424 = arith.addf %parallel_loop3A_423, %parallel_loop3A_397 : vector<16xf32>
        %parallel_loop3A_425 = arith.constant 1 : i32
        %parallel_loop3A_426 = arith.constant 1 : i32
        %parallel_loop3A_427 = arith.index_cast %parallel_loop3A_425 : i32 to index
        %parallel_loop3A_428 = arith.index_cast %parallel_loop3A_426 : i32 to index
        %parallel_loop3A_429 = arith.index_cast %parallel_loop3A_393 : i32 to index
        %parallel_loop3A_430 = arith.constant 0 : index
        %parallel_loop3A_431 = tpu.vector_load %arg7[%parallel_loop3A_427, %parallel_loop3A_428, %parallel_loop3A_429, %parallel_loop3A_430] {strides = array<i32>} : memref<4x2x16x256xf32, #tpu.memory_space<vmem>>, vector<1x1x1x16xf32>,
        %parallel_loop3A_432 = vector.shape_cast %parallel_loop3A_431 : vector<1x1x1x16xf32> to vector<16xf32>
        %parallel_loop3A_433 = vector.shape_cast %parallel_loop3A_424 : vector<16xf32> to vector<1x1x1x16xf32>
        tpu.vector_store %arg7[%parallel_loop3A_427, %parallel_loop3A_428, %parallel_loop3A_429, %parallel_loop3A_430], %parallel_loop3A_433 {strides = array<i32>} : memref<4x2x16x256xf32, #tpu.memory_space<vmem>>, vector<1x1x1x16xf32>,
        %parallel_loop3A_434 = arith.index_cast %parallel_loop3A_393 : i32 to index
        %parallel_loop3A_435 = arith.constant 16 : index
        %parallel_loop3A_436 = tpu.vector_load %arg5[%parallel_loop3A_434, %parallel_loop3A_435] {strides = array<i32>} : memref<16x256xf32, #tpu.memory_space<vmem>>, vector<1x16xf32>,
        %parallel_loop3A_437 = vector.shape_cast %parallel_loop3A_436 : vector<1x16xf32> to vector<16xf32>
        %parallel_loop3A_438 = arith.constant 1 : i32
        %parallel_loop3A_439 = arith.constant 0 : i32
        %parallel_loop3A_440 = arith.index_cast %parallel_loop3A_438 : i32 to index
        %parallel_loop3A_441 = arith.index_cast %parallel_loop3A_439 : i32 to index
        %parallel_loop3A_442 = arith.index_cast %parallel_loop3A_393 : i32 to index
        %parallel_loop3A_443 = arith.constant 16 : index
        %parallel_loop3A_444 = tpu.vector_load %arg6[%parallel_loop3A_440, %parallel_loop3A_441, %parallel_loop3A_442, %parallel_loop3A_443] {strides = array<i32>} : memref<4x2x16x256xf32, #tpu.memory_space<vmem>>, vector<1x1x1x16xf32>,
        %parallel_loop3A_445 = vector.shape_cast %parallel_loop3A_444 : vector<1x1x1x16xf32> to vector<16xf32>
        %parallel_loop3A_446 = arith.addf %parallel_loop3A_445, %parallel_loop3A_437 : vector<16xf32>
        %parallel_loop3A_447 = arith.constant 1 : i32
        %parallel_loop3A_448 = arith.constant 0 : i32
        %parallel_loop3A_449 = arith.index_cast %parallel_loop3A_447 : i32 to index
        %parallel_loop3A_450 = arith.index_cast %parallel_loop3A_448 : i32 to index
        %parallel_loop3A_451 = arith.index_cast %parallel_loop3A_393 : i32 to index
        %parallel_loop3A_452 = arith.constant 16 : index
        %parallel_loop3A_453 = tpu.vector_load %arg7[%parallel_loop3A_449, %parallel_loop3A_450, %parallel_loop3A_451, %parallel_loop3A_452] {strides = array<i32>} : memref<4x2x16x256xf32, #tpu.memory_space<vmem>>, vector<1x1x1x16xf32>,
        %parallel_loop3A_454 = vector.shape_cast %parallel_loop3A_453 : vector<1x1x1x16xf32> to vector<16xf32>
        %parallel_loop3A_455 = vector.shape_cast %parallel_loop3A_446 : vector<16xf32> to vector<1x1x1x16xf32>
        tpu.vector_store %arg7[%parallel_loop3A_449, %parallel_loop3A_450, %parallel_loop3A_451, %parallel_loop3A_452], %parallel_loop3A_455 {strides = array<i32>} : memref<4x2x16x256xf32, #tpu.memory_space<vmem>>, vector<1x1x1x16xf32>,
        %parallel_loop3A_456 = arith.constant 1 : i32
        %parallel_loop3A_457 = arith.constant 1 : i32
        %parallel_loop3A_458 = arith.index_cast %parallel_loop3A_456 : i32 to index
        %parallel_loop3A_459 = arith.index_cast %parallel_loop3A_457 : i32 to index
        %parallel_loop3A_460 = arith.index_cast %parallel_loop3A_393 : i32 to index
        %parallel_loop3A_461 = arith.constant 16 : index
        %parallel_loop3A_462 = tpu.vector_load %arg6[%parallel_loop3A_458, %parallel_loop3A_459, %parallel_loop3A_460, %parallel_loop3A_461] {strides = array<i32>} : memref<4x2x16x256xf32, #tpu.memory_space<vmem>>, vector<1x1x1x16xf32>,
        %parallel_loop3A_463 = vector.shape_cast %parallel_loop3A_462 : vector<1x1x1x16xf32> to vector<16xf32>
        %parallel_loop3A_464 = arith.addf %parallel_loop3A_463, %parallel_loop3A_437 : vector<16xf32>
        %parallel_loop3A_465 = arith.constant 1 : i32
        %parallel_loop3A_466 = arith.constant 1 : i32
        %parallel_loop3A_467 = arith.index_cast %parallel_loop3A_465 : i32 to index
        %parallel_loop3A_468 = arith.index_cast %parallel_loop3A_466 : i32 to index
        %parallel_loop3A_469 = arith.index_cast %parallel_loop3A_393 : i32 to index
        %parallel_loop3A_470 = arith.constant 16 : index
        %parallel_loop3A_471 = tpu.vector_load %arg7[%parallel_loop3A_467, %parallel_loop3A_468, %parallel_loop3A_469, %parallel_loop3A_470] {strides = array<i32>} : memref<4x2x16x256xf32, #tpu.memory_space<vmem>>, vector<1x1x1x16xf32>,
        %parallel_loop3A_472 = vector.shape_cast %parallel_loop3A_471 : vector<1x1x1x16xf32> to vector<16xf32>
        %parallel_loop3A_473 = vector.shape_cast %parallel_loop3A_464 : vector<16xf32> to vector<1x1x1x16xf32>
        tpu.vector_store %arg7[%parallel_loop3A_467, %parallel_loop3A_468, %parallel_loop3A_469, %parallel_loop3A_470], %parallel_loop3A_473 {strides = array<i32>} : memref<4x2x16x256xf32, #tpu.memory_space<vmem>>, vector<1x1x1x16xf32>,
        %parallel_loop3A_474 = arith.index_cast %parallel_loop3A_393 : i32 to index
        %parallel_loop3A_475 = arith.constant 32 : index
        %parallel_loop3A_476 = tpu.vector_load %arg5[%parallel_loop3A_474, %parallel_loop3A_475] {strides = array<i32>} : memref<16x256xf32, #tpu.memory_space<vmem>>, vector<1x16xf32>,
        %parallel_loop3A_477 = vector.shape_cast %parallel_loop3A_476 : vector<1x16xf32> to vector<16xf32>
        %parallel_loop3A_478 = arith.constant 1 : i32
        %parallel_loop3A_479 = arith.constant 0 : i32
        %parallel_loop3A_480 = arith.index_cast %parallel_loop3A_478 : i32 to index
        %parallel_loop3A_481 = arith.index_cast %parallel_loop3A_479 : i32 to index
        %parallel_loop3A_482 = arith.index_cast %parallel_loop3A_393 : i32 to index
        %parallel_loop3A_483 = arith.constant 32 : index
        %parallel_loop3A_484 = tpu.vector_load %arg6[%parallel_loop3A_480, %parallel_loop3A_481, %parallel_loop3A_482, %parallel_loop3A_483] {strides = array<i32>} : memref<4x2x16x256xf32, #tpu.memory_space<vmem>>, vector<1x1x1x16xf32>,
        %parallel_loop3A_485 = vector.shape_cast %parallel_loop3A_484 : vector<1x1x1x16xf32> to vector<16xf32>
        %parallel_loop3A_486 = arith.addf %parallel_loop3A_485, %parallel_loop3A_477 : vector<16xf32>
        %parallel_loop3A_487 = arith.constant 1 : i32
        %parallel_loop3A_488 = arith.constant 0 : i32
        %parallel_loop3A_489 = arith.index_cast %parallel_loop3A_487 : i32 to index
        %parallel_loop3A_490 = arith.index_cast %parallel_loop3A_488 : i32 to index
        %parallel_loop3A_491 = arith.index_cast %parallel_loop3A_393 : i32 to index
        %parallel_loop3A_492 = arith.constant 32 : index
        %parallel_loop3A_493 = tpu.vector_load %arg7[%parallel_loop3A_489, %parallel_loop3A_490, %parallel_loop3A_491, %parallel_loop3A_492] {strides = array<i32>} : memref<4x2x16x256xf32, #tpu.memory_space<vmem>>, vector<1x1x1x16xf32>,
        %parallel_loop3A_494 = vector.shape_cast %parallel_loop3A_493 : vector<1x1x1x16xf32> to vector<16xf32>
        %parallel_loop3A_495 = vector.shape_cast %parallel_loop3A_486 : vector<16xf32> to vector<1x1x1x16xf32>
        tpu.vector_store %arg7[%parallel_loop3A_489, %parallel_loop3A_490, %parallel_loop3A_491, %parallel_loop3A_492], %parallel_loop3A_495 {strides = array<i32>} : memref<4x2x16x256xf32, #tpu.memory_space<vmem>>, vector<1x1x1x16xf32>,
        %parallel_loop3A_496 = arith.constant 1 : i32
        %parallel_loop3A_497 = arith.constant 1 : i32
        %parallel_loop3A_498 = arith.index_cast %parallel_loop3A_496 : i32 to index
        %parallel_loop3A_499 = arith.index_cast %parallel_loop3A_497 : i32 to index
        %parallel_loop3A_500 = arith.index_cast %parallel_loop3A_393 : i32 to index
        %parallel_loop3A_501 = arith.constant 32 : index
        %parallel_loop3A_502 = tpu.vector_load %arg6[%parallel_loop3A_498, %parallel_loop3A_499, %parallel_loop3A_500, %parallel_loop3A_501] {strides = array<i32>} : memref<4x2x16x256xf32, #tpu.memory_space<vmem>>, vector<1x1x1x16xf32>,
        %parallel_loop3A_503 = vector.shape_cast %parallel_loop3A_502 : vector<1x1x1x16xf32> to vector<16xf32>
        %parallel_loop3A_504 = arith.addf %parallel_loop3A_503, %parallel_loop3A_477 : vector<16xf32>
        %parallel_loop3A_505 = arith.constant 1 : i32
        %parallel_loop3A_506 = arith.constant 1 : i32
        %parallel_loop3A_507 = arith.index_cast %parallel_loop3A_505 : i32 to index
        %parallel_loop3A_508 = arith.index_cast %parallel_loop3A_506 : i32 to index
        %parallel_loop3A_509 = arith.index_cast %parallel_loop3A_393 : i32 to index
        %parallel_loop3A_510 = arith.constant 32 : index
        %parallel_loop3A_511 = tpu.vector_load %arg7[%parallel_loop3A_507, %parallel_loop3A_508, %parallel_loop3A_509, %parallel_loop3A_510] {strides = array<i32>} : memref<4x2x16x256xf32, #tpu.memory_space<vmem>>, vector<1x1x1x16xf32>,
        %parallel_loop3A_512 = vector.shape_cast %parallel_loop3A_511 : vector<1x1x1x16xf32> to vector<16xf32>
        %parallel_loop3A_513 = vector.shape_cast %parallel_loop3A_504 : vector<16xf32> to vector<1x1x1x16xf32>
        tpu.vector_store %arg7[%parallel_loop3A_507, %parallel_loop3A_508, %parallel_loop3A_509, %parallel_loop3A_510], %parallel_loop3A_513 {strides = array<i32>} : memref<4x2x16x256xf32, #tpu.memory_space<vmem>>, vector<1x1x1x16xf32>,
        %parallel_loop3A_514 = arith.index_cast %parallel_loop3A_393 : i32 to index
        %parallel_loop3A_515 = arith.constant 48 : index
        %parallel_loop3A_516 = tpu.vector_load %arg5[%parallel_loop3A_514, %parallel_loop3A_515] {strides = array<i32>} : memref<16x256xf32, #tpu.memory_space<vmem>>, vector<1x16xf32>,
        %parallel_loop3A_517 = vector.shape_cast %parallel_loop3A_516 : vector<1x16xf32> to vector<16xf32>
        %parallel_loop3A_518 = arith.constant 1 : i32
        %parallel_loop3A_519 = arith.constant 0 : i32
        %parallel_loop3A_520 = arith.index_cast %parallel_loop3A_518 : i32 to index
        %parallel_loop3A_521 = arith.index_cast %parallel_loop3A_519 : i32 to index
        %parallel_loop3A_522 = arith.index_cast %parallel_loop3A_393 : i32 to index
        %parallel_loop3A_523 = arith.constant 48 : index
        %parallel_loop3A_524 = tpu.vector_load %arg6[%parallel_loop3A_520, %parallel_loop3A_521, %parallel_loop3A_522, %parallel_loop3A_523] {strides = array<i32>} : memref<4x2x16x256xf32, #tpu.memory_space<vmem>>, vector<1x1x1x16xf32>,
        %parallel_loop3A_525 = vector.shape_cast %parallel_loop3A_524 : vector<1x1x1x16xf32> to vector<16xf32>
        %parallel_loop3A_526 = arith.addf %parallel_loop3A_525, %parallel_loop3A_517 : vector<16xf32>
        %parallel_loop3A_527 = arith.constant 1 : i32
        %parallel_loop3A_528 = arith.constant 0 : i32
        %parallel_loop3A_529 = arith.index_cast %parallel_loop3A_527 : i32 to index
        %parallel_loop3A_530 = arith.index_cast %parallel_loop3A_528 : i32 to index
        %parallel_loop3A_531 = arith.index_cast %parallel_loop3A_393 : i32 to index
        %parallel_loop3A_532 = arith.constant 48 : index
        %parallel_loop3A_533 = tpu.vector_load %arg7[%parallel_loop3A_529, %parallel_loop3A_530, %parallel_loop3A_531, %parallel_loop3A_532] {strides = array<i32>} : memref<4x2x16x256xf32, #tpu.memory_space<vmem>>, vector<1x1x1x16xf32>,
        %parallel_loop3A_534 = vector.shape_cast %parallel_loop3A_533 : vector<1x1x1x16xf32> to vector<16xf32>
        %parallel_loop3A_535 = vector.shape_cast %parallel_loop3A_526 : vector<16xf32> to vector<1x1x1x16xf32>
        tpu.vector_store %arg7[%parallel_loop3A_529, %parallel_loop3A_530, %parallel_loop3A_531, %parallel_loop3A_532], %parallel_loop3A_535 {strides = array<i32>} : memref<4x2x16x256xf32, #tpu.memory_space<vmem>>, vector<1x1x1x16xf32>,
        %parallel_loop3A_536 = arith.constant 1 : i32
        %parallel_loop3A_537 = arith.constant 1 : i32
        %parallel_loop3A_538 = arith.index_cast %parallel_loop3A_536 : i32 to index
        %parallel_loop3A_539 = arith.index_cast %parallel_loop3A_537 : i32 to index
        %parallel_loop3A_540 = arith.index_cast %parallel_loop3A_393 : i32 to index
        %parallel_loop3A_541 = arith.constant 48 : index
        %parallel_loop3A_542 = tpu.vector_load %arg6[%parallel_loop3A_538, %parallel_loop3A_539, %parallel_loop3A_540, %parallel_loop3A_541] {strides = array<i32>} : memref<4x2x16x256xf32, #tpu.memory_space<vmem>>, vector<1x1x1x16xf32>,
        %parallel_loop3A_543 = vector.shape_cast %parallel_loop3A_542 : vector<1x1x1x16xf32> to vector<16xf32>
        %parallel_loop3A_544 = arith.addf %parallel_loop3A_543, %parallel_loop3A_517 : vector<16xf32>
        %parallel_loop3A_545 = arith.constant 1 : i32
        %parallel_loop3A_546 = arith.constant 1 : i32
        %parallel_loop3A_547 = arith.index_cast %parallel_loop3A_545 : i32 to index
        %parallel_loop3A_548 = arith.index_cast %parallel_loop3A_546 : i32 to index
        %parallel_loop3A_549 = arith.index_cast %parallel_loop3A_393 : i32 to index
        %parallel_loop3A_550 = arith.constant 48 : index
        %parallel_loop3A_551 = tpu.vector_load %arg7[%parallel_loop3A_547, %parallel_loop3A_548, %parallel_loop3A_549, %parallel_loop3A_550] {strides = array<i32>} : memref<4x2x16x256xf32, #tpu.memory_space<vmem>>, vector<1x1x1x16xf32>,
        %parallel_loop3A_552 = vector.shape_cast %parallel_loop3A_551 : vector<1x1x1x16xf32> to vector<16xf32>
        %parallel_loop3A_553 = vector.shape_cast %parallel_loop3A_544 : vector<16xf32> to vector<1x1x1x16xf32>
        tpu.vector_store %arg7[%parallel_loop3A_547, %parallel_loop3A_548, %parallel_loop3A_549, %parallel_loop3A_550], %parallel_loop3A_553 {strides = array<i32>} : memref<4x2x16x256xf32, #tpu.memory_space<vmem>>, vector<1x1x1x16xf32>,
        %parallel_loop3A_554 = arith.index_cast %parallel_loop3A_393 : i32 to index
        %parallel_loop3A_555 = arith.constant 64 : index
        %parallel_loop3A_556 = tpu.vector_load %arg5[%parallel_loop3A_554, %parallel_loop3A_555] {strides = array<i32>} : memref<16x256xf32, #tpu.memory_space<vmem>>, vector<1x16xf32>,
        %parallel_loop3A_557 = vector.shape_cast %parallel_loop3A_556 : vector<1x16xf32> to vector<16xf32>
        %parallel_loop3A_558 = arith.constant 1 : i32
        %parallel_loop3A_559 = arith.constant 0 : i32
        %parallel_loop3A_560 = arith.index_cast %parallel_loop3A_558 : i32 to index
        %parallel_loop3A_561 = arith.index_cast %parallel_loop3A_559 : i32 to index
        %parallel_loop3A_562 = arith.index_cast %parallel_loop3A_393 : i32 to index
        %parallel_loop3A_563 = arith.constant 64 : index
        %parallel_loop3A_564 = tpu.vector_load %arg6[%parallel_loop3A_560, %parallel_loop3A_561, %parallel_loop3A_562, %parallel_loop3A_563] {strides = array<i32>} : memref<4x2x16x256xf32, #tpu.memory_space<vmem>>, vector<1x1x1x16xf32>,
        %parallel_loop3A_565 = vector.shape_cast %parallel_loop3A_564 : vector<1x1x1x16xf32> to vector<16xf32>
        %parallel_loop3A_566 = arith.addf %parallel_loop3A_565, %parallel_loop3A_557 : vector<16xf32>
        %parallel_loop3A_567 = arith.constant 1 : i32
        %parallel_loop3A_568 = arith.constant 0 : i32
        %parallel_loop3A_569 = arith.index_cast %parallel_loop3A_567 : i32 to index
        %parallel_loop3A_570 = arith.index_cast %parallel_loop3A_568 : i32 to index
        %parallel_loop3A_571 = arith.index_cast %parallel_loop3A_393 : i32 to index
        %parallel_loop3A_572 = arith.constant 64 : index
        %parallel_loop3A_573 = tpu.vector_load %arg7[%parallel_loop3A_569, %parallel_loop3A_570, %parallel_loop3A_571, %parallel_loop3A_572] {strides = array<i32>} : memref<4x2x16x256xf32, #tpu.memory_space<vmem>>, vector<1x1x1x16xf32>,
        %parallel_loop3A_574 = vector.shape_cast %parallel_loop3A_573 : vector<1x1x1x16xf32> to vector<16xf32>
        %parallel_loop3A_575 = vector.shape_cast %parallel_loop3A_566 : vector<16xf32> to vector<1x1x1x16xf32>
        tpu.vector_store %arg7[%parallel_loop3A_569, %parallel_loop3A_570, %parallel_loop3A_571, %parallel_loop3A_572], %parallel_loop3A_575 {strides = array<i32>} : memref<4x2x16x256xf32, #tpu.memory_space<vmem>>, vector<1x1x1x16xf32>,
        %parallel_loop3A_576 = arith.constant 1 : i32
        %parallel_loop3A_577 = arith.constant 1 : i32
        %parallel_loop3A_578 = arith.index_cast %parallel_loop3A_576 : i32 to index
        %parallel_loop3A_579 = arith.index_cast %parallel_loop3A_577 : i32 to index
        %parallel_loop3A_580 = arith.index_cast %parallel_loop3A_393 : i32 to index
        %parallel_loop3A_581 = arith.constant 64 : index
        %parallel_loop3A_582 = tpu.vector_load %arg6[%parallel_loop3A_578, %parallel_loop3A_579, %parallel_loop3A_580, %parallel_loop3A_581] {strides = array<i32>} : memref<4x2x16x256xf32, #tpu.memory_space<vmem>>, vector<1x1x1x16xf32>,
        %parallel_loop3A_583 = vector.shape_cast %parallel_loop3A_582 : vector<1x1x1x16xf32> to vector<16xf32>
        %parallel_loop3A_584 = arith.addf %parallel_loop3A_583, %parallel_loop3A_557 : vector<16xf32>
        %parallel_loop3A_585 = arith.constant 1 : i32
        %parallel_loop3A_586 = arith.constant 1 : i32
        %parallel_loop3A_587 = arith.index_cast %parallel_loop3A_585 : i32 to index
        %parallel_loop3A_588 = arith.index_cast %parallel_loop3A_586 : i32 to index
        %parallel_loop3A_589 = arith.index_cast %parallel_loop3A_393 : i32 to index
        %parallel_loop3A_590 = arith.constant 64 : index
        %parallel_loop3A_591 = tpu.vector_load %arg7[%parallel_loop3A_587, %parallel_loop3A_588, %parallel_loop3A_589, %parallel_loop3A_590] {strides = array<i32>} : memref<4x2x16x256xf32, #tpu.memory_space<vmem>>, vector<1x1x1x16xf32>,
        %parallel_loop3A_592 = vector.shape_cast %parallel_loop3A_591 : vector<1x1x1x16xf32> to vector<16xf32>
        %parallel_loop3A_593 = vector.shape_cast %parallel_loop3A_584 : vector<16xf32> to vector<1x1x1x16xf32>
        tpu.vector_store %arg7[%parallel_loop3A_587, %parallel_loop3A_588, %parallel_loop3A_589, %parallel_loop3A_590], %parallel_loop3A_593 {strides = array<i32>} : memref<4x2x16x256xf32, #tpu.memory_space<vmem>>, vector<1x1x1x16xf32>,
        %parallel_loop3A_594 = arith.index_cast %parallel_loop3A_393 : i32 to index
        %parallel_loop3A_595 = arith.constant 80 : index
        %parallel_loop3A_596 = tpu.vector_load %arg5[%parallel_loop3A_594, %parallel_loop3A_595] {strides = array<i32>} : memref<16x256xf32, #tpu.memory_space<vmem>>, vector<1x16xf32>,
        %parallel_loop3A_597 = vector.shape_cast %parallel_loop3A_596 : vector<1x16xf32> to vector<16xf32>
        %parallel_loop3A_598 = arith.constant 1 : i32
        %parallel_loop3A_599 = arith.constant 0 : i32
        %parallel_loop3A_600 = arith.index_cast %parallel_loop3A_598 : i32 to index
        %parallel_loop3A_601 = arith.index_cast %parallel_loop3A_599 : i32 to index
        %parallel_loop3A_602 = arith.index_cast %parallel_loop3A_393 : i32 to index
        %parallel_loop3A_603 = arith.constant 80 : index
        %parallel_loop3A_604 = tpu.vector_load %arg6[%parallel_loop3A_600, %parallel_loop3A_601, %parallel_loop3A_602, %parallel_loop3A_603] {strides = array<i32>} : memref<4x2x16x256xf32, #tpu.memory_space<vmem>>, vector<1x1x1x16xf32>,
        %parallel_loop3A_605 = vector.shape_cast %parallel_loop3A_604 : vector<1x1x1x16xf32> to vector<16xf32>
        %parallel_loop3A_606 = arith.addf %parallel_loop3A_605, %parallel_loop3A_597 : vector<16xf32>
        %parallel_loop3A_607 = arith.constant 1 : i32
        %parallel_loop3A_608 = arith.constant 0 : i32
        %parallel_loop3A_609 = arith.index_cast %parallel_loop3A_607 : i32 to index
        %parallel_loop3A_610 = arith.index_cast %parallel_loop3A_608 : i32 to index
        %parallel_loop3A_611 = arith.index_cast %parallel_loop3A_393 : i32 to index
        %parallel_loop3A_612 = arith.constant 80 : index
        %parallel_loop3A_613 = tpu.vector_load %arg7[%parallel_loop3A_609, %parallel_loop3A_610, %parallel_loop3A_611, %parallel_loop3A_612] {strides = array<i32>} : memref<4x2x16x256xf32, #tpu.memory_space<vmem>>, vector<1x1x1x16xf32>,
        %parallel_loop3A_614 = vector.shape_cast %parallel_loop3A_613 : vector<1x1x1x16xf32> to vector<16xf32>
        %parallel_loop3A_615 = vector.shape_cast %parallel_loop3A_606 : vector<16xf32> to vector<1x1x1x16xf32>
        tpu.vector_store %arg7[%parallel_loop3A_609, %parallel_loop3A_610, %parallel_loop3A_611, %parallel_loop3A_612], %parallel_loop3A_615 {strides = array<i32>} : memref<4x2x16x256xf32, #tpu.memory_space<vmem>>, vector<1x1x1x16xf32>,
        %parallel_loop3A_616 = arith.constant 1 : i32
        %parallel_loop3A_617 = arith.constant 1 : i32
        %parallel_loop3A_618 = arith.index_cast %parallel_loop3A_616 : i32 to index
        %parallel_loop3A_619 = arith.index_cast %parallel_loop3A_617 : i32 to index
        %parallel_loop3A_620 = arith.index_cast %parallel_loop3A_393 : i32 to index
        %parallel_loop3A_621 = arith.constant 80 : index
        %parallel_loop3A_622 = tpu.vector_load %arg6[%parallel_loop3A_618, %parallel_loop3A_619, %parallel_loop3A_620, %parallel_loop3A_621] {strides = array<i32>} : memref<4x2x16x256xf32, #tpu.memory_space<vmem>>, vector<1x1x1x16xf32>,
        %parallel_loop3A_623 = vector.shape_cast %parallel_loop3A_622 : vector<1x1x1x16xf32> to vector<16xf32>
        %parallel_loop3A_624 = arith.addf %parallel_loop3A_623, %parallel_loop3A_597 : vector<16xf32>
        %parallel_loop3A_625 = arith.constant 1 : i32
        %parallel_loop3A_626 = arith.constant 1 : i32
        %parallel_loop3A_627 = arith.index_cast %parallel_loop3A_625 : i32 to index
        %parallel_loop3A_628 = arith.index_cast %parallel_loop3A_626 : i32 to index
        %parallel_loop3A_629 = arith.index_cast %parallel_loop3A_393 : i32 to index
        %parallel_loop3A_630 = arith.constant 80 : index
        %parallel_loop3A_631 = tpu.vector_load %arg7[%parallel_loop3A_627, %parallel_loop3A_628, %parallel_loop3A_629, %parallel_loop3A_630] {strides = array<i32>} : memref<4x2x16x256xf32, #tpu.memory_space<vmem>>, vector<1x1x1x16xf32>,
        %parallel_loop3A_632 = vector.shape_cast %parallel_loop3A_631 : vector<1x1x1x16xf32> to vector<16xf32>
        %parallel_loop3A_633 = vector.shape_cast %parallel_loop3A_624 : vector<16xf32> to vector<1x1x1x16xf32>
        tpu.vector_store %arg7[%parallel_loop3A_627, %parallel_loop3A_628, %parallel_loop3A_629, %parallel_loop3A_630], %parallel_loop3A_633 {strides = array<i32>} : memref<4x2x16x256xf32, #tpu.memory_space<vmem>>, vector<1x1x1x16xf32>,
        %parallel_loop3A_634 = arith.index_cast %parallel_loop3A_393 : i32 to index
        %parallel_loop3A_635 = arith.constant 96 : index
        %parallel_loop3A_636 = tpu.vector_load %arg5[%parallel_loop3A_634, %parallel_loop3A_635] {strides = array<i32>} : memref<16x256xf32, #tpu.memory_space<vmem>>, vector<1x16xf32>,
        %parallel_loop3A_637 = vector.shape_cast %parallel_loop3A_636 : vector<1x16xf32> to vector<16xf32>
        %parallel_loop3A_638 = arith.constant 1 : i32
        %parallel_loop3A_639 = arith.constant 0 : i32
        %parallel_loop3A_640 = arith.index_cast %parallel_loop3A_638 : i32 to index
        %parallel_loop3A_641 = arith.index_cast %parallel_loop3A_639 : i32 to index
        %parallel_loop3A_642 = arith.index_cast %parallel_loop3A_393 : i32 to index
        %parallel_loop3A_643 = arith.constant 96 : index
        %parallel_loop3A_644 = tpu.vector_load %arg6[%parallel_loop3A_640, %parallel_loop3A_641, %parallel_loop3A_642, %parallel_loop3A_643] {strides = array<i32>} : memref<4x2x16x256xf32, #tpu.memory_space<vmem>>, vector<1x1x1x16xf32>,
        %parallel_loop3A_645 = vector.shape_cast %parallel_loop3A_644 : vector<1x1x1x16xf32> to vector<16xf32>
        %parallel_loop3A_646 = arith.addf %parallel_loop3A_645, %parallel_loop3A_637 : vector<16xf32>
        %parallel_loop3A_647 = arith.constant 1 : i32
        %parallel_loop3A_648 = arith.constant 0 : i32
        %parallel_loop3A_649 = arith.index_cast %parallel_loop3A_647 : i32 to index
        %parallel_loop3A_650 = arith.index_cast %parallel_loop3A_648 : i32 to index
        %parallel_loop3A_651 = arith.index_cast %parallel_loop3A_393 : i32 to index
        %parallel_loop3A_652 = arith.constant 96 : index
        %parallel_loop3A_653 = tpu.vector_load %arg7[%parallel_loop3A_649, %parallel_loop3A_650, %parallel_loop3A_651, %parallel_loop3A_652] {strides = array<i32>} : memref<4x2x16x256xf32, #tpu.memory_space<vmem>>, vector<1x1x1x16xf32>,
        %parallel_loop3A_654 = vector.shape_cast %parallel_loop3A_653 : vector<1x1x1x16xf32> to vector<16xf32>
        %parallel_loop3A_655 = vector.shape_cast %parallel_loop3A_646 : vector<16xf32> to vector<1x1x1x16xf32>
        tpu.vector_store %arg7[%parallel_loop3A_649, %parallel_loop3A_650, %parallel_loop3A_651, %parallel_loop3A_652], %parallel_loop3A_655 {strides = array<i32>} : memref<4x2x16x256xf32, #tpu.memory_space<vmem>>, vector<1x1x1x16xf32>,
        %parallel_loop3A_656 = arith.constant 1 : i32
        %parallel_loop3A_657 = arith.constant 1 : i32
        %parallel_loop3A_658 = arith.index_cast %parallel_loop3A_656 : i32 to index
        %parallel_loop3A_659 = arith.index_cast %parallel_loop3A_657 : i32 to index
        %parallel_loop3A_660 = arith.index_cast %parallel_loop3A_393 : i32 to index
        %parallel_loop3A_661 = arith.constant 96 : index
        %parallel_loop3A_662 = tpu.vector_load %arg6[%parallel_loop3A_658, %parallel_loop3A_659, %parallel_loop3A_660, %parallel_loop3A_661] {strides = array<i32>} : memref<4x2x16x256xf32, #tpu.memory_space<vmem>>, vector<1x1x1x16xf32>,
        %parallel_loop3A_663 = vector.shape_cast %parallel_loop3A_662 : vector<1x1x1x16xf32> to vector<16xf32>
        %parallel_loop3A_664 = arith.addf %parallel_loop3A_663, %parallel_loop3A_637 : vector<16xf32>
        %parallel_loop3A_665 = arith.constant 1 : i32
        %parallel_loop3A_666 = arith.constant 1 : i32
        %parallel_loop3A_667 = arith.index_cast %parallel_loop3A_665 : i32 to index
        %parallel_loop3A_668 = arith.index_cast %parallel_loop3A_666 : i32 to index
        %parallel_loop3A_669 = arith.index_cast %parallel_loop3A_393 : i32 to index
        %parallel_loop3A_670 = arith.constant 96 : index
        %parallel_loop3A_671 = tpu.vector_load %arg7[%parallel_loop3A_667, %parallel_loop3A_668, %parallel_loop3A_669, %parallel_loop3A_670] {strides = array<i32>} : memref<4x2x16x256xf32, #tpu.memory_space<vmem>>, vector<1x1x1x16xf32>,
        %parallel_loop3A_672 = vector.shape_cast %parallel_loop3A_671 : vector<1x1x1x16xf32> to vector<16xf32>
        %parallel_loop3A_673 = vector.shape_cast %parallel_loop3A_664 : vector<16xf32> to vector<1x1x1x16xf32>
        tpu.vector_store %arg7[%parallel_loop3A_667, %parallel_loop3A_668, %parallel_loop3A_669, %parallel_loop3A_670], %parallel_loop3A_673 {strides = array<i32>} : memref<4x2x16x256xf32, #tpu.memory_space<vmem>>, vector<1x1x1x16xf32>,
        %parallel_loop3A_674 = arith.index_cast %parallel_loop3A_393 : i32 to index
        %parallel_loop3A_675 = arith.constant 112 : index
        %parallel_loop3A_676 = tpu.vector_load %arg5[%parallel_loop3A_674, %parallel_loop3A_675] {strides = array<i32>} : memref<16x256xf32, #tpu.memory_space<vmem>>, vector<1x16xf32>,
        %parallel_loop3A_677 = vector.shape_cast %parallel_loop3A_676 : vector<1x16xf32> to vector<16xf32>
        %parallel_loop3A_678 = arith.constant 1 : i32
        %parallel_loop3A_679 = arith.constant 0 : i32
        %parallel_loop3A_680 = arith.index_cast %parallel_loop3A_678 : i32 to index
        %parallel_loop3A_681 = arith.index_cast %parallel_loop3A_679 : i32 to index
        %parallel_loop3A_682 = arith.index_cast %parallel_loop3A_393 : i32 to index
        %parallel_loop3A_683 = arith.constant 112 : index
        %parallel_loop3A_684 = tpu.vector_load %arg6[%parallel_loop3A_680, %parallel_loop3A_681, %parallel_loop3A_682, %parallel_loop3A_683] {strides = array<i32>} : memref<4x2x16x256xf32, #tpu.memory_space<vmem>>, vector<1x1x1x16xf32>,
        %parallel_loop3A_685 = vector.shape_cast %parallel_loop3A_684 : vector<1x1x1x16xf32> to vector<16xf32>
        %parallel_loop3A_686 = arith.addf %parallel_loop3A_685, %parallel_loop3A_677 : vector<16xf32>
        %parallel_loop3A_687 = arith.constant 1 : i32
        %parallel_loop3A_688 = arith.constant 0 : i32
        %parallel_loop3A_689 = arith.index_cast %parallel_loop3A_687 : i32 to index
        %parallel_loop3A_690 = arith.index_cast %parallel_loop3A_688 : i32 to index
        %parallel_loop3A_691 = arith.index_cast %parallel_loop3A_393 : i32 to index
        %parallel_loop3A_692 = arith.constant 112 : index
        %parallel_loop3A_693 = tpu.vector_load %arg7[%parallel_loop3A_689, %parallel_loop3A_690, %parallel_loop3A_691, %parallel_loop3A_692] {strides = array<i32>} : memref<4x2x16x256xf32, #tpu.memory_space<vmem>>, vector<1x1x1x16xf32>,
        %parallel_loop3A_694 = vector.shape_cast %parallel_loop3A_693 : vector<1x1x1x16xf32> to vector<16xf32>
        %parallel_loop3A_695 = vector.shape_cast %parallel_loop3A_686 : vector<16xf32> to vector<1x1x1x16xf32>
        tpu.vector_store %arg7[%parallel_loop3A_689, %parallel_loop3A_690, %parallel_loop3A_691, %parallel_loop3A_692], %parallel_loop3A_695 {strides = array<i32>} : memref<4x2x16x256xf32, #tpu.memory_space<vmem>>, vector<1x1x1x16xf32>,
        %parallel_loop3A_696 = arith.constant 1 : i32
        %parallel_loop3A_697 = arith.constant 1 : i32
        %parallel_loop3A_698 = arith.index_cast %parallel_loop3A_696 : i32 to index
        %parallel_loop3A_699 = arith.index_cast %parallel_loop3A_697 : i32 to index
        %parallel_loop3A_700 = arith.index_cast %parallel_loop3A_393 : i32 to index
        %parallel_loop3A_701 = arith.constant 112 : index
        %parallel_loop3A_702 = tpu.vector_load %arg6[%parallel_loop3A_698, %parallel_loop3A_699, %parallel_loop3A_700, %parallel_loop3A_701] {strides = array<i32>} : memref<4x2x16x256xf32, #tpu.memory_space<vmem>>, vector<1x1x1x16xf32>,
        %parallel_loop3A_703 = vector.shape_cast %parallel_loop3A_702 : vector<1x1x1x16xf32> to vector<16xf32>
        %parallel_loop3A_704 = arith.addf %parallel_loop3A_703, %parallel_loop3A_677 : vector<16xf32>
        %parallel_loop3A_705 = arith.constant 1 : i32
        %parallel_loop3A_706 = arith.constant 1 : i32
        %parallel_loop3A_707 = arith.index_cast %parallel_loop3A_705 : i32 to index
        %parallel_loop3A_708 = arith.index_cast %parallel_loop3A_706 : i32 to index
        %parallel_loop3A_709 = arith.index_cast %parallel_loop3A_393 : i32 to index
        %parallel_loop3A_710 = arith.constant 112 : index
        %parallel_loop3A_711 = tpu.vector_load %arg7[%parallel_loop3A_707, %parallel_loop3A_708, %parallel_loop3A_709, %parallel_loop3A_710] {strides = array<i32>} : memref<4x2x16x256xf32, #tpu.memory_space<vmem>>, vector<1x1x1x16xf32>,
        %parallel_loop3A_712 = vector.shape_cast %parallel_loop3A_711 : vector<1x1x1x16xf32> to vector<16xf32>
        %parallel_loop3A_713 = vector.shape_cast %parallel_loop3A_704 : vector<16xf32> to vector<1x1x1x16xf32>
        tpu.vector_store %arg7[%parallel_loop3A_707, %parallel_loop3A_708, %parallel_loop3A_709, %parallel_loop3A_710], %parallel_loop3A_713 {strides = array<i32>} : memref<4x2x16x256xf32, #tpu.memory_space<vmem>>, vector<1x1x1x16xf32>,
        %parallel_loop3A_714 = arith.index_cast %parallel_loop3A_393 : i32 to index
        %parallel_loop3A_715 = arith.constant 128 : index
        %parallel_loop3A_716 = tpu.vector_load %arg5[%parallel_loop3A_714, %parallel_loop3A_715] {strides = array<i32>} : memref<16x256xf32, #tpu.memory_space<vmem>>, vector<1x16xf32>,
        %parallel_loop3A_717 = vector.shape_cast %parallel_loop3A_716 : vector<1x16xf32> to vector<16xf32>
        %parallel_loop3A_718 = arith.constant 1 : i32
        %parallel_loop3A_719 = arith.constant 0 : i32
        %parallel_loop3A_720 = arith.index_cast %parallel_loop3A_718 : i32 to index
        %parallel_loop3A_721 = arith.index_cast %parallel_loop3A_719 : i32 to index
        %parallel_loop3A_722 = arith.index_cast %parallel_loop3A_393 : i32 to index
        %parallel_loop3A_723 = arith.constant 128 : index
        %parallel_loop3A_724 = tpu.vector_load %arg6[%parallel_loop3A_720, %parallel_loop3A_721, %parallel_loop3A_722, %parallel_loop3A_723] {strides = array<i32>} : memref<4x2x16x256xf32, #tpu.memory_space<vmem>>, vector<1x1x1x16xf32>,
        %parallel_loop3A_725 = vector.shape_cast %parallel_loop3A_724 : vector<1x1x1x16xf32> to vector<16xf32>
        %parallel_loop3A_726 = arith.addf %parallel_loop3A_725, %parallel_loop3A_717 : vector<16xf32>
        %parallel_loop3A_727 = arith.constant 1 : i32
        %parallel_loop3A_728 = arith.constant 0 : i32
        %parallel_loop3A_729 = arith.index_cast %parallel_loop3A_727 : i32 to index
        %parallel_loop3A_730 = arith.index_cast %parallel_loop3A_728 : i32 to index
        %parallel_loop3A_731 = arith.index_cast %parallel_loop3A_393 : i32 to index
        %parallel_loop3A_732 = arith.constant 128 : index
        %parallel_loop3A_733 = tpu.vector_load %arg7[%parallel_loop3A_729, %parallel_loop3A_730, %parallel_loop3A_731, %parallel_loop3A_732] {strides = array<i32>} : memref<4x2x16x256xf32, #tpu.memory_space<vmem>>, vector<1x1x1x16xf32>,
        %parallel_loop3A_734 = vector.shape_cast %parallel_loop3A_733 : vector<1x1x1x16xf32> to vector<16xf32>
        %parallel_loop3A_735 = vector.shape_cast %parallel_loop3A_726 : vector<16xf32> to vector<1x1x1x16xf32>
        tpu.vector_store %arg7[%parallel_loop3A_729, %parallel_loop3A_730, %parallel_loop3A_731, %parallel_loop3A_732], %parallel_loop3A_735 {strides = array<i32>} : memref<4x2x16x256xf32, #tpu.memory_space<vmem>>, vector<1x1x1x16xf32>,
        %parallel_loop3A_736 = arith.constant 1 : i32
        %parallel_loop3A_737 = arith.constant 1 : i32
        %parallel_loop3A_738 = arith.index_cast %parallel_loop3A_736 : i32 to index
        %parallel_loop3A_739 = arith.index_cast %parallel_loop3A_737 : i32 to index
        %parallel_loop3A_740 = arith.index_cast %parallel_loop3A_393 : i32 to index
        %parallel_loop3A_741 = arith.constant 128 : index
        %parallel_loop3A_742 = tpu.vector_load %arg6[%parallel_loop3A_738, %parallel_loop3A_739, %parallel_loop3A_740, %parallel_loop3A_741] {strides = array<i32>} : memref<4x2x16x256xf32, #tpu.memory_space<vmem>>, vector<1x1x1x16xf32>,
        %parallel_loop3A_743 = vector.shape_cast %parallel_loop3A_742 : vector<1x1x1x16xf32> to vector<16xf32>
        %parallel_loop3A_744 = arith.addf %parallel_loop3A_743, %parallel_loop3A_717 : vector<16xf32>
        %parallel_loop3A_745 = arith.constant 1 : i32
        %parallel_loop3A_746 = arith.constant 1 : i32
        %parallel_loop3A_747 = arith.index_cast %parallel_loop3A_745 : i32 to index
        %parallel_loop3A_748 = arith.index_cast %parallel_loop3A_746 : i32 to index
        %parallel_loop3A_749 = arith.index_cast %parallel_loop3A_393 : i32 to index
        %parallel_loop3A_750 = arith.constant 128 : index
        %parallel_loop3A_751 = tpu.vector_load %arg7[%parallel_loop3A_747, %parallel_loop3A_748, %parallel_loop3A_749, %parallel_loop3A_750] {strides = array<i32>} : memref<4x2x16x256xf32, #tpu.memory_space<vmem>>, vector<1x1x1x16xf32>,
        %parallel_loop3A_752 = vector.shape_cast %parallel_loop3A_751 : vector<1x1x1x16xf32> to vector<16xf32>
        %parallel_loop3A_753 = vector.shape_cast %parallel_loop3A_744 : vector<16xf32> to vector<1x1x1x16xf32>
        tpu.vector_store %arg7[%parallel_loop3A_747, %parallel_loop3A_748, %parallel_loop3A_749, %parallel_loop3A_750], %parallel_loop3A_753 {strides = array<i32>} : memref<4x2x16x256xf32, #tpu.memory_space<vmem>>, vector<1x1x1x16xf32>,
        %parallel_loop3A_754 = arith.index_cast %parallel_loop3A_393 : i32 to index
        %parallel_loop3A_755 = arith.constant 144 : index
        %parallel_loop3A_756 = tpu.vector_load %arg5[%parallel_loop3A_754, %parallel_loop3A_755] {strides = array<i32>} : memref<16x256xf32, #tpu.memory_space<vmem>>, vector<1x16xf32>,
        %parallel_loop3A_757 = vector.shape_cast %parallel_loop3A_756 : vector<1x16xf32> to vector<16xf32>
        %parallel_loop3A_758 = arith.constant 1 : i32
        %parallel_loop3A_759 = arith.constant 0 : i32
        %parallel_loop3A_760 = arith.index_cast %parallel_loop3A_758 : i32 to index
        %parallel_loop3A_761 = arith.index_cast %parallel_loop3A_759 : i32 to index
        %parallel_loop3A_762 = arith.index_cast %parallel_loop3A_393 : i32 to index
        %parallel_loop3A_763 = arith.constant 144 : index
        %parallel_loop3A_764 = tpu.vector_load %arg6[%parallel_loop3A_760, %parallel_loop3A_761, %parallel_loop3A_762, %parallel_loop3A_763] {strides = array<i32>} : memref<4x2x16x256xf32, #tpu.memory_space<vmem>>, vector<1x1x1x16xf32>,
        %parallel_loop3A_765 = vector.shape_cast %parallel_loop3A_764 : vector<1x1x1x16xf32> to vector<16xf32>
        %parallel_loop3A_766 = arith.addf %parallel_loop3A_765, %parallel_loop3A_757 : vector<16xf32>
        %parallel_loop3A_767 = arith.constant 1 : i32
        %parallel_loop3A_768 = arith.constant 0 : i32
        %parallel_loop3A_769 = arith.index_cast %parallel_loop3A_767 : i32 to index
        %parallel_loop3A_770 = arith.index_cast %parallel_loop3A_768 : i32 to index
        %parallel_loop3A_771 = arith.index_cast %parallel_loop3A_393 : i32 to index
        %parallel_loop3A_772 = arith.constant 144 : index
        %parallel_loop3A_773 = tpu.vector_load %arg7[%parallel_loop3A_769, %parallel_loop3A_770, %parallel_loop3A_771, %parallel_loop3A_772] {strides = array<i32>} : memref<4x2x16x256xf32, #tpu.memory_space<vmem>>, vector<1x1x1x16xf32>,
        %parallel_loop3A_774 = vector.shape_cast %parallel_loop3A_773 : vector<1x1x1x16xf32> to vector<16xf32>
        %parallel_loop3A_775 = vector.shape_cast %parallel_loop3A_766 : vector<16xf32> to vector<1x1x1x16xf32>
        tpu.vector_store %arg7[%parallel_loop3A_769, %parallel_loop3A_770, %parallel_loop3A_771, %parallel_loop3A_772], %parallel_loop3A_775 {strides = array<i32>} : memref<4x2x16x256xf32, #tpu.memory_space<vmem>>, vector<1x1x1x16xf32>,
        %parallel_loop3A_776 = arith.constant 1 : i32
        %parallel_loop3A_777 = arith.constant 1 : i32
        %parallel_loop3A_778 = arith.index_cast %parallel_loop3A_776 : i32 to index
        %parallel_loop3A_779 = arith.index_cast %parallel_loop3A_777 : i32 to index
        %parallel_loop3A_780 = arith.index_cast %parallel_loop3A_393 : i32 to index
        %parallel_loop3A_781 = arith.constant 144 : index
        %parallel_loop3A_782 = tpu.vector_load %arg6[%parallel_loop3A_778, %parallel_loop3A_779, %parallel_loop3A_780, %parallel_loop3A_781] {strides = array<i32>} : memref<4x2x16x256xf32, #tpu.memory_space<vmem>>, vector<1x1x1x16xf32>,
        %parallel_loop3A_783 = vector.shape_cast %parallel_loop3A_782 : vector<1x1x1x16xf32> to vector<16xf32>
        %parallel_loop3A_784 = arith.addf %parallel_loop3A_783, %parallel_loop3A_757 : vector<16xf32>
        %parallel_loop3A_785 = arith.constant 1 : i32
        %parallel_loop3A_786 = arith.constant 1 : i32
        %parallel_loop3A_787 = arith.index_cast %parallel_loop3A_785 : i32 to index
        %parallel_loop3A_788 = arith.index_cast %parallel_loop3A_786 : i32 to index
        %parallel_loop3A_789 = arith.index_cast %parallel_loop3A_393 : i32 to index
        %parallel_loop3A_790 = arith.constant 144 : index
        %parallel_loop3A_791 = tpu.vector_load %arg7[%parallel_loop3A_787, %parallel_loop3A_788, %parallel_loop3A_789, %parallel_loop3A_790] {strides = array<i32>} : memref<4x2x16x256xf32, #tpu.memory_space<vmem>>, vector<1x1x1x16xf32>,
        %parallel_loop3A_792 = vector.shape_cast %parallel_loop3A_791 : vector<1x1x1x16xf32> to vector<16xf32>
        %parallel_loop3A_793 = vector.shape_cast %parallel_loop3A_784 : vector<16xf32> to vector<1x1x1x16xf32>
        tpu.vector_store %arg7[%parallel_loop3A_787, %parallel_loop3A_788, %parallel_loop3A_789, %parallel_loop3A_790], %parallel_loop3A_793 {strides = array<i32>} : memref<4x2x16x256xf32, #tpu.memory_space<vmem>>, vector<1x1x1x16xf32>,
        %parallel_loop3A_794 = arith.index_cast %parallel_loop3A_393 : i32 to index
        %parallel_loop3A_795 = arith.constant 160 : index
        %parallel_loop3A_796 = tpu.vector_load %arg5[%parallel_loop3A_794, %parallel_loop3A_795] {strides = array<i32>} : memref<16x256xf32, #tpu.memory_space<vmem>>, vector<1x16xf32>,
        %parallel_loop3A_797 = vector.shape_cast %parallel_loop3A_796 : vector<1x16xf32> to vector<16xf32>
        %parallel_loop3A_798 = arith.constant 1 : i32
        %parallel_loop3A_799 = arith.constant 0 : i32
        %parallel_loop3A_800 = arith.index_cast %parallel_loop3A_798 : i32 to index
        %parallel_loop3A_801 = arith.index_cast %parallel_loop3A_799 : i32 to index
        %parallel_loop3A_802 = arith.index_cast %parallel_loop3A_393 : i32 to index
        %parallel_loop3A_803 = arith.constant 160 : index
        %parallel_loop3A_804 = tpu.vector_load %arg6[%parallel_loop3A_800, %parallel_loop3A_801, %parallel_loop3A_802, %parallel_loop3A_803] {strides = array<i32>} : memref<4x2x16x256xf32, #tpu.memory_space<vmem>>, vector<1x1x1x16xf32>,
        %parallel_loop3A_805 = vector.shape_cast %parallel_loop3A_804 : vector<1x1x1x16xf32> to vector<16xf32>
        %parallel_loop3A_806 = arith.addf %parallel_loop3A_805, %parallel_loop3A_797 : vector<16xf32>
        %parallel_loop3A_807 = arith.constant 1 : i32
        %parallel_loop3A_808 = arith.constant 0 : i32
        %parallel_loop3A_809 = arith.index_cast %parallel_loop3A_807 : i32 to index
        %parallel_loop3A_810 = arith.index_cast %parallel_loop3A_808 : i32 to index
        %parallel_loop3A_811 = arith.index_cast %parallel_loop3A_393 : i32 to index
        %parallel_loop3A_812 = arith.constant 160 : index
        %parallel_loop3A_813 = tpu.vector_load %arg7[%parallel_loop3A_809, %parallel_loop3A_810, %parallel_loop3A_811, %parallel_loop3A_812] {strides = array<i32>} : memref<4x2x16x256xf32, #tpu.memory_space<vmem>>, vector<1x1x1x16xf32>,
        %parallel_loop3A_814 = vector.shape_cast %parallel_loop3A_813 : vector<1x1x1x16xf32> to vector<16xf32>
        %parallel_loop3A_815 = vector.shape_cast %parallel_loop3A_806 : vector<16xf32> to vector<1x1x1x16xf32>
        tpu.vector_store %arg7[%parallel_loop3A_809, %parallel_loop3A_810, %parallel_loop3A_811, %parallel_loop3A_812], %parallel_loop3A_815 {strides = array<i32>} : memref<4x2x16x256xf32, #tpu.memory_space<vmem>>, vector<1x1x1x16xf32>,
        %parallel_loop3A_816 = arith.constant 1 : i32
        %parallel_loop3A_817 = arith.constant 1 : i32
        %parallel_loop3A_818 = arith.index_cast %parallel_loop3A_816 : i32 to index
        %parallel_loop3A_819 = arith.index_cast %parallel_loop3A_817 : i32 to index
        %parallel_loop3A_820 = arith.index_cast %parallel_loop3A_393 : i32 to index
        %parallel_loop3A_821 = arith.constant 160 : index
        %parallel_loop3A_822 = tpu.vector_load %arg6[%parallel_loop3A_818, %parallel_loop3A_819, %parallel_loop3A_820, %parallel_loop3A_821] {strides = array<i32>} : memref<4x2x16x256xf32, #tpu.memory_space<vmem>>, vector<1x1x1x16xf32>,
        %parallel_loop3A_823 = vector.shape_cast %parallel_loop3A_822 : vector<1x1x1x16xf32> to vector<16xf32>
        %parallel_loop3A_824 = arith.addf %parallel_loop3A_823, %parallel_loop3A_797 : vector<16xf32>
        %parallel_loop3A_825 = arith.constant 1 : i32
        %parallel_loop3A_826 = arith.constant 1 : i32
        %parallel_loop3A_827 = arith.index_cast %parallel_loop3A_825 : i32 to index
        %parallel_loop3A_828 = arith.index_cast %parallel_loop3A_826 : i32 to index
        %parallel_loop3A_829 = arith.index_cast %parallel_loop3A_393 : i32 to index
        %parallel_loop3A_830 = arith.constant 160 : index
        %parallel_loop3A_831 = tpu.vector_load %arg7[%parallel_loop3A_827, %parallel_loop3A_828, %parallel_loop3A_829, %parallel_loop3A_830] {strides = array<i32>} : memref<4x2x16x256xf32, #tpu.memory_space<vmem>>, vector<1x1x1x16xf32>,
        %parallel_loop3A_832 = vector.shape_cast %parallel_loop3A_831 : vector<1x1x1x16xf32> to vector<16xf32>
        %parallel_loop3A_833 = vector.shape_cast %parallel_loop3A_824 : vector<16xf32> to vector<1x1x1x16xf32>
        tpu.vector_store %arg7[%parallel_loop3A_827, %parallel_loop3A_828, %parallel_loop3A_829, %parallel_loop3A_830], %parallel_loop3A_833 {strides = array<i32>} : memref<4x2x16x256xf32, #tpu.memory_space<vmem>>, vector<1x1x1x16xf32>,
        %parallel_loop3A_834 = arith.index_cast %parallel_loop3A_393 : i32 to index
        %parallel_loop3A_835 = arith.constant 176 : index
        %parallel_loop3A_836 = tpu.vector_load %arg5[%parallel_loop3A_834, %parallel_loop3A_835] {strides = array<i32>} : memref<16x256xf32, #tpu.memory_space<vmem>>, vector<1x16xf32>,
        %parallel_loop3A_837 = vector.shape_cast %parallel_loop3A_836 : vector<1x16xf32> to vector<16xf32>
        %parallel_loop3A_838 = arith.constant 1 : i32
        %parallel_loop3A_839 = arith.constant 0 : i32
        %parallel_loop3A_840 = arith.index_cast %parallel_loop3A_838 : i32 to index
        %parallel_loop3A_841 = arith.index_cast %parallel_loop3A_839 : i32 to index
        %parallel_loop3A_842 = arith.index_cast %parallel_loop3A_393 : i32 to index
        %parallel_loop3A_843 = arith.constant 176 : index
        %parallel_loop3A_844 = tpu.vector_load %arg6[%parallel_loop3A_840, %parallel_loop3A_841, %parallel_loop3A_842, %parallel_loop3A_843] {strides = array<i32>} : memref<4x2x16x256xf32, #tpu.memory_space<vmem>>, vector<1x1x1x16xf32>,
        %parallel_loop3A_845 = vector.shape_cast %parallel_loop3A_844 : vector<1x1x1x16xf32> to vector<16xf32>
        %parallel_loop3A_846 = arith.addf %parallel_loop3A_845, %parallel_loop3A_837 : vector<16xf32>
        %parallel_loop3A_847 = arith.constant 1 : i32
        %parallel_loop3A_848 = arith.constant 0 : i32
        %parallel_loop3A_849 = arith.index_cast %parallel_loop3A_847 : i32 to index
        %parallel_loop3A_850 = arith.index_cast %parallel_loop3A_848 : i32 to index
        %parallel_loop3A_851 = arith.index_cast %parallel_loop3A_393 : i32 to index
        %parallel_loop3A_852 = arith.constant 176 : index
        %parallel_loop3A_853 = tpu.vector_load %arg7[%parallel_loop3A_849, %parallel_loop3A_850, %parallel_loop3A_851, %parallel_loop3A_852] {strides = array<i32>} : memref<4x2x16x256xf32, #tpu.memory_space<vmem>>, vector<1x1x1x16xf32>,
        %parallel_loop3A_854 = vector.shape_cast %parallel_loop3A_853 : vector<1x1x1x16xf32> to vector<16xf32>
        %parallel_loop3A_855 = vector.shape_cast %parallel_loop3A_846 : vector<16xf32> to vector<1x1x1x16xf32>
        tpu.vector_store %arg7[%parallel_loop3A_849, %parallel_loop3A_850, %parallel_loop3A_851, %parallel_loop3A_852], %parallel_loop3A_855 {strides = array<i32>} : memref<4x2x16x256xf32, #tpu.memory_space<vmem>>, vector<1x1x1x16xf32>,
        %parallel_loop3A_856 = arith.constant 1 : i32
        %parallel_loop3A_857 = arith.constant 1 : i32
        %parallel_loop3A_858 = arith.index_cast %parallel_loop3A_856 : i32 to index
        %parallel_loop3A_859 = arith.index_cast %parallel_loop3A_857 : i32 to index
        %parallel_loop3A_860 = arith.index_cast %parallel_loop3A_393 : i32 to index
        %parallel_loop3A_861 = arith.constant 176 : index
        %parallel_loop3A_862 = tpu.vector_load %arg6[%parallel_loop3A_858, %parallel_loop3A_859, %parallel_loop3A_860, %parallel_loop3A_861] {strides = array<i32>} : memref<4x2x16x256xf32, #tpu.memory_space<vmem>>, vector<1x1x1x16xf32>,
        %parallel_loop3A_863 = vector.shape_cast %parallel_loop3A_862 : vector<1x1x1x16xf32> to vector<16xf32>
        %parallel_loop3A_864 = arith.addf %parallel_loop3A_863, %parallel_loop3A_837 : vector<16xf32>
        %parallel_loop3A_865 = arith.constant 1 : i32
        %parallel_loop3A_866 = arith.constant 1 : i32
        %parallel_loop3A_867 = arith.index_cast %parallel_loop3A_865 : i32 to index
        %parallel_loop3A_868 = arith.index_cast %parallel_loop3A_866 : i32 to index
        %parallel_loop3A_869 = arith.index_cast %parallel_loop3A_393 : i32 to index
        %parallel_loop3A_870 = arith.constant 176 : index
        %parallel_loop3A_871 = tpu.vector_load %arg7[%parallel_loop3A_867, %parallel_loop3A_868, %parallel_loop3A_869, %parallel_loop3A_870] {strides = array<i32>} : memref<4x2x16x256xf32, #tpu.memory_space<vmem>>, vector<1x1x1x16xf32>,
        %parallel_loop3A_872 = vector.shape_cast %parallel_loop3A_871 : vector<1x1x1x16xf32> to vector<16xf32>
        %parallel_loop3A_873 = vector.shape_cast %parallel_loop3A_864 : vector<16xf32> to vector<1x1x1x16xf32>
        tpu.vector_store %arg7[%parallel_loop3A_867, %parallel_loop3A_868, %parallel_loop3A_869, %parallel_loop3A_870], %parallel_loop3A_873 {strides = array<i32>} : memref<4x2x16x256xf32, #tpu.memory_space<vmem>>, vector<1x1x1x16xf32>,
        %parallel_loop3A_874 = arith.index_cast %parallel_loop3A_393 : i32 to index
        %parallel_loop3A_875 = arith.constant 192 : index
        %parallel_loop3A_876 = tpu.vector_load %arg5[%parallel_loop3A_874, %parallel_loop3A_875] {strides = array<i32>} : memref<16x256xf32, #tpu.memory_space<vmem>>, vector<1x16xf32>,
        %parallel_loop3A_877 = vector.shape_cast %parallel_loop3A_876 : vector<1x16xf32> to vector<16xf32>
        %parallel_loop3A_878 = arith.constant 1 : i32
        %parallel_loop3A_879 = arith.constant 0 : i32
        %parallel_loop3A_880 = arith.index_cast %parallel_loop3A_878 : i32 to index
        %parallel_loop3A_881 = arith.index_cast %parallel_loop3A_879 : i32 to index
        %parallel_loop3A_882 = arith.index_cast %parallel_loop3A_393 : i32 to index
        %parallel_loop3A_883 = arith.constant 192 : index
        %parallel_loop3A_884 = tpu.vector_load %arg6[%parallel_loop3A_880, %parallel_loop3A_881, %parallel_loop3A_882, %parallel_loop3A_883] {strides = array<i32>} : memref<4x2x16x256xf32, #tpu.memory_space<vmem>>, vector<1x1x1x16xf32>,
        %parallel_loop3A_885 = vector.shape_cast %parallel_loop3A_884 : vector<1x1x1x16xf32> to vector<16xf32>
        %parallel_loop3A_886 = arith.addf %parallel_loop3A_885, %parallel_loop3A_877 : vector<16xf32>
        %parallel_loop3A_887 = arith.constant 1 : i32
        %parallel_loop3A_888 = arith.constant 0 : i32
        %parallel_loop3A_889 = arith.index_cast %parallel_loop3A_887 : i32 to index
        %parallel_loop3A_890 = arith.index_cast %parallel_loop3A_888 : i32 to index
        %parallel_loop3A_891 = arith.index_cast %parallel_loop3A_393 : i32 to index
        %parallel_loop3A_892 = arith.constant 192 : index
        %parallel_loop3A_893 = tpu.vector_load %arg7[%parallel_loop3A_889, %parallel_loop3A_890, %parallel_loop3A_891, %parallel_loop3A_892] {strides = array<i32>} : memref<4x2x16x256xf32, #tpu.memory_space<vmem>>, vector<1x1x1x16xf32>,
        %parallel_loop3A_894 = vector.shape_cast %parallel_loop3A_893 : vector<1x1x1x16xf32> to vector<16xf32>
        %parallel_loop3A_895 = vector.shape_cast %parallel_loop3A_886 : vector<16xf32> to vector<1x1x1x16xf32>
        tpu.vector_store %arg7[%parallel_loop3A_889, %parallel_loop3A_890, %parallel_loop3A_891, %parallel_loop3A_892], %parallel_loop3A_895 {strides = array<i32>} : memref<4x2x16x256xf32, #tpu.memory_space<vmem>>, vector<1x1x1x16xf32>,
        %parallel_loop3A_896 = arith.constant 1 : i32
        %parallel_loop3A_897 = arith.constant 1 : i32
        %parallel_loop3A_898 = arith.index_cast %parallel_loop3A_896 : i32 to index
        %parallel_loop3A_899 = arith.index_cast %parallel_loop3A_897 : i32 to index
        %parallel_loop3A_900 = arith.index_cast %parallel_loop3A_393 : i32 to index
        %parallel_loop3A_901 = arith.constant 192 : index
        %parallel_loop3A_902 = tpu.vector_load %arg6[%parallel_loop3A_898, %parallel_loop3A_899, %parallel_loop3A_900, %parallel_loop3A_901] {strides = array<i32>} : memref<4x2x16x256xf32, #tpu.memory_space<vmem>>, vector<1x1x1x16xf32>,
        %parallel_loop3A_903 = vector.shape_cast %parallel_loop3A_902 : vector<1x1x1x16xf32> to vector<16xf32>
        %parallel_loop3A_904 = arith.addf %parallel_loop3A_903, %parallel_loop3A_877 : vector<16xf32>
        %parallel_loop3A_905 = arith.constant 1 : i32
        %parallel_loop3A_906 = arith.constant 1 : i32
        %parallel_loop3A_907 = arith.index_cast %parallel_loop3A_905 : i32 to index
        %parallel_loop3A_908 = arith.index_cast %parallel_loop3A_906 : i32 to index
        %parallel_loop3A_909 = arith.index_cast %parallel_loop3A_393 : i32 to index
        %parallel_loop3A_910 = arith.constant 192 : index
        %parallel_loop3A_911 = tpu.vector_load %arg7[%parallel_loop3A_907, %parallel_loop3A_908, %parallel_loop3A_909, %parallel_loop3A_910] {strides = array<i32>} : memref<4x2x16x256xf32, #tpu.memory_space<vmem>>, vector<1x1x1x16xf32>,
        %parallel_loop3A_912 = vector.shape_cast %parallel_loop3A_911 : vector<1x1x1x16xf32> to vector<16xf32>
        %parallel_loop3A_913 = vector.shape_cast %parallel_loop3A_904 : vector<16xf32> to vector<1x1x1x16xf32>
        tpu.vector_store %arg7[%parallel_loop3A_907, %parallel_loop3A_908, %parallel_loop3A_909, %parallel_loop3A_910], %parallel_loop3A_913 {strides = array<i32>} : memref<4x2x16x256xf32, #tpu.memory_space<vmem>>, vector<1x1x1x16xf32>,
        %parallel_loop3A_914 = arith.index_cast %parallel_loop3A_393 : i32 to index
        %parallel_loop3A_915 = arith.constant 208 : index
        %parallel_loop3A_916 = tpu.vector_load %arg5[%parallel_loop3A_914, %parallel_loop3A_915] {strides = array<i32>} : memref<16x256xf32, #tpu.memory_space<vmem>>, vector<1x16xf32>,
        %parallel_loop3A_917 = vector.shape_cast %parallel_loop3A_916 : vector<1x16xf32> to vector<16xf32>
        %parallel_loop3A_918 = arith.constant 1 : i32
        %parallel_loop3A_919 = arith.constant 0 : i32
        %parallel_loop3A_920 = arith.index_cast %parallel_loop3A_918 : i32 to index
        %parallel_loop3A_921 = arith.index_cast %parallel_loop3A_919 : i32 to index
        %parallel_loop3A_922 = arith.index_cast %parallel_loop3A_393 : i32 to index
        %parallel_loop3A_923 = arith.constant 208 : index
        %parallel_loop3A_924 = tpu.vector_load %arg6[%parallel_loop3A_920, %parallel_loop3A_921, %parallel_loop3A_922, %parallel_loop3A_923] {strides = array<i32>} : memref<4x2x16x256xf32, #tpu.memory_space<vmem>>, vector<1x1x1x16xf32>,
        %parallel_loop3A_925 = vector.shape_cast %parallel_loop3A_924 : vector<1x1x1x16xf32> to vector<16xf32>
        %parallel_loop3A_926 = arith.addf %parallel_loop3A_925, %parallel_loop3A_917 : vector<16xf32>
        %parallel_loop3A_927 = arith.constant 1 : i32
        %parallel_loop3A_928 = arith.constant 0 : i32
        %parallel_loop3A_929 = arith.index_cast %parallel_loop3A_927 : i32 to index
        %parallel_loop3A_930 = arith.index_cast %parallel_loop3A_928 : i32 to index
        %parallel_loop3A_931 = arith.index_cast %parallel_loop3A_393 : i32 to index
        %parallel_loop3A_932 = arith.constant 208 : index
        %parallel_loop3A_933 = tpu.vector_load %arg7[%parallel_loop3A_929, %parallel_loop3A_930, %parallel_loop3A_931, %parallel_loop3A_932] {strides = array<i32>} : memref<4x2x16x256xf32, #tpu.memory_space<vmem>>, vector<1x1x1x16xf32>,
        %parallel_loop3A_934 = vector.shape_cast %parallel_loop3A_933 : vector<1x1x1x16xf32> to vector<16xf32>
        %parallel_loop3A_935 = vector.shape_cast %parallel_loop3A_926 : vector<16xf32> to vector<1x1x1x16xf32>
        tpu.vector_store %arg7[%parallel_loop3A_929, %parallel_loop3A_930, %parallel_loop3A_931, %parallel_loop3A_932], %parallel_loop3A_935 {strides = array<i32>} : memref<4x2x16x256xf32, #tpu.memory_space<vmem>>, vector<1x1x1x16xf32>,
        %parallel_loop3A_936 = arith.constant 1 : i32
        %parallel_loop3A_937 = arith.constant 1 : i32
        %parallel_loop3A_938 = arith.index_cast %parallel_loop3A_936 : i32 to index
        %parallel_loop3A_939 = arith.index_cast %parallel_loop3A_937 : i32 to index
        %parallel_loop3A_940 = arith.index_cast %parallel_loop3A_393 : i32 to index
        %parallel_loop3A_941 = arith.constant 208 : index
        %parallel_loop3A_942 = tpu.vector_load %arg6[%parallel_loop3A_938, %parallel_loop3A_939, %parallel_loop3A_940, %parallel_loop3A_941] {strides = array<i32>} : memref<4x2x16x256xf32, #tpu.memory_space<vmem>>, vector<1x1x1x16xf32>,
        %parallel_loop3A_943 = vector.shape_cast %parallel_loop3A_942 : vector<1x1x1x16xf32> to vector<16xf32>
        %parallel_loop3A_944 = arith.addf %parallel_loop3A_943, %parallel_loop3A_917 : vector<16xf32>
        %parallel_loop3A_945 = arith.constant 1 : i32
        %parallel_loop3A_946 = arith.constant 1 : i32
        %parallel_loop3A_947 = arith.index_cast %parallel_loop3A_945 : i32 to index
        %parallel_loop3A_948 = arith.index_cast %parallel_loop3A_946 : i32 to index
        %parallel_loop3A_949 = arith.index_cast %parallel_loop3A_393 : i32 to index
        %parallel_loop3A_950 = arith.constant 208 : index
        %parallel_loop3A_951 = tpu.vector_load %arg7[%parallel_loop3A_947, %parallel_loop3A_948, %parallel_loop3A_949, %parallel_loop3A_950] {strides = array<i32>} : memref<4x2x16x256xf32, #tpu.memory_space<vmem>>, vector<1x1x1x16xf32>,
        %parallel_loop3A_952 = vector.shape_cast %parallel_loop3A_951 : vector<1x1x1x16xf32> to vector<16xf32>
        %parallel_loop3A_953 = vector.shape_cast %parallel_loop3A_944 : vector<16xf32> to vector<1x1x1x16xf32>
        tpu.vector_store %arg7[%parallel_loop3A_947, %parallel_loop3A_948, %parallel_loop3A_949, %parallel_loop3A_950], %parallel_loop3A_953 {strides = array<i32>} : memref<4x2x16x256xf32, #tpu.memory_space<vmem>>, vector<1x1x1x16xf32>,
        %parallel_loop3A_954 = arith.index_cast %parallel_loop3A_393 : i32 to index
        %parallel_loop3A_955 = arith.constant 224 : index
        %parallel_loop3A_956 = tpu.vector_load %arg5[%parallel_loop3A_954, %parallel_loop3A_955] {strides = array<i32>} : memref<16x256xf32, #tpu.memory_space<vmem>>, vector<1x16xf32>,
        %parallel_loop3A_957 = vector.shape_cast %parallel_loop3A_956 : vector<1x16xf32> to vector<16xf32>
        %parallel_loop3A_958 = arith.constant 1 : i32
        %parallel_loop3A_959 = arith.constant 0 : i32
        %parallel_loop3A_960 = arith.index_cast %parallel_loop3A_958 : i32 to index
        %parallel_loop3A_961 = arith.index_cast %parallel_loop3A_959 : i32 to index
        %parallel_loop3A_962 = arith.index_cast %parallel_loop3A_393 : i32 to index
        %parallel_loop3A_963 = arith.constant 224 : index
        %parallel_loop3A_964 = tpu.vector_load %arg6[%parallel_loop3A_960, %parallel_loop3A_961, %parallel_loop3A_962, %parallel_loop3A_963] {strides = array<i32>} : memref<4x2x16x256xf32, #tpu.memory_space<vmem>>, vector<1x1x1x16xf32>,
        %parallel_loop3A_965 = vector.shape_cast %parallel_loop3A_964 : vector<1x1x1x16xf32> to vector<16xf32>
        %parallel_loop3A_966 = arith.addf %parallel_loop3A_965, %parallel_loop3A_957 : vector<16xf32>
        %parallel_loop3A_967 = arith.constant 1 : i32
        %parallel_loop3A_968 = arith.constant 0 : i32
        %parallel_loop3A_969 = arith.index_cast %parallel_loop3A_967 : i32 to index
        %parallel_loop3A_970 = arith.index_cast %parallel_loop3A_968 : i32 to index
        %parallel_loop3A_971 = arith.index_cast %parallel_loop3A_393 : i32 to index
        %parallel_loop3A_972 = arith.constant 224 : index
        %parallel_loop3A_973 = tpu.vector_load %arg7[%parallel_loop3A_969, %parallel_loop3A_970, %parallel_loop3A_971, %parallel_loop3A_972] {strides = array<i32>} : memref<4x2x16x256xf32, #tpu.memory_space<vmem>>, vector<1x1x1x16xf32>,
        %parallel_loop3A_974 = vector.shape_cast %parallel_loop3A_973 : vector<1x1x1x16xf32> to vector<16xf32>
        %parallel_loop3A_975 = vector.shape_cast %parallel_loop3A_966 : vector<16xf32> to vector<1x1x1x16xf32>
        tpu.vector_store %arg7[%parallel_loop3A_969, %parallel_loop3A_970, %parallel_loop3A_971, %parallel_loop3A_972], %parallel_loop3A_975 {strides = array<i32>} : memref<4x2x16x256xf32, #tpu.memory_space<vmem>>, vector<1x1x1x16xf32>,
        %parallel_loop3A_976 = arith.constant 1 : i32
        %parallel_loop3A_977 = arith.constant 1 : i32
        %parallel_loop3A_978 = arith.index_cast %parallel_loop3A_976 : i32 to index
        %parallel_loop3A_979 = arith.index_cast %parallel_loop3A_977 : i32 to index
        %parallel_loop3A_980 = arith.index_cast %parallel_loop3A_393 : i32 to index
        %parallel_loop3A_981 = arith.constant 224 : index
        %parallel_loop3A_982 = tpu.vector_load %arg6[%parallel_loop3A_978, %parallel_loop3A_979, %parallel_loop3A_980, %parallel_loop3A_981] {strides = array<i32>} : memref<4x2x16x256xf32, #tpu.memory_space<vmem>>, vector<1x1x1x16xf32>,
        %parallel_loop3A_983 = vector.shape_cast %parallel_loop3A_982 : vector<1x1x1x16xf32> to vector<16xf32>
        %parallel_loop3A_984 = arith.addf %parallel_loop3A_983, %parallel_loop3A_957 : vector<16xf32>
        %parallel_loop3A_985 = arith.constant 1 : i32
        %parallel_loop3A_986 = arith.constant 1 : i32
        %parallel_loop3A_987 = arith.index_cast %parallel_loop3A_985 : i32 to index
        %parallel_loop3A_988 = arith.index_cast %parallel_loop3A_986 : i32 to index
        %parallel_loop3A_989 = arith.index_cast %parallel_loop3A_393 : i32 to index
        %parallel_loop3A_990 = arith.constant 224 : index
        %parallel_loop3A_991 = tpu.vector_load %arg7[%parallel_loop3A_987, %parallel_loop3A_988, %parallel_loop3A_989, %parallel_loop3A_990] {strides = array<i32>} : memref<4x2x16x256xf32, #tpu.memory_space<vmem>>, vector<1x1x1x16xf32>,
        %parallel_loop3A_992 = vector.shape_cast %parallel_loop3A_991 : vector<1x1x1x16xf32> to vector<16xf32>
        %parallel_loop3A_993 = vector.shape_cast %parallel_loop3A_984 : vector<16xf32> to vector<1x1x1x16xf32>
        tpu.vector_store %arg7[%parallel_loop3A_987, %parallel_loop3A_988, %parallel_loop3A_989, %parallel_loop3A_990], %parallel_loop3A_993 {strides = array<i32>} : memref<4x2x16x256xf32, #tpu.memory_space<vmem>>, vector<1x1x1x16xf32>,
        %parallel_loop3A_994 = arith.index_cast %parallel_loop3A_393 : i32 to index
        %parallel_loop3A_995 = arith.constant 240 : index
        %parallel_loop3A_996 = tpu.vector_load %arg5[%parallel_loop3A_994, %parallel_loop3A_995] {strides = array<i32>} : memref<16x256xf32, #tpu.memory_space<vmem>>, vector<1x16xf32>,
        %parallel_loop3A_997 = vector.shape_cast %parallel_loop3A_996 : vector<1x16xf32> to vector<16xf32>
        %parallel_loop3A_998 = arith.constant 1 : i32
        %parallel_loop3A_999 = arith.constant 0 : i32
        %parallel_loop3A_1000 = arith.index_cast %parallel_loop3A_998 : i32 to index
        %parallel_loop3A_1001 = arith.index_cast %parallel_loop3A_999 : i32 to index
        %parallel_loop3A_1002 = arith.index_cast %parallel_loop3A_393 : i32 to index
        %parallel_loop3A_1003 = arith.constant 240 : index
        %parallel_loop3A_1004 = tpu.vector_load %arg6[%parallel_loop3A_1000, %parallel_loop3A_1001, %parallel_loop3A_1002, %parallel_loop3A_1003] {strides = array<i32>} : memref<4x2x16x256xf32, #tpu.memory_space<vmem>>, vector<1x1x1x16xf32>,
        %parallel_loop3A_1005 = vector.shape_cast %parallel_loop3A_1004 : vector<1x1x1x16xf32> to vector<16xf32>
        %parallel_loop3A_1006 = arith.addf %parallel_loop3A_1005, %parallel_loop3A_997 : vector<16xf32>
        %parallel_loop3A_1007 = arith.constant 1 : i32
        %parallel_loop3A_1008 = arith.constant 0 : i32
        %parallel_loop3A_1009 = arith.index_cast %parallel_loop3A_1007 : i32 to index
        %parallel_loop3A_1010 = arith.index_cast %parallel_loop3A_1008 : i32 to index
        %parallel_loop3A_1011 = arith.index_cast %parallel_loop3A_393 : i32 to index
        %parallel_loop3A_1012 = arith.constant 240 : index
        %parallel_loop3A_1013 = tpu.vector_load %arg7[%parallel_loop3A_1009, %parallel_loop3A_1010, %parallel_loop3A_1011, %parallel_loop3A_1012] {strides = array<i32>} : memref<4x2x16x256xf32, #tpu.memory_space<vmem>>, vector<1x1x1x16xf32>,
        %parallel_loop3A_1014 = vector.shape_cast %parallel_loop3A_1013 : vector<1x1x1x16xf32> to vector<16xf32>
        %parallel_loop3A_1015 = vector.shape_cast %parallel_loop3A_1006 : vector<16xf32> to vector<1x1x1x16xf32>
        tpu.vector_store %arg7[%parallel_loop3A_1009, %parallel_loop3A_1010, %parallel_loop3A_1011, %parallel_loop3A_1012], %parallel_loop3A_1015 {strides = array<i32>} : memref<4x2x16x256xf32, #tpu.memory_space<vmem>>, vector<1x1x1x16xf32>,
        %parallel_loop3A_1016 = arith.constant 1 : i32
        %parallel_loop3A_1017 = arith.constant 1 : i32
        %parallel_loop3A_1018 = arith.index_cast %parallel_loop3A_1016 : i32 to index
        %parallel_loop3A_1019 = arith.index_cast %parallel_loop3A_1017 : i32 to index
        %parallel_loop3A_1020 = arith.index_cast %parallel_loop3A_393 : i32 to index
        %parallel_loop3A_1021 = arith.constant 240 : index
        %parallel_loop3A_1022 = tpu.vector_load %arg6[%parallel_loop3A_1018, %parallel_loop3A_1019, %parallel_loop3A_1020, %parallel_loop3A_1021] {strides = array<i32>} : memref<4x2x16x256xf32, #tpu.memory_space<vmem>>, vector<1x1x1x16xf32>,
        %parallel_loop3A_1023 = vector.shape_cast %parallel_loop3A_1022 : vector<1x1x1x16xf32> to vector<16xf32>
        %parallel_loop3A_1024 = arith.addf %parallel_loop3A_1023, %parallel_loop3A_997 : vector<16xf32>
        %parallel_loop3A_1025 = arith.constant 1 : i32
        %parallel_loop3A_1026 = arith.constant 1 : i32
        %parallel_loop3A_1027 = arith.index_cast %parallel_loop3A_1025 : i32 to index
        %parallel_loop3A_1028 = arith.index_cast %parallel_loop3A_1026 : i32 to index
        %parallel_loop3A_1029 = arith.index_cast %parallel_loop3A_393 : i32 to index
        %parallel_loop3A_1030 = arith.constant 240 : index
        %parallel_loop3A_1031 = tpu.vector_load %arg7[%parallel_loop3A_1027, %parallel_loop3A_1028, %parallel_loop3A_1029, %parallel_loop3A_1030] {strides = array<i32>} : memref<4x2x16x256xf32, #tpu.memory_space<vmem>>, vector<1x1x1x16xf32>,
        %parallel_loop3A_1032 = vector.shape_cast %parallel_loop3A_1031 : vector<1x1x1x16xf32> to vector<16xf32>
        %parallel_loop3A_1033 = vector.shape_cast %parallel_loop3A_1024 : vector<16xf32> to vector<1x1x1x16xf32>
        tpu.vector_store %arg7[%parallel_loop3A_1027, %parallel_loop3A_1028, %parallel_loop3A_1029, %parallel_loop3A_1030], %parallel_loop3A_1033 {strides = array<i32>} : memref<4x2x16x256xf32, #tpu.memory_space<vmem>>, vector<1x1x1x16xf32>,
      } {sc.loop_unroll_factor = 2 : i64, sc.parallel_access}
      %mul3A_252 = arith.constant 2 : i32
      %mul3A_253 = arith.muli %add3A_223, %mul3A_252 : i32
      %dma_start3A_254 = arith.constant 1 : i32
      %dma_start3A_255 = arith.constant 1 : i32
      %dma_start3A_256 = arith.constant 0 : i32
      %dma_start3A_257 = arith.constant 0 : i32
      %dma_start3A_258 = arith.constant 0 : i32
      %dma_start3A_259 = tpu.memref_slice %arg7[%dma_start3A_254, %dma_start3A_256, %dma_start3A_257, %dma_start3A_258] : memref<4x2x16x256xf32, #tpu.memory_space<vmem>> -> memref<1x2x16x256xf32, #tpu.memory_space<vmem>>
      %dma_start3A_260 = tpu.memref_squeeze %dma_start3A_259 : memref<1x2x16x256xf32, #tpu.memory_space<vmem>> -> memref<2x16x256xf32, #tpu.memory_space<vmem>>
      %dma_start3A_261 = arith.constant 0 : i32
      %dma_start3A_262 = tpu.memref_slice %arg4[%mul3A_253, %mul3A_2, %dma_start3A_261] : memref<512x512x256xf32, #tpu.memory_space<hbm>> -> memref<2x16x256xf32, #tpu.memory_space<hbm>>
      %dma_start3A_263 = tpu.memref_slice %arg9[%dma_start3A_255] : memref<4x!tpu.dma_semaphore, #tpu.memory_space<semaphore_mem>> -> memref<1x!tpu.dma_semaphore, #tpu.memory_space<semaphore_mem>>
      %dma_start3A_264 = tpu.memref_squeeze %dma_start3A_263 : memref<1x!tpu.dma_semaphore, #tpu.memory_space<semaphore_mem>> -> memref<!tpu.dma_semaphore, #tpu.memory_space<semaphore_mem>>
      %dma_start3A_265 = arith.constant 0 : i32
      %dma_start3A_266 = tpu.memref_slice %arg4[%mul3A_253, %mul3A_2, %dma_start3A_265] : memref<512x512x256xf32, #tpu.memory_space<hbm>> -> memref<2x16x256xf32, #tpu.memory_space<hbm>>
      %dma_start3A_267 = arith.constant 0 : i32
      %dma_start3A_268 = arith.constant 0 : i32
      %dma_start3A_269 = arith.constant 0 : i32
      %dma_start3A_270 = tpu.memref_slice %arg7[%dma_start3A_254, %dma_start3A_267, %dma_start3A_268, %dma_start3A_269] : memref<4x2x16x256xf32, #tpu.memory_space<vmem>> -> memref<1x2x16x256xf32, #tpu.memory_space<vmem>>
      %dma_start3A_271 = tpu.memref_squeeze %dma_start3A_270 : memref<1x2x16x256xf32, #tpu.memory_space<vmem>> -> memref<2x16x256xf32, #tpu.memory_space<vmem>>
      tpu.enqueue_dma source(%dma_start3A_271 : memref<2x16x256xf32, #tpu.memory_space<vmem>>) target(%dma_start3A_266 : memref<2x16x256xf32, #tpu.memory_space<hbm>>) target_semaphore(%dma_start3A_264 : memref<!tpu.dma_semaphore, #tpu.memory_space<semaphore_mem>>)
      %add3A_272 = arith.constant 4 : i32
      %add3A_273 = arith.addi %add3A_223, %add3A_272 : i32
      %lt3A_274 = arith.constant 256 : i32
      %lt3A_275 = arith.cmpi slt, %add3A_273, %lt3A_274 : i32
      %convert_element_type3A_276 = arith.extui %lt3A_275 : i1 to i32
      %cond3A_277 = arith.constant 0 : i32
      %cond3A_278 = arith.cmpi ne, %convert_element_type3A_276, %cond3A_277 : i32
      scf.if %cond3A_278 {
        %add3A_393 = arith.constant 4 : i32
        %add3A_394 = arith.addi %add3A_223, %add3A_393 : i32
        %mul3A_395 = arith.constant 2 : i32
        %mul3A_396 = arith.muli %add3A_394, %mul3A_395 : i32
        %dma_start3A_397 = arith.constant 1 : i32
        %dma_start3A_398 = arith.constant 1 : i32
        %dma_start3A_399 = arith.constant 0 : i32
        %dma_start3A_400 = arith.constant 0 : i32
        %dma_start3A_401 = arith.constant 0 : i32
        %dma_start3A_402 = tpu.memref_slice %arg6[%dma_start3A_397, %dma_start3A_399, %dma_start3A_400, %dma_start3A_401] : memref<4x2x16x256xf32, #tpu.memory_space<vmem>> -> memref<1x2x16x256xf32, #tpu.memory_space<vmem>>
        %dma_start3A_403 = tpu.memref_squeeze %dma_start3A_402 : memref<1x2x16x256xf32, #tpu.memory_space<vmem>> -> memref<2x16x256xf32, #tpu.memory_space<vmem>>
        %dma_start3A_404 = arith.constant 0 : i32
        %dma_start3A_405 = tpu.memref_slice %arg2[%mul3A_396, %mul3A_2, %dma_start3A_404] : memref<512x512x256xf32, #tpu.memory_space<hbm>> -> memref<2x16x256xf32, #tpu.memory_space<hbm>>
        %dma_start3A_406 = tpu.memref_slice %arg8[%dma_start3A_398] : memref<4x!tpu.dma_semaphore, #tpu.memory_space<semaphore_mem>> -> memref<1x!tpu.dma_semaphore, #tpu.memory_space<semaphore_mem>>
        %dma_start3A_407 = tpu.memref_squeeze %dma_start3A_406 : memref<1x!tpu.dma_semaphore, #tpu.memory_space<semaphore_mem>> -> memref<!tpu.dma_semaphore, #tpu.memory_space<semaphore_mem>>
        %dma_start3A_408 = arith.constant 0 : i32
        %dma_start3A_409 = arith.constant 0 : i32
        %dma_start3A_410 = arith.constant 0 : i32
        %dma_start3A_411 = tpu.memref_slice %arg6[%dma_start3A_397, %dma_start3A_408, %dma_start3A_409, %dma_start3A_410] : memref<4x2x16x256xf32, #tpu.memory_space<vmem>> -> memref<1x2x16x256xf32, #tpu.memory_space<vmem>>
        %dma_start3A_412 = tpu.memref_squeeze %dma_start3A_411 : memref<1x2x16x256xf32, #tpu.memory_space<vmem>> -> memref<2x16x256xf32, #tpu.memory_space<vmem>>
        %dma_start3A_413 = arith.constant 0 : i32
        %dma_start3A_414 = tpu.memref_slice %arg2[%mul3A_396, %mul3A_2, %dma_start3A_413] : memref<512x512x256xf32, #tpu.memory_space<hbm>> -> memref<2x16x256xf32, #tpu.memory_space<hbm>>
        tpu.enqueue_dma source(%dma_start3A_414 : memref<2x16x256xf32, #tpu.memory_space<hbm>>) target(%dma_start3A_412 : memref<2x16x256xf32, #tpu.memory_space<vmem>>) target_semaphore(%dma_start3A_407 : memref<!tpu.dma_semaphore, #tpu.memory_space<semaphore_mem>>)
      } else {
      }
      %add3A_279 = arith.constant 2 : i32
      %add3A_280 = arith.addi %add3A_169, %add3A_279 : i32
      %mul3A_281 = arith.constant 2 : i32
      %mul3A_282 = arith.muli %add3A_280, %mul3A_281 : i32
      %dma_wait3A_283 = arith.constant 2 : i32
      %dma_wait3A_284 = arith.constant 2 : i32
      %dma_wait3A_285 = arith.constant 0 : i32
      %dma_wait3A_286 = arith.constant 0 : i32
      %dma_wait3A_287 = arith.constant 0 : i32
      %dma_wait3A_288 = tpu.memref_slice %arg6[%dma_wait3A_283, %dma_wait3A_285, %dma_wait3A_286, %dma_wait3A_287] : memref<4x2x16x256xf32, #tpu.memory_space<vmem>> -> memref<1x2x16x256xf32, #tpu.memory_space<vmem>>
      %dma_wait3A_289 = tpu.memref_squeeze %dma_wait3A_288 : memref<1x2x16x256xf32, #tpu.memory_space<vmem>> -> memref<2x16x256xf32, #tpu.memory_space<vmem>>
      %dma_wait3A_290 = arith.constant 0 : i32
      %dma_wait3A_291 = tpu.memref_slice %arg2[%mul3A_282, %mul3A_2, %dma_wait3A_290] : memref<512x512x256xf32, #tpu.memory_space<hbm>> -> memref<2x16x256xf32, #tpu.memory_space<hbm>>
      %dma_wait3A_292 = tpu.memref_slice %arg8[%dma_wait3A_284] : memref<4x!tpu.dma_semaphore, #tpu.memory_space<semaphore_mem>> -> memref<1x!tpu.dma_semaphore, #tpu.memory_space<semaphore_mem>>
      %dma_wait3A_293 = tpu.memref_squeeze %dma_wait3A_292 : memref<1x!tpu.dma_semaphore, #tpu.memory_space<semaphore_mem>> -> memref<!tpu.dma_semaphore, #tpu.memory_space<semaphore_mem>>
      %dma_wait3A_294 = arith.constant 0 : i32
      %dma_wait3A_295 = arith.constant 0 : i32
      %dma_wait3A_296 = arith.constant 0 : i32
      %dma_wait3A_297 = tpu.memref_slice %arg6[%dma_wait3A_283, %dma_wait3A_294, %dma_wait3A_295, %dma_wait3A_296] : memref<4x2x16x256xf32, #tpu.memory_space<vmem>> -> memref<1x2x16x256xf32, #tpu.memory_space<vmem>>
      %dma_wait3A_298 = tpu.memref_squeeze %dma_wait3A_297 : memref<1x2x16x256xf32, #tpu.memory_space<vmem>> -> memref<2x16x256xf32, #tpu.memory_space<vmem>>
      %dma_wait3A_299 = arith.constant 0 : i32
      %dma_wait3A_300 = tpu.memref_slice %arg2[%mul3A_282, %mul3A_2, %dma_wait3A_299] : memref<512x512x256xf32, #tpu.memory_space<hbm>> -> memref<2x16x256xf32, #tpu.memory_space<hbm>>
      tpu.wait_dma2 semaphore(%dma_wait3A_293 : memref<!tpu.dma_semaphore, #tpu.memory_space<semaphore_mem>>) src(%dma_wait3A_300 : memref<2x16x256xf32, #tpu.memory_space<hbm>>) dst(%dma_wait3A_298 : memref<2x16x256xf32, #tpu.memory_space<vmem>>)
      %ge3A_301 = arith.constant 4 : i32
      %ge3A_302 = arith.cmpi sge, %add3A_280, %ge3A_301 : i32
      %convert_element_type3A_303 = arith.extui %ge3A_302 : i1 to i32
      %cond3A_304 = arith.constant 0 : i32
      %cond3A_305 = arith.cmpi ne, %convert_element_type3A_303, %cond3A_304 : i32
      scf.if %cond3A_305 {
        %sub3A = arith.constant 4 : i32
        %sub3A_393 = arith.subi %add3A_280, %sub3A : i32
        %mul3A_394 = arith.constant 2 : i32
        %mul3A_395 = arith.muli %sub3A_393, %mul3A_394 : i32
        %dma_wait3A_396 = arith.constant 2 : i32
        %dma_wait3A_397 = arith.constant 2 : i32
        %dma_wait3A_398 = arith.constant 0 : i32
        %dma_wait3A_399 = arith.constant 0 : i32
        %dma_wait3A_400 = arith.constant 0 : i32
        %dma_wait3A_401 = tpu.memref_slice %arg7[%dma_wait3A_396, %dma_wait3A_398, %dma_wait3A_399, %dma_wait3A_400] : memref<4x2x16x256xf32, #tpu.memory_space<vmem>> -> memref<1x2x16x256xf32, #tpu.memory_space<vmem>>
        %dma_wait3A_402 = tpu.memref_squeeze %dma_wait3A_401 : memref<1x2x16x256xf32, #tpu.memory_space<vmem>> -> memref<2x16x256xf32, #tpu.memory_space<vmem>>
        %dma_wait3A_403 = arith.constant 0 : i32
        %dma_wait3A_404 = tpu.memref_slice %arg4[%mul3A_395, %mul3A_2, %dma_wait3A_403] : memref<512x512x256xf32, #tpu.memory_space<hbm>> -> memref<2x16x256xf32, #tpu.memory_space<hbm>>
        %dma_wait3A_405 = tpu.memref_slice %arg9[%dma_wait3A_397] : memref<4x!tpu.dma_semaphore, #tpu.memory_space<semaphore_mem>> -> memref<1x!tpu.dma_semaphore, #tpu.memory_space<semaphore_mem>>
        %dma_wait3A_406 = tpu.memref_squeeze %dma_wait3A_405 : memref<1x!tpu.dma_semaphore, #tpu.memory_space<semaphore_mem>> -> memref<!tpu.dma_semaphore, #tpu.memory_space<semaphore_mem>>
        %dma_wait3A_407 = arith.constant 0 : i32
        %dma_wait3A_408 = tpu.memref_slice %arg4[%mul3A_395, %mul3A_2, %dma_wait3A_407] : memref<512x512x256xf32, #tpu.memory_space<hbm>> -> memref<2x16x256xf32, #tpu.memory_space<hbm>>
        %dma_wait3A_409 = arith.constant 0 : i32
        %dma_wait3A_410 = arith.constant 0 : i32
        %dma_wait3A_411 = arith.constant 0 : i32
        %dma_wait3A_412 = tpu.memref_slice %arg7[%dma_wait3A_396, %dma_wait3A_409, %dma_wait3A_410, %dma_wait3A_411] : memref<4x2x16x256xf32, #tpu.memory_space<vmem>> -> memref<1x2x16x256xf32, #tpu.memory_space<vmem>>
        %dma_wait3A_413 = tpu.memref_squeeze %dma_wait3A_412 : memref<1x2x16x256xf32, #tpu.memory_space<vmem>> -> memref<2x16x256xf32, #tpu.memory_space<vmem>>
        tpu.wait_dma2 semaphore(%dma_wait3A_406 : memref<!tpu.dma_semaphore, #tpu.memory_space<semaphore_mem>>) src(%dma_wait3A_413 : memref<2x16x256xf32, #tpu.memory_space<vmem>>) dst(%dma_wait3A_408 : memref<2x16x256xf32, #tpu.memory_space<hbm>>)
      } else {
      }
      %parallel_loop3A_306 = arith.constant 0 : i32
      %parallel_loop3A_307 = arith.constant 16 : i32
      %parallel_loop3A_308 = arith.constant 1 : i32
      scf.for %parallel_loop3A_393 = %parallel_loop3A_306 to %parallel_loop3A_307 step %parallel_loop3A_308  : i32 {
        %parallel_loop3A_394 = arith.index_cast %parallel_loop3A_393 : i32 to index
        %parallel_loop3A_395 = arith.constant 0 : index
        %parallel_loop3A_396 = tpu.vector_load %arg5[%parallel_loop3A_394, %parallel_loop3A_395] {strides = array<i32>} : memref<16x256xf32, #tpu.memory_space<vmem>>, vector<1x16xf32>,
        %parallel_loop3A_397 = vector.shape_cast %parallel_loop3A_396 : vector<1x16xf32> to vector<16xf32>
        %parallel_loop3A_398 = arith.constant 2 : i32
        %parallel_loop3A_399 = arith.constant 0 : i32
        %parallel_loop3A_400 = arith.index_cast %parallel_loop3A_398 : i32 to index
        %parallel_loop3A_401 = arith.index_cast %parallel_loop3A_399 : i32 to index
        %parallel_loop3A_402 = arith.index_cast %parallel_loop3A_393 : i32 to index
        %parallel_loop3A_403 = arith.constant 0 : index
        %parallel_loop3A_404 = tpu.vector_load %arg6[%parallel_loop3A_400, %parallel_loop3A_401, %parallel_loop3A_402, %parallel_loop3A_403] {strides = array<i32>} : memref<4x2x16x256xf32, #tpu.memory_space<vmem>>, vector<1x1x1x16xf32>,
        %parallel_loop3A_405 = vector.shape_cast %parallel_loop3A_404 : vector<1x1x1x16xf32> to vector<16xf32>
        %parallel_loop3A_406 = arith.addf %parallel_loop3A_405, %parallel_loop3A_397 : vector<16xf32>
        %parallel_loop3A_407 = arith.constant 2 : i32
        %parallel_loop3A_408 = arith.constant 0 : i32
        %parallel_loop3A_409 = arith.index_cast %parallel_loop3A_407 : i32 to index
        %parallel_loop3A_410 = arith.index_cast %parallel_loop3A_408 : i32 to index
        %parallel_loop3A_411 = arith.index_cast %parallel_loop3A_393 : i32 to index
        %parallel_loop3A_412 = arith.constant 0 : index
        %parallel_loop3A_413 = tpu.vector_load %arg7[%parallel_loop3A_409, %parallel_loop3A_410, %parallel_loop3A_411, %parallel_loop3A_412] {strides = array<i32>} : memref<4x2x16x256xf32, #tpu.memory_space<vmem>>, vector<1x1x1x16xf32>,
        %parallel_loop3A_414 = vector.shape_cast %parallel_loop3A_413 : vector<1x1x1x16xf32> to vector<16xf32>
        %parallel_loop3A_415 = vector.shape_cast %parallel_loop3A_406 : vector<16xf32> to vector<1x1x1x16xf32>
        tpu.vector_store %arg7[%parallel_loop3A_409, %parallel_loop3A_410, %parallel_loop3A_411, %parallel_loop3A_412], %parallel_loop3A_415 {strides = array<i32>} : memref<4x2x16x256xf32, #tpu.memory_space<vmem>>, vector<1x1x1x16xf32>,
        %parallel_loop3A_416 = arith.constant 2 : i32
        %parallel_loop3A_417 = arith.constant 1 : i32
        %parallel_loop3A_418 = arith.index_cast %parallel_loop3A_416 : i32 to index
        %parallel_loop3A_419 = arith.index_cast %parallel_loop3A_417 : i32 to index
        %parallel_loop3A_420 = arith.index_cast %parallel_loop3A_393 : i32 to index
        %parallel_loop3A_421 = arith.constant 0 : index
        %parallel_loop3A_422 = tpu.vector_load %arg6[%parallel_loop3A_418, %parallel_loop3A_419, %parallel_loop3A_420, %parallel_loop3A_421] {strides = array<i32>} : memref<4x2x16x256xf32, #tpu.memory_space<vmem>>, vector<1x1x1x16xf32>,
        %parallel_loop3A_423 = vector.shape_cast %parallel_loop3A_422 : vector<1x1x1x16xf32> to vector<16xf32>
        %parallel_loop3A_424 = arith.addf %parallel_loop3A_423, %parallel_loop3A_397 : vector<16xf32>
        %parallel_loop3A_425 = arith.constant 2 : i32
        %parallel_loop3A_426 = arith.constant 1 : i32
        %parallel_loop3A_427 = arith.index_cast %parallel_loop3A_425 : i32 to index
        %parallel_loop3A_428 = arith.index_cast %parallel_loop3A_426 : i32 to index
        %parallel_loop3A_429 = arith.index_cast %parallel_loop3A_393 : i32 to index
        %parallel_loop3A_430 = arith.constant 0 : index
        %parallel_loop3A_431 = tpu.vector_load %arg7[%parallel_loop3A_427, %parallel_loop3A_428, %parallel_loop3A_429, %parallel_loop3A_430] {strides = array<i32>} : memref<4x2x16x256xf32, #tpu.memory_space<vmem>>, vector<1x1x1x16xf32>,
        %parallel_loop3A_432 = vector.shape_cast %parallel_loop3A_431 : vector<1x1x1x16xf32> to vector<16xf32>
        %parallel_loop3A_433 = vector.shape_cast %parallel_loop3A_424 : vector<16xf32> to vector<1x1x1x16xf32>
        tpu.vector_store %arg7[%parallel_loop3A_427, %parallel_loop3A_428, %parallel_loop3A_429, %parallel_loop3A_430], %parallel_loop3A_433 {strides = array<i32>} : memref<4x2x16x256xf32, #tpu.memory_space<vmem>>, vector<1x1x1x16xf32>,
        %parallel_loop3A_434 = arith.index_cast %parallel_loop3A_393 : i32 to index
        %parallel_loop3A_435 = arith.constant 16 : index
        %parallel_loop3A_436 = tpu.vector_load %arg5[%parallel_loop3A_434, %parallel_loop3A_435] {strides = array<i32>} : memref<16x256xf32, #tpu.memory_space<vmem>>, vector<1x16xf32>,
        %parallel_loop3A_437 = vector.shape_cast %parallel_loop3A_436 : vector<1x16xf32> to vector<16xf32>
        %parallel_loop3A_438 = arith.constant 2 : i32
        %parallel_loop3A_439 = arith.constant 0 : i32
        %parallel_loop3A_440 = arith.index_cast %parallel_loop3A_438 : i32 to index
        %parallel_loop3A_441 = arith.index_cast %parallel_loop3A_439 : i32 to index
        %parallel_loop3A_442 = arith.index_cast %parallel_loop3A_393 : i32 to index
        %parallel_loop3A_443 = arith.constant 16 : index
        %parallel_loop3A_444 = tpu.vector_load %arg6[%parallel_loop3A_440, %parallel_loop3A_441, %parallel_loop3A_442, %parallel_loop3A_443] {strides = array<i32>} : memref<4x2x16x256xf32, #tpu.memory_space<vmem>>, vector<1x1x1x16xf32>,
        %parallel_loop3A_445 = vector.shape_cast %parallel_loop3A_444 : vector<1x1x1x16xf32> to vector<16xf32>
        %parallel_loop3A_446 = arith.addf %parallel_loop3A_445, %parallel_loop3A_437 : vector<16xf32>
        %parallel_loop3A_447 = arith.constant 2 : i32
        %parallel_loop3A_448 = arith.constant 0 : i32
        %parallel_loop3A_449 = arith.index_cast %parallel_loop3A_447 : i32 to index
        %parallel_loop3A_450 = arith.index_cast %parallel_loop3A_448 : i32 to index
        %parallel_loop3A_451 = arith.index_cast %parallel_loop3A_393 : i32 to index
        %parallel_loop3A_452 = arith.constant 16 : index
        %parallel_loop3A_453 = tpu.vector_load %arg7[%parallel_loop3A_449, %parallel_loop3A_450, %parallel_loop3A_451, %parallel_loop3A_452] {strides = array<i32>} : memref<4x2x16x256xf32, #tpu.memory_space<vmem>>, vector<1x1x1x16xf32>,
        %parallel_loop3A_454 = vector.shape_cast %parallel_loop3A_453 : vector<1x1x1x16xf32> to vector<16xf32>
        %parallel_loop3A_455 = vector.shape_cast %parallel_loop3A_446 : vector<16xf32> to vector<1x1x1x16xf32>
        tpu.vector_store %arg7[%parallel_loop3A_449, %parallel_loop3A_450, %parallel_loop3A_451, %parallel_loop3A_452], %parallel_loop3A_455 {strides = array<i32>} : memref<4x2x16x256xf32, #tpu.memory_space<vmem>>, vector<1x1x1x16xf32>,
        %parallel_loop3A_456 = arith.constant 2 : i32
        %parallel_loop3A_457 = arith.constant 1 : i32
        %parallel_loop3A_458 = arith.index_cast %parallel_loop3A_456 : i32 to index
        %parallel_loop3A_459 = arith.index_cast %parallel_loop3A_457 : i32 to index
        %parallel_loop3A_460 = arith.index_cast %parallel_loop3A_393 : i32 to index
        %parallel_loop3A_461 = arith.constant 16 : index
        %parallel_loop3A_462 = tpu.vector_load %arg6[%parallel_loop3A_458, %parallel_loop3A_459, %parallel_loop3A_460, %parallel_loop3A_461] {strides = array<i32>} : memref<4x2x16x256xf32, #tpu.memory_space<vmem>>, vector<1x1x1x16xf32>,
        %parallel_loop3A_463 = vector.shape_cast %parallel_loop3A_462 : vector<1x1x1x16xf32> to vector<16xf32>
        %parallel_loop3A_464 = arith.addf %parallel_loop3A_463, %parallel_loop3A_437 : vector<16xf32>
        %parallel_loop3A_465 = arith.constant 2 : i32
        %parallel_loop3A_466 = arith.constant 1 : i32
        %parallel_loop3A_467 = arith.index_cast %parallel_loop3A_465 : i32 to index
        %parallel_loop3A_468 = arith.index_cast %parallel_loop3A_466 : i32 to index
        %parallel_loop3A_469 = arith.index_cast %parallel_loop3A_393 : i32 to index
        %parallel_loop3A_470 = arith.constant 16 : index
        %parallel_loop3A_471 = tpu.vector_load %arg7[%parallel_loop3A_467, %parallel_loop3A_468, %parallel_loop3A_469, %parallel_loop3A_470] {strides = array<i32>} : memref<4x2x16x256xf32, #tpu.memory_space<vmem>>, vector<1x1x1x16xf32>,
        %parallel_loop3A_472 = vector.shape_cast %parallel_loop3A_471 : vector<1x1x1x16xf32> to vector<16xf32>
        %parallel_loop3A_473 = vector.shape_cast %parallel_loop3A_464 : vector<16xf32> to vector<1x1x1x16xf32>
        tpu.vector_store %arg7[%parallel_loop3A_467, %parallel_loop3A_468, %parallel_loop3A_469, %parallel_loop3A_470], %parallel_loop3A_473 {strides = array<i32>} : memref<4x2x16x256xf32, #tpu.memory_space<vmem>>, vector<1x1x1x16xf32>,
        %parallel_loop3A_474 = arith.index_cast %parallel_loop3A_393 : i32 to index
        %parallel_loop3A_475 = arith.constant 32 : index
        %parallel_loop3A_476 = tpu.vector_load %arg5[%parallel_loop3A_474, %parallel_loop3A_475] {strides = array<i32>} : memref<16x256xf32, #tpu.memory_space<vmem>>, vector<1x16xf32>,
        %parallel_loop3A_477 = vector.shape_cast %parallel_loop3A_476 : vector<1x16xf32> to vector<16xf32>
        %parallel_loop3A_478 = arith.constant 2 : i32
        %parallel_loop3A_479 = arith.constant 0 : i32
        %parallel_loop3A_480 = arith.index_cast %parallel_loop3A_478 : i32 to index
        %parallel_loop3A_481 = arith.index_cast %parallel_loop3A_479 : i32 to index
        %parallel_loop3A_482 = arith.index_cast %parallel_loop3A_393 : i32 to index
        %parallel_loop3A_483 = arith.constant 32 : index
        %parallel_loop3A_484 = tpu.vector_load %arg6[%parallel_loop3A_480, %parallel_loop3A_481, %parallel_loop3A_482, %parallel_loop3A_483] {strides = array<i32>} : memref<4x2x16x256xf32, #tpu.memory_space<vmem>>, vector<1x1x1x16xf32>,
        %parallel_loop3A_485 = vector.shape_cast %parallel_loop3A_484 : vector<1x1x1x16xf32> to vector<16xf32>
        %parallel_loop3A_486 = arith.addf %parallel_loop3A_485, %parallel_loop3A_477 : vector<16xf32>
        %parallel_loop3A_487 = arith.constant 2 : i32
        %parallel_loop3A_488 = arith.constant 0 : i32
        %parallel_loop3A_489 = arith.index_cast %parallel_loop3A_487 : i32 to index
        %parallel_loop3A_490 = arith.index_cast %parallel_loop3A_488 : i32 to index
        %parallel_loop3A_491 = arith.index_cast %parallel_loop3A_393 : i32 to index
        %parallel_loop3A_492 = arith.constant 32 : index
        %parallel_loop3A_493 = tpu.vector_load %arg7[%parallel_loop3A_489, %parallel_loop3A_490, %parallel_loop3A_491, %parallel_loop3A_492] {strides = array<i32>} : memref<4x2x16x256xf32, #tpu.memory_space<vmem>>, vector<1x1x1x16xf32>,
        %parallel_loop3A_494 = vector.shape_cast %parallel_loop3A_493 : vector<1x1x1x16xf32> to vector<16xf32>
        %parallel_loop3A_495 = vector.shape_cast %parallel_loop3A_486 : vector<16xf32> to vector<1x1x1x16xf32>
        tpu.vector_store %arg7[%parallel_loop3A_489, %parallel_loop3A_490, %parallel_loop3A_491, %parallel_loop3A_492], %parallel_loop3A_495 {strides = array<i32>} : memref<4x2x16x256xf32, #tpu.memory_space<vmem>>, vector<1x1x1x16xf32>,
        %parallel_loop3A_496 = arith.constant 2 : i32
        %parallel_loop3A_497 = arith.constant 1 : i32
        %parallel_loop3A_498 = arith.index_cast %parallel_loop3A_496 : i32 to index
        %parallel_loop3A_499 = arith.index_cast %parallel_loop3A_497 : i32 to index
        %parallel_loop3A_500 = arith.index_cast %parallel_loop3A_393 : i32 to index
        %parallel_loop3A_501 = arith.constant 32 : index
        %parallel_loop3A_502 = tpu.vector_load %arg6[%parallel_loop3A_498, %parallel_loop3A_499, %parallel_loop3A_500, %parallel_loop3A_501] {strides = array<i32>} : memref<4x2x16x256xf32, #tpu.memory_space<vmem>>, vector<1x1x1x16xf32>,
        %parallel_loop3A_503 = vector.shape_cast %parallel_loop3A_502 : vector<1x1x1x16xf32> to vector<16xf32>
        %parallel_loop3A_504 = arith.addf %parallel_loop3A_503, %parallel_loop3A_477 : vector<16xf32>
        %parallel_loop3A_505 = arith.constant 2 : i32
        %parallel_loop3A_506 = arith.constant 1 : i32
        %parallel_loop3A_507 = arith.index_cast %parallel_loop3A_505 : i32 to index
        %parallel_loop3A_508 = arith.index_cast %parallel_loop3A_506 : i32 to index
        %parallel_loop3A_509 = arith.index_cast %parallel_loop3A_393 : i32 to index
        %parallel_loop3A_510 = arith.constant 32 : index
        %parallel_loop3A_511 = tpu.vector_load %arg7[%parallel_loop3A_507, %parallel_loop3A_508, %parallel_loop3A_509, %parallel_loop3A_510] {strides = array<i32>} : memref<4x2x16x256xf32, #tpu.memory_space<vmem>>, vector<1x1x1x16xf32>,
        %parallel_loop3A_512 = vector.shape_cast %parallel_loop3A_511 : vector<1x1x1x16xf32> to vector<16xf32>
        %parallel_loop3A_513 = vector.shape_cast %parallel_loop3A_504 : vector<16xf32> to vector<1x1x1x16xf32>
        tpu.vector_store %arg7[%parallel_loop3A_507, %parallel_loop3A_508, %parallel_loop3A_509, %parallel_loop3A_510], %parallel_loop3A_513 {strides = array<i32>} : memref<4x2x16x256xf32, #tpu.memory_space<vmem>>, vector<1x1x1x16xf32>,
        %parallel_loop3A_514 = arith.index_cast %parallel_loop3A_393 : i32 to index
        %parallel_loop3A_515 = arith.constant 48 : index
        %parallel_loop3A_516 = tpu.vector_load %arg5[%parallel_loop3A_514, %parallel_loop3A_515] {strides = array<i32>} : memref<16x256xf32, #tpu.memory_space<vmem>>, vector<1x16xf32>,
        %parallel_loop3A_517 = vector.shape_cast %parallel_loop3A_516 : vector<1x16xf32> to vector<16xf32>
        %parallel_loop3A_518 = arith.constant 2 : i32
        %parallel_loop3A_519 = arith.constant 0 : i32
        %parallel_loop3A_520 = arith.index_cast %parallel_loop3A_518 : i32 to index
        %parallel_loop3A_521 = arith.index_cast %parallel_loop3A_519 : i32 to index
        %parallel_loop3A_522 = arith.index_cast %parallel_loop3A_393 : i32 to index
        %parallel_loop3A_523 = arith.constant 48 : index
        %parallel_loop3A_524 = tpu.vector_load %arg6[%parallel_loop3A_520, %parallel_loop3A_521, %parallel_loop3A_522, %parallel_loop3A_523] {strides = array<i32>} : memref<4x2x16x256xf32, #tpu.memory_space<vmem>>, vector<1x1x1x16xf32>,
        %parallel_loop3A_525 = vector.shape_cast %parallel_loop3A_524 : vector<1x1x1x16xf32> to vector<16xf32>
        %parallel_loop3A_526 = arith.addf %parallel_loop3A_525, %parallel_loop3A_517 : vector<16xf32>
        %parallel_loop3A_527 = arith.constant 2 : i32
        %parallel_loop3A_528 = arith.constant 0 : i32
        %parallel_loop3A_529 = arith.index_cast %parallel_loop3A_527 : i32 to index
        %parallel_loop3A_530 = arith.index_cast %parallel_loop3A_528 : i32 to index
        %parallel_loop3A_531 = arith.index_cast %parallel_loop3A_393 : i32 to index
        %parallel_loop3A_532 = arith.constant 48 : index
        %parallel_loop3A_533 = tpu.vector_load %arg7[%parallel_loop3A_529, %parallel_loop3A_530, %parallel_loop3A_531, %parallel_loop3A_532] {strides = array<i32>} : memref<4x2x16x256xf32, #tpu.memory_space<vmem>>, vector<1x1x1x16xf32>,
        %parallel_loop3A_534 = vector.shape_cast %parallel_loop3A_533 : vector<1x1x1x16xf32> to vector<16xf32>
        %parallel_loop3A_535 = vector.shape_cast %parallel_loop3A_526 : vector<16xf32> to vector<1x1x1x16xf32>
        tpu.vector_store %arg7[%parallel_loop3A_529, %parallel_loop3A_530, %parallel_loop3A_531, %parallel_loop3A_532], %parallel_loop3A_535 {strides = array<i32>} : memref<4x2x16x256xf32, #tpu.memory_space<vmem>>, vector<1x1x1x16xf32>,
        %parallel_loop3A_536 = arith.constant 2 : i32
        %parallel_loop3A_537 = arith.constant 1 : i32
        %parallel_loop3A_538 = arith.index_cast %parallel_loop3A_536 : i32 to index
        %parallel_loop3A_539 = arith.index_cast %parallel_loop3A_537 : i32 to index
        %parallel_loop3A_540 = arith.index_cast %parallel_loop3A_393 : i32 to index
        %parallel_loop3A_541 = arith.constant 48 : index
        %parallel_loop3A_542 = tpu.vector_load %arg6[%parallel_loop3A_538, %parallel_loop3A_539, %parallel_loop3A_540, %parallel_loop3A_541] {strides = array<i32>} : memref<4x2x16x256xf32, #tpu.memory_space<vmem>>, vector<1x1x1x16xf32>,
        %parallel_loop3A_543 = vector.shape_cast %parallel_loop3A_542 : vector<1x1x1x16xf32> to vector<16xf32>
        %parallel_loop3A_544 = arith.addf %parallel_loop3A_543, %parallel_loop3A_517 : vector<16xf32>
        %parallel_loop3A_545 = arith.constant 2 : i32
        %parallel_loop3A_546 = arith.constant 1 : i32
        %parallel_loop3A_547 = arith.index_cast %parallel_loop3A_545 : i32 to index
        %parallel_loop3A_548 = arith.index_cast %parallel_loop3A_546 : i32 to index
        %parallel_loop3A_549 = arith.index_cast %parallel_loop3A_393 : i32 to index
        %parallel_loop3A_550 = arith.constant 48 : index
        %parallel_loop3A_551 = tpu.vector_load %arg7[%parallel_loop3A_547, %parallel_loop3A_548, %parallel_loop3A_549, %parallel_loop3A_550] {strides = array<i32>} : memref<4x2x16x256xf32, #tpu.memory_space<vmem>>, vector<1x1x1x16xf32>,
        %parallel_loop3A_552 = vector.shape_cast %parallel_loop3A_551 : vector<1x1x1x16xf32> to vector<16xf32>
        %parallel_loop3A_553 = vector.shape_cast %parallel_loop3A_544 : vector<16xf32> to vector<1x1x1x16xf32>
        tpu.vector_store %arg7[%parallel_loop3A_547, %parallel_loop3A_548, %parallel_loop3A_549, %parallel_loop3A_550], %parallel_loop3A_553 {strides = array<i32>} : memref<4x2x16x256xf32, #tpu.memory_space<vmem>>, vector<1x1x1x16xf32>,
        %parallel_loop3A_554 = arith.index_cast %parallel_loop3A_393 : i32 to index
        %parallel_loop3A_555 = arith.constant 64 : index
        %parallel_loop3A_556 = tpu.vector_load %arg5[%parallel_loop3A_554, %parallel_loop3A_555] {strides = array<i32>} : memref<16x256xf32, #tpu.memory_space<vmem>>, vector<1x16xf32>,
        %parallel_loop3A_557 = vector.shape_cast %parallel_loop3A_556 : vector<1x16xf32> to vector<16xf32>
        %parallel_loop3A_558 = arith.constant 2 : i32
        %parallel_loop3A_559 = arith.constant 0 : i32
        %parallel_loop3A_560 = arith.index_cast %parallel_loop3A_558 : i32 to index
        %parallel_loop3A_561 = arith.index_cast %parallel_loop3A_559 : i32 to index
        %parallel_loop3A_562 = arith.index_cast %parallel_loop3A_393 : i32 to index
        %parallel_loop3A_563 = arith.constant 64 : index
        %parallel_loop3A_564 = tpu.vector_load %arg6[%parallel_loop3A_560, %parallel_loop3A_561, %parallel_loop3A_562, %parallel_loop3A_563] {strides = array<i32>} : memref<4x2x16x256xf32, #tpu.memory_space<vmem>>, vector<1x1x1x16xf32>,
        %parallel_loop3A_565 = vector.shape_cast %parallel_loop3A_564 : vector<1x1x1x16xf32> to vector<16xf32>
        %parallel_loop3A_566 = arith.addf %parallel_loop3A_565, %parallel_loop3A_557 : vector<16xf32>
        %parallel_loop3A_567 = arith.constant 2 : i32
        %parallel_loop3A_568 = arith.constant 0 : i32
        %parallel_loop3A_569 = arith.index_cast %parallel_loop3A_567 : i32 to index
        %parallel_loop3A_570 = arith.index_cast %parallel_loop3A_568 : i32 to index
        %parallel_loop3A_571 = arith.index_cast %parallel_loop3A_393 : i32 to index
        %parallel_loop3A_572 = arith.constant 64 : index
        %parallel_loop3A_573 = tpu.vector_load %arg7[%parallel_loop3A_569, %parallel_loop3A_570, %parallel_loop3A_571, %parallel_loop3A_572] {strides = array<i32>} : memref<4x2x16x256xf32, #tpu.memory_space<vmem>>, vector<1x1x1x16xf32>,
        %parallel_loop3A_574 = vector.shape_cast %parallel_loop3A_573 : vector<1x1x1x16xf32> to vector<16xf32>
        %parallel_loop3A_575 = vector.shape_cast %parallel_loop3A_566 : vector<16xf32> to vector<1x1x1x16xf32>
        tpu.vector_store %arg7[%parallel_loop3A_569, %parallel_loop3A_570, %parallel_loop3A_571, %parallel_loop3A_572], %parallel_loop3A_575 {strides = array<i32>} : memref<4x2x16x256xf32, #tpu.memory_space<vmem>>, vector<1x1x1x16xf32>,
        %parallel_loop3A_576 = arith.constant 2 : i32
        %parallel_loop3A_577 = arith.constant 1 : i32
        %parallel_loop3A_578 = arith.index_cast %parallel_loop3A_576 : i32 to index
        %parallel_loop3A_579 = arith.index_cast %parallel_loop3A_577 : i32 to index
        %parallel_loop3A_580 = arith.index_cast %parallel_loop3A_393 : i32 to index
        %parallel_loop3A_581 = arith.constant 64 : index
        %parallel_loop3A_582 = tpu.vector_load %arg6[%parallel_loop3A_578, %parallel_loop3A_579, %parallel_loop3A_580, %parallel_loop3A_581] {strides = array<i32>} : memref<4x2x16x256xf32, #tpu.memory_space<vmem>>, vector<1x1x1x16xf32>,
        %parallel_loop3A_583 = vector.shape_cast %parallel_loop3A_582 : vector<1x1x1x16xf32> to vector<16xf32>
        %parallel_loop3A_584 = arith.addf %parallel_loop3A_583, %parallel_loop3A_557 : vector<16xf32>
        %parallel_loop3A_585 = arith.constant 2 : i32
        %parallel_loop3A_586 = arith.constant 1 : i32
        %parallel_loop3A_587 = arith.index_cast %parallel_loop3A_585 : i32 to index
        %parallel_loop3A_588 = arith.index_cast %parallel_loop3A_586 : i32 to index
        %parallel_loop3A_589 = arith.index_cast %parallel_loop3A_393 : i32 to index
        %parallel_loop3A_590 = arith.constant 64 : index
        %parallel_loop3A_591 = tpu.vector_load %arg7[%parallel_loop3A_587, %parallel_loop3A_588, %parallel_loop3A_589, %parallel_loop3A_590] {strides = array<i32>} : memref<4x2x16x256xf32, #tpu.memory_space<vmem>>, vector<1x1x1x16xf32>,
        %parallel_loop3A_592 = vector.shape_cast %parallel_loop3A_591 : vector<1x1x1x16xf32> to vector<16xf32>
        %parallel_loop3A_593 = vector.shape_cast %parallel_loop3A_584 : vector<16xf32> to vector<1x1x1x16xf32>
        tpu.vector_store %arg7[%parallel_loop3A_587, %parallel_loop3A_588, %parallel_loop3A_589, %parallel_loop3A_590], %parallel_loop3A_593 {strides = array<i32>} : memref<4x2x16x256xf32, #tpu.memory_space<vmem>>, vector<1x1x1x16xf32>,
        %parallel_loop3A_594 = arith.index_cast %parallel_loop3A_393 : i32 to index
        %parallel_loop3A_595 = arith.constant 80 : index
        %parallel_loop3A_596 = tpu.vector_load %arg5[%parallel_loop3A_594, %parallel_loop3A_595] {strides = array<i32>} : memref<16x256xf32, #tpu.memory_space<vmem>>, vector<1x16xf32>,
        %parallel_loop3A_597 = vector.shape_cast %parallel_loop3A_596 : vector<1x16xf32> to vector<16xf32>
        %parallel_loop3A_598 = arith.constant 2 : i32
        %parallel_loop3A_599 = arith.constant 0 : i32
        %parallel_loop3A_600 = arith.index_cast %parallel_loop3A_598 : i32 to index
        %parallel_loop3A_601 = arith.index_cast %parallel_loop3A_599 : i32 to index
        %parallel_loop3A_602 = arith.index_cast %parallel_loop3A_393 : i32 to index
        %parallel_loop3A_603 = arith.constant 80 : index
        %parallel_loop3A_604 = tpu.vector_load %arg6[%parallel_loop3A_600, %parallel_loop3A_601, %parallel_loop3A_602, %parallel_loop3A_603] {strides = array<i32>} : memref<4x2x16x256xf32, #tpu.memory_space<vmem>>, vector<1x1x1x16xf32>,
        %parallel_loop3A_605 = vector.shape_cast %parallel_loop3A_604 : vector<1x1x1x16xf32> to vector<16xf32>
        %parallel_loop3A_606 = arith.addf %parallel_loop3A_605, %parallel_loop3A_597 : vector<16xf32>
        %parallel_loop3A_607 = arith.constant 2 : i32
        %parallel_loop3A_608 = arith.constant 0 : i32
        %parallel_loop3A_609 = arith.index_cast %parallel_loop3A_607 : i32 to index
        %parallel_loop3A_610 = arith.index_cast %parallel_loop3A_608 : i32 to index
        %parallel_loop3A_611 = arith.index_cast %parallel_loop3A_393 : i32 to index
        %parallel_loop3A_612 = arith.constant 80 : index
        %parallel_loop3A_613 = tpu.vector_load %arg7[%parallel_loop3A_609, %parallel_loop3A_610, %parallel_loop3A_611, %parallel_loop3A_612] {strides = array<i32>} : memref<4x2x16x256xf32, #tpu.memory_space<vmem>>, vector<1x1x1x16xf32>,
        %parallel_loop3A_614 = vector.shape_cast %parallel_loop3A_613 : vector<1x1x1x16xf32> to vector<16xf32>
        %parallel_loop3A_615 = vector.shape_cast %parallel_loop3A_606 : vector<16xf32> to vector<1x1x1x16xf32>
        tpu.vector_store %arg7[%parallel_loop3A_609, %parallel_loop3A_610, %parallel_loop3A_611, %parallel_loop3A_612], %parallel_loop3A_615 {strides = array<i32>} : memref<4x2x16x256xf32, #tpu.memory_space<vmem>>, vector<1x1x1x16xf32>,
        %parallel_loop3A_616 = arith.constant 2 : i32
        %parallel_loop3A_617 = arith.constant 1 : i32
        %parallel_loop3A_618 = arith.index_cast %parallel_loop3A_616 : i32 to index
        %parallel_loop3A_619 = arith.index_cast %parallel_loop3A_617 : i32 to index
        %parallel_loop3A_620 = arith.index_cast %parallel_loop3A_393 : i32 to index
        %parallel_loop3A_621 = arith.constant 80 : index
        %parallel_loop3A_622 = tpu.vector_load %arg6[%parallel_loop3A_618, %parallel_loop3A_619, %parallel_loop3A_620, %parallel_loop3A_621] {strides = array<i32>} : memref<4x2x16x256xf32, #tpu.memory_space<vmem>>, vector<1x1x1x16xf32>,
        %parallel_loop3A_623 = vector.shape_cast %parallel_loop3A_622 : vector<1x1x1x16xf32> to vector<16xf32>
        %parallel_loop3A_624 = arith.addf %parallel_loop3A_623, %parallel_loop3A_597 : vector<16xf32>
        %parallel_loop3A_625 = arith.constant 2 : i32
        %parallel_loop3A_626 = arith.constant 1 : i32
        %parallel_loop3A_627 = arith.index_cast %parallel_loop3A_625 : i32 to index
        %parallel_loop3A_628 = arith.index_cast %parallel_loop3A_626 : i32 to index
        %parallel_loop3A_629 = arith.index_cast %parallel_loop3A_393 : i32 to index
        %parallel_loop3A_630 = arith.constant 80 : index
        %parallel_loop3A_631 = tpu.vector_load %arg7[%parallel_loop3A_627, %parallel_loop3A_628, %parallel_loop3A_629, %parallel_loop3A_630] {strides = array<i32>} : memref<4x2x16x256xf32, #tpu.memory_space<vmem>>, vector<1x1x1x16xf32>,
        %parallel_loop3A_632 = vector.shape_cast %parallel_loop3A_631 : vector<1x1x1x16xf32> to vector<16xf32>
        %parallel_loop3A_633 = vector.shape_cast %parallel_loop3A_624 : vector<16xf32> to vector<1x1x1x16xf32>
        tpu.vector_store %arg7[%parallel_loop3A_627, %parallel_loop3A_628, %parallel_loop3A_629, %parallel_loop3A_630], %parallel_loop3A_633 {strides = array<i32>} : memref<4x2x16x256xf32, #tpu.memory_space<vmem>>, vector<1x1x1x16xf32>,
        %parallel_loop3A_634 = arith.index_cast %parallel_loop3A_393 : i32 to index
        %parallel_loop3A_635 = arith.constant 96 : index
        %parallel_loop3A_636 = tpu.vector_load %arg5[%parallel_loop3A_634, %parallel_loop3A_635] {strides = array<i32>} : memref<16x256xf32, #tpu.memory_space<vmem>>, vector<1x16xf32>,
        %parallel_loop3A_637 = vector.shape_cast %parallel_loop3A_636 : vector<1x16xf32> to vector<16xf32>
        %parallel_loop3A_638 = arith.constant 2 : i32
        %parallel_loop3A_639 = arith.constant 0 : i32
        %parallel_loop3A_640 = arith.index_cast %parallel_loop3A_638 : i32 to index
        %parallel_loop3A_641 = arith.index_cast %parallel_loop3A_639 : i32 to index
        %parallel_loop3A_642 = arith.index_cast %parallel_loop3A_393 : i32 to index
        %parallel_loop3A_643 = arith.constant 96 : index
        %parallel_loop3A_644 = tpu.vector_load %arg6[%parallel_loop3A_640, %parallel_loop3A_641, %parallel_loop3A_642, %parallel_loop3A_643] {strides = array<i32>} : memref<4x2x16x256xf32, #tpu.memory_space<vmem>>, vector<1x1x1x16xf32>,
        %parallel_loop3A_645 = vector.shape_cast %parallel_loop3A_644 : vector<1x1x1x16xf32> to vector<16xf32>
        %parallel_loop3A_646 = arith.addf %parallel_loop3A_645, %parallel_loop3A_637 : vector<16xf32>
        %parallel_loop3A_647 = arith.constant 2 : i32
        %parallel_loop3A_648 = arith.constant 0 : i32
        %parallel_loop3A_649 = arith.index_cast %parallel_loop3A_647 : i32 to index
        %parallel_loop3A_650 = arith.index_cast %parallel_loop3A_648 : i32 to index
        %parallel_loop3A_651 = arith.index_cast %parallel_loop3A_393 : i32 to index
        %parallel_loop3A_652 = arith.constant 96 : index
        %parallel_loop3A_653 = tpu.vector_load %arg7[%parallel_loop3A_649, %parallel_loop3A_650, %parallel_loop3A_651, %parallel_loop3A_652] {strides = array<i32>} : memref<4x2x16x256xf32, #tpu.memory_space<vmem>>, vector<1x1x1x16xf32>,
        %parallel_loop3A_654 = vector.shape_cast %parallel_loop3A_653 : vector<1x1x1x16xf32> to vector<16xf32>
        %parallel_loop3A_655 = vector.shape_cast %parallel_loop3A_646 : vector<16xf32> to vector<1x1x1x16xf32>
        tpu.vector_store %arg7[%parallel_loop3A_649, %parallel_loop3A_650, %parallel_loop3A_651, %parallel_loop3A_652], %parallel_loop3A_655 {strides = array<i32>} : memref<4x2x16x256xf32, #tpu.memory_space<vmem>>, vector<1x1x1x16xf32>,
        %parallel_loop3A_656 = arith.constant 2 : i32
        %parallel_loop3A_657 = arith.constant 1 : i32
        %parallel_loop3A_658 = arith.index_cast %parallel_loop3A_656 : i32 to index
        %parallel_loop3A_659 = arith.index_cast %parallel_loop3A_657 : i32 to index
        %parallel_loop3A_660 = arith.index_cast %parallel_loop3A_393 : i32 to index
        %parallel_loop3A_661 = arith.constant 96 : index
        %parallel_loop3A_662 = tpu.vector_load %arg6[%parallel_loop3A_658, %parallel_loop3A_659, %parallel_loop3A_660, %parallel_loop3A_661] {strides = array<i32>} : memref<4x2x16x256xf32, #tpu.memory_space<vmem>>, vector<1x1x1x16xf32>,
        %parallel_loop3A_663 = vector.shape_cast %parallel_loop3A_662 : vector<1x1x1x16xf32> to vector<16xf32>
        %parallel_loop3A_664 = arith.addf %parallel_loop3A_663, %parallel_loop3A_637 : vector<16xf32>
        %parallel_loop3A_665 = arith.constant 2 : i32
        %parallel_loop3A_666 = arith.constant 1 : i32
        %parallel_loop3A_667 = arith.index_cast %parallel_loop3A_665 : i32 to index
        %parallel_loop3A_668 = arith.index_cast %parallel_loop3A_666 : i32 to index
        %parallel_loop3A_669 = arith.index_cast %parallel_loop3A_393 : i32 to index
        %parallel_loop3A_670 = arith.constant 96 : index
        %parallel_loop3A_671 = tpu.vector_load %arg7[%parallel_loop3A_667, %parallel_loop3A_668, %parallel_loop3A_669, %parallel_loop3A_670] {strides = array<i32>} : memref<4x2x16x256xf32, #tpu.memory_space<vmem>>, vector<1x1x1x16xf32>,
        %parallel_loop3A_672 = vector.shape_cast %parallel_loop3A_671 : vector<1x1x1x16xf32> to vector<16xf32>
        %parallel_loop3A_673 = vector.shape_cast %parallel_loop3A_664 : vector<16xf32> to vector<1x1x1x16xf32>
        tpu.vector_store %arg7[%parallel_loop3A_667, %parallel_loop3A_668, %parallel_loop3A_669, %parallel_loop3A_670], %parallel_loop3A_673 {strides = array<i32>} : memref<4x2x16x256xf32, #tpu.memory_space<vmem>>, vector<1x1x1x16xf32>,
        %parallel_loop3A_674 = arith.index_cast %parallel_loop3A_393 : i32 to index
        %parallel_loop3A_675 = arith.constant 112 : index
        %parallel_loop3A_676 = tpu.vector_load %arg5[%parallel_loop3A_674, %parallel_loop3A_675] {strides = array<i32>} : memref<16x256xf32, #tpu.memory_space<vmem>>, vector<1x16xf32>,
        %parallel_loop3A_677 = vector.shape_cast %parallel_loop3A_676 : vector<1x16xf32> to vector<16xf32>
        %parallel_loop3A_678 = arith.constant 2 : i32
        %parallel_loop3A_679 = arith.constant 0 : i32
        %parallel_loop3A_680 = arith.index_cast %parallel_loop3A_678 : i32 to index
        %parallel_loop3A_681 = arith.index_cast %parallel_loop3A_679 : i32 to index
        %parallel_loop3A_682 = arith.index_cast %parallel_loop3A_393 : i32 to index
        %parallel_loop3A_683 = arith.constant 112 : index
        %parallel_loop3A_684 = tpu.vector_load %arg6[%parallel_loop3A_680, %parallel_loop3A_681, %parallel_loop3A_682, %parallel_loop3A_683] {strides = array<i32>} : memref<4x2x16x256xf32, #tpu.memory_space<vmem>>, vector<1x1x1x16xf32>,
        %parallel_loop3A_685 = vector.shape_cast %parallel_loop3A_684 : vector<1x1x1x16xf32> to vector<16xf32>
        %parallel_loop3A_686 = arith.addf %parallel_loop3A_685, %parallel_loop3A_677 : vector<16xf32>
        %parallel_loop3A_687 = arith.constant 2 : i32
        %parallel_loop3A_688 = arith.constant 0 : i32
        %parallel_loop3A_689 = arith.index_cast %parallel_loop3A_687 : i32 to index
        %parallel_loop3A_690 = arith.index_cast %parallel_loop3A_688 : i32 to index
        %parallel_loop3A_691 = arith.index_cast %parallel_loop3A_393 : i32 to index
        %parallel_loop3A_692 = arith.constant 112 : index
        %parallel_loop3A_693 = tpu.vector_load %arg7[%parallel_loop3A_689, %parallel_loop3A_690, %parallel_loop3A_691, %parallel_loop3A_692] {strides = array<i32>} : memref<4x2x16x256xf32, #tpu.memory_space<vmem>>, vector<1x1x1x16xf32>,
        %parallel_loop3A_694 = vector.shape_cast %parallel_loop3A_693 : vector<1x1x1x16xf32> to vector<16xf32>
        %parallel_loop3A_695 = vector.shape_cast %parallel_loop3A_686 : vector<16xf32> to vector<1x1x1x16xf32>
        tpu.vector_store %arg7[%parallel_loop3A_689, %parallel_loop3A_690, %parallel_loop3A_691, %parallel_loop3A_692], %parallel_loop3A_695 {strides = array<i32>} : memref<4x2x16x256xf32, #tpu.memory_space<vmem>>, vector<1x1x1x16xf32>,
        %parallel_loop3A_696 = arith.constant 2 : i32
        %parallel_loop3A_697 = arith.constant 1 : i32
        %parallel_loop3A_698 = arith.index_cast %parallel_loop3A_696 : i32 to index
        %parallel_loop3A_699 = arith.index_cast %parallel_loop3A_697 : i32 to index
        %parallel_loop3A_700 = arith.index_cast %parallel_loop3A_393 : i32 to index
        %parallel_loop3A_701 = arith.constant 112 : index
        %parallel_loop3A_702 = tpu.vector_load %arg6[%parallel_loop3A_698, %parallel_loop3A_699, %parallel_loop3A_700, %parallel_loop3A_701] {strides = array<i32>} : memref<4x2x16x256xf32, #tpu.memory_space<vmem>>, vector<1x1x1x16xf32>,
        %parallel_loop3A_703 = vector.shape_cast %parallel_loop3A_702 : vector<1x1x1x16xf32> to vector<16xf32>
        %parallel_loop3A_704 = arith.addf %parallel_loop3A_703, %parallel_loop3A_677 : vector<16xf32>
        %parallel_loop3A_705 = arith.constant 2 : i32
        %parallel_loop3A_706 = arith.constant 1 : i32
        %parallel_loop3A_707 = arith.index_cast %parallel_loop3A_705 : i32 to index
        %parallel_loop3A_708 = arith.index_cast %parallel_loop3A_706 : i32 to index
        %parallel_loop3A_709 = arith.index_cast %parallel_loop3A_393 : i32 to index
        %parallel_loop3A_710 = arith.constant 112 : index
        %parallel_loop3A_711 = tpu.vector_load %arg7[%parallel_loop3A_707, %parallel_loop3A_708, %parallel_loop3A_709, %parallel_loop3A_710] {strides = array<i32>} : memref<4x2x16x256xf32, #tpu.memory_space<vmem>>, vector<1x1x1x16xf32>,
        %parallel_loop3A_712 = vector.shape_cast %parallel_loop3A_711 : vector<1x1x1x16xf32> to vector<16xf32>
        %parallel_loop3A_713 = vector.shape_cast %parallel_loop3A_704 : vector<16xf32> to vector<1x1x1x16xf32>
        tpu.vector_store %arg7[%parallel_loop3A_707, %parallel_loop3A_708, %parallel_loop3A_709, %parallel_loop3A_710], %parallel_loop3A_713 {strides = array<i32>} : memref<4x2x16x256xf32, #tpu.memory_space<vmem>>, vector<1x1x1x16xf32>,
        %parallel_loop3A_714 = arith.index_cast %parallel_loop3A_393 : i32 to index
        %parallel_loop3A_715 = arith.constant 128 : index
        %parallel_loop3A_716 = tpu.vector_load %arg5[%parallel_loop3A_714, %parallel_loop3A_715] {strides = array<i32>} : memref<16x256xf32, #tpu.memory_space<vmem>>, vector<1x16xf32>,
        %parallel_loop3A_717 = vector.shape_cast %parallel_loop3A_716 : vector<1x16xf32> to vector<16xf32>
        %parallel_loop3A_718 = arith.constant 2 : i32
        %parallel_loop3A_719 = arith.constant 0 : i32
        %parallel_loop3A_720 = arith.index_cast %parallel_loop3A_718 : i32 to index
        %parallel_loop3A_721 = arith.index_cast %parallel_loop3A_719 : i32 to index
        %parallel_loop3A_722 = arith.index_cast %parallel_loop3A_393 : i32 to index
        %parallel_loop3A_723 = arith.constant 128 : index
        %parallel_loop3A_724 = tpu.vector_load %arg6[%parallel_loop3A_720, %parallel_loop3A_721, %parallel_loop3A_722, %parallel_loop3A_723] {strides = array<i32>} : memref<4x2x16x256xf32, #tpu.memory_space<vmem>>, vector<1x1x1x16xf32>,
        %parallel_loop3A_725 = vector.shape_cast %parallel_loop3A_724 : vector<1x1x1x16xf32> to vector<16xf32>
        %parallel_loop3A_726 = arith.addf %parallel_loop3A_725, %parallel_loop3A_717 : vector<16xf32>
        %parallel_loop3A_727 = arith.constant 2 : i32
        %parallel_loop3A_728 = arith.constant 0 : i32
        %parallel_loop3A_729 = arith.index_cast %parallel_loop3A_727 : i32 to index
        %parallel_loop3A_730 = arith.index_cast %parallel_loop3A_728 : i32 to index
        %parallel_loop3A_731 = arith.index_cast %parallel_loop3A_393 : i32 to index
        %parallel_loop3A_732 = arith.constant 128 : index
        %parallel_loop3A_733 = tpu.vector_load %arg7[%parallel_loop3A_729, %parallel_loop3A_730, %parallel_loop3A_731, %parallel_loop3A_732] {strides = array<i32>} : memref<4x2x16x256xf32, #tpu.memory_space<vmem>>, vector<1x1x1x16xf32>,
        %parallel_loop3A_734 = vector.shape_cast %parallel_loop3A_733 : vector<1x1x1x16xf32> to vector<16xf32>
        %parallel_loop3A_735 = vector.shape_cast %parallel_loop3A_726 : vector<16xf32> to vector<1x1x1x16xf32>
        tpu.vector_store %arg7[%parallel_loop3A_729, %parallel_loop3A_730, %parallel_loop3A_731, %parallel_loop3A_732], %parallel_loop3A_735 {strides = array<i32>} : memref<4x2x16x256xf32, #tpu.memory_space<vmem>>, vector<1x1x1x16xf32>,
        %parallel_loop3A_736 = arith.constant 2 : i32
        %parallel_loop3A_737 = arith.constant 1 : i32
        %parallel_loop3A_738 = arith.index_cast %parallel_loop3A_736 : i32 to index
        %parallel_loop3A_739 = arith.index_cast %parallel_loop3A_737 : i32 to index
        %parallel_loop3A_740 = arith.index_cast %parallel_loop3A_393 : i32 to index
        %parallel_loop3A_741 = arith.constant 128 : index
        %parallel_loop3A_742 = tpu.vector_load %arg6[%parallel_loop3A_738, %parallel_loop3A_739, %parallel_loop3A_740, %parallel_loop3A_741] {strides = array<i32>} : memref<4x2x16x256xf32, #tpu.memory_space<vmem>>, vector<1x1x1x16xf32>,
        %parallel_loop3A_743 = vector.shape_cast %parallel_loop3A_742 : vector<1x1x1x16xf32> to vector<16xf32>
        %parallel_loop3A_744 = arith.addf %parallel_loop3A_743, %parallel_loop3A_717 : vector<16xf32>
        %parallel_loop3A_745 = arith.constant 2 : i32
        %parallel_loop3A_746 = arith.constant 1 : i32
        %parallel_loop3A_747 = arith.index_cast %parallel_loop3A_745 : i32 to index
        %parallel_loop3A_748 = arith.index_cast %parallel_loop3A_746 : i32 to index
        %parallel_loop3A_749 = arith.index_cast %parallel_loop3A_393 : i32 to index
        %parallel_loop3A_750 = arith.constant 128 : index
        %parallel_loop3A_751 = tpu.vector_load %arg7[%parallel_loop3A_747, %parallel_loop3A_748, %parallel_loop3A_749, %parallel_loop3A_750] {strides = array<i32>} : memref<4x2x16x256xf32, #tpu.memory_space<vmem>>, vector<1x1x1x16xf32>,
        %parallel_loop3A_752 = vector.shape_cast %parallel_loop3A_751 : vector<1x1x1x16xf32> to vector<16xf32>
        %parallel_loop3A_753 = vector.shape_cast %parallel_loop3A_744 : vector<16xf32> to vector<1x1x1x16xf32>
        tpu.vector_store %arg7[%parallel_loop3A_747, %parallel_loop3A_748, %parallel_loop3A_749, %parallel_loop3A_750], %parallel_loop3A_753 {strides = array<i32>} : memref<4x2x16x256xf32, #tpu.memory_space<vmem>>, vector<1x1x1x16xf32>,
        %parallel_loop3A_754 = arith.index_cast %parallel_loop3A_393 : i32 to index
        %parallel_loop3A_755 = arith.constant 144 : index
        %parallel_loop3A_756 = tpu.vector_load %arg5[%parallel_loop3A_754, %parallel_loop3A_755] {strides = array<i32>} : memref<16x256xf32, #tpu.memory_space<vmem>>, vector<1x16xf32>,
        %parallel_loop3A_757 = vector.shape_cast %parallel_loop3A_756 : vector<1x16xf32> to vector<16xf32>
        %parallel_loop3A_758 = arith.constant 2 : i32
        %parallel_loop3A_759 = arith.constant 0 : i32
        %parallel_loop3A_760 = arith.index_cast %parallel_loop3A_758 : i32 to index
        %parallel_loop3A_761 = arith.index_cast %parallel_loop3A_759 : i32 to index
        %parallel_loop3A_762 = arith.index_cast %parallel_loop3A_393 : i32 to index
        %parallel_loop3A_763 = arith.constant 144 : index
        %parallel_loop3A_764 = tpu.vector_load %arg6[%parallel_loop3A_760, %parallel_loop3A_761, %parallel_loop3A_762, %parallel_loop3A_763] {strides = array<i32>} : memref<4x2x16x256xf32, #tpu.memory_space<vmem>>, vector<1x1x1x16xf32>,
        %parallel_loop3A_765 = vector.shape_cast %parallel_loop3A_764 : vector<1x1x1x16xf32> to vector<16xf32>
        %parallel_loop3A_766 = arith.addf %parallel_loop3A_765, %parallel_loop3A_757 : vector<16xf32>
        %parallel_loop3A_767 = arith.constant 2 : i32
        %parallel_loop3A_768 = arith.constant 0 : i32
        %parallel_loop3A_769 = arith.index_cast %parallel_loop3A_767 : i32 to index
        %parallel_loop3A_770 = arith.index_cast %parallel_loop3A_768 : i32 to index
        %parallel_loop3A_771 = arith.index_cast %parallel_loop3A_393 : i32 to index
        %parallel_loop3A_772 = arith.constant 144 : index
        %parallel_loop3A_773 = tpu.vector_load %arg7[%parallel_loop3A_769, %parallel_loop3A_770, %parallel_loop3A_771, %parallel_loop3A_772] {strides = array<i32>} : memref<4x2x16x256xf32, #tpu.memory_space<vmem>>, vector<1x1x1x16xf32>,
        %parallel_loop3A_774 = vector.shape_cast %parallel_loop3A_773 : vector<1x1x1x16xf32> to vector<16xf32>
        %parallel_loop3A_775 = vector.shape_cast %parallel_loop3A_766 : vector<16xf32> to vector<1x1x1x16xf32>
        tpu.vector_store %arg7[%parallel_loop3A_769, %parallel_loop3A_770, %parallel_loop3A_771, %parallel_loop3A_772], %parallel_loop3A_775 {strides = array<i32>} : memref<4x2x16x256xf32, #tpu.memory_space<vmem>>, vector<1x1x1x16xf32>,
        %parallel_loop3A_776 = arith.constant 2 : i32
        %parallel_loop3A_777 = arith.constant 1 : i32
        %parallel_loop3A_778 = arith.index_cast %parallel_loop3A_776 : i32 to index
        %parallel_loop3A_779 = arith.index_cast %parallel_loop3A_777 : i32 to index
        %parallel_loop3A_780 = arith.index_cast %parallel_loop3A_393 : i32 to index
        %parallel_loop3A_781 = arith.constant 144 : index
        %parallel_loop3A_782 = tpu.vector_load %arg6[%parallel_loop3A_778, %parallel_loop3A_779, %parallel_loop3A_780, %parallel_loop3A_781] {strides = array<i32>} : memref<4x2x16x256xf32, #tpu.memory_space<vmem>>, vector<1x1x1x16xf32>,
        %parallel_loop3A_783 = vector.shape_cast %parallel_loop3A_782 : vector<1x1x1x16xf32> to vector<16xf32>
        %parallel_loop3A_784 = arith.addf %parallel_loop3A_783, %parallel_loop3A_757 : vector<16xf32>
        %parallel_loop3A_785 = arith.constant 2 : i32
        %parallel_loop3A_786 = arith.constant 1 : i32
        %parallel_loop3A_787 = arith.index_cast %parallel_loop3A_785 : i32 to index
        %parallel_loop3A_788 = arith.index_cast %parallel_loop3A_786 : i32 to index
        %parallel_loop3A_789 = arith.index_cast %parallel_loop3A_393 : i32 to index
        %parallel_loop3A_790 = arith.constant 144 : index
        %parallel_loop3A_791 = tpu.vector_load %arg7[%parallel_loop3A_787, %parallel_loop3A_788, %parallel_loop3A_789, %parallel_loop3A_790] {strides = array<i32>} : memref<4x2x16x256xf32, #tpu.memory_space<vmem>>, vector<1x1x1x16xf32>,
        %parallel_loop3A_792 = vector.shape_cast %parallel_loop3A_791 : vector<1x1x1x16xf32> to vector<16xf32>
        %parallel_loop3A_793 = vector.shape_cast %parallel_loop3A_784 : vector<16xf32> to vector<1x1x1x16xf32>
        tpu.vector_store %arg7[%parallel_loop3A_787, %parallel_loop3A_788, %parallel_loop3A_789, %parallel_loop3A_790], %parallel_loop3A_793 {strides = array<i32>} : memref<4x2x16x256xf32, #tpu.memory_space<vmem>>, vector<1x1x1x16xf32>,
        %parallel_loop3A_794 = arith.index_cast %parallel_loop3A_393 : i32 to index
        %parallel_loop3A_795 = arith.constant 160 : index
        %parallel_loop3A_796 = tpu.vector_load %arg5[%parallel_loop3A_794, %parallel_loop3A_795] {strides = array<i32>} : memref<16x256xf32, #tpu.memory_space<vmem>>, vector<1x16xf32>,
        %parallel_loop3A_797 = vector.shape_cast %parallel_loop3A_796 : vector<1x16xf32> to vector<16xf32>
        %parallel_loop3A_798 = arith.constant 2 : i32
        %parallel_loop3A_799 = arith.constant 0 : i32
        %parallel_loop3A_800 = arith.index_cast %parallel_loop3A_798 : i32 to index
        %parallel_loop3A_801 = arith.index_cast %parallel_loop3A_799 : i32 to index
        %parallel_loop3A_802 = arith.index_cast %parallel_loop3A_393 : i32 to index
        %parallel_loop3A_803 = arith.constant 160 : index
        %parallel_loop3A_804 = tpu.vector_load %arg6[%parallel_loop3A_800, %parallel_loop3A_801, %parallel_loop3A_802, %parallel_loop3A_803] {strides = array<i32>} : memref<4x2x16x256xf32, #tpu.memory_space<vmem>>, vector<1x1x1x16xf32>,
        %parallel_loop3A_805 = vector.shape_cast %parallel_loop3A_804 : vector<1x1x1x16xf32> to vector<16xf32>
        %parallel_loop3A_806 = arith.addf %parallel_loop3A_805, %parallel_loop3A_797 : vector<16xf32>
        %parallel_loop3A_807 = arith.constant 2 : i32
        %parallel_loop3A_808 = arith.constant 0 : i32
        %parallel_loop3A_809 = arith.index_cast %parallel_loop3A_807 : i32 to index
        %parallel_loop3A_810 = arith.index_cast %parallel_loop3A_808 : i32 to index
        %parallel_loop3A_811 = arith.index_cast %parallel_loop3A_393 : i32 to index
        %parallel_loop3A_812 = arith.constant 160 : index
        %parallel_loop3A_813 = tpu.vector_load %arg7[%parallel_loop3A_809, %parallel_loop3A_810, %parallel_loop3A_811, %parallel_loop3A_812] {strides = array<i32>} : memref<4x2x16x256xf32, #tpu.memory_space<vmem>>, vector<1x1x1x16xf32>,
        %parallel_loop3A_814 = vector.shape_cast %parallel_loop3A_813 : vector<1x1x1x16xf32> to vector<16xf32>
        %parallel_loop3A_815 = vector.shape_cast %parallel_loop3A_806 : vector<16xf32> to vector<1x1x1x16xf32>
        tpu.vector_store %arg7[%parallel_loop3A_809, %parallel_loop3A_810, %parallel_loop3A_811, %parallel_loop3A_812], %parallel_loop3A_815 {strides = array<i32>} : memref<4x2x16x256xf32, #tpu.memory_space<vmem>>, vector<1x1x1x16xf32>,
        %parallel_loop3A_816 = arith.constant 2 : i32
        %parallel_loop3A_817 = arith.constant 1 : i32
        %parallel_loop3A_818 = arith.index_cast %parallel_loop3A_816 : i32 to index
        %parallel_loop3A_819 = arith.index_cast %parallel_loop3A_817 : i32 to index
        %parallel_loop3A_820 = arith.index_cast %parallel_loop3A_393 : i32 to index
        %parallel_loop3A_821 = arith.constant 160 : index
        %parallel_loop3A_822 = tpu.vector_load %arg6[%parallel_loop3A_818, %parallel_loop3A_819, %parallel_loop3A_820, %parallel_loop3A_821] {strides = array<i32>} : memref<4x2x16x256xf32, #tpu.memory_space<vmem>>, vector<1x1x1x16xf32>,
        %parallel_loop3A_823 = vector.shape_cast %parallel_loop3A_822 : vector<1x1x1x16xf32> to vector<16xf32>
        %parallel_loop3A_824 = arith.addf %parallel_loop3A_823, %parallel_loop3A_797 : vector<16xf32>
        %parallel_loop3A_825 = arith.constant 2 : i32
        %parallel_loop3A_826 = arith.constant 1 : i32
        %parallel_loop3A_827 = arith.index_cast %parallel_loop3A_825 : i32 to index
        %parallel_loop3A_828 = arith.index_cast %parallel_loop3A_826 : i32 to index
        %parallel_loop3A_829 = arith.index_cast %parallel_loop3A_393 : i32 to index
        %parallel_loop3A_830 = arith.constant 160 : index
        %parallel_loop3A_831 = tpu.vector_load %arg7[%parallel_loop3A_827, %parallel_loop3A_828, %parallel_loop3A_829, %parallel_loop3A_830] {strides = array<i32>} : memref<4x2x16x256xf32, #tpu.memory_space<vmem>>, vector<1x1x1x16xf32>,
        %parallel_loop3A_832 = vector.shape_cast %parallel_loop3A_831 : vector<1x1x1x16xf32> to vector<16xf32>
        %parallel_loop3A_833 = vector.shape_cast %parallel_loop3A_824 : vector<16xf32> to vector<1x1x1x16xf32>
        tpu.vector_store %arg7[%parallel_loop3A_827, %parallel_loop3A_828, %parallel_loop3A_829, %parallel_loop3A_830], %parallel_loop3A_833 {strides = array<i32>} : memref<4x2x16x256xf32, #tpu.memory_space<vmem>>, vector<1x1x1x16xf32>,
        %parallel_loop3A_834 = arith.index_cast %parallel_loop3A_393 : i32 to index
        %parallel_loop3A_835 = arith.constant 176 : index
        %parallel_loop3A_836 = tpu.vector_load %arg5[%parallel_loop3A_834, %parallel_loop3A_835] {strides = array<i32>} : memref<16x256xf32, #tpu.memory_space<vmem>>, vector<1x16xf32>,
        %parallel_loop3A_837 = vector.shape_cast %parallel_loop3A_836 : vector<1x16xf32> to vector<16xf32>
        %parallel_loop3A_838 = arith.constant 2 : i32
        %parallel_loop3A_839 = arith.constant 0 : i32
        %parallel_loop3A_840 = arith.index_cast %parallel_loop3A_838 : i32 to index
        %parallel_loop3A_841 = arith.index_cast %parallel_loop3A_839 : i32 to index
        %parallel_loop3A_842 = arith.index_cast %parallel_loop3A_393 : i32 to index
        %parallel_loop3A_843 = arith.constant 176 : index
        %parallel_loop3A_844 = tpu.vector_load %arg6[%parallel_loop3A_840, %parallel_loop3A_841, %parallel_loop3A_842, %parallel_loop3A_843] {strides = array<i32>} : memref<4x2x16x256xf32, #tpu.memory_space<vmem>>, vector<1x1x1x16xf32>,
        %parallel_loop3A_845 = vector.shape_cast %parallel_loop3A_844 : vector<1x1x1x16xf32> to vector<16xf32>
        %parallel_loop3A_846 = arith.addf %parallel_loop3A_845, %parallel_loop3A_837 : vector<16xf32>
        %parallel_loop3A_847 = arith.constant 2 : i32
        %parallel_loop3A_848 = arith.constant 0 : i32
        %parallel_loop3A_849 = arith.index_cast %parallel_loop3A_847 : i32 to index
        %parallel_loop3A_850 = arith.index_cast %parallel_loop3A_848 : i32 to index
        %parallel_loop3A_851 = arith.index_cast %parallel_loop3A_393 : i32 to index
        %parallel_loop3A_852 = arith.constant 176 : index
        %parallel_loop3A_853 = tpu.vector_load %arg7[%parallel_loop3A_849, %parallel_loop3A_850, %parallel_loop3A_851, %parallel_loop3A_852] {strides = array<i32>} : memref<4x2x16x256xf32, #tpu.memory_space<vmem>>, vector<1x1x1x16xf32>,
        %parallel_loop3A_854 = vector.shape_cast %parallel_loop3A_853 : vector<1x1x1x16xf32> to vector<16xf32>
        %parallel_loop3A_855 = vector.shape_cast %parallel_loop3A_846 : vector<16xf32> to vector<1x1x1x16xf32>
        tpu.vector_store %arg7[%parallel_loop3A_849, %parallel_loop3A_850, %parallel_loop3A_851, %parallel_loop3A_852], %parallel_loop3A_855 {strides = array<i32>} : memref<4x2x16x256xf32, #tpu.memory_space<vmem>>, vector<1x1x1x16xf32>,
        %parallel_loop3A_856 = arith.constant 2 : i32
        %parallel_loop3A_857 = arith.constant 1 : i32
        %parallel_loop3A_858 = arith.index_cast %parallel_loop3A_856 : i32 to index
        %parallel_loop3A_859 = arith.index_cast %parallel_loop3A_857 : i32 to index
        %parallel_loop3A_860 = arith.index_cast %parallel_loop3A_393 : i32 to index
        %parallel_loop3A_861 = arith.constant 176 : index
        %parallel_loop3A_862 = tpu.vector_load %arg6[%parallel_loop3A_858, %parallel_loop3A_859, %parallel_loop3A_860, %parallel_loop3A_861] {strides = array<i32>} : memref<4x2x16x256xf32, #tpu.memory_space<vmem>>, vector<1x1x1x16xf32>,
        %parallel_loop3A_863 = vector.shape_cast %parallel_loop3A_862 : vector<1x1x1x16xf32> to vector<16xf32>
        %parallel_loop3A_864 = arith.addf %parallel_loop3A_863, %parallel_loop3A_837 : vector<16xf32>
        %parallel_loop3A_865 = arith.constant 2 : i32
        %parallel_loop3A_866 = arith.constant 1 : i32
        %parallel_loop3A_867 = arith.index_cast %parallel_loop3A_865 : i32 to index
        %parallel_loop3A_868 = arith.index_cast %parallel_loop3A_866 : i32 to index
        %parallel_loop3A_869 = arith.index_cast %parallel_loop3A_393 : i32 to index
        %parallel_loop3A_870 = arith.constant 176 : index
        %parallel_loop3A_871 = tpu.vector_load %arg7[%parallel_loop3A_867, %parallel_loop3A_868, %parallel_loop3A_869, %parallel_loop3A_870] {strides = array<i32>} : memref<4x2x16x256xf32, #tpu.memory_space<vmem>>, vector<1x1x1x16xf32>,
        %parallel_loop3A_872 = vector.shape_cast %parallel_loop3A_871 : vector<1x1x1x16xf32> to vector<16xf32>
        %parallel_loop3A_873 = vector.shape_cast %parallel_loop3A_864 : vector<16xf32> to vector<1x1x1x16xf32>
        tpu.vector_store %arg7[%parallel_loop3A_867, %parallel_loop3A_868, %parallel_loop3A_869, %parallel_loop3A_870], %parallel_loop3A_873 {strides = array<i32>} : memref<4x2x16x256xf32, #tpu.memory_space<vmem>>, vector<1x1x1x16xf32>,
        %parallel_loop3A_874 = arith.index_cast %parallel_loop3A_393 : i32 to index
        %parallel_loop3A_875 = arith.constant 192 : index
        %parallel_loop3A_876 = tpu.vector_load %arg5[%parallel_loop3A_874, %parallel_loop3A_875] {strides = array<i32>} : memref<16x256xf32, #tpu.memory_space<vmem>>, vector<1x16xf32>,
        %parallel_loop3A_877 = vector.shape_cast %parallel_loop3A_876 : vector<1x16xf32> to vector<16xf32>
        %parallel_loop3A_878 = arith.constant 2 : i32
        %parallel_loop3A_879 = arith.constant 0 : i32
        %parallel_loop3A_880 = arith.index_cast %parallel_loop3A_878 : i32 to index
        %parallel_loop3A_881 = arith.index_cast %parallel_loop3A_879 : i32 to index
        %parallel_loop3A_882 = arith.index_cast %parallel_loop3A_393 : i32 to index
        %parallel_loop3A_883 = arith.constant 192 : index
        %parallel_loop3A_884 = tpu.vector_load %arg6[%parallel_loop3A_880, %parallel_loop3A_881, %parallel_loop3A_882, %parallel_loop3A_883] {strides = array<i32>} : memref<4x2x16x256xf32, #tpu.memory_space<vmem>>, vector<1x1x1x16xf32>,
        %parallel_loop3A_885 = vector.shape_cast %parallel_loop3A_884 : vector<1x1x1x16xf32> to vector<16xf32>
        %parallel_loop3A_886 = arith.addf %parallel_loop3A_885, %parallel_loop3A_877 : vector<16xf32>
        %parallel_loop3A_887 = arith.constant 2 : i32
        %parallel_loop3A_888 = arith.constant 0 : i32
        %parallel_loop3A_889 = arith.index_cast %parallel_loop3A_887 : i32 to index
        %parallel_loop3A_890 = arith.index_cast %parallel_loop3A_888 : i32 to index
        %parallel_loop3A_891 = arith.index_cast %parallel_loop3A_393 : i32 to index
        %parallel_loop3A_892 = arith.constant 192 : index
        %parallel_loop3A_893 = tpu.vector_load %arg7[%parallel_loop3A_889, %parallel_loop3A_890, %parallel_loop3A_891, %parallel_loop3A_892] {strides = array<i32>} : memref<4x2x16x256xf32, #tpu.memory_space<vmem>>, vector<1x1x1x16xf32>,
        %parallel_loop3A_894 = vector.shape_cast %parallel_loop3A_893 : vector<1x1x1x16xf32> to vector<16xf32>
        %parallel_loop3A_895 = vector.shape_cast %parallel_loop3A_886 : vector<16xf32> to vector<1x1x1x16xf32>
        tpu.vector_store %arg7[%parallel_loop3A_889, %parallel_loop3A_890, %parallel_loop3A_891, %parallel_loop3A_892], %parallel_loop3A_895 {strides = array<i32>} : memref<4x2x16x256xf32, #tpu.memory_space<vmem>>, vector<1x1x1x16xf32>,
        %parallel_loop3A_896 = arith.constant 2 : i32
        %parallel_loop3A_897 = arith.constant 1 : i32
        %parallel_loop3A_898 = arith.index_cast %parallel_loop3A_896 : i32 to index
        %parallel_loop3A_899 = arith.index_cast %parallel_loop3A_897 : i32 to index
        %parallel_loop3A_900 = arith.index_cast %parallel_loop3A_393 : i32 to index
        %parallel_loop3A_901 = arith.constant 192 : index
        %parallel_loop3A_902 = tpu.vector_load %arg6[%parallel_loop3A_898, %parallel_loop3A_899, %parallel_loop3A_900, %parallel_loop3A_901] {strides = array<i32>} : memref<4x2x16x256xf32, #tpu.memory_space<vmem>>, vector<1x1x1x16xf32>,
        %parallel_loop3A_903 = vector.shape_cast %parallel_loop3A_902 : vector<1x1x1x16xf32> to vector<16xf32>
        %parallel_loop3A_904 = arith.addf %parallel_loop3A_903, %parallel_loop3A_877 : vector<16xf32>
        %parallel_loop3A_905 = arith.constant 2 : i32
        %parallel_loop3A_906 = arith.constant 1 : i32
        %parallel_loop3A_907 = arith.index_cast %parallel_loop3A_905 : i32 to index
        %parallel_loop3A_908 = arith.index_cast %parallel_loop3A_906 : i32 to index
        %parallel_loop3A_909 = arith.index_cast %parallel_loop3A_393 : i32 to index
        %parallel_loop3A_910 = arith.constant 192 : index
        %parallel_loop3A_911 = tpu.vector_load %arg7[%parallel_loop3A_907, %parallel_loop3A_908, %parallel_loop3A_909, %parallel_loop3A_910] {strides = array<i32>} : memref<4x2x16x256xf32, #tpu.memory_space<vmem>>, vector<1x1x1x16xf32>,
        %parallel_loop3A_912 = vector.shape_cast %parallel_loop3A_911 : vector<1x1x1x16xf32> to vector<16xf32>
        %parallel_loop3A_913 = vector.shape_cast %parallel_loop3A_904 : vector<16xf32> to vector<1x1x1x16xf32>
        tpu.vector_store %arg7[%parallel_loop3A_907, %parallel_loop3A_908, %parallel_loop3A_909, %parallel_loop3A_910], %parallel_loop3A_913 {strides = array<i32>} : memref<4x2x16x256xf32, #tpu.memory_space<vmem>>, vector<1x1x1x16xf32>,
        %parallel_loop3A_914 = arith.index_cast %parallel_loop3A_393 : i32 to index
        %parallel_loop3A_915 = arith.constant 208 : index
        %parallel_loop3A_916 = tpu.vector_load %arg5[%parallel_loop3A_914, %parallel_loop3A_915] {strides = array<i32>} : memref<16x256xf32, #tpu.memory_space<vmem>>, vector<1x16xf32>,
        %parallel_loop3A_917 = vector.shape_cast %parallel_loop3A_916 : vector<1x16xf32> to vector<16xf32>
        %parallel_loop3A_918 = arith.constant 2 : i32
        %parallel_loop3A_919 = arith.constant 0 : i32
        %parallel_loop3A_920 = arith.index_cast %parallel_loop3A_918 : i32 to index
        %parallel_loop3A_921 = arith.index_cast %parallel_loop3A_919 : i32 to index
        %parallel_loop3A_922 = arith.index_cast %parallel_loop3A_393 : i32 to index
        %parallel_loop3A_923 = arith.constant 208 : index
        %parallel_loop3A_924 = tpu.vector_load %arg6[%parallel_loop3A_920, %parallel_loop3A_921, %parallel_loop3A_922, %parallel_loop3A_923] {strides = array<i32>} : memref<4x2x16x256xf32, #tpu.memory_space<vmem>>, vector<1x1x1x16xf32>,
        %parallel_loop3A_925 = vector.shape_cast %parallel_loop3A_924 : vector<1x1x1x16xf32> to vector<16xf32>
        %parallel_loop3A_926 = arith.addf %parallel_loop3A_925, %parallel_loop3A_917 : vector<16xf32>
        %parallel_loop3A_927 = arith.constant 2 : i32
        %parallel_loop3A_928 = arith.constant 0 : i32
        %parallel_loop3A_929 = arith.index_cast %parallel_loop3A_927 : i32 to index
        %parallel_loop3A_930 = arith.index_cast %parallel_loop3A_928 : i32 to index
        %parallel_loop3A_931 = arith.index_cast %parallel_loop3A_393 : i32 to index
        %parallel_loop3A_932 = arith.constant 208 : index
        %parallel_loop3A_933 = tpu.vector_load %arg7[%parallel_loop3A_929, %parallel_loop3A_930, %parallel_loop3A_931, %parallel_loop3A_932] {strides = array<i32>} : memref<4x2x16x256xf32, #tpu.memory_space<vmem>>, vector<1x1x1x16xf32>,
        %parallel_loop3A_934 = vector.shape_cast %parallel_loop3A_933 : vector<1x1x1x16xf32> to vector<16xf32>
        %parallel_loop3A_935 = vector.shape_cast %parallel_loop3A_926 : vector<16xf32> to vector<1x1x1x16xf32>
        tpu.vector_store %arg7[%parallel_loop3A_929, %parallel_loop3A_930, %parallel_loop3A_931, %parallel_loop3A_932], %parallel_loop3A_935 {strides = array<i32>} : memref<4x2x16x256xf32, #tpu.memory_space<vmem>>, vector<1x1x1x16xf32>,
        %parallel_loop3A_936 = arith.constant 2 : i32
        %parallel_loop3A_937 = arith.constant 1 : i32
        %parallel_loop3A_938 = arith.index_cast %parallel_loop3A_936 : i32 to index
        %parallel_loop3A_939 = arith.index_cast %parallel_loop3A_937 : i32 to index
        %parallel_loop3A_940 = arith.index_cast %parallel_loop3A_393 : i32 to index
        %parallel_loop3A_941 = arith.constant 208 : index
        %parallel_loop3A_942 = tpu.vector_load %arg6[%parallel_loop3A_938, %parallel_loop3A_939, %parallel_loop3A_940, %parallel_loop3A_941] {strides = array<i32>} : memref<4x2x16x256xf32, #tpu.memory_space<vmem>>, vector<1x1x1x16xf32>,
        %parallel_loop3A_943 = vector.shape_cast %parallel_loop3A_942 : vector<1x1x1x16xf32> to vector<16xf32>
        %parallel_loop3A_944 = arith.addf %parallel_loop3A_943, %parallel_loop3A_917 : vector<16xf32>
        %parallel_loop3A_945 = arith.constant 2 : i32
        %parallel_loop3A_946 = arith.constant 1 : i32
        %parallel_loop3A_947 = arith.index_cast %parallel_loop3A_945 : i32 to index
        %parallel_loop3A_948 = arith.index_cast %parallel_loop3A_946 : i32 to index
        %parallel_loop3A_949 = arith.index_cast %parallel_loop3A_393 : i32 to index
        %parallel_loop3A_950 = arith.constant 208 : index
        %parallel_loop3A_951 = tpu.vector_load %arg7[%parallel_loop3A_947, %parallel_loop3A_948, %parallel_loop3A_949, %parallel_loop3A_950] {strides = array<i32>} : memref<4x2x16x256xf32, #tpu.memory_space<vmem>>, vector<1x1x1x16xf32>,
        %parallel_loop3A_952 = vector.shape_cast %parallel_loop3A_951 : vector<1x1x1x16xf32> to vector<16xf32>
        %parallel_loop3A_953 = vector.shape_cast %parallel_loop3A_944 : vector<16xf32> to vector<1x1x1x16xf32>
        tpu.vector_store %arg7[%parallel_loop3A_947, %parallel_loop3A_948, %parallel_loop3A_949, %parallel_loop3A_950], %parallel_loop3A_953 {strides = array<i32>} : memref<4x2x16x256xf32, #tpu.memory_space<vmem>>, vector<1x1x1x16xf32>,
        %parallel_loop3A_954 = arith.index_cast %parallel_loop3A_393 : i32 to index
        %parallel_loop3A_955 = arith.constant 224 : index
        %parallel_loop3A_956 = tpu.vector_load %arg5[%parallel_loop3A_954, %parallel_loop3A_955] {strides = array<i32>} : memref<16x256xf32, #tpu.memory_space<vmem>>, vector<1x16xf32>,
        %parallel_loop3A_957 = vector.shape_cast %parallel_loop3A_956 : vector<1x16xf32> to vector<16xf32>
        %parallel_loop3A_958 = arith.constant 2 : i32
        %parallel_loop3A_959 = arith.constant 0 : i32
        %parallel_loop3A_960 = arith.index_cast %parallel_loop3A_958 : i32 to index
        %parallel_loop3A_961 = arith.index_cast %parallel_loop3A_959 : i32 to index
        %parallel_loop3A_962 = arith.index_cast %parallel_loop3A_393 : i32 to index
        %parallel_loop3A_963 = arith.constant 224 : index
        %parallel_loop3A_964 = tpu.vector_load %arg6[%parallel_loop3A_960, %parallel_loop3A_961, %parallel_loop3A_962, %parallel_loop3A_963] {strides = array<i32>} : memref<4x2x16x256xf32, #tpu.memory_space<vmem>>, vector<1x1x1x16xf32>,
        %parallel_loop3A_965 = vector.shape_cast %parallel_loop3A_964 : vector<1x1x1x16xf32> to vector<16xf32>
        %parallel_loop3A_966 = arith.addf %parallel_loop3A_965, %parallel_loop3A_957 : vector<16xf32>
        %parallel_loop3A_967 = arith.constant 2 : i32
        %parallel_loop3A_968 = arith.constant 0 : i32
        %parallel_loop3A_969 = arith.index_cast %parallel_loop3A_967 : i32 to index
        %parallel_loop3A_970 = arith.index_cast %parallel_loop3A_968 : i32 to index
        %parallel_loop3A_971 = arith.index_cast %parallel_loop3A_393 : i32 to index
        %parallel_loop3A_972 = arith.constant 224 : index
        %parallel_loop3A_973 = tpu.vector_load %arg7[%parallel_loop3A_969, %parallel_loop3A_970, %parallel_loop3A_971, %parallel_loop3A_972] {strides = array<i32>} : memref<4x2x16x256xf32, #tpu.memory_space<vmem>>, vector<1x1x1x16xf32>,
        %parallel_loop3A_974 = vector.shape_cast %parallel_loop3A_973 : vector<1x1x1x16xf32> to vector<16xf32>
        %parallel_loop3A_975 = vector.shape_cast %parallel_loop3A_966 : vector<16xf32> to vector<1x1x1x16xf32>
        tpu.vector_store %arg7[%parallel_loop3A_969, %parallel_loop3A_970, %parallel_loop3A_971, %parallel_loop3A_972], %parallel_loop3A_975 {strides = array<i32>} : memref<4x2x16x256xf32, #tpu.memory_space<vmem>>, vector<1x1x1x16xf32>,
        %parallel_loop3A_976 = arith.constant 2 : i32
        %parallel_loop3A_977 = arith.constant 1 : i32
        %parallel_loop3A_978 = arith.index_cast %parallel_loop3A_976 : i32 to index
        %parallel_loop3A_979 = arith.index_cast %parallel_loop3A_977 : i32 to index
        %parallel_loop3A_980 = arith.index_cast %parallel_loop3A_393 : i32 to index
        %parallel_loop3A_981 = arith.constant 224 : index
        %parallel_loop3A_982 = tpu.vector_load %arg6[%parallel_loop3A_978, %parallel_loop3A_979, %parallel_loop3A_980, %parallel_loop3A_981] {strides = array<i32>} : memref<4x2x16x256xf32, #tpu.memory_space<vmem>>, vector<1x1x1x16xf32>,
        %parallel_loop3A_983 = vector.shape_cast %parallel_loop3A_982 : vector<1x1x1x16xf32> to vector<16xf32>
        %parallel_loop3A_984 = arith.addf %parallel_loop3A_983, %parallel_loop3A_957 : vector<16xf32>
        %parallel_loop3A_985 = arith.constant 2 : i32
        %parallel_loop3A_986 = arith.constant 1 : i32
        %parallel_loop3A_987 = arith.index_cast %parallel_loop3A_985 : i32 to index
        %parallel_loop3A_988 = arith.index_cast %parallel_loop3A_986 : i32 to index
        %parallel_loop3A_989 = arith.index_cast %parallel_loop3A_393 : i32 to index
        %parallel_loop3A_990 = arith.constant 224 : index
        %parallel_loop3A_991 = tpu.vector_load %arg7[%parallel_loop3A_987, %parallel_loop3A_988, %parallel_loop3A_989, %parallel_loop3A_990] {strides = array<i32>} : memref<4x2x16x256xf32, #tpu.memory_space<vmem>>, vector<1x1x1x16xf32>,
        %parallel_loop3A_992 = vector.shape_cast %parallel_loop3A_991 : vector<1x1x1x16xf32> to vector<16xf32>
        %parallel_loop3A_993 = vector.shape_cast %parallel_loop3A_984 : vector<16xf32> to vector<1x1x1x16xf32>
        tpu.vector_store %arg7[%parallel_loop3A_987, %parallel_loop3A_988, %parallel_loop3A_989, %parallel_loop3A_990], %parallel_loop3A_993 {strides = array<i32>} : memref<4x2x16x256xf32, #tpu.memory_space<vmem>>, vector<1x1x1x16xf32>,
        %parallel_loop3A_994 = arith.index_cast %parallel_loop3A_393 : i32 to index
        %parallel_loop3A_995 = arith.constant 240 : index
        %parallel_loop3A_996 = tpu.vector_load %arg5[%parallel_loop3A_994, %parallel_loop3A_995] {strides = array<i32>} : memref<16x256xf32, #tpu.memory_space<vmem>>, vector<1x16xf32>,
        %parallel_loop3A_997 = vector.shape_cast %parallel_loop3A_996 : vector<1x16xf32> to vector<16xf32>
        %parallel_loop3A_998 = arith.constant 2 : i32
        %parallel_loop3A_999 = arith.constant 0 : i32
        %parallel_loop3A_1000 = arith.index_cast %parallel_loop3A_998 : i32 to index
        %parallel_loop3A_1001 = arith.index_cast %parallel_loop3A_999 : i32 to index
        %parallel_loop3A_1002 = arith.index_cast %parallel_loop3A_393 : i32 to index
        %parallel_loop3A_1003 = arith.constant 240 : index
        %parallel_loop3A_1004 = tpu.vector_load %arg6[%parallel_loop3A_1000, %parallel_loop3A_1001, %parallel_loop3A_1002, %parallel_loop3A_1003] {strides = array<i32>} : memref<4x2x16x256xf32, #tpu.memory_space<vmem>>, vector<1x1x1x16xf32>,
        %parallel_loop3A_1005 = vector.shape_cast %parallel_loop3A_1004 : vector<1x1x1x16xf32> to vector<16xf32>
        %parallel_loop3A_1006 = arith.addf %parallel_loop3A_1005, %parallel_loop3A_997 : vector<16xf32>
        %parallel_loop3A_1007 = arith.constant 2 : i32
        %parallel_loop3A_1008 = arith.constant 0 : i32
        %parallel_loop3A_1009 = arith.index_cast %parallel_loop3A_1007 : i32 to index
        %parallel_loop3A_1010 = arith.index_cast %parallel_loop3A_1008 : i32 to index
        %parallel_loop3A_1011 = arith.index_cast %parallel_loop3A_393 : i32 to index
        %parallel_loop3A_1012 = arith.constant 240 : index
        %parallel_loop3A_1013 = tpu.vector_load %arg7[%parallel_loop3A_1009, %parallel_loop3A_1010, %parallel_loop3A_1011, %parallel_loop3A_1012] {strides = array<i32>} : memref<4x2x16x256xf32, #tpu.memory_space<vmem>>, vector<1x1x1x16xf32>,
        %parallel_loop3A_1014 = vector.shape_cast %parallel_loop3A_1013 : vector<1x1x1x16xf32> to vector<16xf32>
        %parallel_loop3A_1015 = vector.shape_cast %parallel_loop3A_1006 : vector<16xf32> to vector<1x1x1x16xf32>
        tpu.vector_store %arg7[%parallel_loop3A_1009, %parallel_loop3A_1010, %parallel_loop3A_1011, %parallel_loop3A_1012], %parallel_loop3A_1015 {strides = array<i32>} : memref<4x2x16x256xf32, #tpu.memory_space<vmem>>, vector<1x1x1x16xf32>,
        %parallel_loop3A_1016 = arith.constant 2 : i32
        %parallel_loop3A_1017 = arith.constant 1 : i32
        %parallel_loop3A_1018 = arith.index_cast %parallel_loop3A_1016 : i32 to index
        %parallel_loop3A_1019 = arith.index_cast %parallel_loop3A_1017 : i32 to index
        %parallel_loop3A_1020 = arith.index_cast %parallel_loop3A_393 : i32 to index
        %parallel_loop3A_1021 = arith.constant 240 : index
        %parallel_loop3A_1022 = tpu.vector_load %arg6[%parallel_loop3A_1018, %parallel_loop3A_1019, %parallel_loop3A_1020, %parallel_loop3A_1021] {strides = array<i32>} : memref<4x2x16x256xf32, #tpu.memory_space<vmem>>, vector<1x1x1x16xf32>,
        %parallel_loop3A_1023 = vector.shape_cast %parallel_loop3A_1022 : vector<1x1x1x16xf32> to vector<16xf32>
        %parallel_loop3A_1024 = arith.addf %parallel_loop3A_1023, %parallel_loop3A_997 : vector<16xf32>
        %parallel_loop3A_1025 = arith.constant 2 : i32
        %parallel_loop3A_1026 = arith.constant 1 : i32
        %parallel_loop3A_1027 = arith.index_cast %parallel_loop3A_1025 : i32 to index
        %parallel_loop3A_1028 = arith.index_cast %parallel_loop3A_1026 : i32 to index
        %parallel_loop3A_1029 = arith.index_cast %parallel_loop3A_393 : i32 to index
        %parallel_loop3A_1030 = arith.constant 240 : index
        %parallel_loop3A_1031 = tpu.vector_load %arg7[%parallel_loop3A_1027, %parallel_loop3A_1028, %parallel_loop3A_1029, %parallel_loop3A_1030] {strides = array<i32>} : memref<4x2x16x256xf32, #tpu.memory_space<vmem>>, vector<1x1x1x16xf32>,
        %parallel_loop3A_1032 = vector.shape_cast %parallel_loop3A_1031 : vector<1x1x1x16xf32> to vector<16xf32>
        %parallel_loop3A_1033 = vector.shape_cast %parallel_loop3A_1024 : vector<16xf32> to vector<1x1x1x16xf32>
        tpu.vector_store %arg7[%parallel_loop3A_1027, %parallel_loop3A_1028, %parallel_loop3A_1029, %parallel_loop3A_1030], %parallel_loop3A_1033 {strides = array<i32>} : memref<4x2x16x256xf32, #tpu.memory_space<vmem>>, vector<1x1x1x16xf32>,
      } {sc.loop_unroll_factor = 2 : i64, sc.parallel_access}
      %mul3A_309 = arith.constant 2 : i32
      %mul3A_310 = arith.muli %add3A_280, %mul3A_309 : i32
      %dma_start3A_311 = arith.constant 2 : i32
      %dma_start3A_312 = arith.constant 2 : i32
      %dma_start3A_313 = arith.constant 0 : i32
      %dma_start3A_314 = arith.constant 0 : i32
      %dma_start3A_315 = arith.constant 0 : i32
      %dma_start3A_316 = tpu.memref_slice %arg7[%dma_start3A_311, %dma_start3A_313, %dma_start3A_314, %dma_start3A_315] : memref<4x2x16x256xf32, #tpu.memory_space<vmem>> -> memref<1x2x16x256xf32, #tpu.memory_space<vmem>>
      %dma_start3A_317 = tpu.memref_squeeze %dma_start3A_316 : memref<1x2x16x256xf32, #tpu.memory_space<vmem>> -> memref<2x16x256xf32, #tpu.memory_space<vmem>>
      %dma_start3A_318 = arith.constant 0 : i32
      %dma_start3A_319 = tpu.memref_slice %arg4[%mul3A_310, %mul3A_2, %dma_start3A_318] : memref<512x512x256xf32, #tpu.memory_space<hbm>> -> memref<2x16x256xf32, #tpu.memory_space<hbm>>
      %dma_start3A_320 = tpu.memref_slice %arg9[%dma_start3A_312] : memref<4x!tpu.dma_semaphore, #tpu.memory_space<semaphore_mem>> -> memref<1x!tpu.dma_semaphore, #tpu.memory_space<semaphore_mem>>
      %dma_start3A_321 = tpu.memref_squeeze %dma_start3A_320 : memref<1x!tpu.dma_semaphore, #tpu.memory_space<semaphore_mem>> -> memref<!tpu.dma_semaphore, #tpu.memory_space<semaphore_mem>>
      %dma_start3A_322 = arith.constant 0 : i32
      %dma_start3A_323 = tpu.memref_slice %arg4[%mul3A_310, %mul3A_2, %dma_start3A_322] : memref<512x512x256xf32, #tpu.memory_space<hbm>> -> memref<2x16x256xf32, #tpu.memory_space<hbm>>
      %dma_start3A_324 = arith.constant 0 : i32
      %dma_start3A_325 = arith.constant 0 : i32
      %dma_start3A_326 = arith.constant 0 : i32
      %dma_start3A_327 = tpu.memref_slice %arg7[%dma_start3A_311, %dma_start3A_324, %dma_start3A_325, %dma_start3A_326] : memref<4x2x16x256xf32, #tpu.memory_space<vmem>> -> memref<1x2x16x256xf32, #tpu.memory_space<vmem>>
      %dma_start3A_328 = tpu.memref_squeeze %dma_start3A_327 : memref<1x2x16x256xf32, #tpu.memory_space<vmem>> -> memref<2x16x256xf32, #tpu.memory_space<vmem>>
      tpu.enqueue_dma source(%dma_start3A_328 : memref<2x16x256xf32, #tpu.memory_space<vmem>>) target(%dma_start3A_323 : memref<2x16x256xf32, #tpu.memory_space<hbm>>) target_semaphore(%dma_start3A_321 : memref<!tpu.dma_semaphore, #tpu.memory_space<semaphore_mem>>)
      %add3A_329 = arith.constant 4 : i32
      %add3A_330 = arith.addi %add3A_280, %add3A_329 : i32
      %lt3A_331 = arith.constant 256 : i32
      %lt3A_332 = arith.cmpi slt, %add3A_330, %lt3A_331 : i32
      %convert_element_type3A_333 = arith.extui %lt3A_332 : i1 to i32
      %cond3A_334 = arith.constant 0 : i32
      %cond3A_335 = arith.cmpi ne, %convert_element_type3A_333, %cond3A_334 : i32
      scf.if %cond3A_335 {
        %add3A_393 = arith.constant 4 : i32
        %add3A_394 = arith.addi %add3A_280, %add3A_393 : i32
        %mul3A_395 = arith.constant 2 : i32
        %mul3A_396 = arith.muli %add3A_394, %mul3A_395 : i32
        %dma_start3A_397 = arith.constant 2 : i32
        %dma_start3A_398 = arith.constant 2 : i32
        %dma_start3A_399 = arith.constant 0 : i32
        %dma_start3A_400 = arith.constant 0 : i32
        %dma_start3A_401 = arith.constant 0 : i32
        %dma_start3A_402 = tpu.memref_slice %arg6[%dma_start3A_397, %dma_start3A_399, %dma_start3A_400, %dma_start3A_401] : memref<4x2x16x256xf32, #tpu.memory_space<vmem>> -> memref<1x2x16x256xf32, #tpu.memory_space<vmem>>
        %dma_start3A_403 = tpu.memref_squeeze %dma_start3A_402 : memref<1x2x16x256xf32, #tpu.memory_space<vmem>> -> memref<2x16x256xf32, #tpu.memory_space<vmem>>
        %dma_start3A_404 = arith.constant 0 : i32
        %dma_start3A_405 = tpu.memref_slice %arg2[%mul3A_396, %mul3A_2, %dma_start3A_404] : memref<512x512x256xf32, #tpu.memory_space<hbm>> -> memref<2x16x256xf32, #tpu.memory_space<hbm>>
        %dma_start3A_406 = tpu.memref_slice %arg8[%dma_start3A_398] : memref<4x!tpu.dma_semaphore, #tpu.memory_space<semaphore_mem>> -> memref<1x!tpu.dma_semaphore, #tpu.memory_space<semaphore_mem>>
        %dma_start3A_407 = tpu.memref_squeeze %dma_start3A_406 : memref<1x!tpu.dma_semaphore, #tpu.memory_space<semaphore_mem>> -> memref<!tpu.dma_semaphore, #tpu.memory_space<semaphore_mem>>
        %dma_start3A_408 = arith.constant 0 : i32
        %dma_start3A_409 = arith.constant 0 : i32
        %dma_start3A_410 = arith.constant 0 : i32
        %dma_start3A_411 = tpu.memref_slice %arg6[%dma_start3A_397, %dma_start3A_408, %dma_start3A_409, %dma_start3A_410] : memref<4x2x16x256xf32, #tpu.memory_space<vmem>> -> memref<1x2x16x256xf32, #tpu.memory_space<vmem>>
        %dma_start3A_412 = tpu.memref_squeeze %dma_start3A_411 : memref<1x2x16x256xf32, #tpu.memory_space<vmem>> -> memref<2x16x256xf32, #tpu.memory_space<vmem>>
        %dma_start3A_413 = arith.constant 0 : i32
        %dma_start3A_414 = tpu.memref_slice %arg2[%mul3A_396, %mul3A_2, %dma_start3A_413] : memref<512x512x256xf32, #tpu.memory_space<hbm>> -> memref<2x16x256xf32, #tpu.memory_space<hbm>>
        tpu.enqueue_dma source(%dma_start3A_414 : memref<2x16x256xf32, #tpu.memory_space<hbm>>) target(%dma_start3A_412 : memref<2x16x256xf32, #tpu.memory_space<vmem>>) target_semaphore(%dma_start3A_407 : memref<!tpu.dma_semaphore, #tpu.memory_space<semaphore_mem>>)
      } else {
      }
      %add3A_336 = arith.constant 3 : i32
      %add3A_337 = arith.addi %add3A_169, %add3A_336 : i32
      %mul3A_338 = arith.constant 2 : i32
      %mul3A_339 = arith.muli %add3A_337, %mul3A_338 : i32
      %dma_wait3A_340 = arith.constant 3 : i32
      %dma_wait3A_341 = arith.constant 3 : i32
      %dma_wait3A_342 = arith.constant 0 : i32
      %dma_wait3A_343 = arith.constant 0 : i32
      %dma_wait3A_344 = arith.constant 0 : i32
      %dma_wait3A_345 = tpu.memref_slice %arg6[%dma_wait3A_340, %dma_wait3A_342, %dma_wait3A_343, %dma_wait3A_344] : memref<4x2x16x256xf32, #tpu.memory_space<vmem>> -> memref<1x2x16x256xf32, #tpu.memory_space<vmem>>
      %dma_wait3A_346 = tpu.memref_squeeze %dma_wait3A_345 : memref<1x2x16x256xf32, #tpu.memory_space<vmem>> -> memref<2x16x256xf32, #tpu.memory_space<vmem>>
      %dma_wait3A_347 = arith.constant 0 : i32
      %dma_wait3A_348 = tpu.memref_slice %arg2[%mul3A_339, %mul3A_2, %dma_wait3A_347] : memref<512x512x256xf32, #tpu.memory_space<hbm>> -> memref<2x16x256xf32, #tpu.memory_space<hbm>>
      %dma_wait3A_349 = tpu.memref_slice %arg8[%dma_wait3A_341] : memref<4x!tpu.dma_semaphore, #tpu.memory_space<semaphore_mem>> -> memref<1x!tpu.dma_semaphore, #tpu.memory_space<semaphore_mem>>
      %dma_wait3A_350 = tpu.memref_squeeze %dma_wait3A_349 : memref<1x!tpu.dma_semaphore, #tpu.memory_space<semaphore_mem>> -> memref<!tpu.dma_semaphore, #tpu.memory_space<semaphore_mem>>
      %dma_wait3A_351 = arith.constant 0 : i32
      %dma_wait3A_352 = arith.constant 0 : i32
      %dma_wait3A_353 = arith.constant 0 : i32
      %dma_wait3A_354 = tpu.memref_slice %arg6[%dma_wait3A_340, %dma_wait3A_351, %dma_wait3A_352, %dma_wait3A_353] : memref<4x2x16x256xf32, #tpu.memory_space<vmem>> -> memref<1x2x16x256xf32, #tpu.memory_space<vmem>>
      %dma_wait3A_355 = tpu.memref_squeeze %dma_wait3A_354 : memref<1x2x16x256xf32, #tpu.memory_space<vmem>> -> memref<2x16x256xf32, #tpu.memory_space<vmem>>
      %dma_wait3A_356 = arith.constant 0 : i32
      %dma_wait3A_357 = tpu.memref_slice %arg2[%mul3A_339, %mul3A_2, %dma_wait3A_356] : memref<512x512x256xf32, #tpu.memory_space<hbm>> -> memref<2x16x256xf32, #tpu.memory_space<hbm>>
      tpu.wait_dma2 semaphore(%dma_wait3A_350 : memref<!tpu.dma_semaphore, #tpu.memory_space<semaphore_mem>>) src(%dma_wait3A_357 : memref<2x16x256xf32, #tpu.memory_space<hbm>>) dst(%dma_wait3A_355 : memref<2x16x256xf32, #tpu.memory_space<vmem>>)
      %ge3A_358 = arith.constant 4 : i32
      %ge3A_359 = arith.cmpi sge, %add3A_337, %ge3A_358 : i32
      %convert_element_type3A_360 = arith.extui %ge3A_359 : i1 to i32
      %cond3A_361 = arith.constant 0 : i32
      %cond3A_362 = arith.cmpi ne, %convert_element_type3A_360, %cond3A_361 : i32
      scf.if %cond3A_362 {
        %sub3A = arith.constant 4 : i32
        %sub3A_393 = arith.subi %add3A_337, %sub3A : i32
        %mul3A_394 = arith.constant 2 : i32
        %mul3A_395 = arith.muli %sub3A_393, %mul3A_394 : i32
        %dma_wait3A_396 = arith.constant 3 : i32
        %dma_wait3A_397 = arith.constant 3 : i32
        %dma_wait3A_398 = arith.constant 0 : i32
        %dma_wait3A_399 = arith.constant 0 : i32
        %dma_wait3A_400 = arith.constant 0 : i32
        %dma_wait3A_401 = tpu.memref_slice %arg7[%dma_wait3A_396, %dma_wait3A_398, %dma_wait3A_399, %dma_wait3A_400] : memref<4x2x16x256xf32, #tpu.memory_space<vmem>> -> memref<1x2x16x256xf32, #tpu.memory_space<vmem>>
        %dma_wait3A_402 = tpu.memref_squeeze %dma_wait3A_401 : memref<1x2x16x256xf32, #tpu.memory_space<vmem>> -> memref<2x16x256xf32, #tpu.memory_space<vmem>>
        %dma_wait3A_403 = arith.constant 0 : i32
        %dma_wait3A_404 = tpu.memref_slice %arg4[%mul3A_395, %mul3A_2, %dma_wait3A_403] : memref<512x512x256xf32, #tpu.memory_space<hbm>> -> memref<2x16x256xf32, #tpu.memory_space<hbm>>
        %dma_wait3A_405 = tpu.memref_slice %arg9[%dma_wait3A_397] : memref<4x!tpu.dma_semaphore, #tpu.memory_space<semaphore_mem>> -> memref<1x!tpu.dma_semaphore, #tpu.memory_space<semaphore_mem>>
        %dma_wait3A_406 = tpu.memref_squeeze %dma_wait3A_405 : memref<1x!tpu.dma_semaphore, #tpu.memory_space<semaphore_mem>> -> memref<!tpu.dma_semaphore, #tpu.memory_space<semaphore_mem>>
        %dma_wait3A_407 = arith.constant 0 : i32
        %dma_wait3A_408 = tpu.memref_slice %arg4[%mul3A_395, %mul3A_2, %dma_wait3A_407] : memref<512x512x256xf32, #tpu.memory_space<hbm>> -> memref<2x16x256xf32, #tpu.memory_space<hbm>>
        %dma_wait3A_409 = arith.constant 0 : i32
        %dma_wait3A_410 = arith.constant 0 : i32
        %dma_wait3A_411 = arith.constant 0 : i32
        %dma_wait3A_412 = tpu.memref_slice %arg7[%dma_wait3A_396, %dma_wait3A_409, %dma_wait3A_410, %dma_wait3A_411] : memref<4x2x16x256xf32, #tpu.memory_space<vmem>> -> memref<1x2x16x256xf32, #tpu.memory_space<vmem>>
        %dma_wait3A_413 = tpu.memref_squeeze %dma_wait3A_412 : memref<1x2x16x256xf32, #tpu.memory_space<vmem>> -> memref<2x16x256xf32, #tpu.memory_space<vmem>>
        tpu.wait_dma2 semaphore(%dma_wait3A_406 : memref<!tpu.dma_semaphore, #tpu.memory_space<semaphore_mem>>) src(%dma_wait3A_413 : memref<2x16x256xf32, #tpu.memory_space<vmem>>) dst(%dma_wait3A_408 : memref<2x16x256xf32, #tpu.memory_space<hbm>>)
      } else {
      }
      %parallel_loop3A_363 = arith.constant 0 : i32
      %parallel_loop3A_364 = arith.constant 16 : i32
      %parallel_loop3A_365 = arith.constant 1 : i32
      scf.for %parallel_loop3A_393 = %parallel_loop3A_363 to %parallel_loop3A_364 step %parallel_loop3A_365  : i32 {
        %parallel_loop3A_394 = arith.index_cast %parallel_loop3A_393 : i32 to index
        %parallel_loop3A_395 = arith.constant 0 : index
        %parallel_loop3A_396 = tpu.vector_load %arg5[%parallel_loop3A_394, %parallel_loop3A_395] {strides = array<i32>} : memref<16x256xf32, #tpu.memory_space<vmem>>, vector<1x16xf32>,
        %parallel_loop3A_397 = vector.shape_cast %parallel_loop3A_396 : vector<1x16xf32> to vector<16xf32>
        %parallel_loop3A_398 = arith.constant 3 : i32
        %parallel_loop3A_399 = arith.constant 0 : i32
        %parallel_loop3A_400 = arith.index_cast %parallel_loop3A_398 : i32 to index
        %parallel_loop3A_401 = arith.index_cast %parallel_loop3A_399 : i32 to index
        %parallel_loop3A_402 = arith.index_cast %parallel_loop3A_393 : i32 to index
        %parallel_loop3A_403 = arith.constant 0 : index
        %parallel_loop3A_404 = tpu.vector_load %arg6[%parallel_loop3A_400, %parallel_loop3A_401, %parallel_loop3A_402, %parallel_loop3A_403] {strides = array<i32>} : memref<4x2x16x256xf32, #tpu.memory_space<vmem>>, vector<1x1x1x16xf32>,
        %parallel_loop3A_405 = vector.shape_cast %parallel_loop3A_404 : vector<1x1x1x16xf32> to vector<16xf32>
        %parallel_loop3A_406 = arith.addf %parallel_loop3A_405, %parallel_loop3A_397 : vector<16xf32>
        %parallel_loop3A_407 = arith.constant 3 : i32
        %parallel_loop3A_408 = arith.constant 0 : i32
        %parallel_loop3A_409 = arith.index_cast %parallel_loop3A_407 : i32 to index
        %parallel_loop3A_410 = arith.index_cast %parallel_loop3A_408 : i32 to index
        %parallel_loop3A_411 = arith.index_cast %parallel_loop3A_393 : i32 to index
        %parallel_loop3A_412 = arith.constant 0 : index
        %parallel_loop3A_413 = tpu.vector_load %arg7[%parallel_loop3A_409, %parallel_loop3A_410, %parallel_loop3A_411, %parallel_loop3A_412] {strides = array<i32>} : memref<4x2x16x256xf32, #tpu.memory_space<vmem>>, vector<1x1x1x16xf32>,
        %parallel_loop3A_414 = vector.shape_cast %parallel_loop3A_413 : vector<1x1x1x16xf32> to vector<16xf32>
        %parallel_loop3A_415 = vector.shape_cast %parallel_loop3A_406 : vector<16xf32> to vector<1x1x1x16xf32>
        tpu.vector_store %arg7[%parallel_loop3A_409, %parallel_loop3A_410, %parallel_loop3A_411, %parallel_loop3A_412], %parallel_loop3A_415 {strides = array<i32>} : memref<4x2x16x256xf32, #tpu.memory_space<vmem>>, vector<1x1x1x16xf32>,
        %parallel_loop3A_416 = arith.constant 3 : i32
        %parallel_loop3A_417 = arith.constant 1 : i32
        %parallel_loop3A_418 = arith.index_cast %parallel_loop3A_416 : i32 to index
        %parallel_loop3A_419 = arith.index_cast %parallel_loop3A_417 : i32 to index
        %parallel_loop3A_420 = arith.index_cast %parallel_loop3A_393 : i32 to index
        %parallel_loop3A_421 = arith.constant 0 : index
        %parallel_loop3A_422 = tpu.vector_load %arg6[%parallel_loop3A_418, %parallel_loop3A_419, %parallel_loop3A_420, %parallel_loop3A_421] {strides = array<i32>} : memref<4x2x16x256xf32, #tpu.memory_space<vmem>>, vector<1x1x1x16xf32>,
        %parallel_loop3A_423 = vector.shape_cast %parallel_loop3A_422 : vector<1x1x1x16xf32> to vector<16xf32>
        %parallel_loop3A_424 = arith.addf %parallel_loop3A_423, %parallel_loop3A_397 : vector<16xf32>
        %parallel_loop3A_425 = arith.constant 3 : i32
        %parallel_loop3A_426 = arith.constant 1 : i32
        %parallel_loop3A_427 = arith.index_cast %parallel_loop3A_425 : i32 to index
        %parallel_loop3A_428 = arith.index_cast %parallel_loop3A_426 : i32 to index
        %parallel_loop3A_429 = arith.index_cast %parallel_loop3A_393 : i32 to index
        %parallel_loop3A_430 = arith.constant 0 : index
        %parallel_loop3A_431 = tpu.vector_load %arg7[%parallel_loop3A_427, %parallel_loop3A_428, %parallel_loop3A_429, %parallel_loop3A_430] {strides = array<i32>} : memref<4x2x16x256xf32, #tpu.memory_space<vmem>>, vector<1x1x1x16xf32>,
        %parallel_loop3A_432 = vector.shape_cast %parallel_loop3A_431 : vector<1x1x1x16xf32> to vector<16xf32>
        %parallel_loop3A_433 = vector.shape_cast %parallel_loop3A_424 : vector<16xf32> to vector<1x1x1x16xf32>
        tpu.vector_store %arg7[%parallel_loop3A_427, %parallel_loop3A_428, %parallel_loop3A_429, %parallel_loop3A_430], %parallel_loop3A_433 {strides = array<i32>} : memref<4x2x16x256xf32, #tpu.memory_space<vmem>>, vector<1x1x1x16xf32>,
        %parallel_loop3A_434 = arith.index_cast %parallel_loop3A_393 : i32 to index
        %parallel_loop3A_435 = arith.constant 16 : index
        %parallel_loop3A_436 = tpu.vector_load %arg5[%parallel_loop3A_434, %parallel_loop3A_435] {strides = array<i32>} : memref<16x256xf32, #tpu.memory_space<vmem>>, vector<1x16xf32>,
        %parallel_loop3A_437 = vector.shape_cast %parallel_loop3A_436 : vector<1x16xf32> to vector<16xf32>
        %parallel_loop3A_438 = arith.constant 3 : i32
        %parallel_loop3A_439 = arith.constant 0 : i32
        %parallel_loop3A_440 = arith.index_cast %parallel_loop3A_438 : i32 to index
        %parallel_loop3A_441 = arith.index_cast %parallel_loop3A_439 : i32 to index
        %parallel_loop3A_442 = arith.index_cast %parallel_loop3A_393 : i32 to index
        %parallel_loop3A_443 = arith.constant 16 : index
        %parallel_loop3A_444 = tpu.vector_load %arg6[%parallel_loop3A_440, %parallel_loop3A_441, %parallel_loop3A_442, %parallel_loop3A_443] {strides = array<i32>} : memref<4x2x16x256xf32, #tpu.memory_space<vmem>>, vector<1x1x1x16xf32>,
        %parallel_loop3A_445 = vector.shape_cast %parallel_loop3A_444 : vector<1x1x1x16xf32> to vector<16xf32>
        %parallel_loop3A_446 = arith.addf %parallel_loop3A_445, %parallel_loop3A_437 : vector<16xf32>
        %parallel_loop3A_447 = arith.constant 3 : i32
        %parallel_loop3A_448 = arith.constant 0 : i32
        %parallel_loop3A_449 = arith.index_cast %parallel_loop3A_447 : i32 to index
        %parallel_loop3A_450 = arith.index_cast %parallel_loop3A_448 : i32 to index
        %parallel_loop3A_451 = arith.index_cast %parallel_loop3A_393 : i32 to index
        %parallel_loop3A_452 = arith.constant 16 : index
        %parallel_loop3A_453 = tpu.vector_load %arg7[%parallel_loop3A_449, %parallel_loop3A_450, %parallel_loop3A_451, %parallel_loop3A_452] {strides = array<i32>} : memref<4x2x16x256xf32, #tpu.memory_space<vmem>>, vector<1x1x1x16xf32>,
        %parallel_loop3A_454 = vector.shape_cast %parallel_loop3A_453 : vector<1x1x1x16xf32> to vector<16xf32>
        %parallel_loop3A_455 = vector.shape_cast %parallel_loop3A_446 : vector<16xf32> to vector<1x1x1x16xf32>
        tpu.vector_store %arg7[%parallel_loop3A_449, %parallel_loop3A_450, %parallel_loop3A_451, %parallel_loop3A_452], %parallel_loop3A_455 {strides = array<i32>} : memref<4x2x16x256xf32, #tpu.memory_space<vmem>>, vector<1x1x1x16xf32>,
        %parallel_loop3A_456 = arith.constant 3 : i32
        %parallel_loop3A_457 = arith.constant 1 : i32
        %parallel_loop3A_458 = arith.index_cast %parallel_loop3A_456 : i32 to index
        %parallel_loop3A_459 = arith.index_cast %parallel_loop3A_457 : i32 to index
        %parallel_loop3A_460 = arith.index_cast %parallel_loop3A_393 : i32 to index
        %parallel_loop3A_461 = arith.constant 16 : index
        %parallel_loop3A_462 = tpu.vector_load %arg6[%parallel_loop3A_458, %parallel_loop3A_459, %parallel_loop3A_460, %parallel_loop3A_461] {strides = array<i32>} : memref<4x2x16x256xf32, #tpu.memory_space<vmem>>, vector<1x1x1x16xf32>,
        %parallel_loop3A_463 = vector.shape_cast %parallel_loop3A_462 : vector<1x1x1x16xf32> to vector<16xf32>
        %parallel_loop3A_464 = arith.addf %parallel_loop3A_463, %parallel_loop3A_437 : vector<16xf32>
        %parallel_loop3A_465 = arith.constant 3 : i32
        %parallel_loop3A_466 = arith.constant 1 : i32
        %parallel_loop3A_467 = arith.index_cast %parallel_loop3A_465 : i32 to index
        %parallel_loop3A_468 = arith.index_cast %parallel_loop3A_466 : i32 to index
        %parallel_loop3A_469 = arith.index_cast %parallel_loop3A_393 : i32 to index
        %parallel_loop3A_470 = arith.constant 16 : index
        %parallel_loop3A_471 = tpu.vector_load %arg7[%parallel_loop3A_467, %parallel_loop3A_468, %parallel_loop3A_469, %parallel_loop3A_470] {strides = array<i32>} : memref<4x2x16x256xf32, #tpu.memory_space<vmem>>, vector<1x1x1x16xf32>,
        %parallel_loop3A_472 = vector.shape_cast %parallel_loop3A_471 : vector<1x1x1x16xf32> to vector<16xf32>
        %parallel_loop3A_473 = vector.shape_cast %parallel_loop3A_464 : vector<16xf32> to vector<1x1x1x16xf32>
        tpu.vector_store %arg7[%parallel_loop3A_467, %parallel_loop3A_468, %parallel_loop3A_469, %parallel_loop3A_470], %parallel_loop3A_473 {strides = array<i32>} : memref<4x2x16x256xf32, #tpu.memory_space<vmem>>, vector<1x1x1x16xf32>,
        %parallel_loop3A_474 = arith.index_cast %parallel_loop3A_393 : i32 to index
        %parallel_loop3A_475 = arith.constant 32 : index
        %parallel_loop3A_476 = tpu.vector_load %arg5[%parallel_loop3A_474, %parallel_loop3A_475] {strides = array<i32>} : memref<16x256xf32, #tpu.memory_space<vmem>>, vector<1x16xf32>,
        %parallel_loop3A_477 = vector.shape_cast %parallel_loop3A_476 : vector<1x16xf32> to vector<16xf32>
        %parallel_loop3A_478 = arith.constant 3 : i32
        %parallel_loop3A_479 = arith.constant 0 : i32
        %parallel_loop3A_480 = arith.index_cast %parallel_loop3A_478 : i32 to index
        %parallel_loop3A_481 = arith.index_cast %parallel_loop3A_479 : i32 to index
        %parallel_loop3A_482 = arith.index_cast %parallel_loop3A_393 : i32 to index
        %parallel_loop3A_483 = arith.constant 32 : index
        %parallel_loop3A_484 = tpu.vector_load %arg6[%parallel_loop3A_480, %parallel_loop3A_481, %parallel_loop3A_482, %parallel_loop3A_483] {strides = array<i32>} : memref<4x2x16x256xf32, #tpu.memory_space<vmem>>, vector<1x1x1x16xf32>,
        %parallel_loop3A_485 = vector.shape_cast %parallel_loop3A_484 : vector<1x1x1x16xf32> to vector<16xf32>
        %parallel_loop3A_486 = arith.addf %parallel_loop3A_485, %parallel_loop3A_477 : vector<16xf32>
        %parallel_loop3A_487 = arith.constant 3 : i32
        %parallel_loop3A_488 = arith.constant 0 : i32
        %parallel_loop3A_489 = arith.index_cast %parallel_loop3A_487 : i32 to index
        %parallel_loop3A_490 = arith.index_cast %parallel_loop3A_488 : i32 to index
        %parallel_loop3A_491 = arith.index_cast %parallel_loop3A_393 : i32 to index
        %parallel_loop3A_492 = arith.constant 32 : index
        %parallel_loop3A_493 = tpu.vector_load %arg7[%parallel_loop3A_489, %parallel_loop3A_490, %parallel_loop3A_491, %parallel_loop3A_492] {strides = array<i32>} : memref<4x2x16x256xf32, #tpu.memory_space<vmem>>, vector<1x1x1x16xf32>,
        %parallel_loop3A_494 = vector.shape_cast %parallel_loop3A_493 : vector<1x1x1x16xf32> to vector<16xf32>
        %parallel_loop3A_495 = vector.shape_cast %parallel_loop3A_486 : vector<16xf32> to vector<1x1x1x16xf32>
        tpu.vector_store %arg7[%parallel_loop3A_489, %parallel_loop3A_490, %parallel_loop3A_491, %parallel_loop3A_492], %parallel_loop3A_495 {strides = array<i32>} : memref<4x2x16x256xf32, #tpu.memory_space<vmem>>, vector<1x1x1x16xf32>,
        %parallel_loop3A_496 = arith.constant 3 : i32
        %parallel_loop3A_497 = arith.constant 1 : i32
        %parallel_loop3A_498 = arith.index_cast %parallel_loop3A_496 : i32 to index
        %parallel_loop3A_499 = arith.index_cast %parallel_loop3A_497 : i32 to index
        %parallel_loop3A_500 = arith.index_cast %parallel_loop3A_393 : i32 to index
        %parallel_loop3A_501 = arith.constant 32 : index
        %parallel_loop3A_502 = tpu.vector_load %arg6[%parallel_loop3A_498, %parallel_loop3A_499, %parallel_loop3A_500, %parallel_loop3A_501] {strides = array<i32>} : memref<4x2x16x256xf32, #tpu.memory_space<vmem>>, vector<1x1x1x16xf32>,
        %parallel_loop3A_503 = vector.shape_cast %parallel_loop3A_502 : vector<1x1x1x16xf32> to vector<16xf32>
        %parallel_loop3A_504 = arith.addf %parallel_loop3A_503, %parallel_loop3A_477 : vector<16xf32>
        %parallel_loop3A_505 = arith.constant 3 : i32
        %parallel_loop3A_506 = arith.constant 1 : i32
        %parallel_loop3A_507 = arith.index_cast %parallel_loop3A_505 : i32 to index
        %parallel_loop3A_508 = arith.index_cast %parallel_loop3A_506 : i32 to index
        %parallel_loop3A_509 = arith.index_cast %parallel_loop3A_393 : i32 to index
        %parallel_loop3A_510 = arith.constant 32 : index
        %parallel_loop3A_511 = tpu.vector_load %arg7[%parallel_loop3A_507, %parallel_loop3A_508, %parallel_loop3A_509, %parallel_loop3A_510] {strides = array<i32>} : memref<4x2x16x256xf32, #tpu.memory_space<vmem>>, vector<1x1x1x16xf32>,
        %parallel_loop3A_512 = vector.shape_cast %parallel_loop3A_511 : vector<1x1x1x16xf32> to vector<16xf32>
        %parallel_loop3A_513 = vector.shape_cast %parallel_loop3A_504 : vector<16xf32> to vector<1x1x1x16xf32>
        tpu.vector_store %arg7[%parallel_loop3A_507, %parallel_loop3A_508, %parallel_loop3A_509, %parallel_loop3A_510], %parallel_loop3A_513 {strides = array<i32>} : memref<4x2x16x256xf32, #tpu.memory_space<vmem>>, vector<1x1x1x16xf32>,
        %parallel_loop3A_514 = arith.index_cast %parallel_loop3A_393 : i32 to index
        %parallel_loop3A_515 = arith.constant 48 : index
        %parallel_loop3A_516 = tpu.vector_load %arg5[%parallel_loop3A_514, %parallel_loop3A_515] {strides = array<i32>} : memref<16x256xf32, #tpu.memory_space<vmem>>, vector<1x16xf32>,
        %parallel_loop3A_517 = vector.shape_cast %parallel_loop3A_516 : vector<1x16xf32> to vector<16xf32>
        %parallel_loop3A_518 = arith.constant 3 : i32
        %parallel_loop3A_519 = arith.constant 0 : i32
        %parallel_loop3A_520 = arith.index_cast %parallel_loop3A_518 : i32 to index
        %parallel_loop3A_521 = arith.index_cast %parallel_loop3A_519 : i32 to index
        %parallel_loop3A_522 = arith.index_cast %parallel_loop3A_393 : i32 to index
        %parallel_loop3A_523 = arith.constant 48 : index
        %parallel_loop3A_524 = tpu.vector_load %arg6[%parallel_loop3A_520, %parallel_loop3A_521, %parallel_loop3A_522, %parallel_loop3A_523] {strides = array<i32>} : memref<4x2x16x256xf32, #tpu.memory_space<vmem>>, vector<1x1x1x16xf32>,
        %parallel_loop3A_525 = vector.shape_cast %parallel_loop3A_524 : vector<1x1x1x16xf32> to vector<16xf32>
        %parallel_loop3A_526 = arith.addf %parallel_loop3A_525, %parallel_loop3A_517 : vector<16xf32>
        %parallel_loop3A_527 = arith.constant 3 : i32
        %parallel_loop3A_528 = arith.constant 0 : i32
        %parallel_loop3A_529 = arith.index_cast %parallel_loop3A_527 : i32 to index
        %parallel_loop3A_530 = arith.index_cast %parallel_loop3A_528 : i32 to index
        %parallel_loop3A_531 = arith.index_cast %parallel_loop3A_393 : i32 to index
        %parallel_loop3A_532 = arith.constant 48 : index
        %parallel_loop3A_533 = tpu.vector_load %arg7[%parallel_loop3A_529, %parallel_loop3A_530, %parallel_loop3A_531, %parallel_loop3A_532] {strides = array<i32>} : memref<4x2x16x256xf32, #tpu.memory_space<vmem>>, vector<1x1x1x16xf32>,
        %parallel_loop3A_534 = vector.shape_cast %parallel_loop3A_533 : vector<1x1x1x16xf32> to vector<16xf32>
        %parallel_loop3A_535 = vector.shape_cast %parallel_loop3A_526 : vector<16xf32> to vector<1x1x1x16xf32>
        tpu.vector_store %arg7[%parallel_loop3A_529, %parallel_loop3A_530, %parallel_loop3A_531, %parallel_loop3A_532], %parallel_loop3A_535 {strides = array<i32>} : memref<4x2x16x256xf32, #tpu.memory_space<vmem>>, vector<1x1x1x16xf32>,
        %parallel_loop3A_536 = arith.constant 3 : i32
        %parallel_loop3A_537 = arith.constant 1 : i32
        %parallel_loop3A_538 = arith.index_cast %parallel_loop3A_536 : i32 to index
        %parallel_loop3A_539 = arith.index_cast %parallel_loop3A_537 : i32 to index
        %parallel_loop3A_540 = arith.index_cast %parallel_loop3A_393 : i32 to index
        %parallel_loop3A_541 = arith.constant 48 : index
        %parallel_loop3A_542 = tpu.vector_load %arg6[%parallel_loop3A_538, %parallel_loop3A_539, %parallel_loop3A_540, %parallel_loop3A_541] {strides = array<i32>} : memref<4x2x16x256xf32, #tpu.memory_space<vmem>>, vector<1x1x1x16xf32>,
        %parallel_loop3A_543 = vector.shape_cast %parallel_loop3A_542 : vector<1x1x1x16xf32> to vector<16xf32>
        %parallel_loop3A_544 = arith.addf %parallel_loop3A_543, %parallel_loop3A_517 : vector<16xf32>
        %parallel_loop3A_545 = arith.constant 3 : i32
        %parallel_loop3A_546 = arith.constant 1 : i32
        %parallel_loop3A_547 = arith.index_cast %parallel_loop3A_545 : i32 to index
        %parallel_loop3A_548 = arith.index_cast %parallel_loop3A_546 : i32 to index
        %parallel_loop3A_549 = arith.index_cast %parallel_loop3A_393 : i32 to index
        %parallel_loop3A_550 = arith.constant 48 : index
        %parallel_loop3A_551 = tpu.vector_load %arg7[%parallel_loop3A_547, %parallel_loop3A_548, %parallel_loop3A_549, %parallel_loop3A_550] {strides = array<i32>} : memref<4x2x16x256xf32, #tpu.memory_space<vmem>>, vector<1x1x1x16xf32>,
        %parallel_loop3A_552 = vector.shape_cast %parallel_loop3A_551 : vector<1x1x1x16xf32> to vector<16xf32>
        %parallel_loop3A_553 = vector.shape_cast %parallel_loop3A_544 : vector<16xf32> to vector<1x1x1x16xf32>
        tpu.vector_store %arg7[%parallel_loop3A_547, %parallel_loop3A_548, %parallel_loop3A_549, %parallel_loop3A_550], %parallel_loop3A_553 {strides = array<i32>} : memref<4x2x16x256xf32, #tpu.memory_space<vmem>>, vector<1x1x1x16xf32>,
        %parallel_loop3A_554 = arith.index_cast %parallel_loop3A_393 : i32 to index
        %parallel_loop3A_555 = arith.constant 64 : index
        %parallel_loop3A_556 = tpu.vector_load %arg5[%parallel_loop3A_554, %parallel_loop3A_555] {strides = array<i32>} : memref<16x256xf32, #tpu.memory_space<vmem>>, vector<1x16xf32>,
        %parallel_loop3A_557 = vector.shape_cast %parallel_loop3A_556 : vector<1x16xf32> to vector<16xf32>
        %parallel_loop3A_558 = arith.constant 3 : i32
        %parallel_loop3A_559 = arith.constant 0 : i32
        %parallel_loop3A_560 = arith.index_cast %parallel_loop3A_558 : i32 to index
        %parallel_loop3A_561 = arith.index_cast %parallel_loop3A_559 : i32 to index
        %parallel_loop3A_562 = arith.index_cast %parallel_loop3A_393 : i32 to index
        %parallel_loop3A_563 = arith.constant 64 : index
        %parallel_loop3A_564 = tpu.vector_load %arg6[%parallel_loop3A_560, %parallel_loop3A_561, %parallel_loop3A_562, %parallel_loop3A_563] {strides = array<i32>} : memref<4x2x16x256xf32, #tpu.memory_space<vmem>>, vector<1x1x1x16xf32>,
        %parallel_loop3A_565 = vector.shape_cast %parallel_loop3A_564 : vector<1x1x1x16xf32> to vector<16xf32>
        %parallel_loop3A_566 = arith.addf %parallel_loop3A_565, %parallel_loop3A_557 : vector<16xf32>
        %parallel_loop3A_567 = arith.constant 3 : i32
        %parallel_loop3A_568 = arith.constant 0 : i32
        %parallel_loop3A_569 = arith.index_cast %parallel_loop3A_567 : i32 to index
        %parallel_loop3A_570 = arith.index_cast %parallel_loop3A_568 : i32 to index
        %parallel_loop3A_571 = arith.index_cast %parallel_loop3A_393 : i32 to index
        %parallel_loop3A_572 = arith.constant 64 : index
        %parallel_loop3A_573 = tpu.vector_load %arg7[%parallel_loop3A_569, %parallel_loop3A_570, %parallel_loop3A_571, %parallel_loop3A_572] {strides = array<i32>} : memref<4x2x16x256xf32, #tpu.memory_space<vmem>>, vector<1x1x1x16xf32>,
        %parallel_loop3A_574 = vector.shape_cast %parallel_loop3A_573 : vector<1x1x1x16xf32> to vector<16xf32>
        %parallel_loop3A_575 = vector.shape_cast %parallel_loop3A_566 : vector<16xf32> to vector<1x1x1x16xf32>
        tpu.vector_store %arg7[%parallel_loop3A_569, %parallel_loop3A_570, %parallel_loop3A_571, %parallel_loop3A_572], %parallel_loop3A_575 {strides = array<i32>} : memref<4x2x16x256xf32, #tpu.memory_space<vmem>>, vector<1x1x1x16xf32>,
        %parallel_loop3A_576 = arith.constant 3 : i32
        %parallel_loop3A_577 = arith.constant 1 : i32
        %parallel_loop3A_578 = arith.index_cast %parallel_loop3A_576 : i32 to index
        %parallel_loop3A_579 = arith.index_cast %parallel_loop3A_577 : i32 to index
        %parallel_loop3A_580 = arith.index_cast %parallel_loop3A_393 : i32 to index
        %parallel_loop3A_581 = arith.constant 64 : index
        %parallel_loop3A_582 = tpu.vector_load %arg6[%parallel_loop3A_578, %parallel_loop3A_579, %parallel_loop3A_580, %parallel_loop3A_581] {strides = array<i32>} : memref<4x2x16x256xf32, #tpu.memory_space<vmem>>, vector<1x1x1x16xf32>,
        %parallel_loop3A_583 = vector.shape_cast %parallel_loop3A_582 : vector<1x1x1x16xf32> to vector<16xf32>
        %parallel_loop3A_584 = arith.addf %parallel_loop3A_583, %parallel_loop3A_557 : vector<16xf32>
        %parallel_loop3A_585 = arith.constant 3 : i32
        %parallel_loop3A_586 = arith.constant 1 : i32
        %parallel_loop3A_587 = arith.index_cast %parallel_loop3A_585 : i32 to index
        %parallel_loop3A_588 = arith.index_cast %parallel_loop3A_586 : i32 to index
        %parallel_loop3A_589 = arith.index_cast %parallel_loop3A_393 : i32 to index
        %parallel_loop3A_590 = arith.constant 64 : index
        %parallel_loop3A_591 = tpu.vector_load %arg7[%parallel_loop3A_587, %parallel_loop3A_588, %parallel_loop3A_589, %parallel_loop3A_590] {strides = array<i32>} : memref<4x2x16x256xf32, #tpu.memory_space<vmem>>, vector<1x1x1x16xf32>,
        %parallel_loop3A_592 = vector.shape_cast %parallel_loop3A_591 : vector<1x1x1x16xf32> to vector<16xf32>
        %parallel_loop3A_593 = vector.shape_cast %parallel_loop3A_584 : vector<16xf32> to vector<1x1x1x16xf32>
        tpu.vector_store %arg7[%parallel_loop3A_587, %parallel_loop3A_588, %parallel_loop3A_589, %parallel_loop3A_590], %parallel_loop3A_593 {strides = array<i32>} : memref<4x2x16x256xf32, #tpu.memory_space<vmem>>, vector<1x1x1x16xf32>,
        %parallel_loop3A_594 = arith.index_cast %parallel_loop3A_393 : i32 to index
        %parallel_loop3A_595 = arith.constant 80 : index
        %parallel_loop3A_596 = tpu.vector_load %arg5[%parallel_loop3A_594, %parallel_loop3A_595] {strides = array<i32>} : memref<16x256xf32, #tpu.memory_space<vmem>>, vector<1x16xf32>,
        %parallel_loop3A_597 = vector.shape_cast %parallel_loop3A_596 : vector<1x16xf32> to vector<16xf32>
        %parallel_loop3A_598 = arith.constant 3 : i32
        %parallel_loop3A_599 = arith.constant 0 : i32
        %parallel_loop3A_600 = arith.index_cast %parallel_loop3A_598 : i32 to index
        %parallel_loop3A_601 = arith.index_cast %parallel_loop3A_599 : i32 to index
        %parallel_loop3A_602 = arith.index_cast %parallel_loop3A_393 : i32 to index
        %parallel_loop3A_603 = arith.constant 80 : index
        %parallel_loop3A_604 = tpu.vector_load %arg6[%parallel_loop3A_600, %parallel_loop3A_601, %parallel_loop3A_602, %parallel_loop3A_603] {strides = array<i32>} : memref<4x2x16x256xf32, #tpu.memory_space<vmem>>, vector<1x1x1x16xf32>,
        %parallel_loop3A_605 = vector.shape_cast %parallel_loop3A_604 : vector<1x1x1x16xf32> to vector<16xf32>
        %parallel_loop3A_606 = arith.addf %parallel_loop3A_605, %parallel_loop3A_597 : vector<16xf32>
        %parallel_loop3A_607 = arith.constant 3 : i32
        %parallel_loop3A_608 = arith.constant 0 : i32
        %parallel_loop3A_609 = arith.index_cast %parallel_loop3A_607 : i32 to index
        %parallel_loop3A_610 = arith.index_cast %parallel_loop3A_608 : i32 to index
        %parallel_loop3A_611 = arith.index_cast %parallel_loop3A_393 : i32 to index
        %parallel_loop3A_612 = arith.constant 80 : index
        %parallel_loop3A_613 = tpu.vector_load %arg7[%parallel_loop3A_609, %parallel_loop3A_610, %parallel_loop3A_611, %parallel_loop3A_612] {strides = array<i32>} : memref<4x2x16x256xf32, #tpu.memory_space<vmem>>, vector<1x1x1x16xf32>,
        %parallel_loop3A_614 = vector.shape_cast %parallel_loop3A_613 : vector<1x1x1x16xf32> to vector<16xf32>
        %parallel_loop3A_615 = vector.shape_cast %parallel_loop3A_606 : vector<16xf32> to vector<1x1x1x16xf32>
        tpu.vector_store %arg7[%parallel_loop3A_609, %parallel_loop3A_610, %parallel_loop3A_611, %parallel_loop3A_612], %parallel_loop3A_615 {strides = array<i32>} : memref<4x2x16x256xf32, #tpu.memory_space<vmem>>, vector<1x1x1x16xf32>,
        %parallel_loop3A_616 = arith.constant 3 : i32
        %parallel_loop3A_617 = arith.constant 1 : i32
        %parallel_loop3A_618 = arith.index_cast %parallel_loop3A_616 : i32 to index
        %parallel_loop3A_619 = arith.index_cast %parallel_loop3A_617 : i32 to index
        %parallel_loop3A_620 = arith.index_cast %parallel_loop3A_393 : i32 to index
        %parallel_loop3A_621 = arith.constant 80 : index
        %parallel_loop3A_622 = tpu.vector_load %arg6[%parallel_loop3A_618, %parallel_loop3A_619, %parallel_loop3A_620, %parallel_loop3A_621] {strides = array<i32>} : memref<4x2x16x256xf32, #tpu.memory_space<vmem>>, vector<1x1x1x16xf32>,
        %parallel_loop3A_623 = vector.shape_cast %parallel_loop3A_622 : vector<1x1x1x16xf32> to vector<16xf32>
        %parallel_loop3A_624 = arith.addf %parallel_loop3A_623, %parallel_loop3A_597 : vector<16xf32>
        %parallel_loop3A_625 = arith.constant 3 : i32
        %parallel_loop3A_626 = arith.constant 1 : i32
        %parallel_loop3A_627 = arith.index_cast %parallel_loop3A_625 : i32 to index
        %parallel_loop3A_628 = arith.index_cast %parallel_loop3A_626 : i32 to index
        %parallel_loop3A_629 = arith.index_cast %parallel_loop3A_393 : i32 to index
        %parallel_loop3A_630 = arith.constant 80 : index
        %parallel_loop3A_631 = tpu.vector_load %arg7[%parallel_loop3A_627, %parallel_loop3A_628, %parallel_loop3A_629, %parallel_loop3A_630] {strides = array<i32>} : memref<4x2x16x256xf32, #tpu.memory_space<vmem>>, vector<1x1x1x16xf32>,
        %parallel_loop3A_632 = vector.shape_cast %parallel_loop3A_631 : vector<1x1x1x16xf32> to vector<16xf32>
        %parallel_loop3A_633 = vector.shape_cast %parallel_loop3A_624 : vector<16xf32> to vector<1x1x1x16xf32>
        tpu.vector_store %arg7[%parallel_loop3A_627, %parallel_loop3A_628, %parallel_loop3A_629, %parallel_loop3A_630], %parallel_loop3A_633 {strides = array<i32>} : memref<4x2x16x256xf32, #tpu.memory_space<vmem>>, vector<1x1x1x16xf32>,
        %parallel_loop3A_634 = arith.index_cast %parallel_loop3A_393 : i32 to index
        %parallel_loop3A_635 = arith.constant 96 : index
        %parallel_loop3A_636 = tpu.vector_load %arg5[%parallel_loop3A_634, %parallel_loop3A_635] {strides = array<i32>} : memref<16x256xf32, #tpu.memory_space<vmem>>, vector<1x16xf32>,
        %parallel_loop3A_637 = vector.shape_cast %parallel_loop3A_636 : vector<1x16xf32> to vector<16xf32>
        %parallel_loop3A_638 = arith.constant 3 : i32
        %parallel_loop3A_639 = arith.constant 0 : i32
        %parallel_loop3A_640 = arith.index_cast %parallel_loop3A_638 : i32 to index
        %parallel_loop3A_641 = arith.index_cast %parallel_loop3A_639 : i32 to index
        %parallel_loop3A_642 = arith.index_cast %parallel_loop3A_393 : i32 to index
        %parallel_loop3A_643 = arith.constant 96 : index
        %parallel_loop3A_644 = tpu.vector_load %arg6[%parallel_loop3A_640, %parallel_loop3A_641, %parallel_loop3A_642, %parallel_loop3A_643] {strides = array<i32>} : memref<4x2x16x256xf32, #tpu.memory_space<vmem>>, vector<1x1x1x16xf32>,
        %parallel_loop3A_645 = vector.shape_cast %parallel_loop3A_644 : vector<1x1x1x16xf32> to vector<16xf32>
        %parallel_loop3A_646 = arith.addf %parallel_loop3A_645, %parallel_loop3A_637 : vector<16xf32>
        %parallel_loop3A_647 = arith.constant 3 : i32
        %parallel_loop3A_648 = arith.constant 0 : i32
        %parallel_loop3A_649 = arith.index_cast %parallel_loop3A_647 : i32 to index
        %parallel_loop3A_650 = arith.index_cast %parallel_loop3A_648 : i32 to index
        %parallel_loop3A_651 = arith.index_cast %parallel_loop3A_393 : i32 to index
        %parallel_loop3A_652 = arith.constant 96 : index
        %parallel_loop3A_653 = tpu.vector_load %arg7[%parallel_loop3A_649, %parallel_loop3A_650, %parallel_loop3A_651, %parallel_loop3A_652] {strides = array<i32>} : memref<4x2x16x256xf32, #tpu.memory_space<vmem>>, vector<1x1x1x16xf32>,
        %parallel_loop3A_654 = vector.shape_cast %parallel_loop3A_653 : vector<1x1x1x16xf32> to vector<16xf32>
        %parallel_loop3A_655 = vector.shape_cast %parallel_loop3A_646 : vector<16xf32> to vector<1x1x1x16xf32>
        tpu.vector_store %arg7[%parallel_loop3A_649, %parallel_loop3A_650, %parallel_loop3A_651, %parallel_loop3A_652], %parallel_loop3A_655 {strides = array<i32>} : memref<4x2x16x256xf32, #tpu.memory_space<vmem>>, vector<1x1x1x16xf32>,
        %parallel_loop3A_656 = arith.constant 3 : i32
        %parallel_loop3A_657 = arith.constant 1 : i32
        %parallel_loop3A_658 = arith.index_cast %parallel_loop3A_656 : i32 to index
        %parallel_loop3A_659 = arith.index_cast %parallel_loop3A_657 : i32 to index
        %parallel_loop3A_660 = arith.index_cast %parallel_loop3A_393 : i32 to index
        %parallel_loop3A_661 = arith.constant 96 : index
        %parallel_loop3A_662 = tpu.vector_load %arg6[%parallel_loop3A_658, %parallel_loop3A_659, %parallel_loop3A_660, %parallel_loop3A_661] {strides = array<i32>} : memref<4x2x16x256xf32, #tpu.memory_space<vmem>>, vector<1x1x1x16xf32>,
        %parallel_loop3A_663 = vector.shape_cast %parallel_loop3A_662 : vector<1x1x1x16xf32> to vector<16xf32>
        %parallel_loop3A_664 = arith.addf %parallel_loop3A_663, %parallel_loop3A_637 : vector<16xf32>
        %parallel_loop3A_665 = arith.constant 3 : i32
        %parallel_loop3A_666 = arith.constant 1 : i32
        %parallel_loop3A_667 = arith.index_cast %parallel_loop3A_665 : i32 to index
        %parallel_loop3A_668 = arith.index_cast %parallel_loop3A_666 : i32 to index
        %parallel_loop3A_669 = arith.index_cast %parallel_loop3A_393 : i32 to index
        %parallel_loop3A_670 = arith.constant 96 : index
        %parallel_loop3A_671 = tpu.vector_load %arg7[%parallel_loop3A_667, %parallel_loop3A_668, %parallel_loop3A_669, %parallel_loop3A_670] {strides = array<i32>} : memref<4x2x16x256xf32, #tpu.memory_space<vmem>>, vector<1x1x1x16xf32>,
        %parallel_loop3A_672 = vector.shape_cast %parallel_loop3A_671 : vector<1x1x1x16xf32> to vector<16xf32>
        %parallel_loop3A_673 = vector.shape_cast %parallel_loop3A_664 : vector<16xf32> to vector<1x1x1x16xf32>
        tpu.vector_store %arg7[%parallel_loop3A_667, %parallel_loop3A_668, %parallel_loop3A_669, %parallel_loop3A_670], %parallel_loop3A_673 {strides = array<i32>} : memref<4x2x16x256xf32, #tpu.memory_space<vmem>>, vector<1x1x1x16xf32>,
        %parallel_loop3A_674 = arith.index_cast %parallel_loop3A_393 : i32 to index
        %parallel_loop3A_675 = arith.constant 112 : index
        %parallel_loop3A_676 = tpu.vector_load %arg5[%parallel_loop3A_674, %parallel_loop3A_675] {strides = array<i32>} : memref<16x256xf32, #tpu.memory_space<vmem>>, vector<1x16xf32>,
        %parallel_loop3A_677 = vector.shape_cast %parallel_loop3A_676 : vector<1x16xf32> to vector<16xf32>
        %parallel_loop3A_678 = arith.constant 3 : i32
        %parallel_loop3A_679 = arith.constant 0 : i32
        %parallel_loop3A_680 = arith.index_cast %parallel_loop3A_678 : i32 to index
        %parallel_loop3A_681 = arith.index_cast %parallel_loop3A_679 : i32 to index
        %parallel_loop3A_682 = arith.index_cast %parallel_loop3A_393 : i32 to index
        %parallel_loop3A_683 = arith.constant 112 : index
        %parallel_loop3A_684 = tpu.vector_load %arg6[%parallel_loop3A_680, %parallel_loop3A_681, %parallel_loop3A_682, %parallel_loop3A_683] {strides = array<i32>} : memref<4x2x16x256xf32, #tpu.memory_space<vmem>>, vector<1x1x1x16xf32>,
        %parallel_loop3A_685 = vector.shape_cast %parallel_loop3A_684 : vector<1x1x1x16xf32> to vector<16xf32>
        %parallel_loop3A_686 = arith.addf %parallel_loop3A_685, %parallel_loop3A_677 : vector<16xf32>
        %parallel_loop3A_687 = arith.constant 3 : i32
        %parallel_loop3A_688 = arith.constant 0 : i32
        %parallel_loop3A_689 = arith.index_cast %parallel_loop3A_687 : i32 to index
        %parallel_loop3A_690 = arith.index_cast %parallel_loop3A_688 : i32 to index
        %parallel_loop3A_691 = arith.index_cast %parallel_loop3A_393 : i32 to index
        %parallel_loop3A_692 = arith.constant 112 : index
        %parallel_loop3A_693 = tpu.vector_load %arg7[%parallel_loop3A_689, %parallel_loop3A_690, %parallel_loop3A_691, %parallel_loop3A_692] {strides = array<i32>} : memref<4x2x16x256xf32, #tpu.memory_space<vmem>>, vector<1x1x1x16xf32>,
        %parallel_loop3A_694 = vector.shape_cast %parallel_loop3A_693 : vector<1x1x1x16xf32> to vector<16xf32>
        %parallel_loop3A_695 = vector.shape_cast %parallel_loop3A_686 : vector<16xf32> to vector<1x1x1x16xf32>
        tpu.vector_store %arg7[%parallel_loop3A_689, %parallel_loop3A_690, %parallel_loop3A_691, %parallel_loop3A_692], %parallel_loop3A_695 {strides = array<i32>} : memref<4x2x16x256xf32, #tpu.memory_space<vmem>>, vector<1x1x1x16xf32>,
        %parallel_loop3A_696 = arith.constant 3 : i32
        %parallel_loop3A_697 = arith.constant 1 : i32
        %parallel_loop3A_698 = arith.index_cast %parallel_loop3A_696 : i32 to index
        %parallel_loop3A_699 = arith.index_cast %parallel_loop3A_697 : i32 to index
        %parallel_loop3A_700 = arith.index_cast %parallel_loop3A_393 : i32 to index
        %parallel_loop3A_701 = arith.constant 112 : index
        %parallel_loop3A_702 = tpu.vector_load %arg6[%parallel_loop3A_698, %parallel_loop3A_699, %parallel_loop3A_700, %parallel_loop3A_701] {strides = array<i32>} : memref<4x2x16x256xf32, #tpu.memory_space<vmem>>, vector<1x1x1x16xf32>,
        %parallel_loop3A_703 = vector.shape_cast %parallel_loop3A_702 : vector<1x1x1x16xf32> to vector<16xf32>
        %parallel_loop3A_704 = arith.addf %parallel_loop3A_703, %parallel_loop3A_677 : vector<16xf32>
        %parallel_loop3A_705 = arith.constant 3 : i32
        %parallel_loop3A_706 = arith.constant 1 : i32
        %parallel_loop3A_707 = arith.index_cast %parallel_loop3A_705 : i32 to index
        %parallel_loop3A_708 = arith.index_cast %parallel_loop3A_706 : i32 to index
        %parallel_loop3A_709 = arith.index_cast %parallel_loop3A_393 : i32 to index
        %parallel_loop3A_710 = arith.constant 112 : index
        %parallel_loop3A_711 = tpu.vector_load %arg7[%parallel_loop3A_707, %parallel_loop3A_708, %parallel_loop3A_709, %parallel_loop3A_710] {strides = array<i32>} : memref<4x2x16x256xf32, #tpu.memory_space<vmem>>, vector<1x1x1x16xf32>,
        %parallel_loop3A_712 = vector.shape_cast %parallel_loop3A_711 : vector<1x1x1x16xf32> to vector<16xf32>
        %parallel_loop3A_713 = vector.shape_cast %parallel_loop3A_704 : vector<16xf32> to vector<1x1x1x16xf32>
        tpu.vector_store %arg7[%parallel_loop3A_707, %parallel_loop3A_708, %parallel_loop3A_709, %parallel_loop3A_710], %parallel_loop3A_713 {strides = array<i32>} : memref<4x2x16x256xf32, #tpu.memory_space<vmem>>, vector<1x1x1x16xf32>,
        %parallel_loop3A_714 = arith.index_cast %parallel_loop3A_393 : i32 to index
        %parallel_loop3A_715 = arith.constant 128 : index
        %parallel_loop3A_716 = tpu.vector_load %arg5[%parallel_loop3A_714, %parallel_loop3A_715] {strides = array<i32>} : memref<16x256xf32, #tpu.memory_space<vmem>>, vector<1x16xf32>,
        %parallel_loop3A_717 = vector.shape_cast %parallel_loop3A_716 : vector<1x16xf32> to vector<16xf32>
        %parallel_loop3A_718 = arith.constant 3 : i32
        %parallel_loop3A_719 = arith.constant 0 : i32
        %parallel_loop3A_720 = arith.index_cast %parallel_loop3A_718 : i32 to index
        %parallel_loop3A_721 = arith.index_cast %parallel_loop3A_719 : i32 to index
        %parallel_loop3A_722 = arith.index_cast %parallel_loop3A_393 : i32 to index
        %parallel_loop3A_723 = arith.constant 128 : index
        %parallel_loop3A_724 = tpu.vector_load %arg6[%parallel_loop3A_720, %parallel_loop3A_721, %parallel_loop3A_722, %parallel_loop3A_723] {strides = array<i32>} : memref<4x2x16x256xf32, #tpu.memory_space<vmem>>, vector<1x1x1x16xf32>,
        %parallel_loop3A_725 = vector.shape_cast %parallel_loop3A_724 : vector<1x1x1x16xf32> to vector<16xf32>
        %parallel_loop3A_726 = arith.addf %parallel_loop3A_725, %parallel_loop3A_717 : vector<16xf32>
        %parallel_loop3A_727 = arith.constant 3 : i32
        %parallel_loop3A_728 = arith.constant 0 : i32
        %parallel_loop3A_729 = arith.index_cast %parallel_loop3A_727 : i32 to index
        %parallel_loop3A_730 = arith.index_cast %parallel_loop3A_728 : i32 to index
        %parallel_loop3A_731 = arith.index_cast %parallel_loop3A_393 : i32 to index
        %parallel_loop3A_732 = arith.constant 128 : index
        %parallel_loop3A_733 = tpu.vector_load %arg7[%parallel_loop3A_729, %parallel_loop3A_730, %parallel_loop3A_731, %parallel_loop3A_732] {strides = array<i32>} : memref<4x2x16x256xf32, #tpu.memory_space<vmem>>, vector<1x1x1x16xf32>,
        %parallel_loop3A_734 = vector.shape_cast %parallel_loop3A_733 : vector<1x1x1x16xf32> to vector<16xf32>
        %parallel_loop3A_735 = vector.shape_cast %parallel_loop3A_726 : vector<16xf32> to vector<1x1x1x16xf32>
        tpu.vector_store %arg7[%parallel_loop3A_729, %parallel_loop3A_730, %parallel_loop3A_731, %parallel_loop3A_732], %parallel_loop3A_735 {strides = array<i32>} : memref<4x2x16x256xf32, #tpu.memory_space<vmem>>, vector<1x1x1x16xf32>,
        %parallel_loop3A_736 = arith.constant 3 : i32
        %parallel_loop3A_737 = arith.constant 1 : i32
        %parallel_loop3A_738 = arith.index_cast %parallel_loop3A_736 : i32 to index
        %parallel_loop3A_739 = arith.index_cast %parallel_loop3A_737 : i32 to index
        %parallel_loop3A_740 = arith.index_cast %parallel_loop3A_393 : i32 to index
        %parallel_loop3A_741 = arith.constant 128 : index
        %parallel_loop3A_742 = tpu.vector_load %arg6[%parallel_loop3A_738, %parallel_loop3A_739, %parallel_loop3A_740, %parallel_loop3A_741] {strides = array<i32>} : memref<4x2x16x256xf32, #tpu.memory_space<vmem>>, vector<1x1x1x16xf32>,
        %parallel_loop3A_743 = vector.shape_cast %parallel_loop3A_742 : vector<1x1x1x16xf32> to vector<16xf32>
        %parallel_loop3A_744 = arith.addf %parallel_loop3A_743, %parallel_loop3A_717 : vector<16xf32>
        %parallel_loop3A_745 = arith.constant 3 : i32
        %parallel_loop3A_746 = arith.constant 1 : i32
        %parallel_loop3A_747 = arith.index_cast %parallel_loop3A_745 : i32 to index
        %parallel_loop3A_748 = arith.index_cast %parallel_loop3A_746 : i32 to index
        %parallel_loop3A_749 = arith.index_cast %parallel_loop3A_393 : i32 to index
        %parallel_loop3A_750 = arith.constant 128 : index
        %parallel_loop3A_751 = tpu.vector_load %arg7[%parallel_loop3A_747, %parallel_loop3A_748, %parallel_loop3A_749, %parallel_loop3A_750] {strides = array<i32>} : memref<4x2x16x256xf32, #tpu.memory_space<vmem>>, vector<1x1x1x16xf32>,
        %parallel_loop3A_752 = vector.shape_cast %parallel_loop3A_751 : vector<1x1x1x16xf32> to vector<16xf32>
        %parallel_loop3A_753 = vector.shape_cast %parallel_loop3A_744 : vector<16xf32> to vector<1x1x1x16xf32>
        tpu.vector_store %arg7[%parallel_loop3A_747, %parallel_loop3A_748, %parallel_loop3A_749, %parallel_loop3A_750], %parallel_loop3A_753 {strides = array<i32>} : memref<4x2x16x256xf32, #tpu.memory_space<vmem>>, vector<1x1x1x16xf32>,
        %parallel_loop3A_754 = arith.index_cast %parallel_loop3A_393 : i32 to index
        %parallel_loop3A_755 = arith.constant 144 : index
        %parallel_loop3A_756 = tpu.vector_load %arg5[%parallel_loop3A_754, %parallel_loop3A_755] {strides = array<i32>} : memref<16x256xf32, #tpu.memory_space<vmem>>, vector<1x16xf32>,
        %parallel_loop3A_757 = vector.shape_cast %parallel_loop3A_756 : vector<1x16xf32> to vector<16xf32>
        %parallel_loop3A_758 = arith.constant 3 : i32
        %parallel_loop3A_759 = arith.constant 0 : i32
        %parallel_loop3A_760 = arith.index_cast %parallel_loop3A_758 : i32 to index
        %parallel_loop3A_761 = arith.index_cast %parallel_loop3A_759 : i32 to index
        %parallel_loop3A_762 = arith.index_cast %parallel_loop3A_393 : i32 to index
        %parallel_loop3A_763 = arith.constant 144 : index
        %parallel_loop3A_764 = tpu.vector_load %arg6[%parallel_loop3A_760, %parallel_loop3A_761, %parallel_loop3A_762, %parallel_loop3A_763] {strides = array<i32>} : memref<4x2x16x256xf32, #tpu.memory_space<vmem>>, vector<1x1x1x16xf32>,
        %parallel_loop3A_765 = vector.shape_cast %parallel_loop3A_764 : vector<1x1x1x16xf32> to vector<16xf32>
        %parallel_loop3A_766 = arith.addf %parallel_loop3A_765, %parallel_loop3A_757 : vector<16xf32>
        %parallel_loop3A_767 = arith.constant 3 : i32
        %parallel_loop3A_768 = arith.constant 0 : i32
        %parallel_loop3A_769 = arith.index_cast %parallel_loop3A_767 : i32 to index
        %parallel_loop3A_770 = arith.index_cast %parallel_loop3A_768 : i32 to index
        %parallel_loop3A_771 = arith.index_cast %parallel_loop3A_393 : i32 to index
        %parallel_loop3A_772 = arith.constant 144 : index
        %parallel_loop3A_773 = tpu.vector_load %arg7[%parallel_loop3A_769, %parallel_loop3A_770, %parallel_loop3A_771, %parallel_loop3A_772] {strides = array<i32>} : memref<4x2x16x256xf32, #tpu.memory_space<vmem>>, vector<1x1x1x16xf32>,
        %parallel_loop3A_774 = vector.shape_cast %parallel_loop3A_773 : vector<1x1x1x16xf32> to vector<16xf32>
        %parallel_loop3A_775 = vector.shape_cast %parallel_loop3A_766 : vector<16xf32> to vector<1x1x1x16xf32>
        tpu.vector_store %arg7[%parallel_loop3A_769, %parallel_loop3A_770, %parallel_loop3A_771, %parallel_loop3A_772], %parallel_loop3A_775 {strides = array<i32>} : memref<4x2x16x256xf32, #tpu.memory_space<vmem>>, vector<1x1x1x16xf32>,
        %parallel_loop3A_776 = arith.constant 3 : i32
        %parallel_loop3A_777 = arith.constant 1 : i32
        %parallel_loop3A_778 = arith.index_cast %parallel_loop3A_776 : i32 to index
        %parallel_loop3A_779 = arith.index_cast %parallel_loop3A_777 : i32 to index
        %parallel_loop3A_780 = arith.index_cast %parallel_loop3A_393 : i32 to index
        %parallel_loop3A_781 = arith.constant 144 : index
        %parallel_loop3A_782 = tpu.vector_load %arg6[%parallel_loop3A_778, %parallel_loop3A_779, %parallel_loop3A_780, %parallel_loop3A_781] {strides = array<i32>} : memref<4x2x16x256xf32, #tpu.memory_space<vmem>>, vector<1x1x1x16xf32>,
        %parallel_loop3A_783 = vector.shape_cast %parallel_loop3A_782 : vector<1x1x1x16xf32> to vector<16xf32>
        %parallel_loop3A_784 = arith.addf %parallel_loop3A_783, %parallel_loop3A_757 : vector<16xf32>
        %parallel_loop3A_785 = arith.constant 3 : i32
        %parallel_loop3A_786 = arith.constant 1 : i32
        %parallel_loop3A_787 = arith.index_cast %parallel_loop3A_785 : i32 to index
        %parallel_loop3A_788 = arith.index_cast %parallel_loop3A_786 : i32 to index
        %parallel_loop3A_789 = arith.index_cast %parallel_loop3A_393 : i32 to index
        %parallel_loop3A_790 = arith.constant 144 : index
        %parallel_loop3A_791 = tpu.vector_load %arg7[%parallel_loop3A_787, %parallel_loop3A_788, %parallel_loop3A_789, %parallel_loop3A_790] {strides = array<i32>} : memref<4x2x16x256xf32, #tpu.memory_space<vmem>>, vector<1x1x1x16xf32>,
        %parallel_loop3A_792 = vector.shape_cast %parallel_loop3A_791 : vector<1x1x1x16xf32> to vector<16xf32>
        %parallel_loop3A_793 = vector.shape_cast %parallel_loop3A_784 : vector<16xf32> to vector<1x1x1x16xf32>
        tpu.vector_store %arg7[%parallel_loop3A_787, %parallel_loop3A_788, %parallel_loop3A_789, %parallel_loop3A_790], %parallel_loop3A_793 {strides = array<i32>} : memref<4x2x16x256xf32, #tpu.memory_space<vmem>>, vector<1x1x1x16xf32>,
        %parallel_loop3A_794 = arith.index_cast %parallel_loop3A_393 : i32 to index
        %parallel_loop3A_795 = arith.constant 160 : index
        %parallel_loop3A_796 = tpu.vector_load %arg5[%parallel_loop3A_794, %parallel_loop3A_795] {strides = array<i32>} : memref<16x256xf32, #tpu.memory_space<vmem>>, vector<1x16xf32>,
        %parallel_loop3A_797 = vector.shape_cast %parallel_loop3A_796 : vector<1x16xf32> to vector<16xf32>
        %parallel_loop3A_798 = arith.constant 3 : i32
        %parallel_loop3A_799 = arith.constant 0 : i32
        %parallel_loop3A_800 = arith.index_cast %parallel_loop3A_798 : i32 to index
        %parallel_loop3A_801 = arith.index_cast %parallel_loop3A_799 : i32 to index
        %parallel_loop3A_802 = arith.index_cast %parallel_loop3A_393 : i32 to index
        %parallel_loop3A_803 = arith.constant 160 : index
        %parallel_loop3A_804 = tpu.vector_load %arg6[%parallel_loop3A_800, %parallel_loop3A_801, %parallel_loop3A_802, %parallel_loop3A_803] {strides = array<i32>} : memref<4x2x16x256xf32, #tpu.memory_space<vmem>>, vector<1x1x1x16xf32>,
        %parallel_loop3A_805 = vector.shape_cast %parallel_loop3A_804 : vector<1x1x1x16xf32> to vector<16xf32>
        %parallel_loop3A_806 = arith.addf %parallel_loop3A_805, %parallel_loop3A_797 : vector<16xf32>
        %parallel_loop3A_807 = arith.constant 3 : i32
        %parallel_loop3A_808 = arith.constant 0 : i32
        %parallel_loop3A_809 = arith.index_cast %parallel_loop3A_807 : i32 to index
        %parallel_loop3A_810 = arith.index_cast %parallel_loop3A_808 : i32 to index
        %parallel_loop3A_811 = arith.index_cast %parallel_loop3A_393 : i32 to index
        %parallel_loop3A_812 = arith.constant 160 : index
        %parallel_loop3A_813 = tpu.vector_load %arg7[%parallel_loop3A_809, %parallel_loop3A_810, %parallel_loop3A_811, %parallel_loop3A_812] {strides = array<i32>} : memref<4x2x16x256xf32, #tpu.memory_space<vmem>>, vector<1x1x1x16xf32>,
        %parallel_loop3A_814 = vector.shape_cast %parallel_loop3A_813 : vector<1x1x1x16xf32> to vector<16xf32>
        %parallel_loop3A_815 = vector.shape_cast %parallel_loop3A_806 : vector<16xf32> to vector<1x1x1x16xf32>
        tpu.vector_store %arg7[%parallel_loop3A_809, %parallel_loop3A_810, %parallel_loop3A_811, %parallel_loop3A_812], %parallel_loop3A_815 {strides = array<i32>} : memref<4x2x16x256xf32, #tpu.memory_space<vmem>>, vector<1x1x1x16xf32>,
        %parallel_loop3A_816 = arith.constant 3 : i32
        %parallel_loop3A_817 = arith.constant 1 : i32
        %parallel_loop3A_818 = arith.index_cast %parallel_loop3A_816 : i32 to index
        %parallel_loop3A_819 = arith.index_cast %parallel_loop3A_817 : i32 to index
        %parallel_loop3A_820 = arith.index_cast %parallel_loop3A_393 : i32 to index
        %parallel_loop3A_821 = arith.constant 160 : index
        %parallel_loop3A_822 = tpu.vector_load %arg6[%parallel_loop3A_818, %parallel_loop3A_819, %parallel_loop3A_820, %parallel_loop3A_821] {strides = array<i32>} : memref<4x2x16x256xf32, #tpu.memory_space<vmem>>, vector<1x1x1x16xf32>,
        %parallel_loop3A_823 = vector.shape_cast %parallel_loop3A_822 : vector<1x1x1x16xf32> to vector<16xf32>
        %parallel_loop3A_824 = arith.addf %parallel_loop3A_823, %parallel_loop3A_797 : vector<16xf32>
        %parallel_loop3A_825 = arith.constant 3 : i32
        %parallel_loop3A_826 = arith.constant 1 : i32
        %parallel_loop3A_827 = arith.index_cast %parallel_loop3A_825 : i32 to index
        %parallel_loop3A_828 = arith.index_cast %parallel_loop3A_826 : i32 to index
        %parallel_loop3A_829 = arith.index_cast %parallel_loop3A_393 : i32 to index
        %parallel_loop3A_830 = arith.constant 160 : index
        %parallel_loop3A_831 = tpu.vector_load %arg7[%parallel_loop3A_827, %parallel_loop3A_828, %parallel_loop3A_829, %parallel_loop3A_830] {strides = array<i32>} : memref<4x2x16x256xf32, #tpu.memory_space<vmem>>, vector<1x1x1x16xf32>,
        %parallel_loop3A_832 = vector.shape_cast %parallel_loop3A_831 : vector<1x1x1x16xf32> to vector<16xf32>
        %parallel_loop3A_833 = vector.shape_cast %parallel_loop3A_824 : vector<16xf32> to vector<1x1x1x16xf32>
        tpu.vector_store %arg7[%parallel_loop3A_827, %parallel_loop3A_828, %parallel_loop3A_829, %parallel_loop3A_830], %parallel_loop3A_833 {strides = array<i32>} : memref<4x2x16x256xf32, #tpu.memory_space<vmem>>, vector<1x1x1x16xf32>,
        %parallel_loop3A_834 = arith.index_cast %parallel_loop3A_393 : i32 to index
        %parallel_loop3A_835 = arith.constant 176 : index
        %parallel_loop3A_836 = tpu.vector_load %arg5[%parallel_loop3A_834, %parallel_loop3A_835] {strides = array<i32>} : memref<16x256xf32, #tpu.memory_space<vmem>>, vector<1x16xf32>,
        %parallel_loop3A_837 = vector.shape_cast %parallel_loop3A_836 : vector<1x16xf32> to vector<16xf32>
        %parallel_loop3A_838 = arith.constant 3 : i32
        %parallel_loop3A_839 = arith.constant 0 : i32
        %parallel_loop3A_840 = arith.index_cast %parallel_loop3A_838 : i32 to index
        %parallel_loop3A_841 = arith.index_cast %parallel_loop3A_839 : i32 to index
        %parallel_loop3A_842 = arith.index_cast %parallel_loop3A_393 : i32 to index
        %parallel_loop3A_843 = arith.constant 176 : index
        %parallel_loop3A_844 = tpu.vector_load %arg6[%parallel_loop3A_840, %parallel_loop3A_841, %parallel_loop3A_842, %parallel_loop3A_843] {strides = array<i32>} : memref<4x2x16x256xf32, #tpu.memory_space<vmem>>, vector<1x1x1x16xf32>,
        %parallel_loop3A_845 = vector.shape_cast %parallel_loop3A_844 : vector<1x1x1x16xf32> to vector<16xf32>
        %parallel_loop3A_846 = arith.addf %parallel_loop3A_845, %parallel_loop3A_837 : vector<16xf32>
        %parallel_loop3A_847 = arith.constant 3 : i32
        %parallel_loop3A_848 = arith.constant 0 : i32
        %parallel_loop3A_849 = arith.index_cast %parallel_loop3A_847 : i32 to index
        %parallel_loop3A_850 = arith.index_cast %parallel_loop3A_848 : i32 to index
        %parallel_loop3A_851 = arith.index_cast %parallel_loop3A_393 : i32 to index
        %parallel_loop3A_852 = arith.constant 176 : index
        %parallel_loop3A_853 = tpu.vector_load %arg7[%parallel_loop3A_849, %parallel_loop3A_850, %parallel_loop3A_851, %parallel_loop3A_852] {strides = array<i32>} : memref<4x2x16x256xf32, #tpu.memory_space<vmem>>, vector<1x1x1x16xf32>,
        %parallel_loop3A_854 = vector.shape_cast %parallel_loop3A_853 : vector<1x1x1x16xf32> to vector<16xf32>
        %parallel_loop3A_855 = vector.shape_cast %parallel_loop3A_846 : vector<16xf32> to vector<1x1x1x16xf32>
        tpu.vector_store %arg7[%parallel_loop3A_849, %parallel_loop3A_850, %parallel_loop3A_851, %parallel_loop3A_852], %parallel_loop3A_855 {strides = array<i32>} : memref<4x2x16x256xf32, #tpu.memory_space<vmem>>, vector<1x1x1x16xf32>,
        %parallel_loop3A_856 = arith.constant 3 : i32
        %parallel_loop3A_857 = arith.constant 1 : i32
        %parallel_loop3A_858 = arith.index_cast %parallel_loop3A_856 : i32 to index
        %parallel_loop3A_859 = arith.index_cast %parallel_loop3A_857 : i32 to index
        %parallel_loop3A_860 = arith.index_cast %parallel_loop3A_393 : i32 to index
        %parallel_loop3A_861 = arith.constant 176 : index
        %parallel_loop3A_862 = tpu.vector_load %arg6[%parallel_loop3A_858, %parallel_loop3A_859, %parallel_loop3A_860, %parallel_loop3A_861] {strides = array<i32>} : memref<4x2x16x256xf32, #tpu.memory_space<vmem>>, vector<1x1x1x16xf32>,
        %parallel_loop3A_863 = vector.shape_cast %parallel_loop3A_862 : vector<1x1x1x16xf32> to vector<16xf32>
        %parallel_loop3A_864 = arith.addf %parallel_loop3A_863, %parallel_loop3A_837 : vector<16xf32>
        %parallel_loop3A_865 = arith.constant 3 : i32
        %parallel_loop3A_866 = arith.constant 1 : i32
        %parallel_loop3A_867 = arith.index_cast %parallel_loop3A_865 : i32 to index
        %parallel_loop3A_868 = arith.index_cast %parallel_loop3A_866 : i32 to index
        %parallel_loop3A_869 = arith.index_cast %parallel_loop3A_393 : i32 to index
        %parallel_loop3A_870 = arith.constant 176 : index
        %parallel_loop3A_871 = tpu.vector_load %arg7[%parallel_loop3A_867, %parallel_loop3A_868, %parallel_loop3A_869, %parallel_loop3A_870] {strides = array<i32>} : memref<4x2x16x256xf32, #tpu.memory_space<vmem>>, vector<1x1x1x16xf32>,
        %parallel_loop3A_872 = vector.shape_cast %parallel_loop3A_871 : vector<1x1x1x16xf32> to vector<16xf32>
        %parallel_loop3A_873 = vector.shape_cast %parallel_loop3A_864 : vector<16xf32> to vector<1x1x1x16xf32>
        tpu.vector_store %arg7[%parallel_loop3A_867, %parallel_loop3A_868, %parallel_loop3A_869, %parallel_loop3A_870], %parallel_loop3A_873 {strides = array<i32>} : memref<4x2x16x256xf32, #tpu.memory_space<vmem>>, vector<1x1x1x16xf32>,
        %parallel_loop3A_874 = arith.index_cast %parallel_loop3A_393 : i32 to index
        %parallel_loop3A_875 = arith.constant 192 : index
        %parallel_loop3A_876 = tpu.vector_load %arg5[%parallel_loop3A_874, %parallel_loop3A_875] {strides = array<i32>} : memref<16x256xf32, #tpu.memory_space<vmem>>, vector<1x16xf32>,
        %parallel_loop3A_877 = vector.shape_cast %parallel_loop3A_876 : vector<1x16xf32> to vector<16xf32>
        %parallel_loop3A_878 = arith.constant 3 : i32
        %parallel_loop3A_879 = arith.constant 0 : i32
        %parallel_loop3A_880 = arith.index_cast %parallel_loop3A_878 : i32 to index
        %parallel_loop3A_881 = arith.index_cast %parallel_loop3A_879 : i32 to index
        %parallel_loop3A_882 = arith.index_cast %parallel_loop3A_393 : i32 to index
        %parallel_loop3A_883 = arith.constant 192 : index
        %parallel_loop3A_884 = tpu.vector_load %arg6[%parallel_loop3A_880, %parallel_loop3A_881, %parallel_loop3A_882, %parallel_loop3A_883] {strides = array<i32>} : memref<4x2x16x256xf32, #tpu.memory_space<vmem>>, vector<1x1x1x16xf32>,
        %parallel_loop3A_885 = vector.shape_cast %parallel_loop3A_884 : vector<1x1x1x16xf32> to vector<16xf32>
        %parallel_loop3A_886 = arith.addf %parallel_loop3A_885, %parallel_loop3A_877 : vector<16xf32>
        %parallel_loop3A_887 = arith.constant 3 : i32
        %parallel_loop3A_888 = arith.constant 0 : i32
        %parallel_loop3A_889 = arith.index_cast %parallel_loop3A_887 : i32 to index
        %parallel_loop3A_890 = arith.index_cast %parallel_loop3A_888 : i32 to index
        %parallel_loop3A_891 = arith.index_cast %parallel_loop3A_393 : i32 to index
        %parallel_loop3A_892 = arith.constant 192 : index
        %parallel_loop3A_893 = tpu.vector_load %arg7[%parallel_loop3A_889, %parallel_loop3A_890, %parallel_loop3A_891, %parallel_loop3A_892] {strides = array<i32>} : memref<4x2x16x256xf32, #tpu.memory_space<vmem>>, vector<1x1x1x16xf32>,
        %parallel_loop3A_894 = vector.shape_cast %parallel_loop3A_893 : vector<1x1x1x16xf32> to vector<16xf32>
        %parallel_loop3A_895 = vector.shape_cast %parallel_loop3A_886 : vector<16xf32> to vector<1x1x1x16xf32>
        tpu.vector_store %arg7[%parallel_loop3A_889, %parallel_loop3A_890, %parallel_loop3A_891, %parallel_loop3A_892], %parallel_loop3A_895 {strides = array<i32>} : memref<4x2x16x256xf32, #tpu.memory_space<vmem>>, vector<1x1x1x16xf32>,
        %parallel_loop3A_896 = arith.constant 3 : i32
        %parallel_loop3A_897 = arith.constant 1 : i32
        %parallel_loop3A_898 = arith.index_cast %parallel_loop3A_896 : i32 to index
        %parallel_loop3A_899 = arith.index_cast %parallel_loop3A_897 : i32 to index
        %parallel_loop3A_900 = arith.index_cast %parallel_loop3A_393 : i32 to index
        %parallel_loop3A_901 = arith.constant 192 : index
        %parallel_loop3A_902 = tpu.vector_load %arg6[%parallel_loop3A_898, %parallel_loop3A_899, %parallel_loop3A_900, %parallel_loop3A_901] {strides = array<i32>} : memref<4x2x16x256xf32, #tpu.memory_space<vmem>>, vector<1x1x1x16xf32>,
        %parallel_loop3A_903 = vector.shape_cast %parallel_loop3A_902 : vector<1x1x1x16xf32> to vector<16xf32>
        %parallel_loop3A_904 = arith.addf %parallel_loop3A_903, %parallel_loop3A_877 : vector<16xf32>
        %parallel_loop3A_905 = arith.constant 3 : i32
        %parallel_loop3A_906 = arith.constant 1 : i32
        %parallel_loop3A_907 = arith.index_cast %parallel_loop3A_905 : i32 to index
        %parallel_loop3A_908 = arith.index_cast %parallel_loop3A_906 : i32 to index
        %parallel_loop3A_909 = arith.index_cast %parallel_loop3A_393 : i32 to index
        %parallel_loop3A_910 = arith.constant 192 : index
        %parallel_loop3A_911 = tpu.vector_load %arg7[%parallel_loop3A_907, %parallel_loop3A_908, %parallel_loop3A_909, %parallel_loop3A_910] {strides = array<i32>} : memref<4x2x16x256xf32, #tpu.memory_space<vmem>>, vector<1x1x1x16xf32>,
        %parallel_loop3A_912 = vector.shape_cast %parallel_loop3A_911 : vector<1x1x1x16xf32> to vector<16xf32>
        %parallel_loop3A_913 = vector.shape_cast %parallel_loop3A_904 : vector<16xf32> to vector<1x1x1x16xf32>
        tpu.vector_store %arg7[%parallel_loop3A_907, %parallel_loop3A_908, %parallel_loop3A_909, %parallel_loop3A_910], %parallel_loop3A_913 {strides = array<i32>} : memref<4x2x16x256xf32, #tpu.memory_space<vmem>>, vector<1x1x1x16xf32>,
        %parallel_loop3A_914 = arith.index_cast %parallel_loop3A_393 : i32 to index
        %parallel_loop3A_915 = arith.constant 208 : index
        %parallel_loop3A_916 = tpu.vector_load %arg5[%parallel_loop3A_914, %parallel_loop3A_915] {strides = array<i32>} : memref<16x256xf32, #tpu.memory_space<vmem>>, vector<1x16xf32>,
        %parallel_loop3A_917 = vector.shape_cast %parallel_loop3A_916 : vector<1x16xf32> to vector<16xf32>
        %parallel_loop3A_918 = arith.constant 3 : i32
        %parallel_loop3A_919 = arith.constant 0 : i32
        %parallel_loop3A_920 = arith.index_cast %parallel_loop3A_918 : i32 to index
        %parallel_loop3A_921 = arith.index_cast %parallel_loop3A_919 : i32 to index
        %parallel_loop3A_922 = arith.index_cast %parallel_loop3A_393 : i32 to index
        %parallel_loop3A_923 = arith.constant 208 : index
        %parallel_loop3A_924 = tpu.vector_load %arg6[%parallel_loop3A_920, %parallel_loop3A_921, %parallel_loop3A_922, %parallel_loop3A_923] {strides = array<i32>} : memref<4x2x16x256xf32, #tpu.memory_space<vmem>>, vector<1x1x1x16xf32>,
        %parallel_loop3A_925 = vector.shape_cast %parallel_loop3A_924 : vector<1x1x1x16xf32> to vector<16xf32>
        %parallel_loop3A_926 = arith.addf %parallel_loop3A_925, %parallel_loop3A_917 : vector<16xf32>
        %parallel_loop3A_927 = arith.constant 3 : i32
        %parallel_loop3A_928 = arith.constant 0 : i32
        %parallel_loop3A_929 = arith.index_cast %parallel_loop3A_927 : i32 to index
        %parallel_loop3A_930 = arith.index_cast %parallel_loop3A_928 : i32 to index
        %parallel_loop3A_931 = arith.index_cast %parallel_loop3A_393 : i32 to index
        %parallel_loop3A_932 = arith.constant 208 : index
        %parallel_loop3A_933 = tpu.vector_load %arg7[%parallel_loop3A_929, %parallel_loop3A_930, %parallel_loop3A_931, %parallel_loop3A_932] {strides = array<i32>} : memref<4x2x16x256xf32, #tpu.memory_space<vmem>>, vector<1x1x1x16xf32>,
        %parallel_loop3A_934 = vector.shape_cast %parallel_loop3A_933 : vector<1x1x1x16xf32> to vector<16xf32>
        %parallel_loop3A_935 = vector.shape_cast %parallel_loop3A_926 : vector<16xf32> to vector<1x1x1x16xf32>
        tpu.vector_store %arg7[%parallel_loop3A_929, %parallel_loop3A_930, %parallel_loop3A_931, %parallel_loop3A_932], %parallel_loop3A_935 {strides = array<i32>} : memref<4x2x16x256xf32, #tpu.memory_space<vmem>>, vector<1x1x1x16xf32>,
        %parallel_loop3A_936 = arith.constant 3 : i32
        %parallel_loop3A_937 = arith.constant 1 : i32
        %parallel_loop3A_938 = arith.index_cast %parallel_loop3A_936 : i32 to index
        %parallel_loop3A_939 = arith.index_cast %parallel_loop3A_937 : i32 to index
        %parallel_loop3A_940 = arith.index_cast %parallel_loop3A_393 : i32 to index
        %parallel_loop3A_941 = arith.constant 208 : index
        %parallel_loop3A_942 = tpu.vector_load %arg6[%parallel_loop3A_938, %parallel_loop3A_939, %parallel_loop3A_940, %parallel_loop3A_941] {strides = array<i32>} : memref<4x2x16x256xf32, #tpu.memory_space<vmem>>, vector<1x1x1x16xf32>,
        %parallel_loop3A_943 = vector.shape_cast %parallel_loop3A_942 : vector<1x1x1x16xf32> to vector<16xf32>
        %parallel_loop3A_944 = arith.addf %parallel_loop3A_943, %parallel_loop3A_917 : vector<16xf32>
        %parallel_loop3A_945 = arith.constant 3 : i32
        %parallel_loop3A_946 = arith.constant 1 : i32
        %parallel_loop3A_947 = arith.index_cast %parallel_loop3A_945 : i32 to index
        %parallel_loop3A_948 = arith.index_cast %parallel_loop3A_946 : i32 to index
        %parallel_loop3A_949 = arith.index_cast %parallel_loop3A_393 : i32 to index
        %parallel_loop3A_950 = arith.constant 208 : index
        %parallel_loop3A_951 = tpu.vector_load %arg7[%parallel_loop3A_947, %parallel_loop3A_948, %parallel_loop3A_949, %parallel_loop3A_950] {strides = array<i32>} : memref<4x2x16x256xf32, #tpu.memory_space<vmem>>, vector<1x1x1x16xf32>,
        %parallel_loop3A_952 = vector.shape_cast %parallel_loop3A_951 : vector<1x1x1x16xf32> to vector<16xf32>
        %parallel_loop3A_953 = vector.shape_cast %parallel_loop3A_944 : vector<16xf32> to vector<1x1x1x16xf32>
        tpu.vector_store %arg7[%parallel_loop3A_947, %parallel_loop3A_948, %parallel_loop3A_949, %parallel_loop3A_950], %parallel_loop3A_953 {strides = array<i32>} : memref<4x2x16x256xf32, #tpu.memory_space<vmem>>, vector<1x1x1x16xf32>,
        %parallel_loop3A_954 = arith.index_cast %parallel_loop3A_393 : i32 to index
        %parallel_loop3A_955 = arith.constant 224 : index
        %parallel_loop3A_956 = tpu.vector_load %arg5[%parallel_loop3A_954, %parallel_loop3A_955] {strides = array<i32>} : memref<16x256xf32, #tpu.memory_space<vmem>>, vector<1x16xf32>,
        %parallel_loop3A_957 = vector.shape_cast %parallel_loop3A_956 : vector<1x16xf32> to vector<16xf32>
        %parallel_loop3A_958 = arith.constant 3 : i32
        %parallel_loop3A_959 = arith.constant 0 : i32
        %parallel_loop3A_960 = arith.index_cast %parallel_loop3A_958 : i32 to index
        %parallel_loop3A_961 = arith.index_cast %parallel_loop3A_959 : i32 to index
        %parallel_loop3A_962 = arith.index_cast %parallel_loop3A_393 : i32 to index
        %parallel_loop3A_963 = arith.constant 224 : index
        %parallel_loop3A_964 = tpu.vector_load %arg6[%parallel_loop3A_960, %parallel_loop3A_961, %parallel_loop3A_962, %parallel_loop3A_963] {strides = array<i32>} : memref<4x2x16x256xf32, #tpu.memory_space<vmem>>, vector<1x1x1x16xf32>,
        %parallel_loop3A_965 = vector.shape_cast %parallel_loop3A_964 : vector<1x1x1x16xf32> to vector<16xf32>
        %parallel_loop3A_966 = arith.addf %parallel_loop3A_965, %parallel_loop3A_957 : vector<16xf32>
        %parallel_loop3A_967 = arith.constant 3 : i32
        %parallel_loop3A_968 = arith.constant 0 : i32
        %parallel_loop3A_969 = arith.index_cast %parallel_loop3A_967 : i32 to index
        %parallel_loop3A_970 = arith.index_cast %parallel_loop3A_968 : i32 to index
        %parallel_loop3A_971 = arith.index_cast %parallel_loop3A_393 : i32 to index
        %parallel_loop3A_972 = arith.constant 224 : index
        %parallel_loop3A_973 = tpu.vector_load %arg7[%parallel_loop3A_969, %parallel_loop3A_970, %parallel_loop3A_971, %parallel_loop3A_972] {strides = array<i32>} : memref<4x2x16x256xf32, #tpu.memory_space<vmem>>, vector<1x1x1x16xf32>,
        %parallel_loop3A_974 = vector.shape_cast %parallel_loop3A_973 : vector<1x1x1x16xf32> to vector<16xf32>
        %parallel_loop3A_975 = vector.shape_cast %parallel_loop3A_966 : vector<16xf32> to vector<1x1x1x16xf32>
        tpu.vector_store %arg7[%parallel_loop3A_969, %parallel_loop3A_970, %parallel_loop3A_971, %parallel_loop3A_972], %parallel_loop3A_975 {strides = array<i32>} : memref<4x2x16x256xf32, #tpu.memory_space<vmem>>, vector<1x1x1x16xf32>,
        %parallel_loop3A_976 = arith.constant 3 : i32
        %parallel_loop3A_977 = arith.constant 1 : i32
        %parallel_loop3A_978 = arith.index_cast %parallel_loop3A_976 : i32 to index
        %parallel_loop3A_979 = arith.index_cast %parallel_loop3A_977 : i32 to index
        %parallel_loop3A_980 = arith.index_cast %parallel_loop3A_393 : i32 to index
        %parallel_loop3A_981 = arith.constant 224 : index
        %parallel_loop3A_982 = tpu.vector_load %arg6[%parallel_loop3A_978, %parallel_loop3A_979, %parallel_loop3A_980, %parallel_loop3A_981] {strides = array<i32>} : memref<4x2x16x256xf32, #tpu.memory_space<vmem>>, vector<1x1x1x16xf32>,
        %parallel_loop3A_983 = vector.shape_cast %parallel_loop3A_982 : vector<1x1x1x16xf32> to vector<16xf32>
        %parallel_loop3A_984 = arith.addf %parallel_loop3A_983, %parallel_loop3A_957 : vector<16xf32>
        %parallel_loop3A_985 = arith.constant 3 : i32
        %parallel_loop3A_986 = arith.constant 1 : i32
        %parallel_loop3A_987 = arith.index_cast %parallel_loop3A_985 : i32 to index
        %parallel_loop3A_988 = arith.index_cast %parallel_loop3A_986 : i32 to index
        %parallel_loop3A_989 = arith.index_cast %parallel_loop3A_393 : i32 to index
        %parallel_loop3A_990 = arith.constant 224 : index
        %parallel_loop3A_991 = tpu.vector_load %arg7[%parallel_loop3A_987, %parallel_loop3A_988, %parallel_loop3A_989, %parallel_loop3A_990] {strides = array<i32>} : memref<4x2x16x256xf32, #tpu.memory_space<vmem>>, vector<1x1x1x16xf32>,
        %parallel_loop3A_992 = vector.shape_cast %parallel_loop3A_991 : vector<1x1x1x16xf32> to vector<16xf32>
        %parallel_loop3A_993 = vector.shape_cast %parallel_loop3A_984 : vector<16xf32> to vector<1x1x1x16xf32>
        tpu.vector_store %arg7[%parallel_loop3A_987, %parallel_loop3A_988, %parallel_loop3A_989, %parallel_loop3A_990], %parallel_loop3A_993 {strides = array<i32>} : memref<4x2x16x256xf32, #tpu.memory_space<vmem>>, vector<1x1x1x16xf32>,
        %parallel_loop3A_994 = arith.index_cast %parallel_loop3A_393 : i32 to index
        %parallel_loop3A_995 = arith.constant 240 : index
        %parallel_loop3A_996 = tpu.vector_load %arg5[%parallel_loop3A_994, %parallel_loop3A_995] {strides = array<i32>} : memref<16x256xf32, #tpu.memory_space<vmem>>, vector<1x16xf32>,
        %parallel_loop3A_997 = vector.shape_cast %parallel_loop3A_996 : vector<1x16xf32> to vector<16xf32>
        %parallel_loop3A_998 = arith.constant 3 : i32
        %parallel_loop3A_999 = arith.constant 0 : i32
        %parallel_loop3A_1000 = arith.index_cast %parallel_loop3A_998 : i32 to index
        %parallel_loop3A_1001 = arith.index_cast %parallel_loop3A_999 : i32 to index
        %parallel_loop3A_1002 = arith.index_cast %parallel_loop3A_393 : i32 to index
        %parallel_loop3A_1003 = arith.constant 240 : index
        %parallel_loop3A_1004 = tpu.vector_load %arg6[%parallel_loop3A_1000, %parallel_loop3A_1001, %parallel_loop3A_1002, %parallel_loop3A_1003] {strides = array<i32>} : memref<4x2x16x256xf32, #tpu.memory_space<vmem>>, vector<1x1x1x16xf32>,
        %parallel_loop3A_1005 = vector.shape_cast %parallel_loop3A_1004 : vector<1x1x1x16xf32> to vector<16xf32>
        %parallel_loop3A_1006 = arith.addf %parallel_loop3A_1005, %parallel_loop3A_997 : vector<16xf32>
        %parallel_loop3A_1007 = arith.constant 3 : i32
        %parallel_loop3A_1008 = arith.constant 0 : i32
        %parallel_loop3A_1009 = arith.index_cast %parallel_loop3A_1007 : i32 to index
        %parallel_loop3A_1010 = arith.index_cast %parallel_loop3A_1008 : i32 to index
        %parallel_loop3A_1011 = arith.index_cast %parallel_loop3A_393 : i32 to index
        %parallel_loop3A_1012 = arith.constant 240 : index
        %parallel_loop3A_1013 = tpu.vector_load %arg7[%parallel_loop3A_1009, %parallel_loop3A_1010, %parallel_loop3A_1011, %parallel_loop3A_1012] {strides = array<i32>} : memref<4x2x16x256xf32, #tpu.memory_space<vmem>>, vector<1x1x1x16xf32>,
        %parallel_loop3A_1014 = vector.shape_cast %parallel_loop3A_1013 : vector<1x1x1x16xf32> to vector<16xf32>
        %parallel_loop3A_1015 = vector.shape_cast %parallel_loop3A_1006 : vector<16xf32> to vector<1x1x1x16xf32>
        tpu.vector_store %arg7[%parallel_loop3A_1009, %parallel_loop3A_1010, %parallel_loop3A_1011, %parallel_loop3A_1012], %parallel_loop3A_1015 {strides = array<i32>} : memref<4x2x16x256xf32, #tpu.memory_space<vmem>>, vector<1x1x1x16xf32>,
        %parallel_loop3A_1016 = arith.constant 3 : i32
        %parallel_loop3A_1017 = arith.constant 1 : i32
        %parallel_loop3A_1018 = arith.index_cast %parallel_loop3A_1016 : i32 to index
        %parallel_loop3A_1019 = arith.index_cast %parallel_loop3A_1017 : i32 to index
        %parallel_loop3A_1020 = arith.index_cast %parallel_loop3A_393 : i32 to index
        %parallel_loop3A_1021 = arith.constant 240 : index
        %parallel_loop3A_1022 = tpu.vector_load %arg6[%parallel_loop3A_1018, %parallel_loop3A_1019, %parallel_loop3A_1020, %parallel_loop3A_1021] {strides = array<i32>} : memref<4x2x16x256xf32, #tpu.memory_space<vmem>>, vector<1x1x1x16xf32>,
        %parallel_loop3A_1023 = vector.shape_cast %parallel_loop3A_1022 : vector<1x1x1x16xf32> to vector<16xf32>
        %parallel_loop3A_1024 = arith.addf %parallel_loop3A_1023, %parallel_loop3A_997 : vector<16xf32>
        %parallel_loop3A_1025 = arith.constant 3 : i32
        %parallel_loop3A_1026 = arith.constant 1 : i32
        %parallel_loop3A_1027 = arith.index_cast %parallel_loop3A_1025 : i32 to index
        %parallel_loop3A_1028 = arith.index_cast %parallel_loop3A_1026 : i32 to index
        %parallel_loop3A_1029 = arith.index_cast %parallel_loop3A_393 : i32 to index
        %parallel_loop3A_1030 = arith.constant 240 : index
        %parallel_loop3A_1031 = tpu.vector_load %arg7[%parallel_loop3A_1027, %parallel_loop3A_1028, %parallel_loop3A_1029, %parallel_loop3A_1030] {strides = array<i32>} : memref<4x2x16x256xf32, #tpu.memory_space<vmem>>, vector<1x1x1x16xf32>,
        %parallel_loop3A_1032 = vector.shape_cast %parallel_loop3A_1031 : vector<1x1x1x16xf32> to vector<16xf32>
        %parallel_loop3A_1033 = vector.shape_cast %parallel_loop3A_1024 : vector<16xf32> to vector<1x1x1x16xf32>
        tpu.vector_store %arg7[%parallel_loop3A_1027, %parallel_loop3A_1028, %parallel_loop3A_1029, %parallel_loop3A_1030], %parallel_loop3A_1033 {strides = array<i32>} : memref<4x2x16x256xf32, #tpu.memory_space<vmem>>, vector<1x1x1x16xf32>,
      } {sc.loop_unroll_factor = 2 : i64, sc.parallel_access}
      %mul3A_366 = arith.constant 2 : i32
      %mul3A_367 = arith.muli %add3A_337, %mul3A_366 : i32
      %dma_start3A_368 = arith.constant 3 : i32
      %dma_start3A_369 = arith.constant 3 : i32
      %dma_start3A_370 = arith.constant 0 : i32
      %dma_start3A_371 = arith.constant 0 : i32
      %dma_start3A_372 = arith.constant 0 : i32
      %dma_start3A_373 = tpu.memref_slice %arg7[%dma_start3A_368, %dma_start3A_370, %dma_start3A_371, %dma_start3A_372] : memref<4x2x16x256xf32, #tpu.memory_space<vmem>> -> memref<1x2x16x256xf32, #tpu.memory_space<vmem>>
      %dma_start3A_374 = tpu.memref_squeeze %dma_start3A_373 : memref<1x2x16x256xf32, #tpu.memory_space<vmem>> -> memref<2x16x256xf32, #tpu.memory_space<vmem>>
      %dma_start3A_375 = arith.constant 0 : i32
      %dma_start3A_376 = tpu.memref_slice %arg4[%mul3A_367, %mul3A_2, %dma_start3A_375] : memref<512x512x256xf32, #tpu.memory_space<hbm>> -> memref<2x16x256xf32, #tpu.memory_space<hbm>>
      %dma_start3A_377 = tpu.memref_slice %arg9[%dma_start3A_369] : memref<4x!tpu.dma_semaphore, #tpu.memory_space<semaphore_mem>> -> memref<1x!tpu.dma_semaphore, #tpu.memory_space<semaphore_mem>>
      %dma_start3A_378 = tpu.memref_squeeze %dma_start3A_377 : memref<1x!tpu.dma_semaphore, #tpu.memory_space<semaphore_mem>> -> memref<!tpu.dma_semaphore, #tpu.memory_space<semaphore_mem>>
      %dma_start3A_379 = arith.constant 0 : i32
      %dma_start3A_380 = tpu.memref_slice %arg4[%mul3A_367, %mul3A_2, %dma_start3A_379] : memref<512x512x256xf32, #tpu.memory_space<hbm>> -> memref<2x16x256xf32, #tpu.memory_space<hbm>>
      %dma_start3A_381 = arith.constant 0 : i32
      %dma_start3A_382 = arith.constant 0 : i32
      %dma_start3A_383 = arith.constant 0 : i32
      %dma_start3A_384 = tpu.memref_slice %arg7[%dma_start3A_368, %dma_start3A_381, %dma_start3A_382, %dma_start3A_383] : memref<4x2x16x256xf32, #tpu.memory_space<vmem>> -> memref<1x2x16x256xf32, #tpu.memory_space<vmem>>
      %dma_start3A_385 = tpu.memref_squeeze %dma_start3A_384 : memref<1x2x16x256xf32, #tpu.memory_space<vmem>> -> memref<2x16x256xf32, #tpu.memory_space<vmem>>
      tpu.enqueue_dma source(%dma_start3A_385 : memref<2x16x256xf32, #tpu.memory_space<vmem>>) target(%dma_start3A_380 : memref<2x16x256xf32, #tpu.memory_space<hbm>>) target_semaphore(%dma_start3A_378 : memref<!tpu.dma_semaphore, #tpu.memory_space<semaphore_mem>>)
      %add3A_386 = arith.constant 4 : i32
      %add3A_387 = arith.addi %add3A_337, %add3A_386 : i32
      %lt3A_388 = arith.constant 256 : i32
      %lt3A_389 = arith.cmpi slt, %add3A_387, %lt3A_388 : i32
      %convert_element_type3A_390 = arith.extui %lt3A_389 : i1 to i32
      %cond3A_391 = arith.constant 0 : i32
      %cond3A_392 = arith.cmpi ne, %convert_element_type3A_390, %cond3A_391 : i32
      scf.if %cond3A_392 {
        %add3A_393 = arith.constant 4 : i32
        %add3A_394 = arith.addi %add3A_337, %add3A_393 : i32
        %mul3A_395 = arith.constant 2 : i32
        %mul3A_396 = arith.muli %add3A_394, %mul3A_395 : i32
        %dma_start3A_397 = arith.constant 3 : i32
        %dma_start3A_398 = arith.constant 3 : i32
        %dma_start3A_399 = arith.constant 0 : i32
        %dma_start3A_400 = arith.constant 0 : i32
        %dma_start3A_401 = arith.constant 0 : i32
        %dma_start3A_402 = tpu.memref_slice %arg6[%dma_start3A_397, %dma_start3A_399, %dma_start3A_400, %dma_start3A_401] : memref<4x2x16x256xf32, #tpu.memory_space<vmem>> -> memref<1x2x16x256xf32, #tpu.memory_space<vmem>>
        %dma_start3A_403 = tpu.memref_squeeze %dma_start3A_402 : memref<1x2x16x256xf32, #tpu.memory_space<vmem>> -> memref<2x16x256xf32, #tpu.memory_space<vmem>>
        %dma_start3A_404 = arith.constant 0 : i32
        %dma_start3A_405 = tpu.memref_slice %arg2[%mul3A_396, %mul3A_2, %dma_start3A_404] : memref<512x512x256xf32, #tpu.memory_space<hbm>> -> memref<2x16x256xf32, #tpu.memory_space<hbm>>
        %dma_start3A_406 = tpu.memref_slice %arg8[%dma_start3A_398] : memref<4x!tpu.dma_semaphore, #tpu.memory_space<semaphore_mem>> -> memref<1x!tpu.dma_semaphore, #tpu.memory_space<semaphore_mem>>
        %dma_start3A_407 = tpu.memref_squeeze %dma_start3A_406 : memref<1x!tpu.dma_semaphore, #tpu.memory_space<semaphore_mem>> -> memref<!tpu.dma_semaphore, #tpu.memory_space<semaphore_mem>>
        %dma_start3A_408 = arith.constant 0 : i32
        %dma_start3A_409 = arith.constant 0 : i32
        %dma_start3A_410 = arith.constant 0 : i32
        %dma_start3A_411 = tpu.memref_slice %arg6[%dma_start3A_397, %dma_start3A_408, %dma_start3A_409, %dma_start3A_410] : memref<4x2x16x256xf32, #tpu.memory_space<vmem>> -> memref<1x2x16x256xf32, #tpu.memory_space<vmem>>
        %dma_start3A_412 = tpu.memref_squeeze %dma_start3A_411 : memref<1x2x16x256xf32, #tpu.memory_space<vmem>> -> memref<2x16x256xf32, #tpu.memory_space<vmem>>
        %dma_start3A_413 = arith.constant 0 : i32
        %dma_start3A_414 = tpu.memref_slice %arg2[%mul3A_396, %mul3A_2, %dma_start3A_413] : memref<512x512x256xf32, #tpu.memory_space<hbm>> -> memref<2x16x256xf32, #tpu.memory_space<hbm>>
        tpu.enqueue_dma source(%dma_start3A_414 : memref<2x16x256xf32, #tpu.memory_space<hbm>>) target(%dma_start3A_412 : memref<2x16x256xf32, #tpu.memory_space<vmem>>) target_semaphore(%dma_start3A_407 : memref<!tpu.dma_semaphore, #tpu.memory_space<semaphore_mem>>)
      } else {
      }
    }
    %scan3A_85 = arith.constant 64 : i32
    %dma_wait3A = arith.constant 0 : i32
    %dma_wait3A_86 = arith.constant 0 : i32
    %dma_wait3A_87 = arith.constant 0 : i32
    %dma_wait3A_88 = arith.constant 0 : i32
    %dma_wait3A_89 = arith.constant 0 : i32
    %dma_wait3A_90 = tpu.memref_slice %arg7[%dma_wait3A, %dma_wait3A_87, %dma_wait3A_88, %dma_wait3A_89] : memref<4x2x16x256xf32, #tpu.memory_space<vmem>> -> memref<1x2x16x256xf32, #tpu.memory_space<vmem>>
    %dma_wait3A_91 = tpu.memref_squeeze %dma_wait3A_90 : memref<1x2x16x256xf32, #tpu.memory_space<vmem>> -> memref<2x16x256xf32, #tpu.memory_space<vmem>>
    %dma_wait3A_92 = arith.constant 504 : i32
    %dma_wait3A_93 = arith.constant 0 : i32
    %dma_wait3A_94 = tpu.memref_slice %arg4[%dma_wait3A_92, %mul3A_2, %dma_wait3A_93] : memref<512x512x256xf32, #tpu.memory_space<hbm>> -> memref<2x16x256xf32, #tpu.memory_space<hbm>>
    %dma_wait3A_95 = tpu.memref_slice %arg9[%dma_wait3A_86] : memref<4x!tpu.dma_semaphore, #tpu.memory_space<semaphore_mem>> -> memref<1x!tpu.dma_semaphore, #tpu.memory_space<semaphore_mem>>
    %dma_wait3A_96 = tpu.memref_squeeze %dma_wait3A_95 : memref<1x!tpu.dma_semaphore, #tpu.memory_space<semaphore_mem>> -> memref<!tpu.dma_semaphore, #tpu.memory_space<semaphore_mem>>
    %dma_wait3A_97 = arith.constant 504 : i32
    %dma_wait3A_98 = arith.constant 0 : i32
    %dma_wait3A_99 = tpu.memref_slice %arg4[%dma_wait3A_97, %mul3A_2, %dma_wait3A_98] : memref<512x512x256xf32, #tpu.memory_space<hbm>> -> memref<2x16x256xf32, #tpu.memory_space<hbm>>
    %dma_wait3A_100 = arith.constant 0 : i32
    %dma_wait3A_101 = arith.constant 0 : i32
    %dma_wait3A_102 = arith.constant 0 : i32
    %dma_wait3A_103 = tpu.memref_slice %arg7[%dma_wait3A, %dma_wait3A_100, %dma_wait3A_101, %dma_wait3A_102] : memref<4x2x16x256xf32, #tpu.memory_space<vmem>> -> memref<1x2x16x256xf32, #tpu.memory_space<vmem>>
    %dma_wait3A_104 = tpu.memref_squeeze %dma_wait3A_103 : memref<1x2x16x256xf32, #tpu.memory_space<vmem>> -> memref<2x16x256xf32, #tpu.memory_space<vmem>>
    tpu.wait_dma2 semaphore(%dma_wait3A_96 : memref<!tpu.dma_semaphore, #tpu.memory_space<semaphore_mem>>) src(%dma_wait3A_104 : memref<2x16x256xf32, #tpu.memory_space<vmem>>) dst(%dma_wait3A_99 : memref<2x16x256xf32, #tpu.memory_space<hbm>>)
    %dma_wait3A_105 = arith.constant 1 : i32
    %dma_wait3A_106 = arith.constant 1 : i32
    %dma_wait3A_107 = arith.constant 0 : i32
    %dma_wait3A_108 = arith.constant 0 : i32
    %dma_wait3A_109 = arith.constant 0 : i32
    %dma_wait3A_110 = tpu.memref_slice %arg7[%dma_wait3A_105, %dma_wait3A_107, %dma_wait3A_108, %dma_wait3A_109] : memref<4x2x16x256xf32, #tpu.memory_space<vmem>> -> memref<1x2x16x256xf32, #tpu.memory_space<vmem>>
    %dma_wait3A_111 = tpu.memref_squeeze %dma_wait3A_110 : memref<1x2x16x256xf32, #tpu.memory_space<vmem>> -> memref<2x16x256xf32, #tpu.memory_space<vmem>>
    %dma_wait3A_112 = arith.constant 506 : i32
    %dma_wait3A_113 = arith.constant 0 : i32
    %dma_wait3A_114 = tpu.memref_slice %arg4[%dma_wait3A_112, %mul3A_2, %dma_wait3A_113] : memref<512x512x256xf32, #tpu.memory_space<hbm>> -> memref<2x16x256xf32, #tpu.memory_space<hbm>>
    %dma_wait3A_115 = tpu.memref_slice %arg9[%dma_wait3A_106] : memref<4x!tpu.dma_semaphore, #tpu.memory_space<semaphore_mem>> -> memref<1x!tpu.dma_semaphore, #tpu.memory_space<semaphore_mem>>
    %dma_wait3A_116 = tpu.memref_squeeze %dma_wait3A_115 : memref<1x!tpu.dma_semaphore, #tpu.memory_space<semaphore_mem>> -> memref<!tpu.dma_semaphore, #tpu.memory_space<semaphore_mem>>
    %dma_wait3A_117 = arith.constant 506 : i32
    %dma_wait3A_118 = arith.constant 0 : i32
    %dma_wait3A_119 = tpu.memref_slice %arg4[%dma_wait3A_117, %mul3A_2, %dma_wait3A_118] : memref<512x512x256xf32, #tpu.memory_space<hbm>> -> memref<2x16x256xf32, #tpu.memory_space<hbm>>
    %dma_wait3A_120 = arith.constant 0 : i32
    %dma_wait3A_121 = arith.constant 0 : i32
    %dma_wait3A_122 = arith.constant 0 : i32
    %dma_wait3A_123 = tpu.memref_slice %arg7[%dma_wait3A_105, %dma_wait3A_120, %dma_wait3A_121, %dma_wait3A_122] : memref<4x2x16x256xf32, #tpu.memory_space<vmem>> -> memref<1x2x16x256xf32, #tpu.memory_space<vmem>>
    %dma_wait3A_124 = tpu.memref_squeeze %dma_wait3A_123 : memref<1x2x16x256xf32, #tpu.memory_space<vmem>> -> memref<2x16x256xf32, #tpu.memory_space<vmem>>
    tpu.wait_dma2 semaphore(%dma_wait3A_116 : memref<!tpu.dma_semaphore, #tpu.memory_space<semaphore_mem>>) src(%dma_wait3A_124 : memref<2x16x256xf32, #tpu.memory_space<vmem>>) dst(%dma_wait3A_119 : memref<2x16x256xf32, #tpu.memory_space<hbm>>)
    %dma_wait3A_125 = arith.constant 2 : i32
    %dma_wait3A_126 = arith.constant 2 : i32
    %dma_wait3A_127 = arith.constant 0 : i32
    %dma_wait3A_128 = arith.constant 0 : i32
    %dma_wait3A_129 = arith.constant 0 : i32
    %dma_wait3A_130 = tpu.memref_slice %arg7[%dma_wait3A_125, %dma_wait3A_127, %dma_wait3A_128, %dma_wait3A_129] : memref<4x2x16x256xf32, #tpu.memory_space<vmem>> -> memref<1x2x16x256xf32, #tpu.memory_space<vmem>>
    %dma_wait3A_131 = tpu.memref_squeeze %dma_wait3A_130 : memref<1x2x16x256xf32, #tpu.memory_space<vmem>> -> memref<2x16x256xf32, #tpu.memory_space<vmem>>
    %dma_wait3A_132 = arith.constant 508 : i32
    %dma_wait3A_133 = arith.constant 0 : i32
    %dma_wait3A_134 = tpu.memref_slice %arg4[%dma_wait3A_132, %mul3A_2, %dma_wait3A_133] : memref<512x512x256xf32, #tpu.memory_space<hbm>> -> memref<2x16x256xf32, #tpu.memory_space<hbm>>
    %dma_wait3A_135 = tpu.memref_slice %arg9[%dma_wait3A_126] : memref<4x!tpu.dma_semaphore, #tpu.memory_space<semaphore_mem>> -> memref<1x!tpu.dma_semaphore, #tpu.memory_space<semaphore_mem>>
    %dma_wait3A_136 = tpu.memref_squeeze %dma_wait3A_135 : memref<1x!tpu.dma_semaphore, #tpu.memory_space<semaphore_mem>> -> memref<!tpu.dma_semaphore, #tpu.memory_space<semaphore_mem>>
    %dma_wait3A_137 = arith.constant 508 : i32
    %dma_wait3A_138 = arith.constant 0 : i32
    %dma_wait3A_139 = tpu.memref_slice %arg4[%dma_wait3A_137, %mul3A_2, %dma_wait3A_138] : memref<512x512x256xf32, #tpu.memory_space<hbm>> -> memref<2x16x256xf32, #tpu.memory_space<hbm>>
    %dma_wait3A_140 = arith.constant 0 : i32
    %dma_wait3A_141 = arith.constant 0 : i32
    %dma_wait3A_142 = arith.constant 0 : i32
    %dma_wait3A_143 = tpu.memref_slice %arg7[%dma_wait3A_125, %dma_wait3A_140, %dma_wait3A_141, %dma_wait3A_142] : memref<4x2x16x256xf32, #tpu.memory_space<vmem>> -> memref<1x2x16x256xf32, #tpu.memory_space<vmem>>
    %dma_wait3A_144 = tpu.memref_squeeze %dma_wait3A_143 : memref<1x2x16x256xf32, #tpu.memory_space<vmem>> -> memref<2x16x256xf32, #tpu.memory_space<vmem>>
    tpu.wait_dma2 semaphore(%dma_wait3A_136 : memref<!tpu.dma_semaphore, #tpu.memory_space<semaphore_mem>>) src(%dma_wait3A_144 : memref<2x16x256xf32, #tpu.memory_space<vmem>>) dst(%dma_wait3A_139 : memref<2x16x256xf32, #tpu.memory_space<hbm>>)
    %dma_wait3A_145 = arith.constant 3 : i32
    %dma_wait3A_146 = arith.constant 3 : i32
    %dma_wait3A_147 = arith.constant 0 : i32
    %dma_wait3A_148 = arith.constant 0 : i32
    %dma_wait3A_149 = arith.constant 0 : i32
    %dma_wait3A_150 = tpu.memref_slice %arg7[%dma_wait3A_145, %dma_wait3A_147, %dma_wait3A_148, %dma_wait3A_149] : memref<4x2x16x256xf32, #tpu.memory_space<vmem>> -> memref<1x2x16x256xf32, #tpu.memory_space<vmem>>
    %dma_wait3A_151 = tpu.memref_squeeze %dma_wait3A_150 : memref<1x2x16x256xf32, #tpu.memory_space<vmem>> -> memref<2x16x256xf32, #tpu.memory_space<vmem>>
    %dma_wait3A_152 = arith.constant 510 : i32
    %dma_wait3A_153 = arith.constant 0 : i32
    %dma_wait3A_154 = tpu.memref_slice %arg4[%dma_wait3A_152, %mul3A_2, %dma_wait3A_153] : memref<512x512x256xf32, #tpu.memory_space<hbm>> -> memref<2x16x256xf32, #tpu.memory_space<hbm>>
    %dma_wait3A_155 = tpu.memref_slice %arg9[%dma_wait3A_146] : memref<4x!tpu.dma_semaphore, #tpu.memory_space<semaphore_mem>> -> memref<1x!tpu.dma_semaphore, #tpu.memory_space<semaphore_mem>>
    %dma_wait3A_156 = tpu.memref_squeeze %dma_wait3A_155 : memref<1x!tpu.dma_semaphore, #tpu.memory_space<semaphore_mem>> -> memref<!tpu.dma_semaphore, #tpu.memory_space<semaphore_mem>>
    %dma_wait3A_157 = arith.constant 510 : i32
    %dma_wait3A_158 = arith.constant 0 : i32
    %dma_wait3A_159 = tpu.memref_slice %arg4[%dma_wait3A_157, %mul3A_2, %dma_wait3A_158] : memref<512x512x256xf32, #tpu.memory_space<hbm>> -> memref<2x16x256xf32, #tpu.memory_space<hbm>>
    %dma_wait3A_160 = arith.constant 0 : i32
    %dma_wait3A_161 = arith.constant 0 : i32
    %dma_wait3A_162 = arith.constant 0 : i32
    %dma_wait3A_163 = tpu.memref_slice %arg7[%dma_wait3A_145, %dma_wait3A_160, %dma_wait3A_161, %dma_wait3A_162] : memref<4x2x16x256xf32, #tpu.memory_space<vmem>> -> memref<1x2x16x256xf32, #tpu.memory_space<vmem>>
    %dma_wait3A_164 = tpu.memref_squeeze %dma_wait3A_163 : memref<1x2x16x256xf32, #tpu.memory_space<vmem>> -> memref<2x16x256xf32, #tpu.memory_space<vmem>>
    tpu.wait_dma2 semaphore(%dma_wait3A_156 : memref<!tpu.dma_semaphore, #tpu.memory_space<semaphore_mem>>) src(%dma_wait3A_164 : memref<2x16x256xf32, #tpu.memory_space<vmem>>) dst(%dma_wait3A_159 : memref<2x16x256xf32, #tpu.memory_space<hbm>>)
    return
  }
}

</mosaic_0001>

<sc_bundles>
// kernel: kernel.3.cloned.1.call-start
scs
__scs_entry_jumppad:
0x0: {  	(pc) =	sbr.rel $0x88, $3  }
0x1: {  	(tag) =	ssettag $0x0;
	lr =	simm.s32 $0x1  }
0x2: {  	[smem:$0x3F9F] =	sst lr;
	_ =	strace $0xD0000000  }
0x3: {  	_ = 	snop  }
0x4: {  	_ = 	snop  }
0x5: {  	_ = 	snop  }
0x6: {  	_ = 	snop  }
0x7: {  	_ = 	snop  }
__scs_overlays_trampoline_lowered:
0x8: {  	[smem:$0x3FAE] =	sst s0  }
0x9: {  	[smem:$0x3FAF] =	sst s1  }
0xa: {  	[smem:$0x3FB0] =	sst s2  }
0xb: {  	[smem:$0x3FB1] =	sst s3  }
0xc: {  	[smem:$0x3FB2] =	sst s4  }
0xd: {  	[smem:$0x3FB3] =	sst s5  }
0xe: {  	[smem:$0x3FB4] =	sst s6  }
0xf: {  	[smem:$0x3FB5] =	sst s7  }
0x10: {  	[smem:$0x3FB6] =	sst s8  }
0x11: {  	[smem:$0x3FB7] =	sst s9;
	s0 =	simm.s32 @!p0 $0x0  }
0x12: {  	s1 =	sld [smem:$0x3F9D];
	s0 =	simm.s32 @p0 $0x1  }
0x13: {  	[smem:$0x3FB8] =	sst s0;
	s0 =	simm.s32 @!p1 $0x0  }
0x14: {  	s2 =	sld [smem:$0x3F9C];
	s0 =	simm.s32 @p1 $0x1  }
0x15: {  	[smem:$0x3FB9] =	sst s0;
	s0 =	simm.s32 @!p2 $0x0  }
0x16: {  	s3 =	sld [smem:$0x3FDB];
	s0 =	simm.s32 @p2 $0x1  }
0x17: {  	s4 =	simm.s32 $0x1BF5;
	[smem:$0x3FBB] =	sst s0  }
0x18: {  	s0 =	sld [smem:$0x3F9E];
	_ =	swait.ge [sflag:s4], $0x0  }
0x19: {  	s7 =	sld [smem:$0x3F9F]  }
0x1a: {  	s8 =	sadd.s32 $0xFFFFE003, lr  }
0x1b: {  	s9 =	sadd.s32 $0xFFFFFEF7, lr;
	s5 =	simm.s32 $0xFFFFFFFF;
	p2 =	slt.u32 s8, $0xFFFFF086  }
0x1c: {  	p1 =	slt.u32 s9, $0xF7A;
	s5 =	simm.s32 @!p2 $0x0  }
0x1d: {  	s5 =	simm.s32 @p1 $0x1;
	p0 =	seq.s32 s7, s2  }
0x1e: {  	s7 =	smul.u32 @!p0 $0xF7A, s2;
	p2 =	seq.s32 @!p0 s5, $0x0  }
0x1f: {  	s9 =	smul.u32 $0xF7A, s1;
	s8 =	simm.s32 @!p0 $0x1BF5;
	p2 =	por !p2, p0  }
0x20: {  	[sflag:s8] =	ssyncset.s32 @!p0 $0xFFFFF086;
	s6 =	sadd.s32 @!p0 s3, s7;
	s7 =	simm.s32 @!p0 $0x108  }
0x21: {  	s3 =	sadd.s32 s3, s9;
	s6 =	sadd.s32 @!p0 $0x88, s6;
	s7 =	simm.s32 @p2 $0x1082  }
0x22: {  	[simem:s7], [sflag:s8] =	dma.local @!p0 [hbm:s6], $0xF7A  }
0x23: {  	s9 =	sor.u32 $0xD0000000, s2;
	s6 =	simm.s32 $0x108;
	_ =	swait.ge @!p0 [sflag:s8], $0x0  }
0x24: {  	s3 =	sadd.s32 $0x88, s3;
	s6 =	simm.s32 @!p1 $0x1082;
	[sflag:s4] =	ssyncset.s32 $0xFFFFF086  }
0x25: {  	[simem:s6], [sflag:s4] =	dma.local [hbm:s3], $0xF7A  }
0x26: {  	[smem:$0x3F9F] =	sst s1;
	(tag) =	ssettag s2;
	_ =	strace s9  }
0x27: {  	s1 =	sld [smem:$0x3FAF]  }
0x28: {  	s2 =	sld [smem:$0x3FB0]  }
0x29: {  	s4 =	sld [smem:$0x3FB2]  }
0x2a: {  	p0 =	seq.s32 s5, $0x0;
	s5 =	sld [smem:$0x3FB3]  }
0x2b: {  	s6 =	sld [smem:$0x3FB4]  }
0x2c: {  	s7 =	sld [smem:$0x3FB5]  }
0x2d: {  	s3 =	simm.s32 $0x108;
	s8 =	sld [smem:$0x3FB6]  }
0x2e: {  	s3 =	simm.s32 @!p0 $0x1082;
	s9 =	sld [smem:$0x3FB7]  }
0x2f: {  	lr =	sadd.s32 s0, s3;
	s0 =	sld [smem:$0x3FAE]  }
0x30: {  	s3 =	sld [smem:$0x3FB1]  }
0x31: {  	[smem:$0x3FBA] =	sst s10  }
0x32: {  	s10 =	sld [smem:$0x3FB8];
	_ =	sdelay $0x3  }
0x33: {  	p0 =	seq.s32 s10, $0x1;
	s10 =	sld [smem:$0x3FBA];
	_ =	sdelay $0x3  }
0x34: {  	[smem:$0x3FBA] =	sst s10  }
0x35: {  	s10 =	sld [smem:$0x3FB9];
	_ =	sdelay $0x3  }
0x36: {  	p1 =	seq.s32 s10, $0x1;
	s10 =	sld [smem:$0x3FBA];
	_ =	sdelay $0x3  }
0x37: {  	[smem:$0x3FBA] =	sst s10  }
0x38: {  	s10 =	sld [smem:$0x3FBB]  }
0x39: {  	_ = 	snop;
	(pc) =	sbr.ind lr, $3  }
0x3a: {  	_ = 	snop  }
0x3b: {  	_ = 	snop  }
0x3c: {  	p2 =	seq.s32 s10, $0x1;
	s10 =	sld [smem:$0x3FBA]  }
0x3d: {  	_ =	shalt  }
0x3e: {  	_ =	shalt  }
0x3f: {  	_ =	shalt  }
0x40: {  	_ =	shalt  }
0x41: {  	_ =	shalt  }
0x42: {  	_ =	shalt  }
0x43: {  	_ =	shalt  }
0x44: {  	_ =	shalt  }
0x45: {  	_ =	shalt  }
0x46: {  	_ =	shalt  }
0x47: {  	_ =	shalt  }
0x48: {  	_ =	shalt  }
0x49: {  	_ =	shalt  }
0x4a: {  	_ =	shalt  }
0x4b: {  	_ =	shalt  }
0x4c: {  	_ =	shalt  }
0x4d: {  	_ =	shalt  }
0x4e: {  	_ =	shalt  }
0x4f: {  	_ =	shalt  }
0x50: {  	_ =	shalt  }
0x51: {  	_ =	shalt  }
0x52: {  	_ =	shalt  }
0x53: {  	_ =	shalt  }
0x54: {  	_ =	shalt  }
0x55: {  	_ =	shalt  }
0x56: {  	_ =	shalt  }
0x57: {  	_ =	shalt  }
0x58: {  	_ =	shalt  }
0x59: {  	_ =	shalt  }
0x5a: {  	_ =	shalt  }
0x5b: {  	_ =	shalt  }
0x5c: {  	_ =	shalt  }
0x5d: {  	_ =	shalt  }
0x5e: {  	_ =	shalt  }
0x5f: {  	_ =	shalt  }
0x60: {  	_ =	shalt  }
0x61: {  	_ =	shalt  }
0x62: {  	_ =	shalt  }
0x63: {  	_ =	shalt  }
0x64: {  	_ =	shalt  }
0x65: {  	_ =	shalt  }
0x66: {  	_ =	shalt  }
0x67: {  	_ =	shalt  }
0x68: {  	_ =	shalt  }
0x69: {  	_ =	shalt  }
0x6a: {  	_ =	shalt  }
0x6b: {  	_ =	shalt  }
0x6c: {  	_ =	shalt  }
0x6d: {  	_ =	shalt  }
0x6e: {  	_ =	shalt  }
0x6f: {  	_ =	shalt  }
0x70: {  	_ =	shalt  }
0x71: {  	_ =	shalt  }
0x72: {  	_ =	shalt  }
0x73: {  	_ =	shalt  }
0x74: {  	_ =	shalt  }
0x75: {  	_ =	shalt  }
0x76: {  	_ =	shalt  }
0x77: {  	_ =	shalt  }
0x78: {  	_ =	shalt  }
0x79: {  	_ =	shalt  }
0x7a: {  	_ =	shalt  }
0x7b: {  	_ =	shalt  }
0x7c: {  	_ =	shalt  }
0x7d: {  	_ =	shalt  }
0x7e: {  	_ =	shalt  }
0x7f: {  	_ =	shalt  }
0x80: {  	_ =	shalt  }
0x81: {  	_ =	shalt  }
0x82: {  	_ =	shalt  }
0x83: {  	_ =	shalt  }
0x84: {  	_ =	shalt  }
0x85: {  	_ =	shalt  }
0x86: {  	_ =	shalt  }
0x87: {  	_ =	shalt  }
.Lfunc_end0:
.L_simem_size_0:
called_computation_lowered:
.L_overlay_start_0:
0x88: {  	s2 =	sld [smem:$0x3FD9]  }
0x89: {  	s3 =	sld [smem:$0x3FFE];
	_ =	sdelay $0x1  }
0x8a: {  	s1 =	srdreg.scid  }
0x8b: {  	s0 =	sand.u32 $0x1, s1  }
0x8c: {  	s18 =	sshll.u32 s0, $0xA;
	s2 =	sadd.s32 s3, s2  }
0x8d: {  	s2 =	sadd.s32 s2, s18  }
0x8e: {  	[smem:$0x3FC6] =	sst s2  }
0x8f: {  	_ = 	snop  }
0x90: {  	s2 =	sld [smem:$0x3FC9]  }
0x91: {  	s19 =	sld [smem:$0x3FC8]  }
0x92: {  	s4 =	sld [smem:$0x3FD0];
	(tm) =	ssettm $0x1  }
0x93: {  	s5 =	sld [smem:$0x3FFB];
	_ =	sdelay $0x3  }
0x94: {  	_ =	strace s5  }
0x95: {  	s5 =	sld [smem:$0x3FFC];
	_ =	sdelay $0x3  }
0x96: {  	_ =	strace s5  }
0x97: {  	s5 =	sld [smem:$0x3FFD];
	_ =	sdelay $0x3  }
0x98: {  	_ =	strace s5  }
0x99: {  	_ =	strace $0x8FFFFFFF  }
0x9a: {  	s20 =	sld [smem:$0x3FDB];
	_ =	sdelay $0x1  }
0x9b: {  	s6 =	simm.s32 $_scs_section_size  }
0x9c: {  	s7 =	simm.s32 $_size__tile_overlayer_lowered;
	s8 =	simm.s32 $_tile_overlayer_lowered  }
0x9d: {  	s23 =	simm.s32 $0x1BFF;
	s22 =	sshll.u32 s8, $0x1;
	s5 =	sadd.s32 s6, s20  }
0x9e: {  	s9 =	simm.s32 $0x0;
	s21 =	sshll.u32 s7, $0x1;
	s7 =	sadd.s32 s22, s5  }
0x9f: {  	[timem:s9], [sflag:s23] =	dma.local [hbm:s7], s21  }
0xa0: {  	_ =	swait.ge [sflag:s23], s21  }
0xa1: {  	s6 =	ssub.s32 $0x0, s21;
	[sflag:s23] =	ssyncset.done $0x0  }
0xa2: {  	[sflag:s23] =	ssyncadd.s32 s6;
	_ =	sdelay $0x1  }
0xa3: {  	s24 =	simm.s32 $0x1B8B  }
0xa4: {  	_ =	swait.ge [sflag:s24], $0x1  }
0xa5: {  	[sflag:s24] =	ssyncset.done $0x0  }
0xa6: {  	s25 =	simm.s32 $0x1B8E;
	[sflag:s24] =	ssyncadd.s32 $0xFFFFFFFF  }
0xa7: {  	s26 =	simm.s32 $execute0_lowered;
	[smem:$0x3FD2] =	sst s25  }
0xa8: {  	s6 =	sshll.u32 s26, $0x1;
	_ =	strace $0x80000046;
	[dreg:$0x1] =	wrdreg $0xFFFFFFFF  }
0xa9: {  	s28 =	simm.s32 $_size_execute0_lowered;
	s5 =	sadd.s32 s5, s6;
	[dreg:$0x0] =	wrdreg $0x0  }
0xaa: {  	s6 =	sshll.u32 s28, $0x1;
	[dreg:$0x2] =	wrdreg s5  }
0xab: {  	[dreg:$0x3] =	wrdreg s6  }
0xac: {  	[dreg:$0x4] =	wrdreg $0xC0  }
0xad: {  	_ =	task [dreg:s9], $0x5FFFF  }
0xae: {  	[dreg:$0x1] =	wrdreg $0xFFFFFFFF  }
0xaf: {  	[dreg:$0x0] =	wrdreg $0x60  }
0xb0: {  	[dreg:$0x2] =	wrdreg s2  }
0xb1: {  	[dreg:$0x3] =	wrdreg s19  }
0xb2: {  	[dreg:$0x4] =	wrdreg s4  }
0xb3: {  	[dreg:$0x5] =	wrdreg $0x9  }
0xb4: {  	_ =	task.clear_ibuf [dreg:s9], $0x6FFFF;
	_ =	strace $0x90000046  }
0xb5: {  	s29 =	simm.s32 $0x9;
	_ =	strace $0x80000048  }
0xb6: {  	_ =	swait.ge [sflag:s29], $0x1  }
0xb7: {  	[sflag:s29] =	ssyncadd.s32 $0xFFFFFFFF  }
0xb8: {  	_ =	strace $0x90000048  }
0xb9: {  	_ =	sfence  }
0xba: {  	s30 =	sld [smem:$0x0];
	_ =	sdelay $0x2  }
0xbb: {  	s31 =	sshll.u32 s1, $0xD;
	s1 =	sshrl.u32 s1, $0x2  }
0xbc: {  	s3 =	sand.u32 $0x4000, s31;
	s1 =	sadd.s32 s1, s30  }
0xbd: {  	s0 =	sor.u32 s3, s0;
	s1 =	sshll.u32 s1, $0x11  }
0xbe: {  	s0 =	sor.u32 s1, s0  }
0xbf: {  	s0 =	sadd.s32 $0x8F2B, s0  }
0xc0: {  	[sflag:s0] =	ssyncadd.remote.s32 $0x1  }
0xc1: {  	_ =	sfence.sel $0xFFFF  }
0xc2: {  	[dreg:$0x0] =	wrdreg $0xFFFFFFFF;
	(pc) =	sbr.abs _section_cstart, $3  }
0xc3: {  	[dreg:$0x1] =	wrdreg $0xFFFFFFFF  }
0xc4: {  	_ =	task.clear_ibuf [dreg:s9], $0x2FFFF;
	_ =	strace $0x9FFFFFFF  }
0xc5: {  	(tm) =	ssettm $0x7FFFFFFF  }
tec
execute0_lowered:
.L_overlay_start_1:
0x0: {  	(tag) =	ssettag $0x1  }
0x1: {  	s1 =	rddreg [dreg:$0x0]  }
0x2: {  	s0 =	srdreg.scid;
	s2 =	rddreg [dreg:$0x1]  }
0x3: {  	s3 =	stileid.u32;
	s6 =	rddreg [dreg:$0x2]  }
0x4: {  	s5 =	simm.s32 $0x0;
	s19 =	simm.s32 $0x20000;
	s28 =	simm.s32 $0x2  }
0x5: {  	s29 =	simm.s32 $0x6;
	s30 =	simm.s32 $0xB000;
	s31 =	simm.s32 $0x3  }
0x6: {  	s8 =	simm.s32 $0xF000;
	s0 =	sand.u32 $0x1, s0;
	s3 =	sshll.u32 s3, $0xD  }
0x7: {  	[smem:$0x7FF] =	sst s5;
	s15 =	sadd.s32 $0x8000, s6;
	s16 =	sadd.s32 $0x10000, s6  }
0x8: {  	s17 =	sadd.s32 $0x18000, s6;
	s5 =	simm.s32 $0x4;
	s4 =	sshll.u32 s0, $0xC  }
0x9: {  	s0 =	ssub.s32 $0x2, s0;
	_ =	strace $0x80000047;
	s4 =	sor.u32 s4, s3  }
0xa: {  	s20 =	sshrl.u32 s0, $0x1;
	s3 =	sshrl.u32 s4, $0x3;
	s24 =	sor.u32 $0x100000, s4  }
0xb: {  	s0 =	ssub.s32 s0, s20;
	s25 =	sor.u32 $0x140000, s4;
	[dreg:$0x9] =	wrdreg s24  }
0xc: {  	s26 =	sor.u32 $0x180000, s4;
	s14 =	sor.u32 $0x1C0000, s4;
	[dreg:$0xa] =	wrdreg s25  }
0xd: {  	s20 =	simm.s32 $0x1000;
	s7 =	sadd.s32 s1, s3;
	[dreg:$0xb] =	wrdreg s26  }
0xe: {  	s2 =	sadd.s32 s2, s3;
	s26 =	smov.u32 s6;
	[dreg:$0x4] =	wrdreg s7  }
.Ltmp0:
0xf: {  	s0 =	smax.u32 s0, $0x1;
	[dreg:$0x8] =	wrdreg s2;
	(pc) =	sbr.rel .LBB2_1-.Ltmp0, $4  }
0x10: {  	s25 =	simm.s32 $0x1;
	s21 =	sadd.s32 $0x8000, s7;
	[dreg:$0xc] =	wrdreg s0  }
0x11: {  	s6 =	simm.s32 $0x0;
	s22 =	sadd.s32 $0x10000, s7;
	[dreg:$0x5] =	wrdreg s21  }
0x12: {  	s23 =	sadd.s32 $0x18000, s7;
	s2 =	simm.s32 $0x7;
	[dreg:$0x6] =	wrdreg s22  }
0x13: {  	s0 =	simm.s32 $0xD000;
	s7 =	simm.s32 $0x8;
	[dreg:$0x7] =	wrdreg s23  }
.LBB2_24:
0x14: {  	s3 =	simm.s32 $0x5  }
0x15: {  	_ =	swait.ge [sflag:s3], $0x2000  }
0x16: {  	[sflag:s3] =	ssyncset.done $0x0  }
0x17: {  	[sflag:s3] =	ssyncadd.s32 $0xFFFFE000  }
0x18: {  	_ =	swait.ge [sflag:s29], $0x2000  }
0x19: {  	[sflag:s29] =	ssyncset.done $0x0  }
0x1a: {  	[sflag:s29] =	ssyncadd.s32 $0xFFFFE000  }
0x1b: {  	_ =	swait.ge [sflag:s2], $0x2000  }
0x1c: {  	[sflag:s2] =	ssyncset.done $0x0  }
0x1d: {  	[sflag:s2] =	ssyncadd.s32 $0xFFFFE000  }
0x1e: {  	_ =	swait.ge [sflag:s7], $0x2000  }
0x1f: {  	s6 =	rddreg [dreg:$0xd]  }
0x20: {  	s24 =	rddreg [dreg:$0xc];
	s6 =	sadd.s32 $0x1, s6  }
0x21: {  	p0 =	sne.s32 s6, s24  }
.Ltmp1:
0x22: {  	_ = 	snop;
	(pc) =	sbr.rel @!p0 .LBB2_25-.Ltmp1, $3  }
0x23: {  	_ =	sdelay $0x1  }
0x24: {  	[sflag:s7] =	ssyncset.done $0x0  }
0x25: {  	[sflag:s7] =	ssyncadd.s32 $0xFFFFE000  }
.LBB2_1:
0x26: {  	[dreg:$0xd] =	wrdreg s6  }
0x27: {  	s3 =	rddreg [dreg:$0x4]  }
0x28: {  	[tilespmem:s20], [sflag:$0x1] =	stream.strided.gather [hbm4b:s3+s20], $0x2000, s19, s20, $0x38;
	[tilespmem:$0x11000] =	vst v63  }
0x29: {  	s10 =	rddreg [dreg:$0x5];
	s11 =	simm.s32 $0x3000  }
0x2a: {  	[tilespmem:s11], [sflag:$0x2] =	stream.strided.gather [hbm4b:s10+s20], $0x2000, s19, s20, $0x38;
	[tilespmem:$0x11000] =	vst v63  }
0x2b: {  	s12 =	rddreg [dreg:$0x6];
	s13 =	simm.s32 $0x5000  }
0x2c: {  	[tilespmem:s13], [sflag:$0x3] =	stream.strided.gather [hbm4b:s12+s20], $0x2000, s19, s20, $0x38;
	[tilespmem:$0x11000] =	vst v63  }
0x2d: {  	s18 =	rddreg [dreg:$0x7];
	s21 =	simm.s32 $0x7000  }
0x2e: {  	[tilespmem:s21], [sflag:$0x4] =	stream.strided.gather [hbm4b:s18+s20], $0x2000, s19, s20, $0x38;
	[tilespmem:$0x11000] =	vst v63  }
0x2f: {  	s22 =	simm.s32 $0x0;
	s23 =	rddreg [dreg:$0x8];
	s24 =	simm.s32 $0x9  }
0x30: {  	[tilespmem:s22], [sflag:$0x9] =	stream.linear.gather [hbm4b:s23+s22], $0x1000, $0x38;
	[tilespmem:$0x11000] =	vst v63  }
0x31: {  	_ =	swait.ge [sflag:s24], $0x1000  }
0x32: {  	[sflag:s24] =	ssyncset.done $0x0  }
0x33: {  	s18 =	simm.s32 $0x0;
	[sflag:s24] =	ssyncadd.s32 $0xFFFFF000  }
.LBB2_2:
0x34: {  	_ =	swait.ge [sflag:s25], $0x2000  }
0x35: {  	p0 =	seq.s32 s18, $0x0;
	[sflag:s25] =	ssyncset.done $0x0  }
0x36: {  	s6 =	simm.s32 @!p0 $0x5;
	[sflag:s25] =	ssyncadd.s32 $0xFFFFE000  }
0x37: {  	s3 =	simm.s32 $0x0;
	_ =	swait.ge @!p0 [sflag:s6], $0x2000  }
0x38: {  	s9 =	sand.u32 $0x800, s3;
	s10 =	sand.u32 $0x300, s3;
	[sflag:s6] =	ssyncset.done @!p0 $0x0  }
0x39: {  	s9 =	sor.u32 s10, s9;
	[sflag:s6] =	ssyncadd.s32 @!p0 $0xFFFFE000  }
0x3a: {  	v0 =	vld [tilespmem:s9+$0x0]  }
0x3b: {  	v1 =	vld [tilespmem:s9+$0x1000]  }
0x3c: {  	v2 =	vld [tilespmem:s9+$0x2000]  }
0x3d: {  	v3 =	vld [tilespmem:s9+$0x10]  }
0x3e: {  	v4 =	vld [tilespmem:s9+$0x1010]  }
0x3f: {  	v5 =	vld [tilespmem:s9+$0x2010]  }
0x40: {  	v6 =	vld [tilespmem:s9+$0x20]  }
0x41: {  	v7 =	vld [tilespmem:s9+$0x1020]  }
0x42: {  	v8 =	vld [tilespmem:s9+$0x2020]  }
0x43: {  	v9 =	vld [tilespmem:s9+$0x30]  }
0x44: {  	v10 =	vld [tilespmem:s9+$0x1030]  }
0x45: {  	v11 =	vld [tilespmem:s9+$0x2030]  }
0x46: {  	v12 =	vld [tilespmem:s9+$0x40]  }
0x47: {  	v13 =	vld [tilespmem:s9+$0x1040]  }
0x48: {  	v14 =	vld [tilespmem:s9+$0x2040];
	v1 =	vadd.f32 v1, v0  }
0x49: {  	v15 =	vld [tilespmem:s9+$0x50];
	v0 =	vadd.f32 v2, v0  }
0x4a: {  	v60 =	vld [tilespmem:s9+$0x80];
	v2 =	vadd.f32 v5, v3;
	[tilespmem:s9+$0x9000] =	vst v1  }
0x4b: {  	v61 =	vld [tilespmem:s9+$0x400];
	v5 =	vadd.f32 v10, v9;
	[tilespmem:s9+$0xA000] =	vst v0  }
0x4c: {  	v62 =	vld [tilespmem:s9+$0x1400];
	v1 =	vadd.f32 v4, v3;
	[tilespmem:s9+$0xA010] =	vst v2  }
0x4d: {  	v0 =	vld [tilespmem:s9+$0x1050];
	v3 =	vadd.f32 v7, v6;
	[tilespmem:s9+$0x9030] =	vst v5  }
0x4e: {  	v2 =	vld [tilespmem:s9+$0x60];
	v5 =	vadd.f32 v11, v9;
	[tilespmem:s9+$0x9010] =	vst v1  }
0x4f: {  	v4 =	vadd.f32 v8, v6;
	v1 =	vld [tilespmem:s9+$0x2050];
	[tilespmem:s9+$0x9020] =	vst v3  }
0x50: {  	v3 =	vld [tilespmem:s9+$0x1060];
	[tilespmem:s9+$0xA030] =	vst v5;
	v5 =	vadd.f32 v14, v12  }
0x51: {  	[tilespmem:s9+$0xA020] =	vst v4;
	v4 =	vld [tilespmem:s9+$0x2060]  }
0x52: {  	v7 =	vadd.f32 v13, v12;
	[tilespmem:s9+$0xA040] =	vst v5;
	v5 =	vld [tilespmem:s9+$0x1080]  }
0x53: {  	v6 =	vld [tilespmem:s9+$0x70];
	v0 =	vadd.f32 v0, v15  }
0x54: {  	v8 =	vld [tilespmem:s9+$0x1070];
	[tilespmem:s9+$0x9040] =	vst v7;
	v1 =	vadd.f32 v1, v15  }
0x55: {  	v7 =	vld [tilespmem:s9+$0x2070];
	[tilespmem:s9+$0x9050] =	vst v0;
	v3 =	vadd.f32 v3, v2  }
0x56: {  	v0 =	vld [tilespmem:s9+$0x2080];
	[tilespmem:s9+$0xA050] =	vst v1;
	v1 =	vadd.f32 v4, v2  }
0x57: {  	[tilespmem:s9+$0x9060] =	vst v3;
	v3 =	vadd.f32 v5, v60  }
0x58: {  	v2 =	vld [tilespmem:s9+$0x90];
	v5 =	vadd.f32 v62, v61;
	[tilespmem:s9+$0xA060] =	vst v1  }
0x59: {  	v4 =	vld [tilespmem:s9+$0x1090];
	v1 =	vadd.f32 v8, v6;
	[tilespmem:s9+$0x9080] =	vst v3  }
0x5a: {  	v3 =	vadd.f32 v7, v6;
	[tilespmem:s9+$0x9400] =	vst v5;
	v6 =	vld [tilespmem:s9+$0x20A0]  }
0x5b: {  	s3 =	sand.u32 $0xFFFFF800, s3;
	v0 =	vadd.f32 v0, v60;
	[tilespmem:s9+$0x9070] =	vst v1;
	v1 =	vld [tilespmem:s9+$0x2090]  }
0x5c: {  	s10 =	sadd.s32 $0x0, s3;
	[tilespmem:s9+$0xA070] =	vst v3;
	v3 =	vld [tilespmem:s9+$0x10A0]  }
0x5d: {  	s3 =	sor.u32 $0x1400, s10;
	[tilespmem:s9+$0xA080] =	vst v0;
	v0 =	vld [tilespmem:s9+$0xA0]  }
0x5e: {  	v5 =	vld [tilespmem:s3+$0x1000];
	_ =	sdelay $0x1  }
0x5f: {  	v4 =	vadd.f32 v4, v2  }
0x60: {  	v7 =	vld [tilespmem:s9+$0xB0];
	v1 =	vadd.f32 v1, v2  }
0x61: {  	[tilespmem:s9+$0x9090] =	vst v4;
	v2 =	vld [tilespmem:s9+$0x10B0];
	v3 =	vadd.f32 v3, v0;
	v0 =	vadd.f32 v6, v0  }
0x62: {  	v4 =	vadd.f32 v5, v61;
	[tilespmem:s9+$0xA090] =	vst v1;
	v1 =	vld [tilespmem:s9+$0x20B0]  }
0x63: {  	[tilespmem:s9+$0xA0A0] =	vst v0;
	v0 =	vld [tilespmem:s9+$0xC0]  }
0x64: {  	[tilespmem:s3+$0x9000] =	vst v4;
	v4 =	vld [tilespmem:s9+$0x10C0]  }
0x65: {  	[tilespmem:s9+$0x90A0] =	vst v3;
	v3 =	vld [tilespmem:s9+$0x410]  }
0x66: {  	v5 =	vld [tilespmem:s9+$0x1410];
	_ =	sdelay $0x1  }
0x67: {  	v1 =	vadd.f32 v1, v7  }
0x68: {  	v6 =	vld [tilespmem:s9+$0x20C0];
	v2 =	vadd.f32 v2, v7  }
0x69: {  	[tilespmem:s9+$0xA0B0] =	vst v1;
	v1 =	vadd.f32 v4, v0  }
0x6a: {  	[tilespmem:s9+$0x90B0] =	vst v2;
	v2 =	vld [tilespmem:s9+$0xD0];
	v4 =	vadd.f32 v5, v3  }
0x6b: {  	v5 =	vld [tilespmem:s9+$0x10D0];
	[tilespmem:s9+$0x90C0] =	vst v1  }
0x6c: {  	s23 =	sor.u32 $0x1410, s10;
	[tilespmem:s9+$0x9410] =	vst v4;
	v1 =	vld [tilespmem:s9+$0x20D0]  }
0x6d: {  	v0 =	vadd.f32 v6, v0;
	v4 =	vld [tilespmem:s23+$0x1000]  }
0x6e: {  	v6 =	vld [tilespmem:s9+$0x10E0]  }
0x6f: {  	[tilespmem:s9+$0xA0C0] =	vst v0;
	v0 =	vld [tilespmem:s9+$0xE0];
	_ =	sdelay $0x1  }
0x70: {  	v1 =	vadd.f32 v1, v2  }
0x71: {  	v7 =	vld [tilespmem:s9+$0x20E0];
	v3 =	vadd.f32 v4, v3  }
0x72: {  	v5 =	vadd.f32 v5, v2;
	v2 =	vld [tilespmem:s9+$0xF0];
	[tilespmem:s9+$0xA0D0] =	vst v1  }
0x73: {  	v1 =	vadd.f32 v6, v0;
	[tilespmem:s23+$0x9000] =	vst v3;
	v3 =	vld [tilespmem:s9+$0x10F0]  }
0x74: {  	v4 =	vld [tilespmem:s9+$0x420]  }
0x75: {  	[tilespmem:s9+$0x90E0] =	vst v1;
	v1 =	vld [tilespmem:s9+$0x20F0]  }
0x76: {  	[tilespmem:s9+$0x90D0] =	vst v5;
	v0 =	vadd.f32 v7, v0;
	v5 =	vld [tilespmem:s9+$0x1420]  }
0x77: {  	v6 =	vld [tilespmem:s9+$0x1480]  }
0x78: {  	[tilespmem:s9+$0xA0E0] =	vst v0;
	v0 =	vld [tilespmem:s9+$0x480]  }
0x79: {  	v8 =	vld [tilespmem:s9+$0x490];
	v3 =	vadd.f32 v3, v2  }
0x7a: {  	v7 =	vld [tilespmem:s9+$0x2480];
	v1 =	vadd.f32 v1, v2  }
0x7b: {  	v2 =	vld [tilespmem:s9+$0x1490];
	v5 =	vadd.f32 v5, v4;
	[tilespmem:s9+$0x90F0] =	vst v3  }
0x7c: {  	v3 =	vld [tilespmem:s9+$0x2490];
	[tilespmem:s9+$0xA0F0] =	vst v1  }
0x7d: {  	s24 =	sor.u32 $0x1420, s10;
	v1 =	vadd.f32 v6, v0;
	v6 =	vld [tilespmem:s9+$0x4A0];
	[tilespmem:s9+$0x9420] =	vst v5  }
0x7e: {  	v5 =	vld [tilespmem:s24+$0x1000]  }
0x7f: {  	[tilespmem:s9+$0x9480] =	vst v1;
	v1 =	vld [tilespmem:s9+$0x14A0]  }
0x80: {  	v0 =	vadd.f32 v7, v0;
	_ =	sdelay $0x1  }
0x81: {  	[tilespmem:s9+$0xA480] =	vst v0;
	v0 =	vadd.f32 v2, v8;
	v2 =	vld [tilespmem:s9+$0x24A0]  }
0x82: {  	v7 =	vld [tilespmem:s9+$0x4B0];
	v4 =	vadd.f32 v5, v4  }
0x83: {  	[tilespmem:s9+$0x9490] =	vst v0;
	v0 =	vadd.f32 v3, v8;
	v3 =	vld [tilespmem:s9+$0x14B0];
	v1 =	vadd.f32 v1, v6  }
0x84: {  	v8 =	vld [tilespmem:s9+$0x24B0];
	[tilespmem:s24+$0x9000] =	vst v4  }
0x85: {  	[tilespmem:s9+$0x94A0] =	vst v1;
	v1 =	vld [tilespmem:s9+$0x430]  }
0x86: {  	[tilespmem:s9+$0xA490] =	vst v0;
	v0 =	vadd.f32 v2, v6;
	v5 =	vld [tilespmem:s9+$0x1430]  }
0x87: {  	v2 =	vld [tilespmem:s9+$0x4C0]  }
0x88: {  	[tilespmem:s9+$0xA4A0] =	vst v0;
	v0 =	vadd.f32 v3, v7;
	v3 =	vld [tilespmem:s9+$0x14C0]  }
0x89: {  	v4 =	vld [tilespmem:s9+$0x24C0];
	v6 =	vadd.f32 v8, v7  }
0x8a: {  	v8 =	vld [tilespmem:s9+$0x4D0]  }
0x8b: {  	[tilespmem:s9+$0xA4B0] =	vst v6;
	v6 =	vld [tilespmem:s9+$0x14D0];
	v5 =	vadd.f32 v5, v1  }
0x8c: {  	v63 =	vld [tilespmem:s9+$0x24D0];
	[tilespmem:s9+$0x94B0] =	vst v0  }
0x8d: {  	s11 =	sor.u32 $0x1430, s10;
	v0 =	vld [tilespmem:s9+$0x4E0];
	v3 =	vadd.f32 v3, v2;
	[tilespmem:s9+$0x9430] =	vst v5  }
0x8e: {  	v7 =	vld [tilespmem:s11+$0x1000]  }
0x8f: {  	v2 =	vadd.f32 v4, v2;
	[tilespmem:s9+$0x94C0] =	vst v3;
	v3 =	vld [tilespmem:s9+$0x14E0]  }
0x90: {  	s21 =	simm.s32 $0x100;
	v4 =	vld [tilespmem:s9+$0x24E0];
	v6 =	vadd.f32 v6, v8  }
0x91: {  	s22 =	simm.s32 $0x200;
	s6 =	sshll.u32 s18, $0x14;
	s3 =	simm.s32 $0x0;
	v5 =	vadd.f32 v63, v8;
	[tilespmem:s9+$0xA4C0] =	vst v2;
	v2 =	vld [tilespmem:s9+$0x4F0]  }
.LBB2_3:
0x92: {  	s12 =	sand.u32 $0x800, s22;
	s24 =	sand.u32 $0x300, s21;
	[tilespmem:s9+$0x94D0] =	vst v6;
	v6 =	vld [tilespmem:s9+$0x14F0]  }
0x93: {  	s24 =	sor.u32 s24, s12;
	v1 =	vadd.f32 v7, v1;
	[tilespmem:s9+$0xA4D0] =	vst v5;
	v5 =	vld [tilespmem:s9+$0x24F0]  }
0x94: {  	v7 =	vld [tilespmem:s24+$0x0];
	v3 =	vadd.f32 v3, v0  }
0x95: {  	v8 =	vld [tilespmem:s24+$0x1000];
	[tilespmem:s11+$0x9000] =	vst v1;
	v0 =	vadd.f32 v4, v0  }
0x96: {  	v1 =	vld [tilespmem:s9+$0x440];
	[tilespmem:s9+$0x94E0] =	vst v3  }
0x97: {  	v3 =	vld [tilespmem:s9+$0x1440];
	[tilespmem:s9+$0xA4E0] =	vst v0;
	v0 =	vadd.f32 v6, v2  }
0x98: {  	v4 =	vld [tilespmem:s24+$0x2000];
	v2 =	vadd.f32 v5, v2  }
0x99: {  	v5 =	vld [tilespmem:s24+$0x10];
	[tilespmem:s9+$0x94F0] =	vst v0  }
0x9a: {  	v0 =	vld [tilespmem:s24+$0x1010];
	[tilespmem:s9+$0xA4F0] =	vst v2  }
0x9b: {  	v2 =	vld [tilespmem:s24+$0x2010]  }
0x9c: {  	v6 =	vld [tilespmem:s24+$0x20];
	v3 =	vadd.f32 v3, v1  }
0x9d: {  	v9 =	vld [tilespmem:s24+$0x1020]  }
0x9e: {  	s11 =	sor.u32 $0x1440, s10;
	v10 =	vld [tilespmem:s24+$0x2020];
	[tilespmem:s9+$0x9440] =	vst v3  }
0x9f: {  	v3 =	vld [tilespmem:s11+$0x1000]  }
0xa0: {  	v11 =	vld [tilespmem:s24+$0x30]  }
0xa1: {  	v12 =	vld [tilespmem:s24+$0x1030]  }
0xa2: {  	v13 =	vld [tilespmem:s24+$0x2030]  }
0xa3: {  	v14 =	vld [tilespmem:s24+$0x40]  }
0xa4: {  	v15 =	vld [tilespmem:s24+$0x1040];
	v1 =	vadd.f32 v3, v1  }
0xa5: {  	v3 =	vld [tilespmem:s24+$0x2040]  }
0xa6: {  	v8 =	vadd.f32 v8, v7;
	v16 =	vld [tilespmem:s24+$0x50];
	[tilespmem:s11+$0x9000] =	vst v1  }
0xa7: {  	v1 =	vadd.f32 v4, v7;
	v4 =	vld [tilespmem:s9+$0x450]  }
0xa8: {  	v0 =	vadd.f32 v0, v5;
	[tilespmem:s24+$0x9000] =	vst v8;
	v7 =	vld [tilespmem:s9+$0x1450]  }
0xa9: {  	[tilespmem:s24+$0xA000] =	vst v1;
	v1 =	vadd.f32 v2, v5;
	v2 =	vld [tilespmem:s24+$0x1050]  }
0xaa: {  	[tilespmem:s24+$0x9010] =	vst v0;
	v0 =	vadd.f32 v9, v6;
	v5 =	vld [tilespmem:s24+$0x2050]  }
0xab: {  	[tilespmem:s24+$0xA010] =	vst v1;
	v1 =	vadd.f32 v10, v6;
	v6 =	vld [tilespmem:s24+$0x60]  }
0xac: {  	[tilespmem:s24+$0x9020] =	vst v0;
	v0 =	vadd.f32 v12, v11;
	v8 =	vld [tilespmem:s24+$0x1060]  }
0xad: {  	[tilespmem:s24+$0xA020] =	vst v1;
	v1 =	vld [tilespmem:s24+$0x2060];
	v7 =	vadd.f32 v7, v4  }
0xae: {  	[tilespmem:s24+$0x9030] =	vst v0;
	v0 =	vadd.f32 v13, v11;
	v9 =	vld [tilespmem:s24+$0x70]  }
0xaf: {  	s11 =	sor.u32 $0x1450, s10;
	v10 =	vadd.f32 v15, v14;
	v11 =	vld [tilespmem:s24+$0x1070];
	[tilespmem:s9+$0x9450] =	vst v7  }
0xb0: {  	[tilespmem:s24+$0xA030] =	vst v0;
	v0 =	vadd.f32 v3, v14;
	v3 =	vld [tilespmem:s11+$0x1000]  }
0xb1: {  	v2 =	vadd.f32 v2, v16;
	[tilespmem:s24+$0x9040] =	vst v10;
	v7 =	vld [tilespmem:s24+$0x2070]  }
0xb2: {  	[tilespmem:s24+$0xA040] =	vst v0;
	v0 =	vadd.f32 v5, v16;
	v5 =	vld [tilespmem:s24+$0x400]  }
0xb3: {  	[tilespmem:s24+$0x9050] =	vst v2;
	v2 =	vadd.f32 v8, v6;
	v8 =	vld [tilespmem:s24+$0x1400]  }
0xb4: {  	[tilespmem:s24+$0xA050] =	vst v0;
	v0 =	vadd.f32 v1, v6;
	v1 =	vld [tilespmem:s24+$0x80]  }
0xb5: {  	[tilespmem:s24+$0x9060] =	vst v2;
	v2 =	vld [tilespmem:s24+$0x1080];
	v3 =	vadd.f32 v3, v4  }
0xb6: {  	[tilespmem:s24+$0xA060] =	vst v0;
	v0 =	vadd.f32 v11, v9;
	v4 =	vld [tilespmem:s24+$0x2080]  }
0xb7: {  	v6 =	vadd.f32 v7, v9;
	v7 =	vld [tilespmem:s24+$0x90];
	[tilespmem:s11+$0x9000] =	vst v3  }
0xb8: {  	s3 =	sadd.s32 $0x2, s3;
	s11 =	sand.u32 $0xFFFFF800, s22;
	[tilespmem:s24+$0x9070] =	vst v0;
	v0 =	vadd.f32 v8, v5;
	v3 =	vld [tilespmem:s9+$0x460]  }
0xb9: {  	p1 =	slt.u32 s3, $0xE;
	s11 =	sadd.s32 s11, s21;
	[tilespmem:s24+$0xA070] =	vst v6;
	v6 =	vld [tilespmem:s9+$0x1460]  }
0xba: {  	s12 =	sor.u32 $0x1400, s11;
	[tilespmem:s24+$0x9400] =	vst v0;
	v0 =	vadd.f32 v2, v1;
	v2 =	vld [tilespmem:s24+$0x1090]  }
0xbb: {  	v8 =	vld [tilespmem:s12+$0x1000];
	v1 =	vadd.f32 v4, v1  }
0xbc: {  	[tilespmem:s24+$0x9080] =	vst v0;
	v0 =	vld [tilespmem:s24+$0x2090]  }
0xbd: {  	[tilespmem:s24+$0xA080] =	vst v1;
	v1 =	vld [tilespmem:s24+$0xA0]  }
0xbe: {  	v4 =	vld [tilespmem:s24+$0x10A0];
	v6 =	vadd.f32 v6, v3  }
0xbf: {  	v2 =	vadd.f32 v2, v7;
	v9 =	vld [tilespmem:s24+$0x20A0]  }
0xc0: {  	s13 =	sor.u32 $0x1460, s10;
	v5 =	vadd.f32 v8, v5;
	v8 =	vld [tilespmem:s24+$0xB0];
	[tilespmem:s9+$0x9460] =	vst v6  }
0xc1: {  	[tilespmem:s24+$0x9090] =	vst v2;
	v0 =	vadd.f32 v0, v7;
	v2 =	vld [tilespmem:s13+$0x1000]  }
0xc2: {  	[tilespmem:s12+$0x9000] =	vst v5;
	v5 =	vld [tilespmem:s24+$0x10B0]  }
0xc3: {  	v6 =	vld [tilespmem:s24+$0x410];
	[tilespmem:s24+$0xA090] =	vst v0;
	v0 =	vadd.f32 v4, v1  }
0xc4: {  	v4 =	vld [tilespmem:s24+$0x1410];
	v1 =	vadd.f32 v9, v1  }
0xc5: {  	[tilespmem:s24+$0x90A0] =	vst v0;
	v0 =	vld [tilespmem:s24+$0x20B0]  }
0xc6: {  	[tilespmem:s24+$0xA0A0] =	vst v1;
	v1 =	vld [tilespmem:s24+$0xC0];
	v2 =	vadd.f32 v2, v3  }
0xc7: {  	v3 =	vadd.f32 v5, v8;
	v5 =	vld [tilespmem:s24+$0x10C0]  }
0xc8: {  	v7 =	vld [tilespmem:s24+$0x20C0];
	[tilespmem:s13+$0x9000] =	vst v2  }
0xc9: {  	v2 =	vadd.f32 v4, v6;
	[tilespmem:s24+$0x90B0] =	vst v3;
	v3 =	vld [tilespmem:s9+$0x470]  }
0xca: {  	v0 =	vadd.f32 v0, v8;
	v4 =	vld [tilespmem:s9+$0x1470]  }
0xcb: {  	s12 =	sor.u32 $0x1410, s11;
	[tilespmem:s24+$0x9410] =	vst v2;
	v2 =	vld [tilespmem:s24+$0xD0]  }
0xcc: {  	v8 =	vld [tilespmem:s12+$0x1000];
	[tilespmem:s24+$0xA0B0] =	vst v0;
	v0 =	vadd.f32 v5, v1  }
0xcd: {  	v1 =	vadd.f32 v7, v1;
	v5 =	vld [tilespmem:s24+$0x10D0]  }
0xce: {  	[tilespmem:s24+$0x90C0] =	vst v0;
	v0 =	vld [tilespmem:s24+$0x20D0]  }
0xcf: {  	[tilespmem:s24+$0xA0C0] =	vst v1;
	v1 =	vld [tilespmem:s24+$0xE0];
	v4 =	vadd.f32 v4, v3  }
0xd0: {  	v7 =	vld [tilespmem:s24+$0x10E0]  }
0xd1: {  	s13 =	sor.u32 $0x1470, s10;
	s10 =	smov.u32 s11;
	v6 =	vadd.f32 v8, v6;
	v8 =	vld [tilespmem:s24+$0x20E0];
	[tilespmem:s9+$0x9470] =	vst v4;
	s9 =	smov.u32 s24  }
0xd2: {  	v4 =	vadd.f32 v5, v2;
	v5 =	vld [tilespmem:s13+$0x1000]  }
0xd3: {  	[tilespmem:s12+$0x9000] =	vst v6;
	v0 =	vadd.f32 v0, v2;
	v2 =	vld [tilespmem:s9+$0xF0]  }
0xd4: {  	v6 =	vld [tilespmem:s9+$0x420];
	[tilespmem:s9+$0x90D0] =	vst v4  }
0xd5: {  	v4 =	vld [tilespmem:s9+$0x1420];
	[tilespmem:s9+$0xA0D0] =	vst v0;
	v0 =	vadd.f32 v7, v1  }
0xd6: {  	v1 =	vadd.f32 v8, v1;
	v7 =	vld [tilespmem:s9+$0x10F0]  }
0xd7: {  	[tilespmem:s9+$0x90E0] =	vst v0;
	v0 =	vld [tilespmem:s9+$0x20F0];
	v3 =	vadd.f32 v5, v3  }
0xd8: {  	[tilespmem:s9+$0xA0E0] =	vst v1;
	v1 =	vld [tilespmem:s9+$0x480]  }
0xd9: {  	v5 =	vld [tilespmem:s9+$0x1480];
	[tilespmem:s13+$0x9000] =	vst v3  }
0xda: {  	v3 =	vadd.f32 v4, v6;
	v4 =	vld [tilespmem:s9+$0x2480]  }
0xdb: {  	v7 =	vadd.f32 v7, v2;
	v8 =	vld [tilespmem:s9+$0x490]  }
0xdc: {  	s11 =	sor.u32 $0x1420, s10;
	[tilespmem:s9+$0x9420] =	vst v3;
	v0 =	vadd.f32 v0, v2;
	v2 =	vld [tilespmem:s9+$0x1490]  }
0xdd: {  	v3 =	vld [tilespmem:s11+$0x1000];
	[tilespmem:s9+$0x90F0] =	vst v7  }
0xde: {  	[tilespmem:s9+$0xA0F0] =	vst v0;
	v0 =	vadd.f32 v5, v1;
	v5 =	vld [tilespmem:s9+$0x2490]  }
0xdf: {  	v1 =	vadd.f32 v4, v1;
	v4 =	vld [tilespmem:s9+$0x4A0]  }
0xe0: {  	[tilespmem:s9+$0x9480] =	vst v0;
	v0 =	vld [tilespmem:s9+$0x14A0]  }
0xe1: {  	[tilespmem:s9+$0xA480] =	vst v1;
	v1 =	vadd.f32 v2, v8;
	v2 =	vld [tilespmem:s9+$0x24A0]  }
0xe2: {  	v3 =	vadd.f32 v3, v6;
	v6 =	vld [tilespmem:s9+$0x4B0]  }
0xe3: {  	[tilespmem:s9+$0x9490] =	vst v1;
	v5 =	vadd.f32 v5, v8;
	v7 =	vld [tilespmem:s9+$0x14B0]  }
0xe4: {  	[tilespmem:s11+$0x9000] =	vst v3;
	v3 =	vld [tilespmem:s9+$0x24B0]  }
0xe5: {  	v1 =	vld [tilespmem:s9+$0x430];
	[tilespmem:s9+$0xA490] =	vst v5;
	v0 =	vadd.f32 v0, v4  }
0xe6: {  	v5 =	vld [tilespmem:s9+$0x1430];
	v2 =	vadd.f32 v2, v4  }
0xe7: {  	[tilespmem:s9+$0x94A0] =	vst v0;
	v4 =	vld [tilespmem:s9+$0x4C0]  }
0xe8: {  	[tilespmem:s9+$0xA4A0] =	vst v2;
	v0 =	vadd.f32 v7, v6;
	v2 =	vld [tilespmem:s9+$0x14C0]  }
0xe9: {  	v3 =	vadd.f32 v3, v6;
	v6 =	vld [tilespmem:s9+$0x24C0]  }
0xea: {  	[tilespmem:s9+$0x94B0] =	vst v0;
	v8 =	vld [tilespmem:s9+$0x4D0]  }
0xeb: {  	v0 =	vadd.f32 v5, v1;
	[tilespmem:s9+$0xA4B0] =	vst v3;
	v5 =	vld [tilespmem:s9+$0x14D0]  }
0xec: {  	v9 =	vld [tilespmem:s9+$0x24D0]  }
.Ltmp2:
0xed: {  	s11 =	sor.u32 $0x1430, s10;
	[tilespmem:s9+$0x9430] =	vst v0;
	v2 =	vadd.f32 v2, v4;
	v0 =	vld [tilespmem:s9+$0x4E0];
	(pc) =	sbr.rel @p1 .LBB2_3-.Ltmp2, $4  }
0xee: {  	v7 =	vld [tilespmem:s11+$0x1000];
	v4 =	vadd.f32 v6, v4  }
0xef: {  	[tilespmem:s9+$0x94C0] =	vst v2;
	v3 =	vld [tilespmem:s9+$0x14E0]  }
0xf0: {  	[tilespmem:s9+$0xA4C0] =	vst v4;
	v6 =	vadd.f32 v5, v8;
	v4 =	vld [tilespmem:s9+$0x24E0]  }
0xf1: {  	s22 =	sadd.s32 $0x200, s22;
	s21 =	sadd.s32 $0x100, s21;
	v5 =	vadd.f32 v9, v8;
	v2 =	vld [tilespmem:s9+$0x4F0]  }
0xf2: {  	_ = 	snop  }
0xf3: {  	v1 =	vadd.f32 v7, v1;
	_ =	sdelay $0x1  }
0xf4: {  	[tilespmem:s11+$0x9000] =	vst v1  }
0xf5: {  	v1 =	vld [tilespmem:s9+$0x440]  }
0xf6: {  	v55 =	vld [tilespmem:s9+$0x1440];
	_ =	sdelay $0x4  }
0xf7: {  	v7 =	vadd.f32 v55, v1;
	_ =	sdelay $0x1  }
0xf8: {  	s3 =	sor.u32 $0x1440, s10;
	[tilespmem:s9+$0x9440] =	vst v7  }
0xf9: {  	v7 =	vld [tilespmem:s3+$0x1000];
	_ =	sdelay $0x4  }
0xfa: {  	v1 =	vadd.f32 v7, v1;
	_ =	sdelay $0x1  }
0xfb: {  	[tilespmem:s3+$0x9000] =	vst v1  }
0xfc: {  	v1 =	vld [tilespmem:s9+$0x450]  }
0xfd: {  	v56 =	vld [tilespmem:s9+$0x1450];
	_ =	sdelay $0x4  }
0xfe: {  	v7 =	vadd.f32 v56, v1;
	_ =	sdelay $0x1  }
0xff: {  	s11 =	sor.u32 $0x1450, s10;
	[tilespmem:s9+$0x9450] =	vst v7  }
0x100: {  	v7 =	vld [tilespmem:s11+$0x1000];
	_ =	sdelay $0x4  }
0x101: {  	v1 =	vadd.f32 v7, v1;
	_ =	sdelay $0x1  }
0x102: {  	[tilespmem:s11+$0x9000] =	vst v1  }
0x103: {  	v1 =	vld [tilespmem:s9+$0x460]  }
0x104: {  	v57 =	vld [tilespmem:s9+$0x1460];
	_ =	sdelay $0x4  }
0x105: {  	v7 =	vadd.f32 v57, v1;
	_ =	sdelay $0x1  }
0x106: {  	s12 =	sor.u32 $0x1460, s10;
	[tilespmem:s9+$0x9460] =	vst v7  }
0x107: {  	v7 =	vld [tilespmem:s12+$0x1000];
	_ =	sdelay $0x4  }
0x108: {  	v1 =	vadd.f32 v7, v1;
	_ =	sdelay $0x1  }
0x109: {  	[tilespmem:s12+$0x9000] =	vst v1  }
0x10a: {  	v1 =	vld [tilespmem:s9+$0x470]  }
0x10b: {  	v58 =	vld [tilespmem:s9+$0x1470];
	_ =	sdelay $0x4  }
0x10c: {  	v7 =	vadd.f32 v58, v1  }
0x10d: {  	v59 =	vld [tilespmem:s9+$0x14F0]  }
0x10e: {  	v60 =	vld [tilespmem:s9+$0x24F0];
	s13 =	sor.u32 $0x1470, s10;
	[tilespmem:s9+$0x9470] =	vst v7  }
0x10f: {  	v7 =	vld [tilespmem:s13+$0x1000]  }
0x110: {  	[tilespmem:s9+$0x94D0] =	vst v6;
	v3 =	vadd.f32 v3, v0  }
0x111: {  	[tilespmem:s9+$0xA4D0] =	vst v5;
	v61 =	vadd.f32 v4, v0  }
0x112: {  	p1 =	sne.s32 s18, $0x3F;
	[tilespmem:s9+$0x94E0] =	vst v3;
	v62 =	vadd.f32 v59, v2  }
.Ltmp3:
0x113: {  	[tilespmem:s9+$0xA4E0] =	vst v61;
	v63 =	vadd.f32 v60, v2;
	(pc) =	sbr.rel @p1 .LBB2_6-.Ltmp3, $4  }
0x114: {  	s21 =	sor.u32 s4, s6;
	[tilespmem:s9+$0x94F0] =	vst v62;
	v1 =	vadd.f32 v7, v1  }
0x115: {  	s24 =	sshrl.u32 s21, $0x3;
	[tilespmem:s9+$0xA4F0] =	vst v63  }
0x116: {  	s23 =	simm.s32 $0x9000;
	s22 =	sadd.s32 s26, s24;
	[tilespmem:s13+$0x9000] =	vst v1  }
0x117: {  	[hbm4b:s22+s20] =	stream.strided.scatter [tilespmem:s23], [sflag:$0x5], $0x2000, s19, s20, $0x38;
	[tilespmem:$0x11000] =	vst v63  }
.Ltmp4:
0x118: {  	(pc) =	sbr.rel .LBB2_7-.Ltmp4, $4  }
0x119: {  	_ = 	snop  }
0x11a: {  	_ =	swait.ge [sflag:s28], $0x2000  }
0x11b: {  	[sflag:s28] =	ssyncset.done $0x0  }
0x11c: {  	[sflag:s28] =	ssyncadd.s32 $0xFFFFE000  }
.LBB2_6:
0x11d: {  	s3 =	rddreg [dreg:$0x9]  }
0x11e: {  	s3 =	sadd.s32 s3, s6  }
0x11f: {  	s3 =	sshrl.u32 s3, $0x3  }
.Ltmp5:
0x120: {  	s3 =	sadd.s32 s1, s3;
	(pc) =	sbr.rel @p0 .LBB2_8-.Ltmp5, $4  }
0x121: {  	[tilespmem:s20], [sflag:$0x1] =	stream.strided.gather [hbm4b:s3+s20], $0x2000, s19, s20, $0x38;
	[tilespmem:$0x11000] =	vst v63  }
0x122: {  	_ =	swait.ge [sflag:s28], $0x2000  }
0x123: {  	[sflag:s28] =	ssyncset.done $0x0  }
0x124: {  	[sflag:s28] =	ssyncadd.s32 $0xFFFFE000  }
.LBB2_7:
0x125: {  	_ =	swait.ge [sflag:s29], $0x2000  }
0x126: {  	[sflag:s29] =	ssyncset.done $0x0  }
0x127: {  	[sflag:s29] =	ssyncadd.s32 $0xFFFFE000  }
.LBB2_8:
0x128: {  	s3 =	simm.s32 $0x0  }
0x129: {  	s9 =	sand.u32 $0x800, s3;
	s10 =	sand.u32 $0x300, s3  }
0x12a: {  	s9 =	sor.u32 s10, s9  }
0x12b: {  	v0 =	vld [tilespmem:s9+$0x0]  }
0x12c: {  	v1 =	vld [tilespmem:s9+$0x3000]  }
0x12d: {  	v2 =	vld [tilespmem:s9+$0x4000]  }
0x12e: {  	v3 =	vld [tilespmem:s9+$0x10]  }
0x12f: {  	v4 =	vld [tilespmem:s9+$0x3010]  }
0x130: {  	v5 =	vld [tilespmem:s9+$0x4010]  }
0x131: {  	v6 =	vld [tilespmem:s9+$0x20]  }
0x132: {  	v7 =	vld [tilespmem:s9+$0x3020]  }
0x133: {  	v8 =	vld [tilespmem:s9+$0x4020]  }
0x134: {  	v9 =	vld [tilespmem:s9+$0x30]  }
0x135: {  	v10 =	vld [tilespmem:s9+$0x3030]  }
0x136: {  	v11 =	vld [tilespmem:s9+$0x4030]  }
0x137: {  	v12 =	vld [tilespmem:s9+$0x40]  }
0x138: {  	v13 =	vld [tilespmem:s9+$0x3040];
	v1 =	vadd.f32 v1, v0  }
0x139: {  	v62 =	vld [tilespmem:s9+$0x4080];
	v0 =	vadd.f32 v2, v0;
	v2 =	vadd.f32 v4, v3  }
0x13a: {  	v3 =	vadd.f32 v5, v3;
	v4 =	vadd.f32 v7, v6;
	v5 =	vld [tilespmem:s9+$0x3060];
	[tilespmem:s9+$0xB000] =	vst v1  }
0x13b: {  	v7 =	vld [tilespmem:s9+$0x4060];
	[tilespmem:s9+$0xC000] =	vst v0  }
0x13c: {  	v1 =	vld [tilespmem:s9+$0x50];
	[tilespmem:s9+$0xB020] =	vst v4;
	v4 =	vadd.f32 v8, v6  }
0x13d: {  	v0 =	vld [tilespmem:s9+$0x3050];
	[tilespmem:s9+$0xB010] =	vst v2  }
0x13e: {  	v2 =	vld [tilespmem:s9+$0x4050];
	[tilespmem:s9+$0xC020] =	vst v4;
	v4 =	vadd.f32 v11, v9  }
0x13f: {  	[tilespmem:s9+$0xC010] =	vst v3;
	v3 =	vld [tilespmem:s9+$0x60];
	v6 =	vadd.f32 v10, v9  }
0x140: {  	v8 =	vld [tilespmem:s9+$0x80];
	[tilespmem:s9+$0xC030] =	vst v4;
	v4 =	vadd.f32 v13, v12  }
0x141: {  	[tilespmem:s9+$0xB030] =	vst v6;
	v6 =	vld [tilespmem:s9+$0x70]  }
0x142: {  	v0 =	vadd.f32 v0, v1;
	[tilespmem:s9+$0xB040] =	vst v4;
	v4 =	vld [tilespmem:s9+$0x3080]  }
0x143: {  	v1 =	vadd.f32 v2, v1;
	v2 =	vld [tilespmem:s9+$0x4070]  }
0x144: {  	v61 =	vld [tilespmem:s9+$0x3070];
	[tilespmem:s9+$0xB050] =	vst v0;
	v0 =	vadd.f32 v5, v3  }
0x145: {  	v14 =	vld [tilespmem:s9+$0x4040];
	[tilespmem:s9+$0xC050] =	vst v1;
	v5 =	vadd.f32 v62, v8  }
0x146: {  	v1 =	vld [tilespmem:s9+$0x90];
	[tilespmem:s9+$0xB060] =	vst v0;
	v0 =	vadd.f32 v7, v3  }
0x147: {  	v3 =	vld [tilespmem:s9+$0x3090];
	[tilespmem:s9+$0xC080] =	vst v5;
	v4 =	vadd.f32 v4, v8  }
0x148: {  	v5 =	vld [tilespmem:s9+$0x400];
	v2 =	vadd.f32 v2, v6;
	[tilespmem:s9+$0xC060] =	vst v0  }
0x149: {  	v0 =	vld [tilespmem:s9+$0x4090];
	[tilespmem:s9+$0xB080] =	vst v4;
	v4 =	vadd.f32 v61, v6  }
0x14a: {  	s3 =	sand.u32 $0xFFFFF800, s3;
	v60 =	vadd.f32 v14, v12;
	[tilespmem:s9+$0xC070] =	vst v2;
	v2 =	vld [tilespmem:s9+$0x30A0]  }
0x14b: {  	s10 =	sadd.s32 $0x0, s3;
	[tilespmem:s9+$0xB070] =	vst v4;
	v4 =	vld [tilespmem:s9+$0xA0]  }
0x14c: {  	s3 =	sor.u32 $0x2400, s10;
	[tilespmem:s9+$0xC040] =	vst v60;
	v6 =	vld [tilespmem:s9+$0x40A0]  }
0x14d: {  	v7 =	vld [tilespmem:s3+$0x1000]  }
0x14e: {  	v0 =	vadd.f32 v0, v1  }
0x14f: {  	v3 =	vadd.f32 v3, v1  }
0x150: {  	v1 =	vld [tilespmem:s9+$0xB0];
	[tilespmem:s9+$0xC090] =	vst v0;
	v0 =	vadd.f32 v2, v4  }
0x151: {  	[tilespmem:s9+$0xB090] =	vst v3;
	v2 =	vld [tilespmem:s9+$0x30B0];
	v3 =	vadd.f32 v6, v4  }
0x152: {  	v4 =	vadd.f32 v7, v5;
	[tilespmem:s9+$0xB0A0] =	vst v0;
	v0 =	vld [tilespmem:s9+$0x40B0]  }
0x153: {  	[tilespmem:s9+$0xC0A0] =	vst v3;
	v3 =	vld [tilespmem:s9+$0xC0]  }
0x154: {  	s12 =	sor.u32 $0x3400, s10;
	[tilespmem:s3+$0x9000] =	vst v4;
	v4 =	vld [tilespmem:s9+$0x30C0]  }
0x155: {  	v6 =	vld [tilespmem:s12+$0x1000]  }
0x156: {  	v7 =	vld [tilespmem:s9+$0x40C0]  }
0x157: {  	v0 =	vadd.f32 v0, v1  }
0x158: {  	v2 =	vadd.f32 v2, v1  }
0x159: {  	v1 =	vld [tilespmem:s9+$0xD0];
	[tilespmem:s9+$0xC0B0] =	vst v0;
	v0 =	vadd.f32 v4, v3  }
0x15a: {  	[tilespmem:s9+$0xB0B0] =	vst v2;
	v2 =	vadd.f32 v6, v5;
	v4 =	vld [tilespmem:s9+$0x30D0]  }
0x15b: {  	v3 =	vadd.f32 v7, v3;
	v5 =	vld [tilespmem:s9+$0x30E0];
	[tilespmem:s9+$0xB0C0] =	vst v0  }
0x15c: {  	[tilespmem:s12+$0x9000] =	vst v2;
	v0 =	vld [tilespmem:s9+$0x40D0]  }
0x15d: {  	[tilespmem:s9+$0xC0C0] =	vst v3;
	v3 =	vld [tilespmem:s9+$0xE0]  }
0x15e: {  	s13 =	sor.u32 $0x2410, s10;
	v2 =	vld [tilespmem:s9+$0x410]  }
0x15f: {  	v6 =	vld [tilespmem:s13+$0x1000];
	_ =	sdelay $0x1  }
0x160: {  	v0 =	vadd.f32 v0, v1  }
0x161: {  	v4 =	vadd.f32 v4, v1  }
0x162: {  	v1 =	vld [tilespmem:s9+$0x40E0];
	[tilespmem:s9+$0xC0D0] =	vst v0;
	v0 =	vadd.f32 v5, v3  }
0x163: {  	[tilespmem:s9+$0xB0D0] =	vst v4;
	v4 =	vld [tilespmem:s9+$0xF0];
	v5 =	vadd.f32 v6, v2  }
0x164: {  	v6 =	vld [tilespmem:s9+$0x30F0];
	[tilespmem:s9+$0xB0E0] =	vst v0  }
0x165: {  	s21 =	sor.u32 $0x3410, s10;
	[tilespmem:s13+$0x9000] =	vst v5;
	v0 =	vld [tilespmem:s9+$0x40F0]  }
0x166: {  	v5 =	vld [tilespmem:s21+$0x1000]  }
0x167: {  	v7 =	vld [tilespmem:s9+$0x3480];
	v1 =	vadd.f32 v1, v3  }
0x168: {  	v3 =	vld [tilespmem:s9+$0x480]  }
0x169: {  	[tilespmem:s9+$0xC0E0] =	vst v1;
	v1 =	vadd.f32 v6, v4  }
0x16a: {  	v6 =	vld [tilespmem:s9+$0x4480];
	v0 =	vadd.f32 v0, v4  }
0x16b: {  	[tilespmem:s9+$0xB0F0] =	vst v1;
	v1 =	vadd.f32 v5, v2  }
0x16c: {  	v2 =	vld [tilespmem:s9+$0x490];
	[tilespmem:s9+$0xC0F0] =	vst v0  }
0x16d: {  	v0 =	vadd.f32 v7, v3;
	[tilespmem:s21+$0x9000] =	vst v1;
	v1 =	vld [tilespmem:s9+$0x3490]  }
0x16e: {  	v4 =	vld [tilespmem:s9+$0x420]  }
0x16f: {  	s22 =	sor.u32 $0x2420, s10;
	[tilespmem:s9+$0xB480] =	vst v0;
	v0 =	vadd.f32 v6, v3;
	v3 =	vld [tilespmem:s9+$0x4490]  }
0x170: {  	v6 =	vld [tilespmem:s22+$0x1000];
	_ =	sdelay $0x2  }
0x171: {  	v5 =	vld [tilespmem:s9+$0x4A0]  }
0x172: {  	[tilespmem:s9+$0xC480] =	vst v0;
	v0 =	vld [tilespmem:s9+$0x34A0];
	v1 =	vadd.f32 v1, v2  }
0x173: {  	v7 =	vld [tilespmem:s9+$0x44A0];
	v2 =	vadd.f32 v3, v2;
	v3 =	vadd.f32 v6, v4  }
0x174: {  	v8 =	vld [tilespmem:s9+$0x4B0];
	[tilespmem:s9+$0xB490] =	vst v1  }
0x175: {  	s23 =	sor.u32 $0x3420, s10;
	v1 =	vld [tilespmem:s9+$0x34B0];
	[tilespmem:s22+$0x9000] =	vst v3  }
0x176: {  	v6 =	vld [tilespmem:s23+$0x1000]  }
0x177: {  	[tilespmem:s9+$0xC490] =	vst v2;
	v0 =	vadd.f32 v0, v5;
	v2 =	vld [tilespmem:s9+$0x44B0]  }
0x178: {  	v3 =	vld [tilespmem:s9+$0x4C0];
	v5 =	vadd.f32 v7, v5  }
0x179: {  	[tilespmem:s9+$0xB4A0] =	vst v0;
	v0 =	vld [tilespmem:s9+$0x34C0]  }
0x17a: {  	[tilespmem:s9+$0xC4A0] =	vst v5;
	v5 =	vld [tilespmem:s9+$0x44C0]  }
0x17b: {  	v4 =	vadd.f32 v6, v4  }
0x17c: {  	v63 =	vld [tilespmem:s9+$0x4D0];
	v2 =	vadd.f32 v2, v8  }
0x17d: {  	v7 =	vld [tilespmem:s9+$0x34D0];
	v1 =	vadd.f32 v1, v8;
	[tilespmem:s23+$0x9000] =	vst v4  }
0x17e: {  	s11 =	sor.u32 $0x2430, s10;
	[tilespmem:s9+$0xC4B0] =	vst v2;
	v2 =	vld [tilespmem:s9+$0x430]  }
0x17f: {  	[tilespmem:s9+$0xB4B0] =	vst v1;
	v0 =	vadd.f32 v0, v3;
	v1 =	vadd.f32 v5, v3;
	v5 =	vld [tilespmem:s11+$0x1000]  }
0x180: {  	v6 =	vld [tilespmem:s9+$0x44D0]  }
0x181: {  	v4 =	vld [tilespmem:s9+$0x34E0];
	[tilespmem:s9+$0xB4C0] =	vst v0  }
0x182: {  	v0 =	vld [tilespmem:s9+$0x4E0];
	[tilespmem:s9+$0xC4C0] =	vst v1;
	v1 =	vadd.f32 v7, v63  }
0x183: {  	v3 =	vld [tilespmem:s9+$0x44E0]  }
0x184: {  	[tilespmem:s9+$0xB4D0] =	vst v1;
	v1 =	vld [tilespmem:s9+$0x4F0];
	v7 =	vadd.f32 v5, v2  }
0x185: {  	s3 =	simm.s32 $0x200;
	s21 =	simm.s32 $0x0;
	s22 =	simm.s32 $0x100;
	v6 =	vadd.f32 v6, v63;
	v5 =	vld [tilespmem:s9+$0x34F0]  }
.LBB2_9:
0x186: {  	s12 =	sand.u32 $0x800, s3;
	s13 =	sand.u32 $0x300, s22;
	[tilespmem:s11+$0x9000] =	vst v7;
	s23 =	sor.u32 $0x3430, s10;
	v7 =	vld [tilespmem:s9+$0x44F0]  }
0x187: {  	s11 =	sor.u32 s13, s12;
	v8 =	vld [tilespmem:s23+$0x1000];
	[tilespmem:s9+$0xC4D0] =	vst v6;
	v4 =	vadd.f32 v4, v0  }
0x188: {  	v6 =	vld [tilespmem:s11+$0x0];
	v0 =	vadd.f32 v3, v0  }
0x189: {  	v3 =	vld [tilespmem:s11+$0x3000];
	[tilespmem:s9+$0xB4E0] =	vst v4  }
0x18a: {  	v4 =	vld [tilespmem:s11+$0x4000];
	[tilespmem:s9+$0xC4E0] =	vst v0;
	v0 =	vadd.f32 v5, v1  }
0x18b: {  	v5 =	vld [tilespmem:s11+$0x10];
	v1 =	vadd.f32 v7, v1  }
0x18c: {  	v7 =	vld [tilespmem:s11+$0x3010];
	v2 =	vadd.f32 v8, v2;
	[tilespmem:s9+$0xB4F0] =	vst v0  }
0x18d: {  	v0 =	vld [tilespmem:s11+$0x4010];
	[tilespmem:s9+$0xC4F0] =	vst v1  }
0x18e: {  	v1 =	vld [tilespmem:s11+$0x20];
	[tilespmem:s23+$0x9000] =	vst v2  }
0x18f: {  	s12 =	sor.u32 $0x2440, s10;
	v2 =	vld [tilespmem:s9+$0x440]  }
0x190: {  	v8 =	vld [tilespmem:s12+$0x1000]  }
0x191: {  	v9 =	vld [tilespmem:s11+$0x3020]  }
0x192: {  	v10 =	vld [tilespmem:s11+$0x4020]  }
0x193: {  	v11 =	vld [tilespmem:s11+$0x30]  }
0x194: {  	v12 =	vld [tilespmem:s11+$0x3030]  }
0x195: {  	v13 =	vld [tilespmem:s11+$0x4030];
	v8 =	vadd.f32 v8, v2  }
0x196: {  	v14 =	vld [tilespmem:s11+$0x40]  }
0x197: {  	v15 =	vld [tilespmem:s11+$0x3040];
	[tilespmem:s12+$0x9000] =	vst v8;
	s12 =	sor.u32 $0x3440, s10  }
0x198: {  	v3 =	vadd.f32 v3, v6;
	v8 =	vld [tilespmem:s12+$0x1000]  }
0x199: {  	v4 =	vadd.f32 v4, v6;
	v6 =	vld [tilespmem:s11+$0x4040]  }
0x19a: {  	[tilespmem:s11+$0xB000] =	vst v3;
	v3 =	vadd.f32 v7, v5;
	v7 =	vld [tilespmem:s11+$0x50]  }
0x19b: {  	v0 =	vadd.f32 v0, v5;
	[tilespmem:s11+$0xC000] =	vst v4;
	v4 =	vld [tilespmem:s11+$0x3050]  }
0x19c: {  	[tilespmem:s11+$0xB010] =	vst v3;
	v3 =	vadd.f32 v9, v1;
	v5 =	vld [tilespmem:s11+$0x4050]  }
0x19d: {  	[tilespmem:s11+$0xC010] =	vst v0;
	v0 =	vld [tilespmem:s11+$0x60];
	v2 =	vadd.f32 v8, v2  }
0x19e: {  	v1 =	vadd.f32 v10, v1;
	[tilespmem:s11+$0xB020] =	vst v3;
	v3 =	vld [tilespmem:s11+$0x3060]  }
0x19f: {  	v8 =	vadd.f32 v12, v11;
	v9 =	vld [tilespmem:s11+$0x4060];
	[tilespmem:s12+$0x9000] =	vst v2  }
0x1a0: {  	s12 =	sor.u32 $0x2450, s10;
	[tilespmem:s11+$0xC020] =	vst v1;
	v1 =	vadd.f32 v13, v11;
	v2 =	vld [tilespmem:s9+$0x450]  }
0x1a1: {  	[tilespmem:s11+$0xB030] =	vst v8;
	v8 =	vadd.f32 v15, v14;
	v10 =	vld [tilespmem:s12+$0x1000]  }
0x1a2: {  	[tilespmem:s11+$0xC030] =	vst v1;
	v1 =	vadd.f32 v6, v14;
	v6 =	vld [tilespmem:s11+$0x70]  }
0x1a3: {  	v4 =	vadd.f32 v4, v7;
	[tilespmem:s11+$0xB040] =	vst v8;
	v8 =	vld [tilespmem:s11+$0x3070]  }
0x1a4: {  	[tilespmem:s11+$0xC040] =	vst v1;
	v1 =	vadd.f32 v5, v7;
	v5 =	vld [tilespmem:s11+$0x4070]  }
0x1a5: {  	v3 =	vadd.f32 v3, v0;
	[tilespmem:s11+$0xB050] =	vst v4;
	v4 =	vld [tilespmem:s11+$0x80]  }
0x1a6: {  	[tilespmem:s11+$0xC050] =	vst v1;
	v1 =	vld [tilespmem:s11+$0x3080];
	v7 =	vadd.f32 v10, v2  }
0x1a7: {  	v0 =	vadd.f32 v9, v0;
	[tilespmem:s11+$0xB060] =	vst v3;
	v3 =	vld [tilespmem:s11+$0x4080]  }
0x1a8: {  	s13 =	sor.u32 $0x3450, s10;
	v8 =	vadd.f32 v8, v6;
	v9 =	vld [tilespmem:s11+$0x90];
	[tilespmem:s12+$0x9000] =	vst v7  }
0x1a9: {  	s21 =	sadd.s32 $0x2, s21;
	s12 =	sand.u32 $0xFFFFF800, s3;
	[tilespmem:s11+$0xC060] =	vst v0;
	v0 =	vadd.f32 v5, v6;
	v5 =	vld [tilespmem:s13+$0x1000]  }
0x1aa: {  	p2 =	slt.u32 s21, $0xE;
	s12 =	sadd.s32 s12, s22;
	[tilespmem:s11+$0xB070] =	vst v8;
	v6 =	vld [tilespmem:s11+$0x3090]  }
0x1ab: {  	s23 =	sor.u32 $0x2400, s12;
	[tilespmem:s11+$0xC070] =	vst v0;
	v0 =	vld [tilespmem:s11+$0x400];
	v1 =	vadd.f32 v1, v4  }
0x1ac: {  	v7 =	vld [tilespmem:s23+$0x1000];
	v3 =	vadd.f32 v3, v4  }
0x1ad: {  	[tilespmem:s11+$0xB080] =	vst v1;
	v1 =	vld [tilespmem:s11+$0x4090]  }
0x1ae: {  	[tilespmem:s11+$0xC080] =	vst v3;
	v3 =	vld [tilespmem:s11+$0xA0];
	v2 =	vadd.f32 v5, v2  }
0x1af: {  	v4 =	vadd.f32 v6, v9;
	v5 =	vld [tilespmem:s11+$0x30A0]  }
0x1b0: {  	v6 =	vld [tilespmem:s11+$0x40A0];
	[tilespmem:s13+$0x9000] =	vst v2  }
0x1b1: {  	s13 =	sor.u32 $0x2460, s10;
	v2 =	vadd.f32 v7, v0;
	[tilespmem:s11+$0xB090] =	vst v4;
	v4 =	vld [tilespmem:s9+$0x460]  }
0x1b2: {  	v1 =	vadd.f32 v1, v9;
	v7 =	vld [tilespmem:s13+$0x1000]  }
0x1b3: {  	[tilespmem:s23+$0x9000] =	vst v2;
	s23 =	sor.u32 $0x3400, s12;
	v2 =	vld [tilespmem:s11+$0xB0]  }
0x1b4: {  	v8 =	vld [tilespmem:s23+$0x1000];
	[tilespmem:s11+$0xC090] =	vst v1;
	v1 =	vadd.f32 v5, v3  }
0x1b5: {  	v3 =	vadd.f32 v6, v3;
	v5 =	vld [tilespmem:s11+$0x30B0]  }
0x1b6: {  	[tilespmem:s11+$0xB0A0] =	vst v1;
	v1 =	vld [tilespmem:s11+$0x40B0]  }
0x1b7: {  	[tilespmem:s11+$0xC0A0] =	vst v3;
	v3 =	vld [tilespmem:s11+$0xC0];
	v6 =	vadd.f32 v7, v4  }
0x1b8: {  	v7 =	vld [tilespmem:s11+$0x30C0]  }
0x1b9: {  	v0 =	vadd.f32 v8, v0;
	v8 =	vld [tilespmem:s11+$0x40C0];
	[tilespmem:s13+$0x9000] =	vst v6;
	s13 =	sor.u32 $0x3460, s10  }
0x1ba: {  	v5 =	vadd.f32 v5, v2;
	v6 =	vld [tilespmem:s13+$0x1000]  }
0x1bb: {  	[tilespmem:s23+$0x9000] =	vst v0;
	v0 =	vadd.f32 v1, v2;
	v1 =	vld [tilespmem:s11+$0xD0]  }
0x1bc: {  	s23 =	sor.u32 $0x2410, s12;
	v2 =	vld [tilespmem:s11+$0x410];
	[tilespmem:s11+$0xB0B0] =	vst v5  }
0x1bd: {  	v5 =	vld [tilespmem:s23+$0x1000];
	[tilespmem:s11+$0xC0B0] =	vst v0;
	v0 =	vadd.f32 v7, v3  }
0x1be: {  	v3 =	vadd.f32 v8, v3;
	v7 =	vld [tilespmem:s11+$0x30D0]  }
0x1bf: {  	[tilespmem:s11+$0xB0C0] =	vst v0;
	v0 =	vld [tilespmem:s11+$0x40D0];
	v4 =	vadd.f32 v6, v4  }
0x1c0: {  	[tilespmem:s11+$0xC0C0] =	vst v3;
	v3 =	vld [tilespmem:s11+$0xE0]  }
0x1c1: {  	v6 =	vld [tilespmem:s11+$0x30E0];
	[tilespmem:s13+$0x9000] =	vst v4  }
0x1c2: {  	s13 =	sor.u32 $0x2470, s10;
	v4 =	vadd.f32 v5, v2;
	v5 =	vld [tilespmem:s9+$0x470];
	s9 =	smov.u32 s11  }
0x1c3: {  	v7 =	vadd.f32 v7, v1;
	v8 =	vld [tilespmem:s13+$0x1000]  }
0x1c4: {  	s11 =	sor.u32 $0x3410, s12;
	[tilespmem:s23+$0x9000] =	vst v4;
	v0 =	vadd.f32 v0, v1;
	v1 =	vld [tilespmem:s9+$0x40E0]  }
0x1c5: {  	v4 =	vld [tilespmem:s11+$0x1000];
	[tilespmem:s9+$0xB0D0] =	vst v7  }
0x1c6: {  	[tilespmem:s9+$0xC0D0] =	vst v0;
	v0 =	vadd.f32 v6, v3;
	v6 =	vld [tilespmem:s9+$0xF0]  }
0x1c7: {  	v7 =	vld [tilespmem:s9+$0x30F0]  }
0x1c8: {  	[tilespmem:s9+$0xB0E0] =	vst v0;
	v0 =	vld [tilespmem:s9+$0x40F0];
	v8 =	vadd.f32 v8, v5  }
0x1c9: {  	v1 =	vadd.f32 v1, v3;
	v3 =	vld [tilespmem:s9+$0x480]  }
0x1ca: {  	v2 =	vadd.f32 v4, v2;
	v4 =	vld [tilespmem:s9+$0x3480];
	[tilespmem:s13+$0x9000] =	vst v8;
	s13 =	sor.u32 $0x3470, s10;
	s10 =	smov.u32 s12  }
0x1cb: {  	[tilespmem:s9+$0xC0E0] =	vst v1;
	v1 =	vld [tilespmem:s13+$0x1000]  }
0x1cc: {  	[tilespmem:s11+$0x9000] =	vst v2;
	v2 =	vadd.f32 v7, v6;
	v7 =	vld [tilespmem:s9+$0x4480]  }
0x1cd: {  	s11 =	sor.u32 $0x2420, s10;
	v8 =	vld [tilespmem:s9+$0x420];
	v0 =	vadd.f32 v0, v6  }
0x1ce: {  	v6 =	vld [tilespmem:s11+$0x1000];
	[tilespmem:s9+$0xB0F0] =	vst v2  }
0x1cf: {  	[tilespmem:s9+$0xC0F0] =	vst v0;
	v0 =	vadd.f32 v4, v3;
	v2 =	vld [tilespmem:s9+$0x490]  }
0x1d0: {  	v4 =	vld [tilespmem:s9+$0x3490];
	v1 =	vadd.f32 v1, v5  }
0x1d1: {  	[tilespmem:s9+$0xB480] =	vst v0;
	v0 =	vadd.f32 v7, v3;
	v3 =	vld [tilespmem:s9+$0x4490]  }
0x1d2: {  	v5 =	vld [tilespmem:s9+$0x4A0];
	[tilespmem:s13+$0x9000] =	vst v1  }
0x1d3: {  	v1 =	vadd.f32 v6, v8;
	[tilespmem:s9+$0xC480] =	vst v0;
	v0 =	vld [tilespmem:s9+$0x34A0]  }
0x1d4: {  	v6 =	vld [tilespmem:s9+$0x44A0]  }
0x1d5: {  	[tilespmem:s11+$0x9000] =	vst v1;
	s11 =	sor.u32 $0x3420, s10;
	v1 =	vadd.f32 v4, v2;
	v4 =	vld [tilespmem:s9+$0x4B0]  }
0x1d6: {  	v7 =	vld [tilespmem:s11+$0x1000];
	v2 =	vadd.f32 v3, v2  }
0x1d7: {  	[tilespmem:s9+$0xB490] =	vst v1;
	v1 =	vld [tilespmem:s9+$0x34B0]  }
0x1d8: {  	[tilespmem:s9+$0xC490] =	vst v2;
	v0 =	vadd.f32 v0, v5;
	v2 =	vld [tilespmem:s9+$0x44B0]  }
0x1d9: {  	v3 =	vadd.f32 v6, v5;
	v5 =	vld [tilespmem:s9+$0x4C0]  }
0x1da: {  	[tilespmem:s9+$0xB4A0] =	vst v0;
	v0 =	vld [tilespmem:s9+$0x34C0]  }
0x1db: {  	v6 =	vadd.f32 v7, v8;
	[tilespmem:s9+$0xC4A0] =	vst v3;
	v3 =	vld [tilespmem:s9+$0x44C0]  }
0x1dc: {  	v1 =	vadd.f32 v1, v4;
	v8 =	vld [tilespmem:s9+$0x4D0]  }
0x1dd: {  	[tilespmem:s11+$0x9000] =	vst v6;
	v4 =	vadd.f32 v2, v4;
	v6 =	vld [tilespmem:s9+$0x34D0]  }
0x1de: {  	s11 =	sor.u32 $0x2430, s10;
	v2 =	vld [tilespmem:s9+$0x430];
	[tilespmem:s9+$0xB4B0] =	vst v1  }
0x1df: {  	v1 =	vld [tilespmem:s11+$0x1000];
	[tilespmem:s9+$0xC4B0] =	vst v4;
	v0 =	vadd.f32 v0, v5  }
0x1e0: {  	v3 =	vadd.f32 v3, v5;
	v5 =	vld [tilespmem:s9+$0x44D0]  }
.Ltmp6:
0x1e1: {  	[tilespmem:s9+$0xB4C0] =	vst v0;
	v0 =	vld [tilespmem:s9+$0x4E0];
	(pc) =	sbr.rel @p2 .LBB2_9-.Ltmp6, $4  }
0x1e2: {  	[tilespmem:s9+$0xC4C0] =	vst v3;
	v6 =	vadd.f32 v6, v8;
	v4 =	vld [tilespmem:s9+$0x34E0]  }
0x1e3: {  	v3 =	vld [tilespmem:s9+$0x44E0]  }
0x1e4: {  	v7 =	vadd.f32 v1, v2;
	[tilespmem:s9+$0xB4D0] =	vst v6;
	v1 =	vld [tilespmem:s9+$0x4F0]  }
0x1e5: {  	s3 =	sadd.s32 $0x200, s3;
	s22 =	sadd.s32 $0x100, s22;
	v6 =	vadd.f32 v5, v8;
	v5 =	vld [tilespmem:s9+$0x34F0]  }
0x1e6: {  	[tilespmem:s11+$0x9000] =	vst v7;
	s3 =	sor.u32 $0x3430, s10  }
0x1e7: {  	v7 =	vld [tilespmem:s3+$0x1000];
	_ =	sdelay $0x4  }
0x1e8: {  	v2 =	vadd.f32 v7, v2;
	_ =	sdelay $0x1  }
0x1e9: {  	[tilespmem:s3+$0x9000] =	vst v2  }
0x1ea: {  	s21 =	sor.u32 $0x2440, s10;
	v2 =	vld [tilespmem:s9+$0x440]  }
0x1eb: {  	v56 =	vld [tilespmem:s21+$0x1000];
	_ =	sdelay $0x4  }
0x1ec: {  	v7 =	vadd.f32 v56, v2;
	_ =	sdelay $0x1  }
0x1ed: {  	s22 =	sor.u32 $0x3440, s10;
	[tilespmem:s21+$0x9000] =	vst v7  }
0x1ee: {  	v7 =	vld [tilespmem:s22+$0x1000];
	_ =	sdelay $0x4  }
0x1ef: {  	v2 =	vadd.f32 v7, v2;
	_ =	sdelay $0x1  }
0x1f0: {  	[tilespmem:s22+$0x9000] =	vst v2  }
0x1f1: {  	s23 =	sor.u32 $0x2450, s10;
	v2 =	vld [tilespmem:s9+$0x450]  }
0x1f2: {  	v57 =	vld [tilespmem:s23+$0x1000];
	_ =	sdelay $0x4  }
0x1f3: {  	v7 =	vadd.f32 v57, v2;
	_ =	sdelay $0x1  }
0x1f4: {  	s11 =	sor.u32 $0x3450, s10;
	[tilespmem:s23+$0x9000] =	vst v7  }
0x1f5: {  	v7 =	vld [tilespmem:s11+$0x1000];
	_ =	sdelay $0x4  }
0x1f6: {  	v2 =	vadd.f32 v7, v2;
	_ =	sdelay $0x1  }
0x1f7: {  	[tilespmem:s11+$0x9000] =	vst v2  }
0x1f8: {  	s12 =	sor.u32 $0x2460, s10;
	v2 =	vld [tilespmem:s9+$0x460]  }
0x1f9: {  	v58 =	vld [tilespmem:s12+$0x1000];
	_ =	sdelay $0x4  }
0x1fa: {  	v7 =	vadd.f32 v58, v2;
	_ =	sdelay $0x1  }
0x1fb: {  	s13 =	sor.u32 $0x3460, s10;
	[tilespmem:s12+$0x9000] =	vst v7  }
0x1fc: {  	v7 =	vld [tilespmem:s13+$0x1000];
	_ =	sdelay $0x4  }
0x1fd: {  	v2 =	vadd.f32 v7, v2;
	_ =	sdelay $0x1  }
0x1fe: {  	[tilespmem:s13+$0x9000] =	vst v2  }
0x1ff: {  	s21 =	sor.u32 $0x2470, s10;
	v2 =	vld [tilespmem:s9+$0x470]  }
0x200: {  	v59 =	vld [tilespmem:s21+$0x1000];
	_ =	sdelay $0x4  }
0x201: {  	v7 =	vadd.f32 v59, v2;
	_ =	sdelay $0x1  }
0x202: {  	v8 =	vld [tilespmem:s9+$0x44F0];
	s22 =	sor.u32 $0x3470, s10;
	[tilespmem:s21+$0x9000] =	vst v7  }
0x203: {  	v7 =	vld [tilespmem:s22+$0x1000]  }
0x204: {  	v4 =	vadd.f32 v4, v0  }
0x205: {  	[tilespmem:s9+$0xC4D0] =	vst v6;
	v60 =	vadd.f32 v3, v0  }
0x206: {  	[tilespmem:s9+$0xB4E0] =	vst v4;
	v61 =	vadd.f32 v5, v1  }
.Ltmp7:
0x207: {  	[tilespmem:s9+$0xC4E0] =	vst v60;
	v62 =	vadd.f32 v8, v1;
	(pc) =	sbr.rel @p1 .LBB2_12-.Ltmp7, $4  }
0x208: {  	[tilespmem:s9+$0xB4F0] =	vst v61;
	v63 =	vadd.f32 v7, v2  }
0x209: {  	[tilespmem:s9+$0xC4F0] =	vst v62  }
0x20a: {  	s23 =	sadd.s32 s24, s15;
	[tilespmem:s22+$0x9000] =	vst v63  }
0x20b: {  	[hbm4b:s23+s20] =	stream.strided.scatter [tilespmem:s30], [sflag:$0x6], $0x2000, s19, s20, $0x38;
	[tilespmem:$0x11000] =	vst v63  }
.Ltmp8:
0x20c: {  	(pc) =	sbr.rel .LBB2_13-.Ltmp8, $4  }
0x20d: {  	_ = 	snop  }
0x20e: {  	_ =	swait.ge [sflag:s31], $0x2000  }
0x20f: {  	[sflag:s31] =	ssyncset.done $0x0  }
0x210: {  	[sflag:s31] =	ssyncadd.s32 $0xFFFFE000  }
.LBB2_12:
0x211: {  	s3 =	rddreg [dreg:$0xa]  }
0x212: {  	s3 =	sadd.s32 s3, s6  }
0x213: {  	s3 =	sshrl.u32 s3, $0x3  }
.Ltmp9:
0x214: {  	s9 =	simm.s32 $0x3000;
	s3 =	sadd.s32 s1, s3;
	(pc) =	sbr.rel @p0 .LBB2_14-.Ltmp9, $4  }
0x215: {  	[tilespmem:s9], [sflag:$0x2] =	stream.strided.gather [hbm4b:s3+s20], $0x2000, s19, s20, $0x38;
	[tilespmem:$0x11000] =	vst v63  }
0x216: {  	_ =	swait.ge [sflag:s31], $0x2000  }
0x217: {  	[sflag:s31] =	ssyncset.done $0x0  }
0x218: {  	[sflag:s31] =	ssyncadd.s32 $0xFFFFE000  }
.LBB2_13:
0x219: {  	_ =	swait.ge [sflag:s2], $0x2000  }
0x21a: {  	[sflag:s2] =	ssyncset.done $0x0  }
0x21b: {  	[sflag:s2] =	ssyncadd.s32 $0xFFFFE000  }
.LBB2_14:
0x21c: {  	s3 =	simm.s32 $0x0  }
0x21d: {  	s9 =	sand.u32 $0x800, s3;
	s10 =	sand.u32 $0x300, s3  }
0x21e: {  	s9 =	sor.u32 s10, s9  }
0x21f: {  	v0 =	vld [tilespmem:s9+$0x0]  }
0x220: {  	v1 =	vld [tilespmem:s9+$0x5000]  }
0x221: {  	v2 =	vld [tilespmem:s9+$0x6000]  }
0x222: {  	v3 =	vld [tilespmem:s9+$0x10]  }
0x223: {  	v4 =	vld [tilespmem:s9+$0x5010]  }
0x224: {  	v5 =	vld [tilespmem:s9+$0x6010]  }
0x225: {  	v6 =	vld [tilespmem:s9+$0x20]  }
0x226: {  	v7 =	vld [tilespmem:s9+$0x5020]  }
0x227: {  	v8 =	vld [tilespmem:s9+$0x6020]  }
0x228: {  	v9 =	vld [tilespmem:s9+$0x30]  }
0x229: {  	v10 =	vld [tilespmem:s9+$0x5030]  }
0x22a: {  	v11 =	vld [tilespmem:s9+$0x6030]  }
0x22b: {  	v12 =	vld [tilespmem:s9+$0x40]  }
0x22c: {  	v13 =	vld [tilespmem:s9+$0x5040];
	v1 =	vadd.f32 v1, v0  }
0x22d: {  	v62 =	vld [tilespmem:s9+$0x6080];
	v0 =	vadd.f32 v2, v0;
	v2 =	vadd.f32 v4, v3  }
0x22e: {  	v3 =	vadd.f32 v5, v3;
	v4 =	vadd.f32 v7, v6;
	v5 =	vld [tilespmem:s9+$0x5060];
	[tilespmem:s9+$0xD000] =	vst v1  }
0x22f: {  	v7 =	vld [tilespmem:s9+$0x6060];
	[tilespmem:s9+$0xE000] =	vst v0  }
0x230: {  	v1 =	vld [tilespmem:s9+$0x50];
	[tilespmem:s9+$0xD020] =	vst v4;
	v4 =	vadd.f32 v8, v6  }
0x231: {  	v0 =	vld [tilespmem:s9+$0x5050];
	[tilespmem:s9+$0xD010] =	vst v2  }
0x232: {  	v2 =	vld [tilespmem:s9+$0x6050];
	[tilespmem:s9+$0xE020] =	vst v4;
	v4 =	vadd.f32 v11, v9  }
0x233: {  	[tilespmem:s9+$0xE010] =	vst v3;
	v3 =	vld [tilespmem:s9+$0x60];
	v6 =	vadd.f32 v10, v9  }
0x234: {  	v8 =	vld [tilespmem:s9+$0x80];
	[tilespmem:s9+$0xE030] =	vst v4;
	v4 =	vadd.f32 v13, v12  }
0x235: {  	[tilespmem:s9+$0xD030] =	vst v6;
	v6 =	vld [tilespmem:s9+$0x70]  }
0x236: {  	v0 =	vadd.f32 v0, v1;
	[tilespmem:s9+$0xD040] =	vst v4;
	v4 =	vld [tilespmem:s9+$0x5080]  }
0x237: {  	v1 =	vadd.f32 v2, v1;
	v2 =	vld [tilespmem:s9+$0x6070]  }
0x238: {  	v61 =	vld [tilespmem:s9+$0x5070];
	[tilespmem:s9+$0xD050] =	vst v0;
	v0 =	vadd.f32 v5, v3  }
0x239: {  	v14 =	vld [tilespmem:s9+$0x6040];
	[tilespmem:s9+$0xE050] =	vst v1;
	v5 =	vadd.f32 v62, v8  }
0x23a: {  	v1 =	vld [tilespmem:s9+$0x90];
	[tilespmem:s9+$0xD060] =	vst v0;
	v0 =	vadd.f32 v7, v3  }
0x23b: {  	v3 =	vld [tilespmem:s9+$0x5090];
	[tilespmem:s9+$0xE080] =	vst v5;
	v4 =	vadd.f32 v4, v8  }
0x23c: {  	v5 =	vld [tilespmem:s9+$0x400];
	v2 =	vadd.f32 v2, v6;
	[tilespmem:s9+$0xE060] =	vst v0  }
0x23d: {  	v0 =	vld [tilespmem:s9+$0x6090];
	[tilespmem:s9+$0xD080] =	vst v4;
	v4 =	vadd.f32 v61, v6  }
0x23e: {  	s3 =	sand.u32 $0xFFFFF800, s3;
	v60 =	vadd.f32 v14, v12;
	[tilespmem:s9+$0xE070] =	vst v2;
	v2 =	vld [tilespmem:s9+$0x50A0]  }
0x23f: {  	s10 =	sadd.s32 $0x0, s3;
	[tilespmem:s9+$0xD070] =	vst v4;
	v4 =	vld [tilespmem:s9+$0xA0]  }
0x240: {  	s3 =	sor.u32 $0x4400, s10;
	[tilespmem:s9+$0xE040] =	vst v60;
	v6 =	vld [tilespmem:s9+$0x60A0]  }
0x241: {  	v7 =	vld [tilespmem:s3+$0x1000]  }
0x242: {  	v0 =	vadd.f32 v0, v1  }
0x243: {  	v3 =	vadd.f32 v3, v1  }
0x244: {  	v1 =	vld [tilespmem:s9+$0xB0];
	[tilespmem:s9+$0xE090] =	vst v0;
	v0 =	vadd.f32 v2, v4  }
0x245: {  	[tilespmem:s9+$0xD090] =	vst v3;
	v2 =	vld [tilespmem:s9+$0x50B0];
	v3 =	vadd.f32 v6, v4  }
0x246: {  	v4 =	vadd.f32 v7, v5;
	[tilespmem:s9+$0xD0A0] =	vst v0;
	v0 =	vld [tilespmem:s9+$0x60B0]  }
0x247: {  	[tilespmem:s9+$0xE0A0] =	vst v3;
	v3 =	vld [tilespmem:s9+$0xC0]  }
0x248: {  	s12 =	sor.u32 $0x5400, s10;
	[tilespmem:s3+$0x9000] =	vst v4;
	v4 =	vld [tilespmem:s9+$0x50C0]  }
0x249: {  	v6 =	vld [tilespmem:s12+$0x1000]  }
0x24a: {  	v7 =	vld [tilespmem:s9+$0x60C0]  }
0x24b: {  	v0 =	vadd.f32 v0, v1  }
0x24c: {  	v2 =	vadd.f32 v2, v1  }
0x24d: {  	v1 =	vld [tilespmem:s9+$0xD0];
	[tilespmem:s9+$0xE0B0] =	vst v0;
	v0 =	vadd.f32 v4, v3  }
0x24e: {  	[tilespmem:s9+$0xD0B0] =	vst v2;
	v2 =	vadd.f32 v6, v5;
	v4 =	vld [tilespmem:s9+$0x50D0]  }
0x24f: {  	v3 =	vadd.f32 v7, v3;
	v5 =	vld [tilespmem:s9+$0x50E0];
	[tilespmem:s9+$0xD0C0] =	vst v0  }
0x250: {  	[tilespmem:s12+$0x9000] =	vst v2;
	v0 =	vld [tilespmem:s9+$0x60D0]  }
0x251: {  	[tilespmem:s9+$0xE0C0] =	vst v3;
	v3 =	vld [tilespmem:s9+$0xE0]  }
0x252: {  	s13 =	sor.u32 $0x4410, s10;
	v2 =	vld [tilespmem:s9+$0x410]  }
0x253: {  	v6 =	vld [tilespmem:s13+$0x1000];
	_ =	sdelay $0x1  }
0x254: {  	v0 =	vadd.f32 v0, v1  }
0x255: {  	v4 =	vadd.f32 v4, v1  }
0x256: {  	v1 =	vld [tilespmem:s9+$0x60E0];
	[tilespmem:s9+$0xE0D0] =	vst v0;
	v0 =	vadd.f32 v5, v3  }
0x257: {  	[tilespmem:s9+$0xD0D0] =	vst v4;
	v4 =	vld [tilespmem:s9+$0xF0];
	v5 =	vadd.f32 v6, v2  }
0x258: {  	v6 =	vld [tilespmem:s9+$0x50F0];
	[tilespmem:s9+$0xD0E0] =	vst v0  }
0x259: {  	s21 =	sor.u32 $0x5410, s10;
	[tilespmem:s13+$0x9000] =	vst v5;
	v0 =	vld [tilespmem:s9+$0x60F0]  }
0x25a: {  	v5 =	vld [tilespmem:s21+$0x1000]  }
0x25b: {  	v7 =	vld [tilespmem:s9+$0x5480];
	v1 =	vadd.f32 v1, v3  }
0x25c: {  	v3 =	vld [tilespmem:s9+$0x480]  }
0x25d: {  	[tilespmem:s9+$0xE0E0] =	vst v1;
	v1 =	vadd.f32 v6, v4  }
0x25e: {  	v6 =	vld [tilespmem:s9+$0x6480];
	v0 =	vadd.f32 v0, v4  }
0x25f: {  	[tilespmem:s9+$0xD0F0] =	vst v1;
	v1 =	vadd.f32 v5, v2  }
0x260: {  	v2 =	vld [tilespmem:s9+$0x490];
	[tilespmem:s9+$0xE0F0] =	vst v0  }
0x261: {  	v0 =	vadd.f32 v7, v3;
	[tilespmem:s21+$0x9000] =	vst v1;
	v1 =	vld [tilespmem:s9+$0x5490]  }
0x262: {  	v4 =	vld [tilespmem:s9+$0x420]  }
0x263: {  	s22 =	sor.u32 $0x4420, s10;
	[tilespmem:s9+$0xD480] =	vst v0;
	v0 =	vadd.f32 v6, v3;
	v3 =	vld [tilespmem:s9+$0x6490]  }
0x264: {  	v6 =	vld [tilespmem:s22+$0x1000];
	_ =	sdelay $0x2  }
0x265: {  	v5 =	vld [tilespmem:s9+$0x4A0]  }
0x266: {  	[tilespmem:s9+$0xE480] =	vst v0;
	v0 =	vld [tilespmem:s9+$0x54A0];
	v1 =	vadd.f32 v1, v2  }
0x267: {  	v7 =	vld [tilespmem:s9+$0x64A0];
	v2 =	vadd.f32 v3, v2;
	v3 =	vadd.f32 v6, v4  }
0x268: {  	v8 =	vld [tilespmem:s9+$0x4B0];
	[tilespmem:s9+$0xD490] =	vst v1  }
0x269: {  	s23 =	sor.u32 $0x5420, s10;
	v1 =	vld [tilespmem:s9+$0x54B0];
	[tilespmem:s22+$0x9000] =	vst v3  }
0x26a: {  	v6 =	vld [tilespmem:s23+$0x1000]  }
0x26b: {  	[tilespmem:s9+$0xE490] =	vst v2;
	v0 =	vadd.f32 v0, v5;
	v2 =	vld [tilespmem:s9+$0x64B0]  }
0x26c: {  	v3 =	vld [tilespmem:s9+$0x4C0];
	v5 =	vadd.f32 v7, v5  }
0x26d: {  	[tilespmem:s9+$0xD4A0] =	vst v0;
	v0 =	vld [tilespmem:s9+$0x54C0]  }
0x26e: {  	[tilespmem:s9+$0xE4A0] =	vst v5;
	v5 =	vld [tilespmem:s9+$0x64C0]  }
0x26f: {  	v4 =	vadd.f32 v6, v4  }
0x270: {  	v63 =	vld [tilespmem:s9+$0x4D0];
	v2 =	vadd.f32 v2, v8  }
0x271: {  	v7 =	vld [tilespmem:s9+$0x54D0];
	v1 =	vadd.f32 v1, v8;
	[tilespmem:s23+$0x9000] =	vst v4  }
0x272: {  	s11 =	sor.u32 $0x4430, s10;
	[tilespmem:s9+$0xE4B0] =	vst v2;
	v2 =	vld [tilespmem:s9+$0x430]  }
0x273: {  	[tilespmem:s9+$0xD4B0] =	vst v1;
	v0 =	vadd.f32 v0, v3;
	v1 =	vadd.f32 v5, v3;
	v5 =	vld [tilespmem:s11+$0x1000]  }
0x274: {  	v6 =	vld [tilespmem:s9+$0x64D0]  }
0x275: {  	v4 =	vld [tilespmem:s9+$0x54E0];
	[tilespmem:s9+$0xD4C0] =	vst v0  }
0x276: {  	v0 =	vld [tilespmem:s9+$0x4E0];
	[tilespmem:s9+$0xE4C0] =	vst v1;
	v1 =	vadd.f32 v7, v63  }
0x277: {  	v3 =	vld [tilespmem:s9+$0x64E0]  }
0x278: {  	[tilespmem:s9+$0xD4D0] =	vst v1;
	v1 =	vld [tilespmem:s9+$0x4F0];
	v7 =	vadd.f32 v5, v2  }
0x279: {  	s3 =	simm.s32 $0x200;
	s21 =	simm.s32 $0x0;
	s22 =	simm.s32 $0x100;
	v6 =	vadd.f32 v6, v63;
	v5 =	vld [tilespmem:s9+$0x54F0]  }
.LBB2_15:
0x27a: {  	s12 =	sand.u32 $0x800, s3;
	s13 =	sand.u32 $0x300, s22;
	[tilespmem:s11+$0x9000] =	vst v7;
	s23 =	sor.u32 $0x5430, s10;
	v7 =	vld [tilespmem:s9+$0x64F0]  }
0x27b: {  	s11 =	sor.u32 s13, s12;
	v8 =	vld [tilespmem:s23+$0x1000];
	[tilespmem:s9+$0xE4D0] =	vst v6;
	v4 =	vadd.f32 v4, v0  }
0x27c: {  	v6 =	vld [tilespmem:s11+$0x0];
	v0 =	vadd.f32 v3, v0  }
0x27d: {  	v3 =	vld [tilespmem:s11+$0x5000];
	[tilespmem:s9+$0xD4E0] =	vst v4  }
0x27e: {  	v4 =	vld [tilespmem:s11+$0x6000];
	[tilespmem:s9+$0xE4E0] =	vst v0;
	v0 =	vadd.f32 v5, v1  }
0x27f: {  	v5 =	vld [tilespmem:s11+$0x10];
	v1 =	vadd.f32 v7, v1  }
0x280: {  	v7 =	vld [tilespmem:s11+$0x5010];
	v2 =	vadd.f32 v8, v2;
	[tilespmem:s9+$0xD4F0] =	vst v0  }
0x281: {  	v0 =	vld [tilespmem:s11+$0x6010];
	[tilespmem:s9+$0xE4F0] =	vst v1  }
0x282: {  	v1 =	vld [tilespmem:s11+$0x20];
	[tilespmem:s23+$0x9000] =	vst v2  }
0x283: {  	s12 =	sor.u32 $0x4440, s10;
	v2 =	vld [tilespmem:s9+$0x440]  }
0x284: {  	v8 =	vld [tilespmem:s12+$0x1000]  }
0x285: {  	v9 =	vld [tilespmem:s11+$0x5020]  }
0x286: {  	v10 =	vld [tilespmem:s11+$0x6020]  }
0x287: {  	v11 =	vld [tilespmem:s11+$0x30]  }
0x288: {  	v12 =	vld [tilespmem:s11+$0x5030]  }
0x289: {  	v13 =	vld [tilespmem:s11+$0x6030];
	v8 =	vadd.f32 v8, v2  }
0x28a: {  	v14 =	vld [tilespmem:s11+$0x40]  }
0x28b: {  	v15 =	vld [tilespmem:s11+$0x5040];
	[tilespmem:s12+$0x9000] =	vst v8;
	s12 =	sor.u32 $0x5440, s10  }
0x28c: {  	v3 =	vadd.f32 v3, v6;
	v8 =	vld [tilespmem:s12+$0x1000]  }
0x28d: {  	v4 =	vadd.f32 v4, v6;
	v6 =	vld [tilespmem:s11+$0x6040]  }
0x28e: {  	[tilespmem:s11+$0xD000] =	vst v3;
	v3 =	vadd.f32 v7, v5;
	v7 =	vld [tilespmem:s11+$0x50]  }
0x28f: {  	v0 =	vadd.f32 v0, v5;
	[tilespmem:s11+$0xE000] =	vst v4;
	v4 =	vld [tilespmem:s11+$0x5050]  }
0x290: {  	[tilespmem:s11+$0xD010] =	vst v3;
	v3 =	vadd.f32 v9, v1;
	v5 =	vld [tilespmem:s11+$0x6050]  }
0x291: {  	[tilespmem:s11+$0xE010] =	vst v0;
	v0 =	vld [tilespmem:s11+$0x60];
	v2 =	vadd.f32 v8, v2  }
0x292: {  	v1 =	vadd.f32 v10, v1;
	[tilespmem:s11+$0xD020] =	vst v3;
	v3 =	vld [tilespmem:s11+$0x5060]  }
0x293: {  	v8 =	vadd.f32 v12, v11;
	v9 =	vld [tilespmem:s11+$0x6060];
	[tilespmem:s12+$0x9000] =	vst v2  }
0x294: {  	s12 =	sor.u32 $0x4450, s10;
	[tilespmem:s11+$0xE020] =	vst v1;
	v1 =	vadd.f32 v13, v11;
	v2 =	vld [tilespmem:s9+$0x450]  }
0x295: {  	[tilespmem:s11+$0xD030] =	vst v8;
	v8 =	vadd.f32 v15, v14;
	v10 =	vld [tilespmem:s12+$0x1000]  }
0x296: {  	[tilespmem:s11+$0xE030] =	vst v1;
	v1 =	vadd.f32 v6, v14;
	v6 =	vld [tilespmem:s11+$0x70]  }
0x297: {  	v4 =	vadd.f32 v4, v7;
	[tilespmem:s11+$0xD040] =	vst v8;
	v8 =	vld [tilespmem:s11+$0x5070]  }
0x298: {  	[tilespmem:s11+$0xE040] =	vst v1;
	v1 =	vadd.f32 v5, v7;
	v5 =	vld [tilespmem:s11+$0x6070]  }
0x299: {  	v3 =	vadd.f32 v3, v0;
	[tilespmem:s11+$0xD050] =	vst v4;
	v4 =	vld [tilespmem:s11+$0x80]  }
0x29a: {  	[tilespmem:s11+$0xE050] =	vst v1;
	v1 =	vld [tilespmem:s11+$0x5080];
	v7 =	vadd.f32 v10, v2  }
0x29b: {  	v0 =	vadd.f32 v9, v0;
	[tilespmem:s11+$0xD060] =	vst v3;
	v3 =	vld [tilespmem:s11+$0x6080]  }
0x29c: {  	s13 =	sor.u32 $0x5450, s10;
	v8 =	vadd.f32 v8, v6;
	v9 =	vld [tilespmem:s11+$0x90];
	[tilespmem:s12+$0x9000] =	vst v7  }
0x29d: {  	s21 =	sadd.s32 $0x2, s21;
	s12 =	sand.u32 $0xFFFFF800, s3;
	[tilespmem:s11+$0xE060] =	vst v0;
	v0 =	vadd.f32 v5, v6;
	v5 =	vld [tilespmem:s13+$0x1000]  }
0x29e: {  	p2 =	slt.u32 s21, $0xE;
	s12 =	sadd.s32 s12, s22;
	[tilespmem:s11+$0xD070] =	vst v8;
	v6 =	vld [tilespmem:s11+$0x5090]  }
0x29f: {  	s23 =	sor.u32 $0x4400, s12;
	[tilespmem:s11+$0xE070] =	vst v0;
	v0 =	vld [tilespmem:s11+$0x400];
	v1 =	vadd.f32 v1, v4  }
0x2a0: {  	v7 =	vld [tilespmem:s23+$0x1000];
	v3 =	vadd.f32 v3, v4  }
0x2a1: {  	[tilespmem:s11+$0xD080] =	vst v1;
	v1 =	vld [tilespmem:s11+$0x6090]  }
0x2a2: {  	[tilespmem:s11+$0xE080] =	vst v3;
	v3 =	vld [tilespmem:s11+$0xA0];
	v2 =	vadd.f32 v5, v2  }
0x2a3: {  	v4 =	vadd.f32 v6, v9;
	v5 =	vld [tilespmem:s11+$0x50A0]  }
0x2a4: {  	v6 =	vld [tilespmem:s11+$0x60A0];
	[tilespmem:s13+$0x9000] =	vst v2  }
0x2a5: {  	s13 =	sor.u32 $0x4460, s10;
	v2 =	vadd.f32 v7, v0;
	[tilespmem:s11+$0xD090] =	vst v4;
	v4 =	vld [tilespmem:s9+$0x460]  }
0x2a6: {  	v1 =	vadd.f32 v1, v9;
	v7 =	vld [tilespmem:s13+$0x1000]  }
0x2a7: {  	[tilespmem:s23+$0x9000] =	vst v2;
	s23 =	sor.u32 $0x5400, s12;
	v2 =	vld [tilespmem:s11+$0xB0]  }
0x2a8: {  	v8 =	vld [tilespmem:s23+$0x1000];
	[tilespmem:s11+$0xE090] =	vst v1;
	v1 =	vadd.f32 v5, v3  }
0x2a9: {  	v3 =	vadd.f32 v6, v3;
	v5 =	vld [tilespmem:s11+$0x50B0]  }
0x2aa: {  	[tilespmem:s11+$0xD0A0] =	vst v1;
	v1 =	vld [tilespmem:s11+$0x60B0]  }
0x2ab: {  	[tilespmem:s11+$0xE0A0] =	vst v3;
	v3 =	vld [tilespmem:s11+$0xC0];
	v6 =	vadd.f32 v7, v4  }
0x2ac: {  	v7 =	vld [tilespmem:s11+$0x50C0]  }
0x2ad: {  	v0 =	vadd.f32 v8, v0;
	v8 =	vld [tilespmem:s11+$0x60C0];
	[tilespmem:s13+$0x9000] =	vst v6;
	s13 =	sor.u32 $0x5460, s10  }
0x2ae: {  	v5 =	vadd.f32 v5, v2;
	v6 =	vld [tilespmem:s13+$0x1000]  }
0x2af: {  	[tilespmem:s23+$0x9000] =	vst v0;
	v0 =	vadd.f32 v1, v2;
	v1 =	vld [tilespmem:s11+$0xD0]  }
0x2b0: {  	s23 =	sor.u32 $0x4410, s12;
	v2 =	vld [tilespmem:s11+$0x410];
	[tilespmem:s11+$0xD0B0] =	vst v5  }
0x2b1: {  	v5 =	vld [tilespmem:s23+$0x1000];
	[tilespmem:s11+$0xE0B0] =	vst v0;
	v0 =	vadd.f32 v7, v3  }
0x2b2: {  	v3 =	vadd.f32 v8, v3;
	v7 =	vld [tilespmem:s11+$0x50D0]  }
0x2b3: {  	[tilespmem:s11+$0xD0C0] =	vst v0;
	v0 =	vld [tilespmem:s11+$0x60D0];
	v4 =	vadd.f32 v6, v4  }
0x2b4: {  	[tilespmem:s11+$0xE0C0] =	vst v3;
	v3 =	vld [tilespmem:s11+$0xE0]  }
0x2b5: {  	v6 =	vld [tilespmem:s11+$0x50E0];
	[tilespmem:s13+$0x9000] =	vst v4  }
0x2b6: {  	s13 =	sor.u32 $0x4470, s10;
	v4 =	vadd.f32 v5, v2;
	v5 =	vld [tilespmem:s9+$0x470];
	s9 =	smov.u32 s11  }
0x2b7: {  	v7 =	vadd.f32 v7, v1;
	v8 =	vld [tilespmem:s13+$0x1000]  }
0x2b8: {  	s11 =	sor.u32 $0x5410, s12;
	[tilespmem:s23+$0x9000] =	vst v4;
	v0 =	vadd.f32 v0, v1;
	v1 =	vld [tilespmem:s9+$0x60E0]  }
0x2b9: {  	v4 =	vld [tilespmem:s11+$0x1000];
	[tilespmem:s9+$0xD0D0] =	vst v7  }
0x2ba: {  	[tilespmem:s9+$0xE0D0] =	vst v0;
	v0 =	vadd.f32 v6, v3;
	v6 =	vld [tilespmem:s9+$0xF0]  }
0x2bb: {  	v7 =	vld [tilespmem:s9+$0x50F0]  }
0x2bc: {  	[tilespmem:s9+$0xD0E0] =	vst v0;
	v0 =	vld [tilespmem:s9+$0x60F0];
	v8 =	vadd.f32 v8, v5  }
0x2bd: {  	v1 =	vadd.f32 v1, v3;
	v3 =	vld [tilespmem:s9+$0x480]  }
0x2be: {  	v2 =	vadd.f32 v4, v2;
	v4 =	vld [tilespmem:s9+$0x5480];
	[tilespmem:s13+$0x9000] =	vst v8;
	s13 =	sor.u32 $0x5470, s10;
	s10 =	smov.u32 s12  }
0x2bf: {  	[tilespmem:s9+$0xE0E0] =	vst v1;
	v1 =	vld [tilespmem:s13+$0x1000]  }
0x2c0: {  	[tilespmem:s11+$0x9000] =	vst v2;
	v2 =	vadd.f32 v7, v6;
	v7 =	vld [tilespmem:s9+$0x6480]  }
0x2c1: {  	s11 =	sor.u32 $0x4420, s10;
	v8 =	vld [tilespmem:s9+$0x420];
	v0 =	vadd.f32 v0, v6  }
0x2c2: {  	v6 =	vld [tilespmem:s11+$0x1000];
	[tilespmem:s9+$0xD0F0] =	vst v2  }
0x2c3: {  	[tilespmem:s9+$0xE0F0] =	vst v0;
	v0 =	vadd.f32 v4, v3;
	v2 =	vld [tilespmem:s9+$0x490]  }
0x2c4: {  	v4 =	vld [tilespmem:s9+$0x5490];
	v1 =	vadd.f32 v1, v5  }
0x2c5: {  	[tilespmem:s9+$0xD480] =	vst v0;
	v0 =	vadd.f32 v7, v3;
	v3 =	vld [tilespmem:s9+$0x6490]  }
0x2c6: {  	v5 =	vld [tilespmem:s9+$0x4A0];
	[tilespmem:s13+$0x9000] =	vst v1  }
0x2c7: {  	v1 =	vadd.f32 v6, v8;
	[tilespmem:s9+$0xE480] =	vst v0;
	v0 =	vld [tilespmem:s9+$0x54A0]  }
0x2c8: {  	v6 =	vld [tilespmem:s9+$0x64A0]  }
0x2c9: {  	[tilespmem:s11+$0x9000] =	vst v1;
	s11 =	sor.u32 $0x5420, s10;
	v1 =	vadd.f32 v4, v2;
	v4 =	vld [tilespmem:s9+$0x4B0]  }
0x2ca: {  	v7 =	vld [tilespmem:s11+$0x1000];
	v2 =	vadd.f32 v3, v2  }
0x2cb: {  	[tilespmem:s9+$0xD490] =	vst v1;
	v1 =	vld [tilespmem:s9+$0x54B0]  }
0x2cc: {  	[tilespmem:s9+$0xE490] =	vst v2;
	v0 =	vadd.f32 v0, v5;
	v2 =	vld [tilespmem:s9+$0x64B0]  }
0x2cd: {  	v3 =	vadd.f32 v6, v5;
	v5 =	vld [tilespmem:s9+$0x4C0]  }
0x2ce: {  	[tilespmem:s9+$0xD4A0] =	vst v0;
	v0 =	vld [tilespmem:s9+$0x54C0]  }
0x2cf: {  	v6 =	vadd.f32 v7, v8;
	[tilespmem:s9+$0xE4A0] =	vst v3;
	v3 =	vld [tilespmem:s9+$0x64C0]  }
0x2d0: {  	v1 =	vadd.f32 v1, v4;
	v8 =	vld [tilespmem:s9+$0x4D0]  }
0x2d1: {  	[tilespmem:s11+$0x9000] =	vst v6;
	v4 =	vadd.f32 v2, v4;
	v6 =	vld [tilespmem:s9+$0x54D0]  }
0x2d2: {  	s11 =	sor.u32 $0x4430, s10;
	v2 =	vld [tilespmem:s9+$0x430];
	[tilespmem:s9+$0xD4B0] =	vst v1  }
0x2d3: {  	v1 =	vld [tilespmem:s11+$0x1000];
	[tilespmem:s9+$0xE4B0] =	vst v4;
	v0 =	vadd.f32 v0, v5  }
0x2d4: {  	v3 =	vadd.f32 v3, v5;
	v5 =	vld [tilespmem:s9+$0x64D0]  }
.Ltmp10:
0x2d5: {  	[tilespmem:s9+$0xD4C0] =	vst v0;
	v0 =	vld [tilespmem:s9+$0x4E0];
	(pc) =	sbr.rel @p2 .LBB2_15-.Ltmp10, $4  }
0x2d6: {  	[tilespmem:s9+$0xE4C0] =	vst v3;
	v6 =	vadd.f32 v6, v8;
	v4 =	vld [tilespmem:s9+$0x54E0]  }
0x2d7: {  	v3 =	vld [tilespmem:s9+$0x64E0]  }
0x2d8: {  	v7 =	vadd.f32 v1, v2;
	[tilespmem:s9+$0xD4D0] =	vst v6;
	v1 =	vld [tilespmem:s9+$0x4F0]  }
0x2d9: {  	s3 =	sadd.s32 $0x200, s3;
	s22 =	sadd.s32 $0x100, s22;
	v6 =	vadd.f32 v5, v8;
	v5 =	vld [tilespmem:s9+$0x54F0]  }
0x2da: {  	[tilespmem:s11+$0x9000] =	vst v7;
	s3 =	sor.u32 $0x5430, s10  }
0x2db: {  	v7 =	vld [tilespmem:s3+$0x1000];
	_ =	sdelay $0x4  }
0x2dc: {  	v2 =	vadd.f32 v7, v2;
	_ =	sdelay $0x1  }
0x2dd: {  	[tilespmem:s3+$0x9000] =	vst v2  }
0x2de: {  	s21 =	sor.u32 $0x4440, s10;
	v2 =	vld [tilespmem:s9+$0x440]  }
0x2df: {  	v56 =	vld [tilespmem:s21+$0x1000];
	_ =	sdelay $0x4  }
0x2e0: {  	v7 =	vadd.f32 v56, v2;
	_ =	sdelay $0x1  }
0x2e1: {  	s22 =	sor.u32 $0x5440, s10;
	[tilespmem:s21+$0x9000] =	vst v7  }
0x2e2: {  	v7 =	vld [tilespmem:s22+$0x1000];
	_ =	sdelay $0x4  }
0x2e3: {  	v2 =	vadd.f32 v7, v2;
	_ =	sdelay $0x1  }
0x2e4: {  	[tilespmem:s22+$0x9000] =	vst v2  }
0x2e5: {  	s23 =	sor.u32 $0x4450, s10;
	v2 =	vld [tilespmem:s9+$0x450]  }
0x2e6: {  	v57 =	vld [tilespmem:s23+$0x1000];
	_ =	sdelay $0x4  }
0x2e7: {  	v7 =	vadd.f32 v57, v2;
	_ =	sdelay $0x1  }
0x2e8: {  	s11 =	sor.u32 $0x5450, s10;
	[tilespmem:s23+$0x9000] =	vst v7  }
0x2e9: {  	v7 =	vld [tilespmem:s11+$0x1000];
	_ =	sdelay $0x4  }
0x2ea: {  	v2 =	vadd.f32 v7, v2;
	_ =	sdelay $0x1  }
0x2eb: {  	[tilespmem:s11+$0x9000] =	vst v2  }
0x2ec: {  	s12 =	sor.u32 $0x4460, s10;
	v2 =	vld [tilespmem:s9+$0x460]  }
0x2ed: {  	v58 =	vld [tilespmem:s12+$0x1000];
	_ =	sdelay $0x4  }
0x2ee: {  	v7 =	vadd.f32 v58, v2;
	_ =	sdelay $0x1  }
0x2ef: {  	s13 =	sor.u32 $0x5460, s10;
	[tilespmem:s12+$0x9000] =	vst v7  }
0x2f0: {  	v7 =	vld [tilespmem:s13+$0x1000];
	_ =	sdelay $0x4  }
0x2f1: {  	v2 =	vadd.f32 v7, v2;
	_ =	sdelay $0x1  }
0x2f2: {  	[tilespmem:s13+$0x9000] =	vst v2  }
0x2f3: {  	s21 =	sor.u32 $0x4470, s10;
	v2 =	vld [tilespmem:s9+$0x470]  }
0x2f4: {  	v59 =	vld [tilespmem:s21+$0x1000];
	_ =	sdelay $0x4  }
0x2f5: {  	v7 =	vadd.f32 v59, v2;
	_ =	sdelay $0x1  }
0x2f6: {  	v8 =	vld [tilespmem:s9+$0x64F0];
	s22 =	sor.u32 $0x5470, s10;
	[tilespmem:s21+$0x9000] =	vst v7  }
0x2f7: {  	v7 =	vld [tilespmem:s22+$0x1000]  }
0x2f8: {  	v4 =	vadd.f32 v4, v0  }
0x2f9: {  	[tilespmem:s9+$0xE4D0] =	vst v6;
	v60 =	vadd.f32 v3, v0  }
0x2fa: {  	[tilespmem:s9+$0xD4E0] =	vst v4;
	v61 =	vadd.f32 v5, v1  }
.Ltmp11:
0x2fb: {  	[tilespmem:s9+$0xE4E0] =	vst v60;
	v62 =	vadd.f32 v8, v1;
	(pc) =	sbr.rel @p1 .LBB2_18-.Ltmp11, $4  }
0x2fc: {  	[tilespmem:s9+$0xD4F0] =	vst v61;
	v63 =	vadd.f32 v7, v2  }
0x2fd: {  	[tilespmem:s9+$0xE4F0] =	vst v62  }
0x2fe: {  	s23 =	sadd.s32 s24, s16;
	[tilespmem:s22+$0x9000] =	vst v63  }
0x2ff: {  	[hbm4b:s23+s20] =	stream.strided.scatter [tilespmem:s0], [sflag:$0x7], $0x2000, s19, s20, $0x38;
	[tilespmem:$0x11000] =	vst v63  }
.Ltmp12:
0x300: {  	(pc) =	sbr.rel .LBB2_19-.Ltmp12, $4  }
0x301: {  	_ = 	snop  }
0x302: {  	_ =	swait.ge [sflag:s5], $0x2000  }
0x303: {  	[sflag:s5] =	ssyncset.done $0x0  }
0x304: {  	[sflag:s5] =	ssyncadd.s32 $0xFFFFE000  }
.LBB2_18:
0x305: {  	s3 =	rddreg [dreg:$0xb]  }
0x306: {  	s3 =	sadd.s32 s3, s6  }
0x307: {  	s3 =	sshrl.u32 s3, $0x3  }
.Ltmp13:
0x308: {  	s9 =	simm.s32 $0x5000;
	s3 =	sadd.s32 s1, s3;
	(pc) =	sbr.rel @p0 .LBB2_20-.Ltmp13, $4  }
0x309: {  	[tilespmem:s9], [sflag:$0x3] =	stream.strided.gather [hbm4b:s3+s20], $0x2000, s19, s20, $0x38;
	[tilespmem:$0x11000] =	vst v63  }
0x30a: {  	_ =	swait.ge [sflag:s5], $0x2000  }
0x30b: {  	[sflag:s5] =	ssyncset.done $0x0  }
0x30c: {  	[sflag:s5] =	ssyncadd.s32 $0xFFFFE000  }
.LBB2_19:
0x30d: {  	_ =	swait.ge [sflag:s7], $0x2000  }
0x30e: {  	[sflag:s7] =	ssyncset.done $0x0  }
0x30f: {  	[sflag:s7] =	ssyncadd.s32 $0xFFFFE000  }
.LBB2_20:
0x310: {  	s3 =	simm.s32 $0x0  }
0x311: {  	s9 =	sand.u32 $0x800, s3;
	s10 =	sand.u32 $0x300, s3  }
0x312: {  	s9 =	sor.u32 s10, s9  }
0x313: {  	v0 =	vld [tilespmem:s9+$0x0]  }
0x314: {  	v1 =	vld [tilespmem:s9+$0x7000]  }
0x315: {  	v2 =	vld [tilespmem:s9+$0x8000]  }
0x316: {  	v3 =	vld [tilespmem:s9+$0x10]  }
0x317: {  	v4 =	vld [tilespmem:s9+$0x7010]  }
0x318: {  	v5 =	vld [tilespmem:s9+$0x8010]  }
0x319: {  	v6 =	vld [tilespmem:s9+$0x20]  }
0x31a: {  	v7 =	vld [tilespmem:s9+$0x7020]  }
0x31b: {  	v8 =	vld [tilespmem:s9+$0x8020]  }
0x31c: {  	v9 =	vld [tilespmem:s9+$0x30]  }
0x31d: {  	v10 =	vld [tilespmem:s9+$0x7030]  }
0x31e: {  	v11 =	vld [tilespmem:s9+$0x8030]  }
0x31f: {  	v12 =	vld [tilespmem:s9+$0x40]  }
0x320: {  	v13 =	vld [tilespmem:s9+$0x7040];
	v1 =	vadd.f32 v1, v0  }
0x321: {  	v62 =	vld [tilespmem:s9+$0x8080];
	v0 =	vadd.f32 v2, v0;
	v2 =	vadd.f32 v4, v3  }
0x322: {  	v3 =	vadd.f32 v5, v3;
	v4 =	vadd.f32 v7, v6;
	v5 =	vld [tilespmem:s9+$0x7060];
	[tilespmem:s9+$0xF000] =	vst v1  }
0x323: {  	v7 =	vld [tilespmem:s9+$0x8060];
	[tilespmem:s9+$0x10000] =	vst v0  }
0x324: {  	v1 =	vld [tilespmem:s9+$0x50];
	[tilespmem:s9+$0xF020] =	vst v4;
	v4 =	vadd.f32 v8, v6  }
0x325: {  	v0 =	vld [tilespmem:s9+$0x7050];
	[tilespmem:s9+$0xF010] =	vst v2  }
0x326: {  	v2 =	vld [tilespmem:s9+$0x8050];
	[tilespmem:s9+$0x10020] =	vst v4;
	v4 =	vadd.f32 v11, v9  }
0x327: {  	[tilespmem:s9+$0x10010] =	vst v3;
	v3 =	vld [tilespmem:s9+$0x60];
	v6 =	vadd.f32 v10, v9  }
0x328: {  	v8 =	vld [tilespmem:s9+$0x80];
	[tilespmem:s9+$0x10030] =	vst v4;
	v4 =	vadd.f32 v13, v12  }
0x329: {  	[tilespmem:s9+$0xF030] =	vst v6;
	v6 =	vld [tilespmem:s9+$0x70]  }
0x32a: {  	v0 =	vadd.f32 v0, v1;
	[tilespmem:s9+$0xF040] =	vst v4;
	v4 =	vld [tilespmem:s9+$0x7080]  }
0x32b: {  	v1 =	vadd.f32 v2, v1;
	v2 =	vld [tilespmem:s9+$0x8070]  }
0x32c: {  	v61 =	vld [tilespmem:s9+$0x7070];
	[tilespmem:s9+$0xF050] =	vst v0;
	v0 =	vadd.f32 v5, v3  }
0x32d: {  	v14 =	vld [tilespmem:s9+$0x8040];
	[tilespmem:s9+$0x10050] =	vst v1;
	v5 =	vadd.f32 v62, v8  }
0x32e: {  	v1 =	vld [tilespmem:s9+$0x90];
	[tilespmem:s9+$0xF060] =	vst v0;
	v0 =	vadd.f32 v7, v3  }
0x32f: {  	v3 =	vld [tilespmem:s9+$0x7090];
	[tilespmem:s9+$0x10080] =	vst v5;
	v4 =	vadd.f32 v4, v8  }
0x330: {  	v5 =	vld [tilespmem:s9+$0x400];
	v2 =	vadd.f32 v2, v6;
	[tilespmem:s9+$0x10060] =	vst v0  }
0x331: {  	v0 =	vld [tilespmem:s9+$0x8090];
	[tilespmem:s9+$0xF080] =	vst v4;
	v4 =	vadd.f32 v61, v6  }
0x332: {  	s3 =	sand.u32 $0xFFFFF800, s3;
	v60 =	vadd.f32 v14, v12;
	[tilespmem:s9+$0x10070] =	vst v2;
	v2 =	vld [tilespmem:s9+$0x70A0]  }
0x333: {  	s10 =	sadd.s32 $0x0, s3;
	[tilespmem:s9+$0xF070] =	vst v4;
	v4 =	vld [tilespmem:s9+$0xA0]  }
0x334: {  	s3 =	sor.u32 $0x6400, s10;
	[tilespmem:s9+$0x10040] =	vst v60;
	v6 =	vld [tilespmem:s9+$0x80A0]  }
0x335: {  	v7 =	vld [tilespmem:s3+$0x1000]  }
0x336: {  	v0 =	vadd.f32 v0, v1  }
0x337: {  	v3 =	vadd.f32 v3, v1  }
0x338: {  	v1 =	vld [tilespmem:s9+$0xB0];
	[tilespmem:s9+$0x10090] =	vst v0;
	v0 =	vadd.f32 v2, v4  }
0x339: {  	[tilespmem:s9+$0xF090] =	vst v3;
	v2 =	vld [tilespmem:s9+$0x70B0];
	v3 =	vadd.f32 v6, v4  }
0x33a: {  	v4 =	vadd.f32 v7, v5;
	[tilespmem:s9+$0xF0A0] =	vst v0;
	v0 =	vld [tilespmem:s9+$0x80B0]  }
0x33b: {  	[tilespmem:s9+$0x100A0] =	vst v3;
	v3 =	vld [tilespmem:s9+$0xC0]  }
0x33c: {  	s12 =	sor.u32 $0x7400, s10;
	[tilespmem:s3+$0x9000] =	vst v4;
	v4 =	vld [tilespmem:s9+$0x70C0]  }
0x33d: {  	v6 =	vld [tilespmem:s12+$0x1000]  }
0x33e: {  	v7 =	vld [tilespmem:s9+$0x80C0]  }
0x33f: {  	v0 =	vadd.f32 v0, v1  }
0x340: {  	v2 =	vadd.f32 v2, v1  }
0x341: {  	v1 =	vld [tilespmem:s9+$0xD0];
	[tilespmem:s9+$0x100B0] =	vst v0;
	v0 =	vadd.f32 v4, v3  }
0x342: {  	[tilespmem:s9+$0xF0B0] =	vst v2;
	v2 =	vadd.f32 v6, v5;
	v4 =	vld [tilespmem:s9+$0x70D0]  }
0x343: {  	v3 =	vadd.f32 v7, v3;
	v5 =	vld [tilespmem:s9+$0x70E0];
	[tilespmem:s9+$0xF0C0] =	vst v0  }
0x344: {  	[tilespmem:s12+$0x9000] =	vst v2;
	v0 =	vld [tilespmem:s9+$0x80D0]  }
0x345: {  	[tilespmem:s9+$0x100C0] =	vst v3;
	v3 =	vld [tilespmem:s9+$0xE0]  }
0x346: {  	s13 =	sor.u32 $0x6410, s10;
	v2 =	vld [tilespmem:s9+$0x410]  }
0x347: {  	v6 =	vld [tilespmem:s13+$0x1000];
	_ =	sdelay $0x1  }
0x348: {  	v0 =	vadd.f32 v0, v1  }
0x349: {  	v4 =	vadd.f32 v4, v1  }
0x34a: {  	v1 =	vld [tilespmem:s9+$0x80E0];
	[tilespmem:s9+$0x100D0] =	vst v0;
	v0 =	vadd.f32 v5, v3  }
0x34b: {  	[tilespmem:s9+$0xF0D0] =	vst v4;
	v4 =	vld [tilespmem:s9+$0xF0];
	v5 =	vadd.f32 v6, v2  }
0x34c: {  	v6 =	vld [tilespmem:s9+$0x70F0];
	[tilespmem:s9+$0xF0E0] =	vst v0  }
0x34d: {  	s21 =	sor.u32 $0x7410, s10;
	[tilespmem:s13+$0x9000] =	vst v5;
	v0 =	vld [tilespmem:s9+$0x80F0]  }
0x34e: {  	v5 =	vld [tilespmem:s21+$0x1000]  }
0x34f: {  	v7 =	vld [tilespmem:s9+$0x7480];
	v1 =	vadd.f32 v1, v3  }
0x350: {  	v3 =	vld [tilespmem:s9+$0x480]  }
0x351: {  	[tilespmem:s9+$0x100E0] =	vst v1;
	v1 =	vadd.f32 v6, v4  }
0x352: {  	v6 =	vld [tilespmem:s9+$0x8480];
	v0 =	vadd.f32 v0, v4  }
0x353: {  	[tilespmem:s9+$0xF0F0] =	vst v1;
	v1 =	vadd.f32 v5, v2  }
0x354: {  	v2 =	vld [tilespmem:s9+$0x490];
	[tilespmem:s9+$0x100F0] =	vst v0  }
0x355: {  	v0 =	vadd.f32 v7, v3;
	[tilespmem:s21+$0x9000] =	vst v1;
	v1 =	vld [tilespmem:s9+$0x7490]  }
0x356: {  	v4 =	vld [tilespmem:s9+$0x420]  }
0x357: {  	s22 =	sor.u32 $0x6420, s10;
	[tilespmem:s9+$0xF480] =	vst v0;
	v0 =	vadd.f32 v6, v3;
	v3 =	vld [tilespmem:s9+$0x8490]  }
0x358: {  	v6 =	vld [tilespmem:s22+$0x1000];
	_ =	sdelay $0x2  }
0x359: {  	v5 =	vld [tilespmem:s9+$0x4A0]  }
0x35a: {  	[tilespmem:s9+$0x10480] =	vst v0;
	v0 =	vld [tilespmem:s9+$0x74A0];
	v1 =	vadd.f32 v1, v2  }
0x35b: {  	v7 =	vld [tilespmem:s9+$0x84A0];
	v2 =	vadd.f32 v3, v2;
	v3 =	vadd.f32 v6, v4  }
0x35c: {  	v8 =	vld [tilespmem:s9+$0x4B0];
	[tilespmem:s9+$0xF490] =	vst v1  }
0x35d: {  	s23 =	sor.u32 $0x7420, s10;
	v1 =	vld [tilespmem:s9+$0x74B0];
	[tilespmem:s22+$0x9000] =	vst v3  }
0x35e: {  	v6 =	vld [tilespmem:s23+$0x1000]  }
0x35f: {  	[tilespmem:s9+$0x10490] =	vst v2;
	v0 =	vadd.f32 v0, v5;
	v2 =	vld [tilespmem:s9+$0x84B0]  }
0x360: {  	v3 =	vld [tilespmem:s9+$0x4C0];
	v5 =	vadd.f32 v7, v5  }
0x361: {  	[tilespmem:s9+$0xF4A0] =	vst v0;
	v0 =	vld [tilespmem:s9+$0x74C0]  }
0x362: {  	[tilespmem:s9+$0x104A0] =	vst v5;
	v5 =	vld [tilespmem:s9+$0x84C0]  }
0x363: {  	v4 =	vadd.f32 v6, v4  }
0x364: {  	v63 =	vld [tilespmem:s9+$0x4D0];
	v2 =	vadd.f32 v2, v8  }
0x365: {  	v7 =	vld [tilespmem:s9+$0x74D0];
	v1 =	vadd.f32 v1, v8;
	[tilespmem:s23+$0x9000] =	vst v4  }
0x366: {  	s11 =	sor.u32 $0x6430, s10;
	[tilespmem:s9+$0x104B0] =	vst v2;
	v2 =	vld [tilespmem:s9+$0x430]  }
0x367: {  	[tilespmem:s9+$0xF4B0] =	vst v1;
	v0 =	vadd.f32 v0, v3;
	v1 =	vadd.f32 v5, v3;
	v5 =	vld [tilespmem:s11+$0x1000]  }
0x368: {  	v6 =	vld [tilespmem:s9+$0x84D0]  }
0x369: {  	v4 =	vld [tilespmem:s9+$0x74E0];
	[tilespmem:s9+$0xF4C0] =	vst v0  }
0x36a: {  	v0 =	vld [tilespmem:s9+$0x4E0];
	[tilespmem:s9+$0x104C0] =	vst v1;
	v1 =	vadd.f32 v7, v63  }
0x36b: {  	v3 =	vld [tilespmem:s9+$0x84E0]  }
0x36c: {  	[tilespmem:s9+$0xF4D0] =	vst v1;
	v1 =	vld [tilespmem:s9+$0x4F0];
	v7 =	vadd.f32 v5, v2  }
0x36d: {  	s3 =	simm.s32 $0x200;
	s21 =	simm.s32 $0x0;
	s22 =	simm.s32 $0x100;
	v6 =	vadd.f32 v6, v63;
	v5 =	vld [tilespmem:s9+$0x74F0]  }
.LBB2_21:
0x36e: {  	s12 =	sand.u32 $0x800, s3;
	s13 =	sand.u32 $0x300, s22;
	[tilespmem:s11+$0x9000] =	vst v7;
	s23 =	sor.u32 $0x7430, s10;
	v7 =	vld [tilespmem:s9+$0x84F0]  }
0x36f: {  	s11 =	sor.u32 s13, s12;
	v8 =	vld [tilespmem:s23+$0x1000];
	[tilespmem:s9+$0x104D0] =	vst v6;
	v4 =	vadd.f32 v4, v0  }
0x370: {  	v6 =	vld [tilespmem:s11+$0x0];
	v0 =	vadd.f32 v3, v0  }
0x371: {  	v3 =	vld [tilespmem:s11+$0x7000];
	[tilespmem:s9+$0xF4E0] =	vst v4  }
0x372: {  	v4 =	vld [tilespmem:s11+$0x8000];
	[tilespmem:s9+$0x104E0] =	vst v0;
	v0 =	vadd.f32 v5, v1  }
0x373: {  	v5 =	vld [tilespmem:s11+$0x10];
	v1 =	vadd.f32 v7, v1  }
0x374: {  	v7 =	vld [tilespmem:s11+$0x7010];
	v2 =	vadd.f32 v8, v2;
	[tilespmem:s9+$0xF4F0] =	vst v0  }
0x375: {  	v0 =	vld [tilespmem:s11+$0x8010];
	[tilespmem:s9+$0x104F0] =	vst v1  }
0x376: {  	v1 =	vld [tilespmem:s11+$0x20];
	[tilespmem:s23+$0x9000] =	vst v2  }
0x377: {  	s12 =	sor.u32 $0x6440, s10;
	v2 =	vld [tilespmem:s9+$0x440]  }
0x378: {  	v8 =	vld [tilespmem:s12+$0x1000]  }
0x379: {  	v9 =	vld [tilespmem:s11+$0x7020]  }
0x37a: {  	v10 =	vld [tilespmem:s11+$0x8020]  }
0x37b: {  	v11 =	vld [tilespmem:s11+$0x30]  }
0x37c: {  	v12 =	vld [tilespmem:s11+$0x7030]  }
0x37d: {  	v13 =	vld [tilespmem:s11+$0x8030];
	v8 =	vadd.f32 v8, v2  }
0x37e: {  	v14 =	vld [tilespmem:s11+$0x40]  }
0x37f: {  	v15 =	vld [tilespmem:s11+$0x7040];
	[tilespmem:s12+$0x9000] =	vst v8;
	s12 =	sor.u32 $0x7440, s10  }
0x380: {  	v3 =	vadd.f32 v3, v6;
	v8 =	vld [tilespmem:s12+$0x1000]  }
0x381: {  	v4 =	vadd.f32 v4, v6;
	v6 =	vld [tilespmem:s11+$0x8040]  }
0x382: {  	[tilespmem:s11+$0xF000] =	vst v3;
	v3 =	vadd.f32 v7, v5;
	v7 =	vld [tilespmem:s11+$0x50]  }
0x383: {  	v0 =	vadd.f32 v0, v5;
	[tilespmem:s11+$0x10000] =	vst v4;
	v4 =	vld [tilespmem:s11+$0x7050]  }
0x384: {  	[tilespmem:s11+$0xF010] =	vst v3;
	v3 =	vadd.f32 v9, v1;
	v5 =	vld [tilespmem:s11+$0x8050]  }
0x385: {  	[tilespmem:s11+$0x10010] =	vst v0;
	v0 =	vld [tilespmem:s11+$0x60];
	v2 =	vadd.f32 v8, v2  }
0x386: {  	v1 =	vadd.f32 v10, v1;
	[tilespmem:s11+$0xF020] =	vst v3;
	v3 =	vld [tilespmem:s11+$0x7060]  }
0x387: {  	v8 =	vadd.f32 v12, v11;
	v9 =	vld [tilespmem:s11+$0x8060];
	[tilespmem:s12+$0x9000] =	vst v2  }
0x388: {  	s12 =	sor.u32 $0x6450, s10;
	[tilespmem:s11+$0x10020] =	vst v1;
	v1 =	vadd.f32 v13, v11;
	v2 =	vld [tilespmem:s9+$0x450]  }
0x389: {  	[tilespmem:s11+$0xF030] =	vst v8;
	v8 =	vadd.f32 v15, v14;
	v10 =	vld [tilespmem:s12+$0x1000]  }
0x38a: {  	[tilespmem:s11+$0x10030] =	vst v1;
	v1 =	vadd.f32 v6, v14;
	v6 =	vld [tilespmem:s11+$0x70]  }
0x38b: {  	v4 =	vadd.f32 v4, v7;
	[tilespmem:s11+$0xF040] =	vst v8;
	v8 =	vld [tilespmem:s11+$0x7070]  }
0x38c: {  	[tilespmem:s11+$0x10040] =	vst v1;
	v1 =	vadd.f32 v5, v7;
	v5 =	vld [tilespmem:s11+$0x8070]  }
0x38d: {  	v3 =	vadd.f32 v3, v0;
	[tilespmem:s11+$0xF050] =	vst v4;
	v4 =	vld [tilespmem:s11+$0x80]  }
0x38e: {  	[tilespmem:s11+$0x10050] =	vst v1;
	v1 =	vld [tilespmem:s11+$0x7080];
	v7 =	vadd.f32 v10, v2  }
0x38f: {  	v0 =	vadd.f32 v9, v0;
	[tilespmem:s11+$0xF060] =	vst v3;
	v3 =	vld [tilespmem:s11+$0x8080]  }
0x390: {  	s13 =	sor.u32 $0x7450, s10;
	v8 =	vadd.f32 v8, v6;
	v9 =	vld [tilespmem:s11+$0x90];
	[tilespmem:s12+$0x9000] =	vst v7  }
0x391: {  	s21 =	sadd.s32 $0x2, s21;
	s12 =	sand.u32 $0xFFFFF800, s3;
	[tilespmem:s11+$0x10060] =	vst v0;
	v0 =	vadd.f32 v5, v6;
	v5 =	vld [tilespmem:s13+$0x1000]  }
0x392: {  	p0 =	slt.u32 s21, $0xE;
	s12 =	sadd.s32 s12, s22;
	[tilespmem:s11+$0xF070] =	vst v8;
	v6 =	vld [tilespmem:s11+$0x7090]  }
0x393: {  	s23 =	sor.u32 $0x6400, s12;
	[tilespmem:s11+$0x10070] =	vst v0;
	v0 =	vld [tilespmem:s11+$0x400];
	v1 =	vadd.f32 v1, v4  }
0x394: {  	v7 =	vld [tilespmem:s23+$0x1000];
	v3 =	vadd.f32 v3, v4  }
0x395: {  	[tilespmem:s11+$0xF080] =	vst v1;
	v1 =	vld [tilespmem:s11+$0x8090]  }
0x396: {  	[tilespmem:s11+$0x10080] =	vst v3;
	v3 =	vld [tilespmem:s11+$0xA0];
	v2 =	vadd.f32 v5, v2  }
0x397: {  	v4 =	vadd.f32 v6, v9;
	v5 =	vld [tilespmem:s11+$0x70A0]  }
0x398: {  	v6 =	vld [tilespmem:s11+$0x80A0];
	[tilespmem:s13+$0x9000] =	vst v2  }
0x399: {  	s13 =	sor.u32 $0x6460, s10;
	v2 =	vadd.f32 v7, v0;
	[tilespmem:s11+$0xF090] =	vst v4;
	v4 =	vld [tilespmem:s9+$0x460]  }
0x39a: {  	v1 =	vadd.f32 v1, v9;
	v7 =	vld [tilespmem:s13+$0x1000]  }
0x39b: {  	[tilespmem:s23+$0x9000] =	vst v2;
	s23 =	sor.u32 $0x7400, s12;
	v2 =	vld [tilespmem:s11+$0xB0]  }
0x39c: {  	v8 =	vld [tilespmem:s23+$0x1000];
	[tilespmem:s11+$0x10090] =	vst v1;
	v1 =	vadd.f32 v5, v3  }
0x39d: {  	v3 =	vadd.f32 v6, v3;
	v5 =	vld [tilespmem:s11+$0x70B0]  }
0x39e: {  	[tilespmem:s11+$0xF0A0] =	vst v1;
	v1 =	vld [tilespmem:s11+$0x80B0]  }
0x39f: {  	[tilespmem:s11+$0x100A0] =	vst v3;
	v3 =	vld [tilespmem:s11+$0xC0];
	v6 =	vadd.f32 v7, v4  }
0x3a0: {  	v7 =	vld [tilespmem:s11+$0x70C0]  }
0x3a1: {  	v0 =	vadd.f32 v8, v0;
	v8 =	vld [tilespmem:s11+$0x80C0];
	[tilespmem:s13+$0x9000] =	vst v6;
	s13 =	sor.u32 $0x7460, s10  }
0x3a2: {  	v5 =	vadd.f32 v5, v2;
	v6 =	vld [tilespmem:s13+$0x1000]  }
0x3a3: {  	[tilespmem:s23+$0x9000] =	vst v0;
	v0 =	vadd.f32 v1, v2;
	v1 =	vld [tilespmem:s11+$0xD0]  }
0x3a4: {  	s23 =	sor.u32 $0x6410, s12;
	v2 =	vld [tilespmem:s11+$0x410];
	[tilespmem:s11+$0xF0B0] =	vst v5  }
0x3a5: {  	v5 =	vld [tilespmem:s23+$0x1000];
	[tilespmem:s11+$0x100B0] =	vst v0;
	v0 =	vadd.f32 v7, v3  }
0x3a6: {  	v3 =	vadd.f32 v8, v3;
	v7 =	vld [tilespmem:s11+$0x70D0]  }
0x3a7: {  	[tilespmem:s11+$0xF0C0] =	vst v0;
	v0 =	vld [tilespmem:s11+$0x80D0];
	v4 =	vadd.f32 v6, v4  }
0x3a8: {  	[tilespmem:s11+$0x100C0] =	vst v3;
	v3 =	vld [tilespmem:s11+$0xE0]  }
0x3a9: {  	v6 =	vld [tilespmem:s11+$0x70E0];
	[tilespmem:s13+$0x9000] =	vst v4  }
0x3aa: {  	s13 =	sor.u32 $0x6470, s10;
	v4 =	vadd.f32 v5, v2;
	v5 =	vld [tilespmem:s9+$0x470];
	s9 =	smov.u32 s11  }
0x3ab: {  	v7 =	vadd.f32 v7, v1;
	v8 =	vld [tilespmem:s13+$0x1000]  }
0x3ac: {  	s11 =	sor.u32 $0x7410, s12;
	[tilespmem:s23+$0x9000] =	vst v4;
	v0 =	vadd.f32 v0, v1;
	v1 =	vld [tilespmem:s9+$0x80E0]  }
0x3ad: {  	v4 =	vld [tilespmem:s11+$0x1000];
	[tilespmem:s9+$0xF0D0] =	vst v7  }
0x3ae: {  	[tilespmem:s9+$0x100D0] =	vst v0;
	v0 =	vadd.f32 v6, v3;
	v6 =	vld [tilespmem:s9+$0xF0]  }
0x3af: {  	v7 =	vld [tilespmem:s9+$0x70F0]  }
0x3b0: {  	[tilespmem:s9+$0xF0E0] =	vst v0;
	v0 =	vld [tilespmem:s9+$0x80F0];
	v8 =	vadd.f32 v8, v5  }
0x3b1: {  	v1 =	vadd.f32 v1, v3;
	v3 =	vld [tilespmem:s9+$0x480]  }
0x3b2: {  	v2 =	vadd.f32 v4, v2;
	v4 =	vld [tilespmem:s9+$0x7480];
	[tilespmem:s13+$0x9000] =	vst v8;
	s13 =	sor.u32 $0x7470, s10;
	s10 =	smov.u32 s12  }
0x3b3: {  	[tilespmem:s9+$0x100E0] =	vst v1;
	v1 =	vld [tilespmem:s13+$0x1000]  }
0x3b4: {  	[tilespmem:s11+$0x9000] =	vst v2;
	v2 =	vadd.f32 v7, v6;
	v7 =	vld [tilespmem:s9+$0x8480]  }
0x3b5: {  	s11 =	sor.u32 $0x6420, s10;
	v8 =	vld [tilespmem:s9+$0x420];
	v0 =	vadd.f32 v0, v6  }
0x3b6: {  	v6 =	vld [tilespmem:s11+$0x1000];
	[tilespmem:s9+$0xF0F0] =	vst v2  }
0x3b7: {  	[tilespmem:s9+$0x100F0] =	vst v0;
	v0 =	vadd.f32 v4, v3;
	v2 =	vld [tilespmem:s9+$0x490]  }
0x3b8: {  	v4 =	vld [tilespmem:s9+$0x7490];
	v1 =	vadd.f32 v1, v5  }
0x3b9: {  	[tilespmem:s9+$0xF480] =	vst v0;
	v0 =	vadd.f32 v7, v3;
	v3 =	vld [tilespmem:s9+$0x8490]  }
0x3ba: {  	v5 =	vld [tilespmem:s9+$0x4A0];
	[tilespmem:s13+$0x9000] =	vst v1  }
0x3bb: {  	v1 =	vadd.f32 v6, v8;
	[tilespmem:s9+$0x10480] =	vst v0;
	v0 =	vld [tilespmem:s9+$0x74A0]  }
0x3bc: {  	v6 =	vld [tilespmem:s9+$0x84A0]  }
0x3bd: {  	[tilespmem:s11+$0x9000] =	vst v1;
	s11 =	sor.u32 $0x7420, s10;
	v1 =	vadd.f32 v4, v2;
	v4 =	vld [tilespmem:s9+$0x4B0]  }
0x3be: {  	v7 =	vld [tilespmem:s11+$0x1000];
	v2 =	vadd.f32 v3, v2  }
0x3bf: {  	[tilespmem:s9+$0xF490] =	vst v1;
	v1 =	vld [tilespmem:s9+$0x74B0]  }
0x3c0: {  	[tilespmem:s9+$0x10490] =	vst v2;
	v0 =	vadd.f32 v0, v5;
	v2 =	vld [tilespmem:s9+$0x84B0]  }
0x3c1: {  	v3 =	vadd.f32 v6, v5;
	v5 =	vld [tilespmem:s9+$0x4C0]  }
0x3c2: {  	[tilespmem:s9+$0xF4A0] =	vst v0;
	v0 =	vld [tilespmem:s9+$0x74C0]  }
0x3c3: {  	v6 =	vadd.f32 v7, v8;
	[tilespmem:s9+$0x104A0] =	vst v3;
	v3 =	vld [tilespmem:s9+$0x84C0]  }
0x3c4: {  	v1 =	vadd.f32 v1, v4;
	v8 =	vld [tilespmem:s9+$0x4D0]  }
0x3c5: {  	[tilespmem:s11+$0x9000] =	vst v6;
	v4 =	vadd.f32 v2, v4;
	v6 =	vld [tilespmem:s9+$0x74D0]  }
0x3c6: {  	s11 =	sor.u32 $0x6430, s10;
	v2 =	vld [tilespmem:s9+$0x430];
	[tilespmem:s9+$0xF4B0] =	vst v1  }
0x3c7: {  	v1 =	vld [tilespmem:s11+$0x1000];
	[tilespmem:s9+$0x104B0] =	vst v4;
	v0 =	vadd.f32 v0, v5  }
0x3c8: {  	v3 =	vadd.f32 v3, v5;
	v5 =	vld [tilespmem:s9+$0x84D0]  }
.Ltmp14:
0x3c9: {  	[tilespmem:s9+$0xF4C0] =	vst v0;
	v0 =	vld [tilespmem:s9+$0x4E0];
	(pc) =	sbr.rel @p0 .LBB2_21-.Ltmp14, $4  }
0x3ca: {  	[tilespmem:s9+$0x104C0] =	vst v3;
	v6 =	vadd.f32 v6, v8;
	v4 =	vld [tilespmem:s9+$0x74E0]  }
0x3cb: {  	v3 =	vld [tilespmem:s9+$0x84E0]  }
0x3cc: {  	v7 =	vadd.f32 v1, v2;
	[tilespmem:s9+$0xF4D0] =	vst v6;
	v1 =	vld [tilespmem:s9+$0x4F0]  }
0x3cd: {  	s3 =	sadd.s32 $0x200, s3;
	s22 =	sadd.s32 $0x100, s22;
	v6 =	vadd.f32 v5, v8;
	v5 =	vld [tilespmem:s9+$0x74F0]  }
0x3ce: {  	[tilespmem:s11+$0x9000] =	vst v7;
	s3 =	sor.u32 $0x7430, s10  }
0x3cf: {  	v7 =	vld [tilespmem:s3+$0x1000];
	_ =	sdelay $0x4  }
0x3d0: {  	v2 =	vadd.f32 v7, v2;
	_ =	sdelay $0x1  }
0x3d1: {  	[tilespmem:s3+$0x9000] =	vst v2  }
0x3d2: {  	s22 =	sor.u32 $0x6440, s10;
	v2 =	vld [tilespmem:s9+$0x440]  }
0x3d3: {  	v56 =	vld [tilespmem:s22+$0x1000];
	_ =	sdelay $0x4  }
0x3d4: {  	v7 =	vadd.f32 v56, v2;
	_ =	sdelay $0x1  }
0x3d5: {  	s23 =	sor.u32 $0x7440, s10;
	[tilespmem:s22+$0x9000] =	vst v7  }
0x3d6: {  	v7 =	vld [tilespmem:s23+$0x1000];
	_ =	sdelay $0x4  }
0x3d7: {  	v2 =	vadd.f32 v7, v2;
	_ =	sdelay $0x1  }
0x3d8: {  	[tilespmem:s23+$0x9000] =	vst v2  }
0x3d9: {  	s11 =	sor.u32 $0x6450, s10;
	v2 =	vld [tilespmem:s9+$0x450]  }
0x3da: {  	v57 =	vld [tilespmem:s11+$0x1000];
	_ =	sdelay $0x4  }
0x3db: {  	v7 =	vadd.f32 v57, v2;
	_ =	sdelay $0x1  }
0x3dc: {  	s12 =	sor.u32 $0x7450, s10;
	[tilespmem:s11+$0x9000] =	vst v7  }
0x3dd: {  	v7 =	vld [tilespmem:s12+$0x1000];
	_ =	sdelay $0x4  }
0x3de: {  	v2 =	vadd.f32 v7, v2;
	_ =	sdelay $0x1  }
0x3df: {  	[tilespmem:s12+$0x9000] =	vst v2  }
0x3e0: {  	s13 =	sor.u32 $0x6460, s10;
	v2 =	vld [tilespmem:s9+$0x460]  }
0x3e1: {  	v58 =	vld [tilespmem:s13+$0x1000];
	_ =	sdelay $0x4  }
0x3e2: {  	v7 =	vadd.f32 v58, v2;
	_ =	sdelay $0x1  }
0x3e3: {  	s21 =	sor.u32 $0x7460, s10;
	[tilespmem:s13+$0x9000] =	vst v7  }
0x3e4: {  	v7 =	vld [tilespmem:s21+$0x1000];
	_ =	sdelay $0x4  }
0x3e5: {  	v2 =	vadd.f32 v7, v2;
	_ =	sdelay $0x1  }
0x3e6: {  	[tilespmem:s21+$0x9000] =	vst v2  }
0x3e7: {  	s22 =	sor.u32 $0x6470, s10;
	v2 =	vld [tilespmem:s9+$0x470]  }
0x3e8: {  	v59 =	vld [tilespmem:s22+$0x1000];
	_ =	sdelay $0x4  }
0x3e9: {  	v7 =	vadd.f32 v59, v2;
	_ =	sdelay $0x1  }
0x3ea: {  	v8 =	vld [tilespmem:s9+$0x84F0];
	s23 =	sor.u32 $0x7470, s10;
	[tilespmem:s22+$0x9000] =	vst v7  }
0x3eb: {  	v7 =	vld [tilespmem:s23+$0x1000]  }
0x3ec: {  	v4 =	vadd.f32 v4, v0  }
0x3ed: {  	[tilespmem:s9+$0x104D0] =	vst v6;
	v60 =	vadd.f32 v3, v0  }
0x3ee: {  	p0 =	seq.s32 s18, $0x3F;
	[tilespmem:s9+$0xF4E0] =	vst v4;
	v61 =	vadd.f32 v5, v1  }
.Ltmp15:
0x3ef: {  	[tilespmem:s9+$0x104E0] =	vst v60;
	v62 =	vadd.f32 v8, v1;
	(pc) =	sbr.rel @p0 .LBB2_24-.Ltmp15, $4  }
0x3f0: {  	[tilespmem:s9+$0xF4F0] =	vst v61;
	v63 =	vadd.f32 v7, v2  }
0x3f1: {  	[tilespmem:s9+$0x104F0] =	vst v62  }
0x3f2: {  	s24 =	sadd.s32 s24, s17;
	[tilespmem:s23+$0x9000] =	vst v63  }
0x3f3: {  	[hbm4b:s24+s20] =	stream.strided.scatter [tilespmem:s8], [sflag:$0x8], $0x2000, s19, s20, $0x38;
	[tilespmem:$0x11000] =	vst v63  }
.Ltmp16:
0x3f4: {  	(pc) =	sbr.rel .LBB2_2-.Ltmp16, $4  }
0x3f5: {  	s3 =	sadd.s32 s14, s6  }
0x3f6: {  	s3 =	sshrl.u32 s3, $0x3  }
0x3f7: {  	s24 =	simm.s32 $0x7000;
	s18 =	sadd.s32 $0x1, s18;
	s3 =	sadd.s32 s1, s3  }
0x3f8: {  	[tilespmem:s24], [sflag:$0x4] =	stream.strided.gather [hbm4b:s3+s20], $0x2000, s19, s20, $0x38;
	[tilespmem:$0x11000] =	vst v63  }
.LBB2_25:
0x3f9: {  	_ =	sfence.sel $0x180000  }
0x3fa: {  	[bflag:$0x0] =	sbarrier.arrive $0xFFFF  }
0x3fb: {  	_ =	strace $0x90000047  }
0x3fc: {  	s0 =	stileid.u32;
	[bflag:$0x2] =	sbarrier.arrive $0xFFFF  }
0x3fd: {  	p0 =	sne.s32 s0, $0x0;
	s0 =	rddreg [dreg:$0x3]  }
0x3fe: {  	s0 =	sadd.s32 @!p0 $0x100000, s0  }
0x3ff: {  	[sflag:s0] =	ssyncadd.tile.s32 @!p0 $0x1;
	_ =	shalt  }
.Lfunc_end2:
_tile_overlayer_lowered:
.L_overlay_start_2:
0x400: {  	(tag) =	ssettag $0x2  }
0x401: {  	s0 =	rddreg [dreg:$0x0];
	s2 =	stileid.u32  }
0x402: {  	s1 =	rddreg [dreg:$0x1];
	p0 =	sne.s32 s2, $0x0  }
0x403: {  	s3 =	rddreg [dreg:$0x2];
	[bflag:$0x3] =	sbarrier.arrive $0xFFFF;
	s2 =	simm.s32 @!p0 $0x1C09  }
0x404: {  	[timem:s3], [sflag:s2] =	dma.local @!p0 [hbm:s0], s1  }
0x405: {  	s0 =	simm.s32 @!p0 $0x9  }
0x406: {  	_ =	swait.ge @!p0 [sflag:s0], s1  }
0x407: {  	s1 =	ssub.s32 @!p0 $0x0, s1;
	[sflag:s0] =	ssyncset.done @!p0 $0x0  }
0x408: {  	[sflag:s0] =	ssyncadd.s32 @!p0 s1  }
0x409: {  	[bflag:$0x3] =	sbarrier.arrive $0xFFFF  }
0x40a: {  	_ =	shalt  }

</sc_bundles>
